<compile_context>
chip_gen: v7x
topology: tpu7x:2x2x1
jax: 0.10.2.dev20260603
libtpu: 0.0.44.dev20260713+nightly
codegen_flags: <defaults>
</compile_context>

<pallas_src>
import jax
import jax.numpy as jnp
from jax import lax
from jax.experimental import pallas as pl
from jax.experimental.pallas import tpu as pltpu
from jax.experimental.pallas import tpu_sc as plsc

_B, _C, _H, _W = 4, 192, 224, 224
_ROWS = _B * _C
_ROWLEN = _H * _W
_SUB = 8
_SUBLEN = _ROWLEN // _SUB
_NWORKERS = 32
_RPW = _ROWS // _NWORKERS
_CPB = 24


def _sc_body(x_hbm, perm_hbm, o_hbm, perm_v, idxA, idxB, buf0, buf1, gsem, ssem):
    cid = lax.axis_index("c")
    sid = lax.axis_index("s")
    wid = cid * 16 + sid
    b = wid // 8
    c0 = _CPB * (wid % 8)
    base_out = _RPW * wid

    pltpu.sync_copy(perm_hbm.at[pl.ds(c0, _CPB)], perm_v)
    lo = perm_v[pl.ds(0, 16)] + b * _C
    hi = perm_v[pl.ds(8, 16)] + b * _C
    lane = lax.iota(jnp.int32, 16)
    half = lane < 8

    def src_plane(j):
        return lo[j] if j < 16 else hi[j - 8]

    idx = (idxA, idxB)
    buf = (buf0, buf1)

    def write_pair_idx(p):
        a = src_plane(2 * p) * _SUB
        bb = src_plane(2 * p + 1) * _SUB - 8
        idx[p % 2][...] = jnp.where(half, a, bb) + lane

    def gather(j):
        s = j % 2
        ilist = idx[(j // 2) % 2].at[pl.ds((j % 2) * 8, 8)]
        pltpu.make_async_copy(x_hbm.at[ilist], buf[s], gsem.at[s]).start()

    def gather_wait(j):
        s = j % 2
        ilist = idx[(j // 2) % 2].at[pl.ds((j % 2) * 8, 8)]
        pltpu.make_async_copy(x_hbm.at[ilist], buf[s], gsem.at[s]).wait()

    def scatter(j, start):
        s = j % 2
        cp = pltpu.make_async_copy(
            buf[s], o_hbm.at[pl.ds((base_out + j) * _SUB, _SUB)], ssem.at[s]
        )
        cp.start() if start else cp.wait()

    for t in range(_RPW + 1):
        if t < _RPW:
            if t >= 2:
                scatter(t - 2, start=False)
            if t % 2 == 0:
                write_pair_idx(t // 2)
            gather(t)
        d = t - 1
        if d >= 0:
            gather_wait(d)
            scatter(d, start=True)
    scatter(_RPW - 2, start=False)
    scatter(_RPW - 1, start=False)


def kernel(x, ldj, permutation):
    B, C, H, W = x.shape
    x8 = x.reshape(B * C * _SUB, _SUBLEN)
    k = pl.kernel(
        _sc_body,
        out_type=jax.ShapeDtypeStruct((B * C * _SUB, _SUBLEN), x.dtype),
        mesh=plsc.VectorSubcoreMesh(core_axis_name="c", subcore_axis_name="s"),
        scratch_types=[
            pltpu.VMEM((_CPB,), jnp.int32),
            pltpu.VMEM((16,), jnp.int32),
            pltpu.VMEM((16,), jnp.int32),
            pltpu.VMEM((_SUB, _SUBLEN), jnp.float32),
            pltpu.VMEM((_SUB, _SUBLEN), jnp.float32),
            pltpu.SemaphoreType.DMA((2,)),
            pltpu.SemaphoreType.DMA((2,)),
        ],
    )
    out = k(x8, permutation)
    return out.reshape(B, C, H, W), ldj

# --- scband reference (transcript-rebuilt; emitter-appended) ---
"""Pipeline reference for scband-permute-35046933136058 (READ-ONLY COPY).

The authoritative reference and input builder live on the scoring server;
editing this copy changes nothing except your own understanding.
"""

import jax, jax.numpy as jnp
import numpy as np


def setup_inputs(seed: int = 0) -> dict:
    key = jax.random.key(seed)
    k1, _ = jax.random.split(key)
    x = jax.random.normal(k1, (4, 192, 224, 224), dtype=jnp.float32)
    ldj = jnp.zeros((4,), dtype=jnp.float32)
    # Replicate the module's __init__: np.random.seed(seed); shuffle(arange(n_channels))
    perm = np.arange(192, dtype='int')
    np.random.seed(0)
    np.random.shuffle(perm)
    permutation = jnp.asarray(perm, dtype=jnp.int32)
    return {"x": x, "ldj": ldj, "permutation": permutation}


def reference(x, ldj, permutation):
    # forward (reverse=False): x = x[:, permutation, :, :]
    x = jnp.take(x, permutation, axis=1)
    return (x, ldj)

if __name__ == "__main__":
    import jax
    _d = setup_inputs()
    print(jax.jit(kernel)(*tuple(_d.values())))

</pallas_src>

<mosaic_0001>
#map = affine_map<(d0, d1) -> (0, 0)>
#map1 = affine_map<(d0, d1) -> (0)>
module attributes {stable_mosaic.version = 14 : i64} {
  func.func @_sc_body(%arg0: i32, %arg1: i32, %arg2: memref<6144x6272xf32, #tpu.memory_space<hbm>>, %arg3: memref<192xi32, #tpu.memory_space<hbm>>, %arg4: memref<6144x6272xf32, #tpu.memory_space<hbm>>, %arg5: memref<24xi32, #tpu.memory_space<vmem>>, %arg6: memref<16xi32, #tpu.memory_space<vmem>>, %arg7: memref<16xi32, #tpu.memory_space<vmem>>, %arg8: memref<8x6272xf32, #tpu.memory_space<vmem>>, %arg9: memref<8x6272xf32, #tpu.memory_space<vmem>>, %arg10: memref<2x!tpu.dma_semaphore, #tpu.memory_space<semaphore_mem>>, %arg11: memref<2x!tpu.dma_semaphore, #tpu.memory_space<semaphore_mem>>) attributes {dimension_semantics = [#tpu.dimension_semantics<core_parallel>, #tpu.dimension_semantics<subcore_parallel>], iteration_bounds = array<i64: 2, 16>, scalar_prefetch = 0 : i64, scratch_operands = 7 : i64, tpu.core_type = #tpu.core_type<sc_vector_subcore>, window_params = [{transform_indices = #map}, {transform_indices = #map1}, {transform_indices = #map}]} {
    %mul3A = arith.constant 16 : i32
    %mul3A_0 = arith.muli %arg0, %mul3A : i32
    %add3A = arith.addi %mul3A_0, %arg1 : i32
    %jit3A = arith.constant 8 : i32
    %div3A = arith.divsi %add3A, %jit3A : i32
    %sign3A = arith.constant 0 : i32
    %sign3A_1 = arith.cmpi sgt, %add3A, %sign3A : i32
    %sign3A_2 = arith.extui %sign3A_1 : i1 to i32
    %sign3A_3 = arith.constant 0 : i32
    %sign3A_4 = arith.cmpi slt, %add3A, %sign3A_3 : i32
    %sign3A_5 = arith.extui %sign3A_4 : i1 to i32
    %sign3A_6 = arith.subi %sign3A_2, %sign3A_5 : i32
    %sign3A_7 = arith.constant 0 : i32
    %sign3A_8 = arith.cmpi sgt, %jit3A, %sign3A_7 : i32
    %sign3A_9 = arith.extui %sign3A_8 : i1 to i32
    %sign3A_10 = arith.constant 0 : i32
    %sign3A_11 = arith.cmpi slt, %jit3A, %sign3A_10 : i32
    %sign3A_12 = arith.extui %sign3A_11 : i1 to i32
    %sign3A_13 = arith.subi %sign3A_9, %sign3A_12 : i32
    %ne3A = arith.cmpi ne, %sign3A_6, %sign3A_13 : i32
    %rem3A = arith.remsi %add3A, %jit3A : i32
    %ne3A_14 = arith.constant 0 : i32
    %ne3A_15 = arith.cmpi ne, %rem3A, %ne3A_14 : i32
    %and3A = arith.andi %ne3A, %ne3A_15 : i1
    %sub3A = arith.constant 1 : i32
    %sub3A_16 = arith.subi %div3A, %sub3A : i32
    %select_n3A = arith.select %and3A, %sub3A_16, %div3A : i32
    %jit3A_17 = arith.constant 8 : i32
    %eq3A = arith.constant 0 : i32
    %eq3A_18 = arith.cmpi eq, %jit3A_17, %eq3A : i32
    %jit3A_19 = arith.constant 1 : i32
    %select_n3A_20 = arith.select %eq3A_18, %jit3A_19, %jit3A_17 : i32
    %rem3A_21 = arith.remsi %add3A, %select_n3A_20 : i32
    %ne3A_22 = arith.constant 0 : i32
    %ne3A_23 = arith.cmpi ne, %rem3A_21, %ne3A_22 : i32
    %lt3A = arith.constant 0 : i32
    %lt3A_24 = arith.cmpi slt, %rem3A_21, %lt3A : i32
    %lt3A_25 = arith.constant 0 : i32
    %lt3A_26 = arith.cmpi slt, %select_n3A_20, %lt3A_25 : i32
    %ne3A_27 = arith.xori %lt3A_24, %lt3A_26 : i1
    %and3A_28 = arith.andi %ne3A_27, %ne3A_23 : i1
    %add3A_29 = arith.addi %rem3A_21, %select_n3A_20 : i32
    %select_n3A_30 = arith.select %and3A_28, %add3A_29, %rem3A_21 : i32
    %mul3A_31 = arith.constant 24 : i32
    %mul3A_32 = arith.muli %mul3A_31, %select_n3A_30 : i32
    %mul3A_33 = arith.constant 24 : i32
    %mul3A_34 = arith.muli %mul3A_33, %add3A : i32
    "tpu.region"() ({
      %run_scoped3A = tpu.sem_alloc : memref<!tpu.dma_semaphore, #tpu.memory_space<semaphore_mem>>
      %dma_start3A_1173 = tpu.memref_slice %arg3[%mul3A_32] : memref<192xi32, #tpu.memory_space<hbm>> -> memref<24xi32, #tpu.memory_space<hbm>>
      %dma_start3A_1174 = tpu.memref_slice %arg3[%mul3A_32] : memref<192xi32, #tpu.memory_space<hbm>> -> memref<24xi32, #tpu.memory_space<hbm>>
      tpu.enqueue_dma source(%dma_start3A_1174 : memref<24xi32, #tpu.memory_space<hbm>>) target(%arg5 : memref<24xi32, #tpu.memory_space<vmem>>) target_semaphore(%run_scoped3A : memref<!tpu.dma_semaphore, #tpu.memory_space<semaphore_mem>>)
      %dma_wait3A_1175 = tpu.memref_slice %arg3[%mul3A_32] : memref<192xi32, #tpu.memory_space<hbm>> -> memref<24xi32, #tpu.memory_space<hbm>>
      %dma_wait3A_1176 = tpu.memref_slice %arg3[%mul3A_32] : memref<192xi32, #tpu.memory_space<hbm>> -> memref<24xi32, #tpu.memory_space<hbm>>
      tpu.wait_dma2 semaphore(%run_scoped3A : memref<!tpu.dma_semaphore, #tpu.memory_space<semaphore_mem>>) src(%dma_wait3A_1176 : memref<24xi32, #tpu.memory_space<hbm>>) dst(%arg5 : memref<24xi32, #tpu.memory_space<vmem>>)
      tpu.yield
    }) : () -> ()
    %get3A = arith.constant 0 : index
    %get3A_35 = tpu.vector_load %arg5[%get3A] {strides = array<i32>} : memref<24xi32, #tpu.memory_space<vmem>>, vector<16xi32>,
    %get3A_36 = vector.shape_cast %get3A_35 : vector<16xi32> to vector<16xi32>
    %mul3A_37 = arith.constant 192 : i32
    %mul3A_38 = arith.muli %select_n3A, %mul3A_37 : i32
    %add3A_39 = vector.broadcast %mul3A_38 : i32 to vector<16xi32>
    %add3A_40 = arith.addi %get3A_36, %add3A_39 : vector<16xi32>
    %get3A_41 = arith.constant 8 : index
    %get3A_42 = tpu.vector_load %arg5[%get3A_41] {strides = array<i32>} : memref<24xi32, #tpu.memory_space<vmem>>, vector<16xi32>,
    %get3A_43 = vector.shape_cast %get3A_42 : vector<16xi32> to vector<16xi32>
    %mul3A_44 = arith.constant 192 : i32
    %mul3A_45 = arith.muli %select_n3A, %mul3A_44 : i32
    %add3A_46 = vector.broadcast %mul3A_45 : i32 to vector<16xi32>
    %add3A_47 = arith.addi %get3A_43, %add3A_46 : vector<16xi32>
    %iota3A = tpu.iota {dimensions = array<i32: 0>} : vector<16xi32>
    %lt3A_48 = arith.constant 8 : i32
    %lt3A_49 = vector.broadcast %lt3A_48 : i32 to vector<16xi32>
    %lt3A_50 = arith.cmpi slt, %iota3A, %lt3A_49 : vector<16xi32>
    %slice3A = vector.extract_strided_slice %add3A_40 {offsets = [0], sizes = [1], strides = [1]} : vector<16xi32> to vector<1xi32>
    %squeeze3A = vector.extract %slice3A[0] : i32 from vector<1xi32>
    %mul3A_51 = arith.constant 8 : i32
    %mul3A_52 = arith.muli %squeeze3A, %mul3A_51 : i32
    %slice3A_53 = vector.extract_strided_slice %add3A_40 {offsets = [1], sizes = [1], strides = [1]} : vector<16xi32> to vector<1xi32>
    %squeeze3A_54 = vector.extract %slice3A_53[0] : i32 from vector<1xi32>
    %mul3A_55 = arith.constant 8 : i32
    %mul3A_56 = arith.muli %squeeze3A_54, %mul3A_55 : i32
    %sub3A_57 = arith.constant 8 : i32
    %sub3A_58 = arith.subi %mul3A_56, %sub3A_57 : i32
    %broadcast_in_dim3A = vector.broadcast %mul3A_52 : i32 to vector<16xi32>
    %broadcast_in_dim3A_59 = vector.broadcast %sub3A_58 : i32 to vector<16xi32>
    %select_n3A_60 = arith.select %lt3A_50, %broadcast_in_dim3A, %broadcast_in_dim3A_59 : vector<16xi1>, vector<16xi32>
    %add3A_61 = arith.addi %select_n3A_60, %iota3A : vector<16xi32>
    %swap3A = arith.constant 0 : index
    %swap3A_62 = tpu.vector_load %arg6[%swap3A] {strides = array<i32>} : memref<16xi32, #tpu.memory_space<vmem>>, vector<16xi32>,
    %swap3A_63 = vector.shape_cast %swap3A_62 : vector<16xi32> to vector<16xi32>
    %swap3A_64 = vector.shape_cast %add3A_61 : vector<16xi32> to vector<16xi32>
    tpu.vector_store %arg6[%swap3A], %swap3A_64 {strides = array<i32>} : memref<16xi32, #tpu.memory_space<vmem>>, vector<16xi32>,
    %dma_start3A = arith.constant 0 : i32
    %dma_start3A_65 = arith.constant 0 : i32
    %dma_start3A_66 = tpu.memref_slice %arg6[%dma_start3A_65] : memref<16xi32, #tpu.memory_space<vmem>> -> memref<8xi32, #tpu.memory_space<vmem>>
    %dma_start3A_67 = arith.constant 0 : i32
    %dma_start3A_68 = arith.constant 0 : i32
    %dma_start3A_69 = tpu.memref_slice %arg2[%dma_start3A_67, %dma_start3A_68] : memref<6144x6272xf32, #tpu.memory_space<hbm>> -> memref<6144x6272xf32, #tpu.memory_space<hbm>>
    %dma_start3A_70 = tpu.memref_slice %arg10[%dma_start3A] : memref<2x!tpu.dma_semaphore, #tpu.memory_space<semaphore_mem>> -> memref<1x!tpu.dma_semaphore, #tpu.memory_space<semaphore_mem>>
    %dma_start3A_71 = tpu.memref_squeeze %dma_start3A_70 : memref<1x!tpu.dma_semaphore, #tpu.memory_space<semaphore_mem>> -> memref<!tpu.dma_semaphore, #tpu.memory_space<semaphore_mem>>
    tpu.enqueue_indirect_dma source(%dma_start3A_69 : memref<6144x6272xf32, #tpu.memory_space<hbm>>) target(%arg8 : memref<8x6272xf32, #tpu.memory_space<vmem>>) offsets(%dma_start3A_66 : memref<8xi32, #tpu.memory_space<vmem>>) semaphore(%dma_start3A_71 : memref<!tpu.dma_semaphore, #tpu.memory_space<semaphore_mem>>)
    %dma_start3A_72 = arith.constant 1 : i32
    %dma_start3A_73 = arith.constant 8 : i32
    %dma_start3A_74 = tpu.memref_slice %arg6[%dma_start3A_73] : memref<16xi32, #tpu.memory_space<vmem>> -> memref<8xi32, #tpu.memory_space<vmem>>
    %dma_start3A_75 = arith.constant 0 : i32
    %dma_start3A_76 = arith.constant 0 : i32
    %dma_start3A_77 = tpu.memref_slice %arg2[%dma_start3A_75, %dma_start3A_76] : memref<6144x6272xf32, #tpu.memory_space<hbm>> -> memref<6144x6272xf32, #tpu.memory_space<hbm>>
    %dma_start3A_78 = tpu.memref_slice %arg10[%dma_start3A_72] : memref<2x!tpu.dma_semaphore, #tpu.memory_space<semaphore_mem>> -> memref<1x!tpu.dma_semaphore, #tpu.memory_space<semaphore_mem>>
    %dma_start3A_79 = tpu.memref_squeeze %dma_start3A_78 : memref<1x!tpu.dma_semaphore, #tpu.memory_space<semaphore_mem>> -> memref<!tpu.dma_semaphore, #tpu.memory_space<semaphore_mem>>
    tpu.enqueue_indirect_dma source(%dma_start3A_77 : memref<6144x6272xf32, #tpu.memory_space<hbm>>) target(%arg9 : memref<8x6272xf32, #tpu.memory_space<vmem>>) offsets(%dma_start3A_74 : memref<8xi32, #tpu.memory_space<vmem>>) semaphore(%dma_start3A_79 : memref<!tpu.dma_semaphore, #tpu.memory_space<semaphore_mem>>)
    %dma_wait3A = arith.constant 0 : i32
    %dma_wait3A_80 = arith.constant 0 : i32
    %dma_wait3A_81 = tpu.memref_slice %arg6[%dma_wait3A_80] : memref<16xi32, #tpu.memory_space<vmem>> -> memref<8xi32, #tpu.memory_space<vmem>>
    %dma_wait3A_82 = arith.constant 0 : i32
    %dma_wait3A_83 = arith.constant 0 : i32
    %dma_wait3A_84 = tpu.memref_slice %arg2[%dma_wait3A_82, %dma_wait3A_83] : memref<6144x6272xf32, #tpu.memory_space<hbm>> -> memref<6144x6272xf32, #tpu.memory_space<hbm>>
    %dma_wait3A_85 = tpu.memref_slice %arg10[%dma_wait3A] : memref<2x!tpu.dma_semaphore, #tpu.memory_space<semaphore_mem>> -> memref<1x!tpu.dma_semaphore, #tpu.memory_space<semaphore_mem>>
    %dma_wait3A_86 = tpu.memref_squeeze %dma_wait3A_85 : memref<1x!tpu.dma_semaphore, #tpu.memory_space<semaphore_mem>> -> memref<!tpu.dma_semaphore, #tpu.memory_space<semaphore_mem>>
    tpu.wait_indirect_dma semaphore(%dma_wait3A_86 : memref<!tpu.dma_semaphore, #tpu.memory_space<semaphore_mem>>) src(%dma_wait3A_84 : memref<6144x6272xf32, #tpu.memory_space<hbm>>) dst(%arg8 : memref<8x6272xf32, #tpu.memory_space<vmem>>)
    %add3A_87 = arith.constant 0 : i32
    %add3A_88 = arith.addi %mul3A_34, %add3A_87 : i32
    %mul3A_89 = arith.constant 8 : i32
    %mul3A_90 = arith.muli %add3A_88, %mul3A_89 : i32
    %dma_start3A_91 = arith.constant 0 : i32
    %dma_start3A_92 = arith.constant 0 : i32
    %dma_start3A_93 = tpu.memref_slice %arg4[%mul3A_90, %dma_start3A_92] : memref<6144x6272xf32, #tpu.memory_space<hbm>> -> memref<8x6272xf32, #tpu.memory_space<hbm>>
    %dma_start3A_94 = tpu.memref_slice %arg11[%dma_start3A_91] : memref<2x!tpu.dma_semaphore, #tpu.memory_space<semaphore_mem>> -> memref<1x!tpu.dma_semaphore, #tpu.memory_space<semaphore_mem>>
    %dma_start3A_95 = tpu.memref_squeeze %dma_start3A_94 : memref<1x!tpu.dma_semaphore, #tpu.memory_space<semaphore_mem>> -> memref<!tpu.dma_semaphore, #tpu.memory_space<semaphore_mem>>
    %dma_start3A_96 = arith.constant 0 : i32
    %dma_start3A_97 = tpu.memref_slice %arg4[%mul3A_90, %dma_start3A_96] : memref<6144x6272xf32, #tpu.memory_space<hbm>> -> memref<8x6272xf32, #tpu.memory_space<hbm>>
    tpu.enqueue_dma source(%arg8 : memref<8x6272xf32, #tpu.memory_space<vmem>>) target(%dma_start3A_97 : memref<8x6272xf32, #tpu.memory_space<hbm>>) target_semaphore(%dma_start3A_95 : memref<!tpu.dma_semaphore, #tpu.memory_space<semaphore_mem>>)
    %add3A_98 = arith.constant 0 : i32
    %add3A_99 = arith.addi %mul3A_34, %add3A_98 : i32
    %mul3A_100 = arith.constant 8 : i32
    %mul3A_101 = arith.muli %add3A_99, %mul3A_100 : i32
    %dma_wait3A_102 = arith.constant 0 : i32
    %dma_wait3A_103 = arith.constant 0 : i32
    %dma_wait3A_104 = tpu.memref_slice %arg4[%mul3A_101, %dma_wait3A_103] : memref<6144x6272xf32, #tpu.memory_space<hbm>> -> memref<8x6272xf32, #tpu.memory_space<hbm>>
    %dma_wait3A_105 = tpu.memref_slice %arg11[%dma_wait3A_102] : memref<2x!tpu.dma_semaphore, #tpu.memory_space<semaphore_mem>> -> memref<1x!tpu.dma_semaphore, #tpu.memory_space<semaphore_mem>>
    %dma_wait3A_106 = tpu.memref_squeeze %dma_wait3A_105 : memref<1x!tpu.dma_semaphore, #tpu.memory_space<semaphore_mem>> -> memref<!tpu.dma_semaphore, #tpu.memory_space<semaphore_mem>>
    %dma_wait3A_107 = arith.constant 0 : i32
    %dma_wait3A_108 = tpu.memref_slice %arg4[%mul3A_101, %dma_wait3A_107] : memref<6144x6272xf32, #tpu.memory_space<hbm>> -> memref<8x6272xf32, #tpu.memory_space<hbm>>
    tpu.wait_dma2 semaphore(%dma_wait3A_106 : memref<!tpu.dma_semaphore, #tpu.memory_space<semaphore_mem>>) src(%arg8 : memref<8x6272xf32, #tpu.memory_space<vmem>>) dst(%dma_wait3A_108 : memref<8x6272xf32, #tpu.memory_space<hbm>>)
    %slice3A_109 = vector.extract_strided_slice %add3A_40 {offsets = [2], sizes = [1], strides = [1]} : vector<16xi32> to vector<1xi32>
    %squeeze3A_110 = vector.extract %slice3A_109[0] : i32 from vector<1xi32>
    %mul3A_111 = arith.constant 8 : i32
    %mul3A_112 = arith.muli %squeeze3A_110, %mul3A_111 : i32
    %slice3A_113 = vector.extract_strided_slice %add3A_40 {offsets = [3], sizes = [1], strides = [1]} : vector<16xi32> to vector<1xi32>
    %squeeze3A_114 = vector.extract %slice3A_113[0] : i32 from vector<1xi32>
    %mul3A_115 = arith.constant 8 : i32
    %mul3A_116 = arith.muli %squeeze3A_114, %mul3A_115 : i32
    %sub3A_117 = arith.constant 8 : i32
    %sub3A_118 = arith.subi %mul3A_116, %sub3A_117 : i32
    %broadcast_in_dim3A_119 = vector.broadcast %mul3A_112 : i32 to vector<16xi32>
    %broadcast_in_dim3A_120 = vector.broadcast %sub3A_118 : i32 to vector<16xi32>
    %select_n3A_121 = arith.select %lt3A_50, %broadcast_in_dim3A_119, %broadcast_in_dim3A_120 : vector<16xi1>, vector<16xi32>
    %add3A_122 = arith.addi %select_n3A_121, %iota3A : vector<16xi32>
    %swap3A_123 = arith.constant 0 : index
    %swap3A_124 = tpu.vector_load %arg7[%swap3A_123] {strides = array<i32>} : memref<16xi32, #tpu.memory_space<vmem>>, vector<16xi32>,
    %swap3A_125 = vector.shape_cast %swap3A_124 : vector<16xi32> to vector<16xi32>
    %swap3A_126 = vector.shape_cast %add3A_122 : vector<16xi32> to vector<16xi32>
    tpu.vector_store %arg7[%swap3A_123], %swap3A_126 {strides = array<i32>} : memref<16xi32, #tpu.memory_space<vmem>>, vector<16xi32>,
    %dma_start3A_127 = arith.constant 0 : i32
    %dma_start3A_128 = arith.constant 0 : i32
    %dma_start3A_129 = tpu.memref_slice %arg7[%dma_start3A_128] : memref<16xi32, #tpu.memory_space<vmem>> -> memref<8xi32, #tpu.memory_space<vmem>>
    %dma_start3A_130 = arith.constant 0 : i32
    %dma_start3A_131 = arith.constant 0 : i32
    %dma_start3A_132 = tpu.memref_slice %arg2[%dma_start3A_130, %dma_start3A_131] : memref<6144x6272xf32, #tpu.memory_space<hbm>> -> memref<6144x6272xf32, #tpu.memory_space<hbm>>
    %dma_start3A_133 = tpu.memref_slice %arg10[%dma_start3A_127] : memref<2x!tpu.dma_semaphore, #tpu.memory_space<semaphore_mem>> -> memref<1x!tpu.dma_semaphore, #tpu.memory_space<semaphore_mem>>
    %dma_start3A_134 = tpu.memref_squeeze %dma_start3A_133 : memref<1x!tpu.dma_semaphore, #tpu.memory_space<semaphore_mem>> -> memref<!tpu.dma_semaphore, #tpu.memory_space<semaphore_mem>>
    tpu.enqueue_indirect_dma source(%dma_start3A_132 : memref<6144x6272xf32, #tpu.memory_space<hbm>>) target(%arg8 : memref<8x6272xf32, #tpu.memory_space<vmem>>) offsets(%dma_start3A_129 : memref<8xi32, #tpu.memory_space<vmem>>) semaphore(%dma_start3A_134 : memref<!tpu.dma_semaphore, #tpu.memory_space<semaphore_mem>>)
    %dma_wait3A_135 = arith.constant 1 : i32
    %dma_wait3A_136 = arith.constant 8 : i32
    %dma_wait3A_137 = tpu.memref_slice %arg6[%dma_wait3A_136] : memref<16xi32, #tpu.memory_space<vmem>> -> memref<8xi32, #tpu.memory_space<vmem>>
    %dma_wait3A_138 = arith.constant 0 : i32
    %dma_wait3A_139 = arith.constant 0 : i32
    %dma_wait3A_140 = tpu.memref_slice %arg2[%dma_wait3A_138, %dma_wait3A_139] : memref<6144x6272xf32, #tpu.memory_space<hbm>> -> memref<6144x6272xf32, #tpu.memory_space<hbm>>
    %dma_wait3A_141 = tpu.memref_slice %arg10[%dma_wait3A_135] : memref<2x!tpu.dma_semaphore, #tpu.memory_space<semaphore_mem>> -> memref<1x!tpu.dma_semaphore, #tpu.memory_space<semaphore_mem>>
    %dma_wait3A_142 = tpu.memref_squeeze %dma_wait3A_141 : memref<1x!tpu.dma_semaphore, #tpu.memory_space<semaphore_mem>> -> memref<!tpu.dma_semaphore, #tpu.memory_space<semaphore_mem>>
    tpu.wait_indirect_dma semaphore(%dma_wait3A_142 : memref<!tpu.dma_semaphore, #tpu.memory_space<semaphore_mem>>) src(%dma_wait3A_140 : memref<6144x6272xf32, #tpu.memory_space<hbm>>) dst(%arg9 : memref<8x6272xf32, #tpu.memory_space<vmem>>)
    %add3A_143 = arith.constant 1 : i32
    %add3A_144 = arith.addi %mul3A_34, %add3A_143 : i32
    %mul3A_145 = arith.constant 8 : i32
    %mul3A_146 = arith.muli %add3A_144, %mul3A_145 : i32
    %dma_start3A_147 = arith.constant 1 : i32
    %dma_start3A_148 = arith.constant 0 : i32
    %dma_start3A_149 = tpu.memref_slice %arg4[%mul3A_146, %dma_start3A_148] : memref<6144x6272xf32, #tpu.memory_space<hbm>> -> memref<8x6272xf32, #tpu.memory_space<hbm>>
    %dma_start3A_150 = tpu.memref_slice %arg11[%dma_start3A_147] : memref<2x!tpu.dma_semaphore, #tpu.memory_space<semaphore_mem>> -> memref<1x!tpu.dma_semaphore, #tpu.memory_space<semaphore_mem>>
    %dma_start3A_151 = tpu.memref_squeeze %dma_start3A_150 : memref<1x!tpu.dma_semaphore, #tpu.memory_space<semaphore_mem>> -> memref<!tpu.dma_semaphore, #tpu.memory_space<semaphore_mem>>
    %dma_start3A_152 = arith.constant 0 : i32
    %dma_start3A_153 = tpu.memref_slice %arg4[%mul3A_146, %dma_start3A_152] : memref<6144x6272xf32, #tpu.memory_space<hbm>> -> memref<8x6272xf32, #tpu.memory_space<hbm>>
    tpu.enqueue_dma source(%arg9 : memref<8x6272xf32, #tpu.memory_space<vmem>>) target(%dma_start3A_153 : memref<8x6272xf32, #tpu.memory_space<hbm>>) target_semaphore(%dma_start3A_151 : memref<!tpu.dma_semaphore, #tpu.memory_space<semaphore_mem>>)
    %add3A_154 = arith.constant 1 : i32
    %add3A_155 = arith.addi %mul3A_34, %add3A_154 : i32
    %mul3A_156 = arith.constant 8 : i32
    %mul3A_157 = arith.muli %add3A_155, %mul3A_156 : i32
    %dma_wait3A_158 = arith.constant 1 : i32
    %dma_wait3A_159 = arith.constant 0 : i32
    %dma_wait3A_160 = tpu.memref_slice %arg4[%mul3A_157, %dma_wait3A_159] : memref<6144x6272xf32, #tpu.memory_space<hbm>> -> memref<8x6272xf32, #tpu.memory_space<hbm>>
    %dma_wait3A_161 = tpu.memref_slice %arg11[%dma_wait3A_158] : memref<2x!tpu.dma_semaphore, #tpu.memory_space<semaphore_mem>> -> memref<1x!tpu.dma_semaphore, #tpu.memory_space<semaphore_mem>>
    %dma_wait3A_162 = tpu.memref_squeeze %dma_wait3A_161 : memref<1x!tpu.dma_semaphore, #tpu.memory_space<semaphore_mem>> -> memref<!tpu.dma_semaphore, #tpu.memory_space<semaphore_mem>>
    %dma_wait3A_163 = arith.constant 0 : i32
    %dma_wait3A_164 = tpu.memref_slice %arg4[%mul3A_157, %dma_wait3A_163] : memref<6144x6272xf32, #tpu.memory_space<hbm>> -> memref<8x6272xf32, #tpu.memory_space<hbm>>
    tpu.wait_dma2 semaphore(%dma_wait3A_162 : memref<!tpu.dma_semaphore, #tpu.memory_space<semaphore_mem>>) src(%arg9 : memref<8x6272xf32, #tpu.memory_space<vmem>>) dst(%dma_wait3A_164 : memref<8x6272xf32, #tpu.memory_space<hbm>>)
    %dma_start3A_165 = arith.constant 1 : i32
    %dma_start3A_166 = arith.constant 8 : i32
    %dma_start3A_167 = tpu.memref_slice %arg7[%dma_start3A_166] : memref<16xi32, #tpu.memory_space<vmem>> -> memref<8xi32, #tpu.memory_space<vmem>>
    %dma_start3A_168 = arith.constant 0 : i32
    %dma_start3A_169 = arith.constant 0 : i32
    %dma_start3A_170 = tpu.memref_slice %arg2[%dma_start3A_168, %dma_start3A_169] : memref<6144x6272xf32, #tpu.memory_space<hbm>> -> memref<6144x6272xf32, #tpu.memory_space<hbm>>
    %dma_start3A_171 = tpu.memref_slice %arg10[%dma_start3A_165] : memref<2x!tpu.dma_semaphore, #tpu.memory_space<semaphore_mem>> -> memref<1x!tpu.dma_semaphore, #tpu.memory_space<semaphore_mem>>
    %dma_start3A_172 = tpu.memref_squeeze %dma_start3A_171 : memref<1x!tpu.dma_semaphore, #tpu.memory_space<semaphore_mem>> -> memref<!tpu.dma_semaphore, #tpu.memory_space<semaphore_mem>>
    tpu.enqueue_indirect_dma source(%dma_start3A_170 : memref<6144x6272xf32, #tpu.memory_space<hbm>>) target(%arg9 : memref<8x6272xf32, #tpu.memory_space<vmem>>) offsets(%dma_start3A_167 : memref<8xi32, #tpu.memory_space<vmem>>) semaphore(%dma_start3A_172 : memref<!tpu.dma_semaphore, #tpu.memory_space<semaphore_mem>>)
    %dma_wait3A_173 = arith.constant 0 : i32
    %dma_wait3A_174 = arith.constant 0 : i32
    %dma_wait3A_175 = tpu.memref_slice %arg7[%dma_wait3A_174] : memref<16xi32, #tpu.memory_space<vmem>> -> memref<8xi32, #tpu.memory_space<vmem>>
    %dma_wait3A_176 = arith.constant 0 : i32
    %dma_wait3A_177 = arith.constant 0 : i32
    %dma_wait3A_178 = tpu.memref_slice %arg2[%dma_wait3A_176, %dma_wait3A_177] : memref<6144x6272xf32, #tpu.memory_space<hbm>> -> memref<6144x6272xf32, #tpu.memory_space<hbm>>
    %dma_wait3A_179 = tpu.memref_slice %arg10[%dma_wait3A_173] : memref<2x!tpu.dma_semaphore, #tpu.memory_space<semaphore_mem>> -> memref<1x!tpu.dma_semaphore, #tpu.memory_space<semaphore_mem>>
    %dma_wait3A_180 = tpu.memref_squeeze %dma_wait3A_179 : memref<1x!tpu.dma_semaphore, #tpu.memory_space<semaphore_mem>> -> memref<!tpu.dma_semaphore, #tpu.memory_space<semaphore_mem>>
    tpu.wait_indirect_dma semaphore(%dma_wait3A_180 : memref<!tpu.dma_semaphore, #tpu.memory_space<semaphore_mem>>) src(%dma_wait3A_178 : memref<6144x6272xf32, #tpu.memory_space<hbm>>) dst(%arg8 : memref<8x6272xf32, #tpu.memory_space<vmem>>)
    %add3A_181 = arith.constant 2 : i32
    %add3A_182 = arith.addi %mul3A_34, %add3A_181 : i32
    %mul3A_183 = arith.constant 8 : i32
    %mul3A_184 = arith.muli %add3A_182, %mul3A_183 : i32
    %dma_start3A_185 = arith.constant 0 : i32
    %dma_start3A_186 = arith.constant 0 : i32
    %dma_start3A_187 = tpu.memref_slice %arg4[%mul3A_184, %dma_start3A_186] : memref<6144x6272xf32, #tpu.memory_space<hbm>> -> memref<8x6272xf32, #tpu.memory_space<hbm>>
    %dma_start3A_188 = tpu.memref_slice %arg11[%dma_start3A_185] : memref<2x!tpu.dma_semaphore, #tpu.memory_space<semaphore_mem>> -> memref<1x!tpu.dma_semaphore, #tpu.memory_space<semaphore_mem>>
    %dma_start3A_189 = tpu.memref_squeeze %dma_start3A_188 : memref<1x!tpu.dma_semaphore, #tpu.memory_space<semaphore_mem>> -> memref<!tpu.dma_semaphore, #tpu.memory_space<semaphore_mem>>
    %dma_start3A_190 = arith.constant 0 : i32
    %dma_start3A_191 = tpu.memref_slice %arg4[%mul3A_184, %dma_start3A_190] : memref<6144x6272xf32, #tpu.memory_space<hbm>> -> memref<8x6272xf32, #tpu.memory_space<hbm>>
    tpu.enqueue_dma source(%arg8 : memref<8x6272xf32, #tpu.memory_space<vmem>>) target(%dma_start3A_191 : memref<8x6272xf32, #tpu.memory_space<hbm>>) target_semaphore(%dma_start3A_189 : memref<!tpu.dma_semaphore, #tpu.memory_space<semaphore_mem>>)
    %add3A_192 = arith.constant 2 : i32
    %add3A_193 = arith.addi %mul3A_34, %add3A_192 : i32
    %mul3A_194 = arith.constant 8 : i32
    %mul3A_195 = arith.muli %add3A_193, %mul3A_194 : i32
    %dma_wait3A_196 = arith.constant 0 : i32
    %dma_wait3A_197 = arith.constant 0 : i32
    %dma_wait3A_198 = tpu.memref_slice %arg4[%mul3A_195, %dma_wait3A_197] : memref<6144x6272xf32, #tpu.memory_space<hbm>> -> memref<8x6272xf32, #tpu.memory_space<hbm>>
    %dma_wait3A_199 = tpu.memref_slice %arg11[%dma_wait3A_196] : memref<2x!tpu.dma_semaphore, #tpu.memory_space<semaphore_mem>> -> memref<1x!tpu.dma_semaphore, #tpu.memory_space<semaphore_mem>>
    %dma_wait3A_200 = tpu.memref_squeeze %dma_wait3A_199 : memref<1x!tpu.dma_semaphore, #tpu.memory_space<semaphore_mem>> -> memref<!tpu.dma_semaphore, #tpu.memory_space<semaphore_mem>>
    %dma_wait3A_201 = arith.constant 0 : i32
    %dma_wait3A_202 = tpu.memref_slice %arg4[%mul3A_195, %dma_wait3A_201] : memref<6144x6272xf32, #tpu.memory_space<hbm>> -> memref<8x6272xf32, #tpu.memory_space<hbm>>
    tpu.wait_dma2 semaphore(%dma_wait3A_200 : memref<!tpu.dma_semaphore, #tpu.memory_space<semaphore_mem>>) src(%arg8 : memref<8x6272xf32, #tpu.memory_space<vmem>>) dst(%dma_wait3A_202 : memref<8x6272xf32, #tpu.memory_space<hbm>>)
    %slice3A_203 = vector.extract_strided_slice %add3A_40 {offsets = [4], sizes = [1], strides = [1]} : vector<16xi32> to vector<1xi32>
    %squeeze3A_204 = vector.extract %slice3A_203[0] : i32 from vector<1xi32>
    %mul3A_205 = arith.constant 8 : i32
    %mul3A_206 = arith.muli %squeeze3A_204, %mul3A_205 : i32
    %slice3A_207 = vector.extract_strided_slice %add3A_40 {offsets = [5], sizes = [1], strides = [1]} : vector<16xi32> to vector<1xi32>
    %squeeze3A_208 = vector.extract %slice3A_207[0] : i32 from vector<1xi32>
    %mul3A_209 = arith.constant 8 : i32
    %mul3A_210 = arith.muli %squeeze3A_208, %mul3A_209 : i32
    %sub3A_211 = arith.constant 8 : i32
    %sub3A_212 = arith.subi %mul3A_210, %sub3A_211 : i32
    %broadcast_in_dim3A_213 = vector.broadcast %mul3A_206 : i32 to vector<16xi32>
    %broadcast_in_dim3A_214 = vector.broadcast %sub3A_212 : i32 to vector<16xi32>
    %select_n3A_215 = arith.select %lt3A_50, %broadcast_in_dim3A_213, %broadcast_in_dim3A_214 : vector<16xi1>, vector<16xi32>
    %add3A_216 = arith.addi %select_n3A_215, %iota3A : vector<16xi32>
    %swap3A_217 = arith.constant 0 : index
    %swap3A_218 = tpu.vector_load %arg6[%swap3A_217] {strides = array<i32>} : memref<16xi32, #tpu.memory_space<vmem>>, vector<16xi32>,
    %swap3A_219 = vector.shape_cast %swap3A_218 : vector<16xi32> to vector<16xi32>
    %swap3A_220 = vector.shape_cast %add3A_216 : vector<16xi32> to vector<16xi32>
    tpu.vector_store %arg6[%swap3A_217], %swap3A_220 {strides = array<i32>} : memref<16xi32, #tpu.memory_space<vmem>>, vector<16xi32>,
    %dma_start3A_221 = arith.constant 0 : i32
    %dma_start3A_222 = arith.constant 0 : i32
    %dma_start3A_223 = tpu.memref_slice %arg6[%dma_start3A_222] : memref<16xi32, #tpu.memory_space<vmem>> -> memref<8xi32, #tpu.memory_space<vmem>>
    %dma_start3A_224 = arith.constant 0 : i32
    %dma_start3A_225 = arith.constant 0 : i32
    %dma_start3A_226 = tpu.memref_slice %arg2[%dma_start3A_224, %dma_start3A_225] : memref<6144x6272xf32, #tpu.memory_space<hbm>> -> memref<6144x6272xf32, #tpu.memory_space<hbm>>
    %dma_start3A_227 = tpu.memref_slice %arg10[%dma_start3A_221] : memref<2x!tpu.dma_semaphore, #tpu.memory_space<semaphore_mem>> -> memref<1x!tpu.dma_semaphore, #tpu.memory_space<semaphore_mem>>
    %dma_start3A_228 = tpu.memref_squeeze %dma_start3A_227 : memref<1x!tpu.dma_semaphore, #tpu.memory_space<semaphore_mem>> -> memref<!tpu.dma_semaphore, #tpu.memory_space<semaphore_mem>>
    tpu.enqueue_indirect_dma source(%dma_start3A_226 : memref<6144x6272xf32, #tpu.memory_space<hbm>>) target(%arg8 : memref<8x6272xf32, #tpu.memory_space<vmem>>) offsets(%dma_start3A_223 : memref<8xi32, #tpu.memory_space<vmem>>) semaphore(%dma_start3A_228 : memref<!tpu.dma_semaphore, #tpu.memory_space<semaphore_mem>>)
    %dma_wait3A_229 = arith.constant 1 : i32
    %dma_wait3A_230 = arith.constant 8 : i32
    %dma_wait3A_231 = tpu.memref_slice %arg7[%dma_wait3A_230] : memref<16xi32, #tpu.memory_space<vmem>> -> memref<8xi32, #tpu.memory_space<vmem>>
    %dma_wait3A_232 = arith.constant 0 : i32
    %dma_wait3A_233 = arith.constant 0 : i32
    %dma_wait3A_234 = tpu.memref_slice %arg2[%dma_wait3A_232, %dma_wait3A_233] : memref<6144x6272xf32, #tpu.memory_space<hbm>> -> memref<6144x6272xf32, #tpu.memory_space<hbm>>
    %dma_wait3A_235 = tpu.memref_slice %arg10[%dma_wait3A_229] : memref<2x!tpu.dma_semaphore, #tpu.memory_space<semaphore_mem>> -> memref<1x!tpu.dma_semaphore, #tpu.memory_space<semaphore_mem>>
    %dma_wait3A_236 = tpu.memref_squeeze %dma_wait3A_235 : memref<1x!tpu.dma_semaphore, #tpu.memory_space<semaphore_mem>> -> memref<!tpu.dma_semaphore, #tpu.memory_space<semaphore_mem>>
    tpu.wait_indirect_dma semaphore(%dma_wait3A_236 : memref<!tpu.dma_semaphore, #tpu.memory_space<semaphore_mem>>) src(%dma_wait3A_234 : memref<6144x6272xf32, #tpu.memory_space<hbm>>) dst(%arg9 : memref<8x6272xf32, #tpu.memory_space<vmem>>)
    %add3A_237 = arith.constant 3 : i32
    %add3A_238 = arith.addi %mul3A_34, %add3A_237 : i32
    %mul3A_239 = arith.constant 8 : i32
    %mul3A_240 = arith.muli %add3A_238, %mul3A_239 : i32
    %dma_start3A_241 = arith.constant 1 : i32
    %dma_start3A_242 = arith.constant 0 : i32
    %dma_start3A_243 = tpu.memref_slice %arg4[%mul3A_240, %dma_start3A_242] : memref<6144x6272xf32, #tpu.memory_space<hbm>> -> memref<8x6272xf32, #tpu.memory_space<hbm>>
    %dma_start3A_244 = tpu.memref_slice %arg11[%dma_start3A_241] : memref<2x!tpu.dma_semaphore, #tpu.memory_space<semaphore_mem>> -> memref<1x!tpu.dma_semaphore, #tpu.memory_space<semaphore_mem>>
    %dma_start3A_245 = tpu.memref_squeeze %dma_start3A_244 : memref<1x!tpu.dma_semaphore, #tpu.memory_space<semaphore_mem>> -> memref<!tpu.dma_semaphore, #tpu.memory_space<semaphore_mem>>
    %dma_start3A_246 = arith.constant 0 : i32
    %dma_start3A_247 = tpu.memref_slice %arg4[%mul3A_240, %dma_start3A_246] : memref<6144x6272xf32, #tpu.memory_space<hbm>> -> memref<8x6272xf32, #tpu.memory_space<hbm>>
    tpu.enqueue_dma source(%arg9 : memref<8x6272xf32, #tpu.memory_space<vmem>>) target(%dma_start3A_247 : memref<8x6272xf32, #tpu.memory_space<hbm>>) target_semaphore(%dma_start3A_245 : memref<!tpu.dma_semaphore, #tpu.memory_space<semaphore_mem>>)
    %add3A_248 = arith.constant 3 : i32
    %add3A_249 = arith.addi %mul3A_34, %add3A_248 : i32
    %mul3A_250 = arith.constant 8 : i32
    %mul3A_251 = arith.muli %add3A_249, %mul3A_250 : i32
    %dma_wait3A_252 = arith.constant 1 : i32
    %dma_wait3A_253 = arith.constant 0 : i32
    %dma_wait3A_254 = tpu.memref_slice %arg4[%mul3A_251, %dma_wait3A_253] : memref<6144x6272xf32, #tpu.memory_space<hbm>> -> memref<8x6272xf32, #tpu.memory_space<hbm>>
    %dma_wait3A_255 = tpu.memref_slice %arg11[%dma_wait3A_252] : memref<2x!tpu.dma_semaphore, #tpu.memory_space<semaphore_mem>> -> memref<1x!tpu.dma_semaphore, #tpu.memory_space<semaphore_mem>>
    %dma_wait3A_256 = tpu.memref_squeeze %dma_wait3A_255 : memref<1x!tpu.dma_semaphore, #tpu.memory_space<semaphore_mem>> -> memref<!tpu.dma_semaphore, #tpu.memory_space<semaphore_mem>>
    %dma_wait3A_257 = arith.constant 0 : i32
    %dma_wait3A_258 = tpu.memref_slice %arg4[%mul3A_251, %dma_wait3A_257] : memref<6144x6272xf32, #tpu.memory_space<hbm>> -> memref<8x6272xf32, #tpu.memory_space<hbm>>
    tpu.wait_dma2 semaphore(%dma_wait3A_256 : memref<!tpu.dma_semaphore, #tpu.memory_space<semaphore_mem>>) src(%arg9 : memref<8x6272xf32, #tpu.memory_space<vmem>>) dst(%dma_wait3A_258 : memref<8x6272xf32, #tpu.memory_space<hbm>>)
    %dma_start3A_259 = arith.constant 1 : i32
    %dma_start3A_260 = arith.constant 8 : i32
    %dma_start3A_261 = tpu.memref_slice %arg6[%dma_start3A_260] : memref<16xi32, #tpu.memory_space<vmem>> -> memref<8xi32, #tpu.memory_space<vmem>>
    %dma_start3A_262 = arith.constant 0 : i32
    %dma_start3A_263 = arith.constant 0 : i32
    %dma_start3A_264 = tpu.memref_slice %arg2[%dma_start3A_262, %dma_start3A_263] : memref<6144x6272xf32, #tpu.memory_space<hbm>> -> memref<6144x6272xf32, #tpu.memory_space<hbm>>
    %dma_start3A_265 = tpu.memref_slice %arg10[%dma_start3A_259] : memref<2x!tpu.dma_semaphore, #tpu.memory_space<semaphore_mem>> -> memref<1x!tpu.dma_semaphore, #tpu.memory_space<semaphore_mem>>
    %dma_start3A_266 = tpu.memref_squeeze %dma_start3A_265 : memref<1x!tpu.dma_semaphore, #tpu.memory_space<semaphore_mem>> -> memref<!tpu.dma_semaphore, #tpu.memory_space<semaphore_mem>>
    tpu.enqueue_indirect_dma source(%dma_start3A_264 : memref<6144x6272xf32, #tpu.memory_space<hbm>>) target(%arg9 : memref<8x6272xf32, #tpu.memory_space<vmem>>) offsets(%dma_start3A_261 : memref<8xi32, #tpu.memory_space<vmem>>) semaphore(%dma_start3A_266 : memref<!tpu.dma_semaphore, #tpu.memory_space<semaphore_mem>>)
    %dma_wait3A_267 = arith.constant 0 : i32
    %dma_wait3A_268 = arith.constant 0 : i32
    %dma_wait3A_269 = tpu.memref_slice %arg6[%dma_wait3A_268] : memref<16xi32, #tpu.memory_space<vmem>> -> memref<8xi32, #tpu.memory_space<vmem>>
    %dma_wait3A_270 = arith.constant 0 : i32
    %dma_wait3A_271 = arith.constant 0 : i32
    %dma_wait3A_272 = tpu.memref_slice %arg2[%dma_wait3A_270, %dma_wait3A_271] : memref<6144x6272xf32, #tpu.memory_space<hbm>> -> memref<6144x6272xf32, #tpu.memory_space<hbm>>
    %dma_wait3A_273 = tpu.memref_slice %arg10[%dma_wait3A_267] : memref<2x!tpu.dma_semaphore, #tpu.memory_space<semaphore_mem>> -> memref<1x!tpu.dma_semaphore, #tpu.memory_space<semaphore_mem>>
    %dma_wait3A_274 = tpu.memref_squeeze %dma_wait3A_273 : memref<1x!tpu.dma_semaphore, #tpu.memory_space<semaphore_mem>> -> memref<!tpu.dma_semaphore, #tpu.memory_space<semaphore_mem>>
    tpu.wait_indirect_dma semaphore(%dma_wait3A_274 : memref<!tpu.dma_semaphore, #tpu.memory_space<semaphore_mem>>) src(%dma_wait3A_272 : memref<6144x6272xf32, #tpu.memory_space<hbm>>) dst(%arg8 : memref<8x6272xf32, #tpu.memory_space<vmem>>)
    %add3A_275 = arith.constant 4 : i32
    %add3A_276 = arith.addi %mul3A_34, %add3A_275 : i32
    %mul3A_277 = arith.constant 8 : i32
    %mul3A_278 = arith.muli %add3A_276, %mul3A_277 : i32
    %dma_start3A_279 = arith.constant 0 : i32
    %dma_start3A_280 = arith.constant 0 : i32
    %dma_start3A_281 = tpu.memref_slice %arg4[%mul3A_278, %dma_start3A_280] : memref<6144x6272xf32, #tpu.memory_space<hbm>> -> memref<8x6272xf32, #tpu.memory_space<hbm>>
    %dma_start3A_282 = tpu.memref_slice %arg11[%dma_start3A_279] : memref<2x!tpu.dma_semaphore, #tpu.memory_space<semaphore_mem>> -> memref<1x!tpu.dma_semaphore, #tpu.memory_space<semaphore_mem>>
    %dma_start3A_283 = tpu.memref_squeeze %dma_start3A_282 : memref<1x!tpu.dma_semaphore, #tpu.memory_space<semaphore_mem>> -> memref<!tpu.dma_semaphore, #tpu.memory_space<semaphore_mem>>
    %dma_start3A_284 = arith.constant 0 : i32
    %dma_start3A_285 = tpu.memref_slice %arg4[%mul3A_278, %dma_start3A_284] : memref<6144x6272xf32, #tpu.memory_space<hbm>> -> memref<8x6272xf32, #tpu.memory_space<hbm>>
    tpu.enqueue_dma source(%arg8 : memref<8x6272xf32, #tpu.memory_space<vmem>>) target(%dma_start3A_285 : memref<8x6272xf32, #tpu.memory_space<hbm>>) target_semaphore(%dma_start3A_283 : memref<!tpu.dma_semaphore, #tpu.memory_space<semaphore_mem>>)
    %add3A_286 = arith.constant 4 : i32
    %add3A_287 = arith.addi %mul3A_34, %add3A_286 : i32
    %mul3A_288 = arith.constant 8 : i32
    %mul3A_289 = arith.muli %add3A_287, %mul3A_288 : i32
    %dma_wait3A_290 = arith.constant 0 : i32
    %dma_wait3A_291 = arith.constant 0 : i32
    %dma_wait3A_292 = tpu.memref_slice %arg4[%mul3A_289, %dma_wait3A_291] : memref<6144x6272xf32, #tpu.memory_space<hbm>> -> memref<8x6272xf32, #tpu.memory_space<hbm>>
    %dma_wait3A_293 = tpu.memref_slice %arg11[%dma_wait3A_290] : memref<2x!tpu.dma_semaphore, #tpu.memory_space<semaphore_mem>> -> memref<1x!tpu.dma_semaphore, #tpu.memory_space<semaphore_mem>>
    %dma_wait3A_294 = tpu.memref_squeeze %dma_wait3A_293 : memref<1x!tpu.dma_semaphore, #tpu.memory_space<semaphore_mem>> -> memref<!tpu.dma_semaphore, #tpu.memory_space<semaphore_mem>>
    %dma_wait3A_295 = arith.constant 0 : i32
    %dma_wait3A_296 = tpu.memref_slice %arg4[%mul3A_289, %dma_wait3A_295] : memref<6144x6272xf32, #tpu.memory_space<hbm>> -> memref<8x6272xf32, #tpu.memory_space<hbm>>
    tpu.wait_dma2 semaphore(%dma_wait3A_294 : memref<!tpu.dma_semaphore, #tpu.memory_space<semaphore_mem>>) src(%arg8 : memref<8x6272xf32, #tpu.memory_space<vmem>>) dst(%dma_wait3A_296 : memref<8x6272xf32, #tpu.memory_space<hbm>>)
    %slice3A_297 = vector.extract_strided_slice %add3A_40 {offsets = [6], sizes = [1], strides = [1]} : vector<16xi32> to vector<1xi32>
    %squeeze3A_298 = vector.extract %slice3A_297[0] : i32 from vector<1xi32>
    %mul3A_299 = arith.constant 8 : i32
    %mul3A_300 = arith.muli %squeeze3A_298, %mul3A_299 : i32
    %slice3A_301 = vector.extract_strided_slice %add3A_40 {offsets = [7], sizes = [1], strides = [1]} : vector<16xi32> to vector<1xi32>
    %squeeze3A_302 = vector.extract %slice3A_301[0] : i32 from vector<1xi32>
    %mul3A_303 = arith.constant 8 : i32
    %mul3A_304 = arith.muli %squeeze3A_302, %mul3A_303 : i32
    %sub3A_305 = arith.constant 8 : i32
    %sub3A_306 = arith.subi %mul3A_304, %sub3A_305 : i32
    %broadcast_in_dim3A_307 = vector.broadcast %mul3A_300 : i32 to vector<16xi32>
    %broadcast_in_dim3A_308 = vector.broadcast %sub3A_306 : i32 to vector<16xi32>
    %select_n3A_309 = arith.select %lt3A_50, %broadcast_in_dim3A_307, %broadcast_in_dim3A_308 : vector<16xi1>, vector<16xi32>
    %add3A_310 = arith.addi %select_n3A_309, %iota3A : vector<16xi32>
    %swap3A_311 = arith.constant 0 : index
    %swap3A_312 = tpu.vector_load %arg7[%swap3A_311] {strides = array<i32>} : memref<16xi32, #tpu.memory_space<vmem>>, vector<16xi32>,
    %swap3A_313 = vector.shape_cast %swap3A_312 : vector<16xi32> to vector<16xi32>
    %swap3A_314 = vector.shape_cast %add3A_310 : vector<16xi32> to vector<16xi32>
    tpu.vector_store %arg7[%swap3A_311], %swap3A_314 {strides = array<i32>} : memref<16xi32, #tpu.memory_space<vmem>>, vector<16xi32>,
    %dma_start3A_315 = arith.constant 0 : i32
    %dma_start3A_316 = arith.constant 0 : i32
    %dma_start3A_317 = tpu.memref_slice %arg7[%dma_start3A_316] : memref<16xi32, #tpu.memory_space<vmem>> -> memref<8xi32, #tpu.memory_space<vmem>>
    %dma_start3A_318 = arith.constant 0 : i32
    %dma_start3A_319 = arith.constant 0 : i32
    %dma_start3A_320 = tpu.memref_slice %arg2[%dma_start3A_318, %dma_start3A_319] : memref<6144x6272xf32, #tpu.memory_space<hbm>> -> memref<6144x6272xf32, #tpu.memory_space<hbm>>
    %dma_start3A_321 = tpu.memref_slice %arg10[%dma_start3A_315] : memref<2x!tpu.dma_semaphore, #tpu.memory_space<semaphore_mem>> -> memref<1x!tpu.dma_semaphore, #tpu.memory_space<semaphore_mem>>
    %dma_start3A_322 = tpu.memref_squeeze %dma_start3A_321 : memref<1x!tpu.dma_semaphore, #tpu.memory_space<semaphore_mem>> -> memref<!tpu.dma_semaphore, #tpu.memory_space<semaphore_mem>>
    tpu.enqueue_indirect_dma source(%dma_start3A_320 : memref<6144x6272xf32, #tpu.memory_space<hbm>>) target(%arg8 : memref<8x6272xf32, #tpu.memory_space<vmem>>) offsets(%dma_start3A_317 : memref<8xi32, #tpu.memory_space<vmem>>) semaphore(%dma_start3A_322 : memref<!tpu.dma_semaphore, #tpu.memory_space<semaphore_mem>>)
    %dma_wait3A_323 = arith.constant 1 : i32
    %dma_wait3A_324 = arith.constant 8 : i32
    %dma_wait3A_325 = tpu.memref_slice %arg6[%dma_wait3A_324] : memref<16xi32, #tpu.memory_space<vmem>> -> memref<8xi32, #tpu.memory_space<vmem>>
    %dma_wait3A_326 = arith.constant 0 : i32
    %dma_wait3A_327 = arith.constant 0 : i32
    %dma_wait3A_328 = tpu.memref_slice %arg2[%dma_wait3A_326, %dma_wait3A_327] : memref<6144x6272xf32, #tpu.memory_space<hbm>> -> memref<6144x6272xf32, #tpu.memory_space<hbm>>
    %dma_wait3A_329 = tpu.memref_slice %arg10[%dma_wait3A_323] : memref<2x!tpu.dma_semaphore, #tpu.memory_space<semaphore_mem>> -> memref<1x!tpu.dma_semaphore, #tpu.memory_space<semaphore_mem>>
    %dma_wait3A_330 = tpu.memref_squeeze %dma_wait3A_329 : memref<1x!tpu.dma_semaphore, #tpu.memory_space<semaphore_mem>> -> memref<!tpu.dma_semaphore, #tpu.memory_space<semaphore_mem>>
    tpu.wait_indirect_dma semaphore(%dma_wait3A_330 : memref<!tpu.dma_semaphore, #tpu.memory_space<semaphore_mem>>) src(%dma_wait3A_328 : memref<6144x6272xf32, #tpu.memory_space<hbm>>) dst(%arg9 : memref<8x6272xf32, #tpu.memory_space<vmem>>)
    %add3A_331 = arith.constant 5 : i32
    %add3A_332 = arith.addi %mul3A_34, %add3A_331 : i32
    %mul3A_333 = arith.constant 8 : i32
    %mul3A_334 = arith.muli %add3A_332, %mul3A_333 : i32
    %dma_start3A_335 = arith.constant 1 : i32
    %dma_start3A_336 = arith.constant 0 : i32
    %dma_start3A_337 = tpu.memref_slice %arg4[%mul3A_334, %dma_start3A_336] : memref<6144x6272xf32, #tpu.memory_space<hbm>> -> memref<8x6272xf32, #tpu.memory_space<hbm>>
    %dma_start3A_338 = tpu.memref_slice %arg11[%dma_start3A_335] : memref<2x!tpu.dma_semaphore, #tpu.memory_space<semaphore_mem>> -> memref<1x!tpu.dma_semaphore, #tpu.memory_space<semaphore_mem>>
    %dma_start3A_339 = tpu.memref_squeeze %dma_start3A_338 : memref<1x!tpu.dma_semaphore, #tpu.memory_space<semaphore_mem>> -> memref<!tpu.dma_semaphore, #tpu.memory_space<semaphore_mem>>
    %dma_start3A_340 = arith.constant 0 : i32
    %dma_start3A_341 = tpu.memref_slice %arg4[%mul3A_334, %dma_start3A_340] : memref<6144x6272xf32, #tpu.memory_space<hbm>> -> memref<8x6272xf32, #tpu.memory_space<hbm>>
    tpu.enqueue_dma source(%arg9 : memref<8x6272xf32, #tpu.memory_space<vmem>>) target(%dma_start3A_341 : memref<8x6272xf32, #tpu.memory_space<hbm>>) target_semaphore(%dma_start3A_339 : memref<!tpu.dma_semaphore, #tpu.memory_space<semaphore_mem>>)
    %add3A_342 = arith.constant 5 : i32
    %add3A_343 = arith.addi %mul3A_34, %add3A_342 : i32
    %mul3A_344 = arith.constant 8 : i32
    %mul3A_345 = arith.muli %add3A_343, %mul3A_344 : i32
    %dma_wait3A_346 = arith.constant 1 : i32
    %dma_wait3A_347 = arith.constant 0 : i32
    %dma_wait3A_348 = tpu.memref_slice %arg4[%mul3A_345, %dma_wait3A_347] : memref<6144x6272xf32, #tpu.memory_space<hbm>> -> memref<8x6272xf32, #tpu.memory_space<hbm>>
    %dma_wait3A_349 = tpu.memref_slice %arg11[%dma_wait3A_346] : memref<2x!tpu.dma_semaphore, #tpu.memory_space<semaphore_mem>> -> memref<1x!tpu.dma_semaphore, #tpu.memory_space<semaphore_mem>>
    %dma_wait3A_350 = tpu.memref_squeeze %dma_wait3A_349 : memref<1x!tpu.dma_semaphore, #tpu.memory_space<semaphore_mem>> -> memref<!tpu.dma_semaphore, #tpu.memory_space<semaphore_mem>>
    %dma_wait3A_351 = arith.constant 0 : i32
    %dma_wait3A_352 = tpu.memref_slice %arg4[%mul3A_345, %dma_wait3A_351] : memref<6144x6272xf32, #tpu.memory_space<hbm>> -> memref<8x6272xf32, #tpu.memory_space<hbm>>
    tpu.wait_dma2 semaphore(%dma_wait3A_350 : memref<!tpu.dma_semaphore, #tpu.memory_space<semaphore_mem>>) src(%arg9 : memref<8x6272xf32, #tpu.memory_space<vmem>>) dst(%dma_wait3A_352 : memref<8x6272xf32, #tpu.memory_space<hbm>>)
    %dma_start3A_353 = arith.constant 1 : i32
    %dma_start3A_354 = arith.constant 8 : i32
    %dma_start3A_355 = tpu.memref_slice %arg7[%dma_start3A_354] : memref<16xi32, #tpu.memory_space<vmem>> -> memref<8xi32, #tpu.memory_space<vmem>>
    %dma_start3A_356 = arith.constant 0 : i32
    %dma_start3A_357 = arith.constant 0 : i32
    %dma_start3A_358 = tpu.memref_slice %arg2[%dma_start3A_356, %dma_start3A_357] : memref<6144x6272xf32, #tpu.memory_space<hbm>> -> memref<6144x6272xf32, #tpu.memory_space<hbm>>
    %dma_start3A_359 = tpu.memref_slice %arg10[%dma_start3A_353] : memref<2x!tpu.dma_semaphore, #tpu.memory_space<semaphore_mem>> -> memref<1x!tpu.dma_semaphore, #tpu.memory_space<semaphore_mem>>
    %dma_start3A_360 = tpu.memref_squeeze %dma_start3A_359 : memref<1x!tpu.dma_semaphore, #tpu.memory_space<semaphore_mem>> -> memref<!tpu.dma_semaphore, #tpu.memory_space<semaphore_mem>>
    tpu.enqueue_indirect_dma source(%dma_start3A_358 : memref<6144x6272xf32, #tpu.memory_space<hbm>>) target(%arg9 : memref<8x6272xf32, #tpu.memory_space<vmem>>) offsets(%dma_start3A_355 : memref<8xi32, #tpu.memory_space<vmem>>) semaphore(%dma_start3A_360 : memref<!tpu.dma_semaphore, #tpu.memory_space<semaphore_mem>>)
    %dma_wait3A_361 = arith.constant 0 : i32
    %dma_wait3A_362 = arith.constant 0 : i32
    %dma_wait3A_363 = tpu.memref_slice %arg7[%dma_wait3A_362] : memref<16xi32, #tpu.memory_space<vmem>> -> memref<8xi32, #tpu.memory_space<vmem>>
    %dma_wait3A_364 = arith.constant 0 : i32
    %dma_wait3A_365 = arith.constant 0 : i32
    %dma_wait3A_366 = tpu.memref_slice %arg2[%dma_wait3A_364, %dma_wait3A_365] : memref<6144x6272xf32, #tpu.memory_space<hbm>> -> memref<6144x6272xf32, #tpu.memory_space<hbm>>
    %dma_wait3A_367 = tpu.memref_slice %arg10[%dma_wait3A_361] : memref<2x!tpu.dma_semaphore, #tpu.memory_space<semaphore_mem>> -> memref<1x!tpu.dma_semaphore, #tpu.memory_space<semaphore_mem>>
    %dma_wait3A_368 = tpu.memref_squeeze %dma_wait3A_367 : memref<1x!tpu.dma_semaphore, #tpu.memory_space<semaphore_mem>> -> memref<!tpu.dma_semaphore, #tpu.memory_space<semaphore_mem>>
    tpu.wait_indirect_dma semaphore(%dma_wait3A_368 : memref<!tpu.dma_semaphore, #tpu.memory_space<semaphore_mem>>) src(%dma_wait3A_366 : memref<6144x6272xf32, #tpu.memory_space<hbm>>) dst(%arg8 : memref<8x6272xf32, #tpu.memory_space<vmem>>)
    %add3A_369 = arith.constant 6 : i32
    %add3A_370 = arith.addi %mul3A_34, %add3A_369 : i32
    %mul3A_371 = arith.constant 8 : i32
    %mul3A_372 = arith.muli %add3A_370, %mul3A_371 : i32
    %dma_start3A_373 = arith.constant 0 : i32
    %dma_start3A_374 = arith.constant 0 : i32
    %dma_start3A_375 = tpu.memref_slice %arg4[%mul3A_372, %dma_start3A_374] : memref<6144x6272xf32, #tpu.memory_space<hbm>> -> memref<8x6272xf32, #tpu.memory_space<hbm>>
    %dma_start3A_376 = tpu.memref_slice %arg11[%dma_start3A_373] : memref<2x!tpu.dma_semaphore, #tpu.memory_space<semaphore_mem>> -> memref<1x!tpu.dma_semaphore, #tpu.memory_space<semaphore_mem>>
    %dma_start3A_377 = tpu.memref_squeeze %dma_start3A_376 : memref<1x!tpu.dma_semaphore, #tpu.memory_space<semaphore_mem>> -> memref<!tpu.dma_semaphore, #tpu.memory_space<semaphore_mem>>
    %dma_start3A_378 = arith.constant 0 : i32
    %dma_start3A_379 = tpu.memref_slice %arg4[%mul3A_372, %dma_start3A_378] : memref<6144x6272xf32, #tpu.memory_space<hbm>> -> memref<8x6272xf32, #tpu.memory_space<hbm>>
    tpu.enqueue_dma source(%arg8 : memref<8x6272xf32, #tpu.memory_space<vmem>>) target(%dma_start3A_379 : memref<8x6272xf32, #tpu.memory_space<hbm>>) target_semaphore(%dma_start3A_377 : memref<!tpu.dma_semaphore, #tpu.memory_space<semaphore_mem>>)
    %add3A_380 = arith.constant 6 : i32
    %add3A_381 = arith.addi %mul3A_34, %add3A_380 : i32
    %mul3A_382 = arith.constant 8 : i32
    %mul3A_383 = arith.muli %add3A_381, %mul3A_382 : i32
    %dma_wait3A_384 = arith.constant 0 : i32
    %dma_wait3A_385 = arith.constant 0 : i32
    %dma_wait3A_386 = tpu.memref_slice %arg4[%mul3A_383, %dma_wait3A_385] : memref<6144x6272xf32, #tpu.memory_space<hbm>> -> memref<8x6272xf32, #tpu.memory_space<hbm>>
    %dma_wait3A_387 = tpu.memref_slice %arg11[%dma_wait3A_384] : memref<2x!tpu.dma_semaphore, #tpu.memory_space<semaphore_mem>> -> memref<1x!tpu.dma_semaphore, #tpu.memory_space<semaphore_mem>>
    %dma_wait3A_388 = tpu.memref_squeeze %dma_wait3A_387 : memref<1x!tpu.dma_semaphore, #tpu.memory_space<semaphore_mem>> -> memref<!tpu.dma_semaphore, #tpu.memory_space<semaphore_mem>>
    %dma_wait3A_389 = arith.constant 0 : i32
    %dma_wait3A_390 = tpu.memref_slice %arg4[%mul3A_383, %dma_wait3A_389] : memref<6144x6272xf32, #tpu.memory_space<hbm>> -> memref<8x6272xf32, #tpu.memory_space<hbm>>
    tpu.wait_dma2 semaphore(%dma_wait3A_388 : memref<!tpu.dma_semaphore, #tpu.memory_space<semaphore_mem>>) src(%arg8 : memref<8x6272xf32, #tpu.memory_space<vmem>>) dst(%dma_wait3A_390 : memref<8x6272xf32, #tpu.memory_space<hbm>>)
    %slice3A_391 = vector.extract_strided_slice %add3A_40 {offsets = [8], sizes = [1], strides = [1]} : vector<16xi32> to vector<1xi32>
    %squeeze3A_392 = vector.extract %slice3A_391[0] : i32 from vector<1xi32>
    %mul3A_393 = arith.constant 8 : i32
    %mul3A_394 = arith.muli %squeeze3A_392, %mul3A_393 : i32
    %slice3A_395 = vector.extract_strided_slice %add3A_40 {offsets = [9], sizes = [1], strides = [1]} : vector<16xi32> to vector<1xi32>
    %squeeze3A_396 = vector.extract %slice3A_395[0] : i32 from vector<1xi32>
    %mul3A_397 = arith.constant 8 : i32
    %mul3A_398 = arith.muli %squeeze3A_396, %mul3A_397 : i32
    %sub3A_399 = arith.constant 8 : i32
    %sub3A_400 = arith.subi %mul3A_398, %sub3A_399 : i32
    %broadcast_in_dim3A_401 = vector.broadcast %mul3A_394 : i32 to vector<16xi32>
    %broadcast_in_dim3A_402 = vector.broadcast %sub3A_400 : i32 to vector<16xi32>
    %select_n3A_403 = arith.select %lt3A_50, %broadcast_in_dim3A_401, %broadcast_in_dim3A_402 : vector<16xi1>, vector<16xi32>
    %add3A_404 = arith.addi %select_n3A_403, %iota3A : vector<16xi32>
    %swap3A_405 = arith.constant 0 : index
    %swap3A_406 = tpu.vector_load %arg6[%swap3A_405] {strides = array<i32>} : memref<16xi32, #tpu.memory_space<vmem>>, vector<16xi32>,
    %swap3A_407 = vector.shape_cast %swap3A_406 : vector<16xi32> to vector<16xi32>
    %swap3A_408 = vector.shape_cast %add3A_404 : vector<16xi32> to vector<16xi32>
    tpu.vector_store %arg6[%swap3A_405], %swap3A_408 {strides = array<i32>} : memref<16xi32, #tpu.memory_space<vmem>>, vector<16xi32>,
    %dma_start3A_409 = arith.constant 0 : i32
    %dma_start3A_410 = arith.constant 0 : i32
    %dma_start3A_411 = tpu.memref_slice %arg6[%dma_start3A_410] : memref<16xi32, #tpu.memory_space<vmem>> -> memref<8xi32, #tpu.memory_space<vmem>>
    %dma_start3A_412 = arith.constant 0 : i32
    %dma_start3A_413 = arith.constant 0 : i32
    %dma_start3A_414 = tpu.memref_slice %arg2[%dma_start3A_412, %dma_start3A_413] : memref<6144x6272xf32, #tpu.memory_space<hbm>> -> memref<6144x6272xf32, #tpu.memory_space<hbm>>
    %dma_start3A_415 = tpu.memref_slice %arg10[%dma_start3A_409] : memref<2x!tpu.dma_semaphore, #tpu.memory_space<semaphore_mem>> -> memref<1x!tpu.dma_semaphore, #tpu.memory_space<semaphore_mem>>
    %dma_start3A_416 = tpu.memref_squeeze %dma_start3A_415 : memref<1x!tpu.dma_semaphore, #tpu.memory_space<semaphore_mem>> -> memref<!tpu.dma_semaphore, #tpu.memory_space<semaphore_mem>>
    tpu.enqueue_indirect_dma source(%dma_start3A_414 : memref<6144x6272xf32, #tpu.memory_space<hbm>>) target(%arg8 : memref<8x6272xf32, #tpu.memory_space<vmem>>) offsets(%dma_start3A_411 : memref<8xi32, #tpu.memory_space<vmem>>) semaphore(%dma_start3A_416 : memref<!tpu.dma_semaphore, #tpu.memory_space<semaphore_mem>>)
    %dma_wait3A_417 = arith.constant 1 : i32
    %dma_wait3A_418 = arith.constant 8 : i32
    %dma_wait3A_419 = tpu.memref_slice %arg7[%dma_wait3A_418] : memref<16xi32, #tpu.memory_space<vmem>> -> memref<8xi32, #tpu.memory_space<vmem>>
    %dma_wait3A_420 = arith.constant 0 : i32
    %dma_wait3A_421 = arith.constant 0 : i32
    %dma_wait3A_422 = tpu.memref_slice %arg2[%dma_wait3A_420, %dma_wait3A_421] : memref<6144x6272xf32, #tpu.memory_space<hbm>> -> memref<6144x6272xf32, #tpu.memory_space<hbm>>
    %dma_wait3A_423 = tpu.memref_slice %arg10[%dma_wait3A_417] : memref<2x!tpu.dma_semaphore, #tpu.memory_space<semaphore_mem>> -> memref<1x!tpu.dma_semaphore, #tpu.memory_space<semaphore_mem>>
    %dma_wait3A_424 = tpu.memref_squeeze %dma_wait3A_423 : memref<1x!tpu.dma_semaphore, #tpu.memory_space<semaphore_mem>> -> memref<!tpu.dma_semaphore, #tpu.memory_space<semaphore_mem>>
    tpu.wait_indirect_dma semaphore(%dma_wait3A_424 : memref<!tpu.dma_semaphore, #tpu.memory_space<semaphore_mem>>) src(%dma_wait3A_422 : memref<6144x6272xf32, #tpu.memory_space<hbm>>) dst(%arg9 : memref<8x6272xf32, #tpu.memory_space<vmem>>)
    %add3A_425 = arith.constant 7 : i32
    %add3A_426 = arith.addi %mul3A_34, %add3A_425 : i32
    %mul3A_427 = arith.constant 8 : i32
    %mul3A_428 = arith.muli %add3A_426, %mul3A_427 : i32
    %dma_start3A_429 = arith.constant 1 : i32
    %dma_start3A_430 = arith.constant 0 : i32
    %dma_start3A_431 = tpu.memref_slice %arg4[%mul3A_428, %dma_start3A_430] : memref<6144x6272xf32, #tpu.memory_space<hbm>> -> memref<8x6272xf32, #tpu.memory_space<hbm>>
    %dma_start3A_432 = tpu.memref_slice %arg11[%dma_start3A_429] : memref<2x!tpu.dma_semaphore, #tpu.memory_space<semaphore_mem>> -> memref<1x!tpu.dma_semaphore, #tpu.memory_space<semaphore_mem>>
    %dma_start3A_433 = tpu.memref_squeeze %dma_start3A_432 : memref<1x!tpu.dma_semaphore, #tpu.memory_space<semaphore_mem>> -> memref<!tpu.dma_semaphore, #tpu.memory_space<semaphore_mem>>
    %dma_start3A_434 = arith.constant 0 : i32
    %dma_start3A_435 = tpu.memref_slice %arg4[%mul3A_428, %dma_start3A_434] : memref<6144x6272xf32, #tpu.memory_space<hbm>> -> memref<8x6272xf32, #tpu.memory_space<hbm>>
    tpu.enqueue_dma source(%arg9 : memref<8x6272xf32, #tpu.memory_space<vmem>>) target(%dma_start3A_435 : memref<8x6272xf32, #tpu.memory_space<hbm>>) target_semaphore(%dma_start3A_433 : memref<!tpu.dma_semaphore, #tpu.memory_space<semaphore_mem>>)
    %add3A_436 = arith.constant 7 : i32
    %add3A_437 = arith.addi %mul3A_34, %add3A_436 : i32
    %mul3A_438 = arith.constant 8 : i32
    %mul3A_439 = arith.muli %add3A_437, %mul3A_438 : i32
    %dma_wait3A_440 = arith.constant 1 : i32
    %dma_wait3A_441 = arith.constant 0 : i32
    %dma_wait3A_442 = tpu.memref_slice %arg4[%mul3A_439, %dma_wait3A_441] : memref<6144x6272xf32, #tpu.memory_space<hbm>> -> memref<8x6272xf32, #tpu.memory_space<hbm>>
    %dma_wait3A_443 = tpu.memref_slice %arg11[%dma_wait3A_440] : memref<2x!tpu.dma_semaphore, #tpu.memory_space<semaphore_mem>> -> memref<1x!tpu.dma_semaphore, #tpu.memory_space<semaphore_mem>>
    %dma_wait3A_444 = tpu.memref_squeeze %dma_wait3A_443 : memref<1x!tpu.dma_semaphore, #tpu.memory_space<semaphore_mem>> -> memref<!tpu.dma_semaphore, #tpu.memory_space<semaphore_mem>>
    %dma_wait3A_445 = arith.constant 0 : i32
    %dma_wait3A_446 = tpu.memref_slice %arg4[%mul3A_439, %dma_wait3A_445] : memref<6144x6272xf32, #tpu.memory_space<hbm>> -> memref<8x6272xf32, #tpu.memory_space<hbm>>
    tpu.wait_dma2 semaphore(%dma_wait3A_444 : memref<!tpu.dma_semaphore, #tpu.memory_space<semaphore_mem>>) src(%arg9 : memref<8x6272xf32, #tpu.memory_space<vmem>>) dst(%dma_wait3A_446 : memref<8x6272xf32, #tpu.memory_space<hbm>>)
    %dma_start3A_447 = arith.constant 1 : i32
    %dma_start3A_448 = arith.constant 8 : i32
    %dma_start3A_449 = tpu.memref_slice %arg6[%dma_start3A_448] : memref<16xi32, #tpu.memory_space<vmem>> -> memref<8xi32, #tpu.memory_space<vmem>>
    %dma_start3A_450 = arith.constant 0 : i32
    %dma_start3A_451 = arith.constant 0 : i32
    %dma_start3A_452 = tpu.memref_slice %arg2[%dma_start3A_450, %dma_start3A_451] : memref<6144x6272xf32, #tpu.memory_space<hbm>> -> memref<6144x6272xf32, #tpu.memory_space<hbm>>
    %dma_start3A_453 = tpu.memref_slice %arg10[%dma_start3A_447] : memref<2x!tpu.dma_semaphore, #tpu.memory_space<semaphore_mem>> -> memref<1x!tpu.dma_semaphore, #tpu.memory_space<semaphore_mem>>
    %dma_start3A_454 = tpu.memref_squeeze %dma_start3A_453 : memref<1x!tpu.dma_semaphore, #tpu.memory_space<semaphore_mem>> -> memref<!tpu.dma_semaphore, #tpu.memory_space<semaphore_mem>>
    tpu.enqueue_indirect_dma source(%dma_start3A_452 : memref<6144x6272xf32, #tpu.memory_space<hbm>>) target(%arg9 : memref<8x6272xf32, #tpu.memory_space<vmem>>) offsets(%dma_start3A_449 : memref<8xi32, #tpu.memory_space<vmem>>) semaphore(%dma_start3A_454 : memref<!tpu.dma_semaphore, #tpu.memory_space<semaphore_mem>>)
    %dma_wait3A_455 = arith.constant 0 : i32
    %dma_wait3A_456 = arith.constant 0 : i32
    %dma_wait3A_457 = tpu.memref_slice %arg6[%dma_wait3A_456] : memref<16xi32, #tpu.memory_space<vmem>> -> memref<8xi32, #tpu.memory_space<vmem>>
    %dma_wait3A_458 = arith.constant 0 : i32
    %dma_wait3A_459 = arith.constant 0 : i32
    %dma_wait3A_460 = tpu.memref_slice %arg2[%dma_wait3A_458, %dma_wait3A_459] : memref<6144x6272xf32, #tpu.memory_space<hbm>> -> memref<6144x6272xf32, #tpu.memory_space<hbm>>
    %dma_wait3A_461 = tpu.memref_slice %arg10[%dma_wait3A_455] : memref<2x!tpu.dma_semaphore, #tpu.memory_space<semaphore_mem>> -> memref<1x!tpu.dma_semaphore, #tpu.memory_space<semaphore_mem>>
    %dma_wait3A_462 = tpu.memref_squeeze %dma_wait3A_461 : memref<1x!tpu.dma_semaphore, #tpu.memory_space<semaphore_mem>> -> memref<!tpu.dma_semaphore, #tpu.memory_space<semaphore_mem>>
    tpu.wait_indirect_dma semaphore(%dma_wait3A_462 : memref<!tpu.dma_semaphore, #tpu.memory_space<semaphore_mem>>) src(%dma_wait3A_460 : memref<6144x6272xf32, #tpu.memory_space<hbm>>) dst(%arg8 : memref<8x6272xf32, #tpu.memory_space<vmem>>)
    %add3A_463 = arith.constant 8 : i32
    %add3A_464 = arith.addi %mul3A_34, %add3A_463 : i32
    %mul3A_465 = arith.constant 8 : i32
    %mul3A_466 = arith.muli %add3A_464, %mul3A_465 : i32
    %dma_start3A_467 = arith.constant 0 : i32
    %dma_start3A_468 = arith.constant 0 : i32
    %dma_start3A_469 = tpu.memref_slice %arg4[%mul3A_466, %dma_start3A_468] : memref<6144x6272xf32, #tpu.memory_space<hbm>> -> memref<8x6272xf32, #tpu.memory_space<hbm>>
    %dma_start3A_470 = tpu.memref_slice %arg11[%dma_start3A_467] : memref<2x!tpu.dma_semaphore, #tpu.memory_space<semaphore_mem>> -> memref<1x!tpu.dma_semaphore, #tpu.memory_space<semaphore_mem>>
    %dma_start3A_471 = tpu.memref_squeeze %dma_start3A_470 : memref<1x!tpu.dma_semaphore, #tpu.memory_space<semaphore_mem>> -> memref<!tpu.dma_semaphore, #tpu.memory_space<semaphore_mem>>
    %dma_start3A_472 = arith.constant 0 : i32
    %dma_start3A_473 = tpu.memref_slice %arg4[%mul3A_466, %dma_start3A_472] : memref<6144x6272xf32, #tpu.memory_space<hbm>> -> memref<8x6272xf32, #tpu.memory_space<hbm>>
    tpu.enqueue_dma source(%arg8 : memref<8x6272xf32, #tpu.memory_space<vmem>>) target(%dma_start3A_473 : memref<8x6272xf32, #tpu.memory_space<hbm>>) target_semaphore(%dma_start3A_471 : memref<!tpu.dma_semaphore, #tpu.memory_space<semaphore_mem>>)
    %add3A_474 = arith.constant 8 : i32
    %add3A_475 = arith.addi %mul3A_34, %add3A_474 : i32
    %mul3A_476 = arith.constant 8 : i32
    %mul3A_477 = arith.muli %add3A_475, %mul3A_476 : i32
    %dma_wait3A_478 = arith.constant 0 : i32
    %dma_wait3A_479 = arith.constant 0 : i32
    %dma_wait3A_480 = tpu.memref_slice %arg4[%mul3A_477, %dma_wait3A_479] : memref<6144x6272xf32, #tpu.memory_space<hbm>> -> memref<8x6272xf32, #tpu.memory_space<hbm>>
    %dma_wait3A_481 = tpu.memref_slice %arg11[%dma_wait3A_478] : memref<2x!tpu.dma_semaphore, #tpu.memory_space<semaphore_mem>> -> memref<1x!tpu.dma_semaphore, #tpu.memory_space<semaphore_mem>>
    %dma_wait3A_482 = tpu.memref_squeeze %dma_wait3A_481 : memref<1x!tpu.dma_semaphore, #tpu.memory_space<semaphore_mem>> -> memref<!tpu.dma_semaphore, #tpu.memory_space<semaphore_mem>>
    %dma_wait3A_483 = arith.constant 0 : i32
    %dma_wait3A_484 = tpu.memref_slice %arg4[%mul3A_477, %dma_wait3A_483] : memref<6144x6272xf32, #tpu.memory_space<hbm>> -> memref<8x6272xf32, #tpu.memory_space<hbm>>
    tpu.wait_dma2 semaphore(%dma_wait3A_482 : memref<!tpu.dma_semaphore, #tpu.memory_space<semaphore_mem>>) src(%arg8 : memref<8x6272xf32, #tpu.memory_space<vmem>>) dst(%dma_wait3A_484 : memref<8x6272xf32, #tpu.memory_space<hbm>>)
    %slice3A_485 = vector.extract_strided_slice %add3A_40 {offsets = [10], sizes = [1], strides = [1]} : vector<16xi32> to vector<1xi32>
    %squeeze3A_486 = vector.extract %slice3A_485[0] : i32 from vector<1xi32>
    %mul3A_487 = arith.constant 8 : i32
    %mul3A_488 = arith.muli %squeeze3A_486, %mul3A_487 : i32
    %slice3A_489 = vector.extract_strided_slice %add3A_40 {offsets = [11], sizes = [1], strides = [1]} : vector<16xi32> to vector<1xi32>
    %squeeze3A_490 = vector.extract %slice3A_489[0] : i32 from vector<1xi32>
    %mul3A_491 = arith.constant 8 : i32
    %mul3A_492 = arith.muli %squeeze3A_490, %mul3A_491 : i32
    %sub3A_493 = arith.constant 8 : i32
    %sub3A_494 = arith.subi %mul3A_492, %sub3A_493 : i32
    %broadcast_in_dim3A_495 = vector.broadcast %mul3A_488 : i32 to vector<16xi32>
    %broadcast_in_dim3A_496 = vector.broadcast %sub3A_494 : i32 to vector<16xi32>
    %select_n3A_497 = arith.select %lt3A_50, %broadcast_in_dim3A_495, %broadcast_in_dim3A_496 : vector<16xi1>, vector<16xi32>
    %add3A_498 = arith.addi %select_n3A_497, %iota3A : vector<16xi32>
    %swap3A_499 = arith.constant 0 : index
    %swap3A_500 = tpu.vector_load %arg7[%swap3A_499] {strides = array<i32>} : memref<16xi32, #tpu.memory_space<vmem>>, vector<16xi32>,
    %swap3A_501 = vector.shape_cast %swap3A_500 : vector<16xi32> to vector<16xi32>
    %swap3A_502 = vector.shape_cast %add3A_498 : vector<16xi32> to vector<16xi32>
    tpu.vector_store %arg7[%swap3A_499], %swap3A_502 {strides = array<i32>} : memref<16xi32, #tpu.memory_space<vmem>>, vector<16xi32>,
    %dma_start3A_503 = arith.constant 0 : i32
    %dma_start3A_504 = arith.constant 0 : i32
    %dma_start3A_505 = tpu.memref_slice %arg7[%dma_start3A_504] : memref<16xi32, #tpu.memory_space<vmem>> -> memref<8xi32, #tpu.memory_space<vmem>>
    %dma_start3A_506 = arith.constant 0 : i32
    %dma_start3A_507 = arith.constant 0 : i32
    %dma_start3A_508 = tpu.memref_slice %arg2[%dma_start3A_506, %dma_start3A_507] : memref<6144x6272xf32, #tpu.memory_space<hbm>> -> memref<6144x6272xf32, #tpu.memory_space<hbm>>
    %dma_start3A_509 = tpu.memref_slice %arg10[%dma_start3A_503] : memref<2x!tpu.dma_semaphore, #tpu.memory_space<semaphore_mem>> -> memref<1x!tpu.dma_semaphore, #tpu.memory_space<semaphore_mem>>
    %dma_start3A_510 = tpu.memref_squeeze %dma_start3A_509 : memref<1x!tpu.dma_semaphore, #tpu.memory_space<semaphore_mem>> -> memref<!tpu.dma_semaphore, #tpu.memory_space<semaphore_mem>>
    tpu.enqueue_indirect_dma source(%dma_start3A_508 : memref<6144x6272xf32, #tpu.memory_space<hbm>>) target(%arg8 : memref<8x6272xf32, #tpu.memory_space<vmem>>) offsets(%dma_start3A_505 : memref<8xi32, #tpu.memory_space<vmem>>) semaphore(%dma_start3A_510 : memref<!tpu.dma_semaphore, #tpu.memory_space<semaphore_mem>>)
    %dma_wait3A_511 = arith.constant 1 : i32
    %dma_wait3A_512 = arith.constant 8 : i32
    %dma_wait3A_513 = tpu.memref_slice %arg6[%dma_wait3A_512] : memref<16xi32, #tpu.memory_space<vmem>> -> memref<8xi32, #tpu.memory_space<vmem>>
    %dma_wait3A_514 = arith.constant 0 : i32
    %dma_wait3A_515 = arith.constant 0 : i32
    %dma_wait3A_516 = tpu.memref_slice %arg2[%dma_wait3A_514, %dma_wait3A_515] : memref<6144x6272xf32, #tpu.memory_space<hbm>> -> memref<6144x6272xf32, #tpu.memory_space<hbm>>
    %dma_wait3A_517 = tpu.memref_slice %arg10[%dma_wait3A_511] : memref<2x!tpu.dma_semaphore, #tpu.memory_space<semaphore_mem>> -> memref<1x!tpu.dma_semaphore, #tpu.memory_space<semaphore_mem>>
    %dma_wait3A_518 = tpu.memref_squeeze %dma_wait3A_517 : memref<1x!tpu.dma_semaphore, #tpu.memory_space<semaphore_mem>> -> memref<!tpu.dma_semaphore, #tpu.memory_space<semaphore_mem>>
    tpu.wait_indirect_dma semaphore(%dma_wait3A_518 : memref<!tpu.dma_semaphore, #tpu.memory_space<semaphore_mem>>) src(%dma_wait3A_516 : memref<6144x6272xf32, #tpu.memory_space<hbm>>) dst(%arg9 : memref<8x6272xf32, #tpu.memory_space<vmem>>)
    %add3A_519 = arith.constant 9 : i32
    %add3A_520 = arith.addi %mul3A_34, %add3A_519 : i32
    %mul3A_521 = arith.constant 8 : i32
    %mul3A_522 = arith.muli %add3A_520, %mul3A_521 : i32
    %dma_start3A_523 = arith.constant 1 : i32
    %dma_start3A_524 = arith.constant 0 : i32
    %dma_start3A_525 = tpu.memref_slice %arg4[%mul3A_522, %dma_start3A_524] : memref<6144x6272xf32, #tpu.memory_space<hbm>> -> memref<8x6272xf32, #tpu.memory_space<hbm>>
    %dma_start3A_526 = tpu.memref_slice %arg11[%dma_start3A_523] : memref<2x!tpu.dma_semaphore, #tpu.memory_space<semaphore_mem>> -> memref<1x!tpu.dma_semaphore, #tpu.memory_space<semaphore_mem>>
    %dma_start3A_527 = tpu.memref_squeeze %dma_start3A_526 : memref<1x!tpu.dma_semaphore, #tpu.memory_space<semaphore_mem>> -> memref<!tpu.dma_semaphore, #tpu.memory_space<semaphore_mem>>
    %dma_start3A_528 = arith.constant 0 : i32
    %dma_start3A_529 = tpu.memref_slice %arg4[%mul3A_522, %dma_start3A_528] : memref<6144x6272xf32, #tpu.memory_space<hbm>> -> memref<8x6272xf32, #tpu.memory_space<hbm>>
    tpu.enqueue_dma source(%arg9 : memref<8x6272xf32, #tpu.memory_space<vmem>>) target(%dma_start3A_529 : memref<8x6272xf32, #tpu.memory_space<hbm>>) target_semaphore(%dma_start3A_527 : memref<!tpu.dma_semaphore, #tpu.memory_space<semaphore_mem>>)
    %add3A_530 = arith.constant 9 : i32
    %add3A_531 = arith.addi %mul3A_34, %add3A_530 : i32
    %mul3A_532 = arith.constant 8 : i32
    %mul3A_533 = arith.muli %add3A_531, %mul3A_532 : i32
    %dma_wait3A_534 = arith.constant 1 : i32
    %dma_wait3A_535 = arith.constant 0 : i32
    %dma_wait3A_536 = tpu.memref_slice %arg4[%mul3A_533, %dma_wait3A_535] : memref<6144x6272xf32, #tpu.memory_space<hbm>> -> memref<8x6272xf32, #tpu.memory_space<hbm>>
    %dma_wait3A_537 = tpu.memref_slice %arg11[%dma_wait3A_534] : memref<2x!tpu.dma_semaphore, #tpu.memory_space<semaphore_mem>> -> memref<1x!tpu.dma_semaphore, #tpu.memory_space<semaphore_mem>>
    %dma_wait3A_538 = tpu.memref_squeeze %dma_wait3A_537 : memref<1x!tpu.dma_semaphore, #tpu.memory_space<semaphore_mem>> -> memref<!tpu.dma_semaphore, #tpu.memory_space<semaphore_mem>>
    %dma_wait3A_539 = arith.constant 0 : i32
    %dma_wait3A_540 = tpu.memref_slice %arg4[%mul3A_533, %dma_wait3A_539] : memref<6144x6272xf32, #tpu.memory_space<hbm>> -> memref<8x6272xf32, #tpu.memory_space<hbm>>
    tpu.wait_dma2 semaphore(%dma_wait3A_538 : memref<!tpu.dma_semaphore, #tpu.memory_space<semaphore_mem>>) src(%arg9 : memref<8x6272xf32, #tpu.memory_space<vmem>>) dst(%dma_wait3A_540 : memref<8x6272xf32, #tpu.memory_space<hbm>>)
    %dma_start3A_541 = arith.constant 1 : i32
    %dma_start3A_542 = arith.constant 8 : i32
    %dma_start3A_543 = tpu.memref_slice %arg7[%dma_start3A_542] : memref<16xi32, #tpu.memory_space<vmem>> -> memref<8xi32, #tpu.memory_space<vmem>>
    %dma_start3A_544 = arith.constant 0 : i32
    %dma_start3A_545 = arith.constant 0 : i32
    %dma_start3A_546 = tpu.memref_slice %arg2[%dma_start3A_544, %dma_start3A_545] : memref<6144x6272xf32, #tpu.memory_space<hbm>> -> memref<6144x6272xf32, #tpu.memory_space<hbm>>
    %dma_start3A_547 = tpu.memref_slice %arg10[%dma_start3A_541] : memref<2x!tpu.dma_semaphore, #tpu.memory_space<semaphore_mem>> -> memref<1x!tpu.dma_semaphore, #tpu.memory_space<semaphore_mem>>
    %dma_start3A_548 = tpu.memref_squeeze %dma_start3A_547 : memref<1x!tpu.dma_semaphore, #tpu.memory_space<semaphore_mem>> -> memref<!tpu.dma_semaphore, #tpu.memory_space<semaphore_mem>>
    tpu.enqueue_indirect_dma source(%dma_start3A_546 : memref<6144x6272xf32, #tpu.memory_space<hbm>>) target(%arg9 : memref<8x6272xf32, #tpu.memory_space<vmem>>) offsets(%dma_start3A_543 : memref<8xi32, #tpu.memory_space<vmem>>) semaphore(%dma_start3A_548 : memref<!tpu.dma_semaphore, #tpu.memory_space<semaphore_mem>>)
    %dma_wait3A_549 = arith.constant 0 : i32
    %dma_wait3A_550 = arith.constant 0 : i32
    %dma_wait3A_551 = tpu.memref_slice %arg7[%dma_wait3A_550] : memref<16xi32, #tpu.memory_space<vmem>> -> memref<8xi32, #tpu.memory_space<vmem>>
    %dma_wait3A_552 = arith.constant 0 : i32
    %dma_wait3A_553 = arith.constant 0 : i32
    %dma_wait3A_554 = tpu.memref_slice %arg2[%dma_wait3A_552, %dma_wait3A_553] : memref<6144x6272xf32, #tpu.memory_space<hbm>> -> memref<6144x6272xf32, #tpu.memory_space<hbm>>
    %dma_wait3A_555 = tpu.memref_slice %arg10[%dma_wait3A_549] : memref<2x!tpu.dma_semaphore, #tpu.memory_space<semaphore_mem>> -> memref<1x!tpu.dma_semaphore, #tpu.memory_space<semaphore_mem>>
    %dma_wait3A_556 = tpu.memref_squeeze %dma_wait3A_555 : memref<1x!tpu.dma_semaphore, #tpu.memory_space<semaphore_mem>> -> memref<!tpu.dma_semaphore, #tpu.memory_space<semaphore_mem>>
    tpu.wait_indirect_dma semaphore(%dma_wait3A_556 : memref<!tpu.dma_semaphore, #tpu.memory_space<semaphore_mem>>) src(%dma_wait3A_554 : memref<6144x6272xf32, #tpu.memory_space<hbm>>) dst(%arg8 : memref<8x6272xf32, #tpu.memory_space<vmem>>)
    %add3A_557 = arith.constant 10 : i32
    %add3A_558 = arith.addi %mul3A_34, %add3A_557 : i32
    %mul3A_559 = arith.constant 8 : i32
    %mul3A_560 = arith.muli %add3A_558, %mul3A_559 : i32
    %dma_start3A_561 = arith.constant 0 : i32
    %dma_start3A_562 = arith.constant 0 : i32
    %dma_start3A_563 = tpu.memref_slice %arg4[%mul3A_560, %dma_start3A_562] : memref<6144x6272xf32, #tpu.memory_space<hbm>> -> memref<8x6272xf32, #tpu.memory_space<hbm>>
    %dma_start3A_564 = tpu.memref_slice %arg11[%dma_start3A_561] : memref<2x!tpu.dma_semaphore, #tpu.memory_space<semaphore_mem>> -> memref<1x!tpu.dma_semaphore, #tpu.memory_space<semaphore_mem>>
    %dma_start3A_565 = tpu.memref_squeeze %dma_start3A_564 : memref<1x!tpu.dma_semaphore, #tpu.memory_space<semaphore_mem>> -> memref<!tpu.dma_semaphore, #tpu.memory_space<semaphore_mem>>
    %dma_start3A_566 = arith.constant 0 : i32
    %dma_start3A_567 = tpu.memref_slice %arg4[%mul3A_560, %dma_start3A_566] : memref<6144x6272xf32, #tpu.memory_space<hbm>> -> memref<8x6272xf32, #tpu.memory_space<hbm>>
    tpu.enqueue_dma source(%arg8 : memref<8x6272xf32, #tpu.memory_space<vmem>>) target(%dma_start3A_567 : memref<8x6272xf32, #tpu.memory_space<hbm>>) target_semaphore(%dma_start3A_565 : memref<!tpu.dma_semaphore, #tpu.memory_space<semaphore_mem>>)
    %add3A_568 = arith.constant 10 : i32
    %add3A_569 = arith.addi %mul3A_34, %add3A_568 : i32
    %mul3A_570 = arith.constant 8 : i32
    %mul3A_571 = arith.muli %add3A_569, %mul3A_570 : i32
    %dma_wait3A_572 = arith.constant 0 : i32
    %dma_wait3A_573 = arith.constant 0 : i32
    %dma_wait3A_574 = tpu.memref_slice %arg4[%mul3A_571, %dma_wait3A_573] : memref<6144x6272xf32, #tpu.memory_space<hbm>> -> memref<8x6272xf32, #tpu.memory_space<hbm>>
    %dma_wait3A_575 = tpu.memref_slice %arg11[%dma_wait3A_572] : memref<2x!tpu.dma_semaphore, #tpu.memory_space<semaphore_mem>> -> memref<1x!tpu.dma_semaphore, #tpu.memory_space<semaphore_mem>>
    %dma_wait3A_576 = tpu.memref_squeeze %dma_wait3A_575 : memref<1x!tpu.dma_semaphore, #tpu.memory_space<semaphore_mem>> -> memref<!tpu.dma_semaphore, #tpu.memory_space<semaphore_mem>>
    %dma_wait3A_577 = arith.constant 0 : i32
    %dma_wait3A_578 = tpu.memref_slice %arg4[%mul3A_571, %dma_wait3A_577] : memref<6144x6272xf32, #tpu.memory_space<hbm>> -> memref<8x6272xf32, #tpu.memory_space<hbm>>
    tpu.wait_dma2 semaphore(%dma_wait3A_576 : memref<!tpu.dma_semaphore, #tpu.memory_space<semaphore_mem>>) src(%arg8 : memref<8x6272xf32, #tpu.memory_space<vmem>>) dst(%dma_wait3A_578 : memref<8x6272xf32, #tpu.memory_space<hbm>>)
    %slice3A_579 = vector.extract_strided_slice %add3A_40 {offsets = [12], sizes = [1], strides = [1]} : vector<16xi32> to vector<1xi32>
    %squeeze3A_580 = vector.extract %slice3A_579[0] : i32 from vector<1xi32>
    %mul3A_581 = arith.constant 8 : i32
    %mul3A_582 = arith.muli %squeeze3A_580, %mul3A_581 : i32
    %slice3A_583 = vector.extract_strided_slice %add3A_40 {offsets = [13], sizes = [1], strides = [1]} : vector<16xi32> to vector<1xi32>
    %squeeze3A_584 = vector.extract %slice3A_583[0] : i32 from vector<1xi32>
    %mul3A_585 = arith.constant 8 : i32
    %mul3A_586 = arith.muli %squeeze3A_584, %mul3A_585 : i32
    %sub3A_587 = arith.constant 8 : i32
    %sub3A_588 = arith.subi %mul3A_586, %sub3A_587 : i32
    %broadcast_in_dim3A_589 = vector.broadcast %mul3A_582 : i32 to vector<16xi32>
    %broadcast_in_dim3A_590 = vector.broadcast %sub3A_588 : i32 to vector<16xi32>
    %select_n3A_591 = arith.select %lt3A_50, %broadcast_in_dim3A_589, %broadcast_in_dim3A_590 : vector<16xi1>, vector<16xi32>
    %add3A_592 = arith.addi %select_n3A_591, %iota3A : vector<16xi32>
    %swap3A_593 = arith.constant 0 : index
    %swap3A_594 = tpu.vector_load %arg6[%swap3A_593] {strides = array<i32>} : memref<16xi32, #tpu.memory_space<vmem>>, vector<16xi32>,
    %swap3A_595 = vector.shape_cast %swap3A_594 : vector<16xi32> to vector<16xi32>
    %swap3A_596 = vector.shape_cast %add3A_592 : vector<16xi32> to vector<16xi32>
    tpu.vector_store %arg6[%swap3A_593], %swap3A_596 {strides = array<i32>} : memref<16xi32, #tpu.memory_space<vmem>>, vector<16xi32>,
    %dma_start3A_597 = arith.constant 0 : i32
    %dma_start3A_598 = arith.constant 0 : i32
    %dma_start3A_599 = tpu.memref_slice %arg6[%dma_start3A_598] : memref<16xi32, #tpu.memory_space<vmem>> -> memref<8xi32, #tpu.memory_space<vmem>>
    %dma_start3A_600 = arith.constant 0 : i32
    %dma_start3A_601 = arith.constant 0 : i32
    %dma_start3A_602 = tpu.memref_slice %arg2[%dma_start3A_600, %dma_start3A_601] : memref<6144x6272xf32, #tpu.memory_space<hbm>> -> memref<6144x6272xf32, #tpu.memory_space<hbm>>
    %dma_start3A_603 = tpu.memref_slice %arg10[%dma_start3A_597] : memref<2x!tpu.dma_semaphore, #tpu.memory_space<semaphore_mem>> -> memref<1x!tpu.dma_semaphore, #tpu.memory_space<semaphore_mem>>
    %dma_start3A_604 = tpu.memref_squeeze %dma_start3A_603 : memref<1x!tpu.dma_semaphore, #tpu.memory_space<semaphore_mem>> -> memref<!tpu.dma_semaphore, #tpu.memory_space<semaphore_mem>>
    tpu.enqueue_indirect_dma source(%dma_start3A_602 : memref<6144x6272xf32, #tpu.memory_space<hbm>>) target(%arg8 : memref<8x6272xf32, #tpu.memory_space<vmem>>) offsets(%dma_start3A_599 : memref<8xi32, #tpu.memory_space<vmem>>) semaphore(%dma_start3A_604 : memref<!tpu.dma_semaphore, #tpu.memory_space<semaphore_mem>>)
    %dma_wait3A_605 = arith.constant 1 : i32
    %dma_wait3A_606 = arith.constant 8 : i32
    %dma_wait3A_607 = tpu.memref_slice %arg7[%dma_wait3A_606] : memref<16xi32, #tpu.memory_space<vmem>> -> memref<8xi32, #tpu.memory_space<vmem>>
    %dma_wait3A_608 = arith.constant 0 : i32
    %dma_wait3A_609 = arith.constant 0 : i32
    %dma_wait3A_610 = tpu.memref_slice %arg2[%dma_wait3A_608, %dma_wait3A_609] : memref<6144x6272xf32, #tpu.memory_space<hbm>> -> memref<6144x6272xf32, #tpu.memory_space<hbm>>
    %dma_wait3A_611 = tpu.memref_slice %arg10[%dma_wait3A_605] : memref<2x!tpu.dma_semaphore, #tpu.memory_space<semaphore_mem>> -> memref<1x!tpu.dma_semaphore, #tpu.memory_space<semaphore_mem>>
    %dma_wait3A_612 = tpu.memref_squeeze %dma_wait3A_611 : memref<1x!tpu.dma_semaphore, #tpu.memory_space<semaphore_mem>> -> memref<!tpu.dma_semaphore, #tpu.memory_space<semaphore_mem>>
    tpu.wait_indirect_dma semaphore(%dma_wait3A_612 : memref<!tpu.dma_semaphore, #tpu.memory_space<semaphore_mem>>) src(%dma_wait3A_610 : memref<6144x6272xf32, #tpu.memory_space<hbm>>) dst(%arg9 : memref<8x6272xf32, #tpu.memory_space<vmem>>)
    %add3A_613 = arith.constant 11 : i32
    %add3A_614 = arith.addi %mul3A_34, %add3A_613 : i32
    %mul3A_615 = arith.constant 8 : i32
    %mul3A_616 = arith.muli %add3A_614, %mul3A_615 : i32
    %dma_start3A_617 = arith.constant 1 : i32
    %dma_start3A_618 = arith.constant 0 : i32
    %dma_start3A_619 = tpu.memref_slice %arg4[%mul3A_616, %dma_start3A_618] : memref<6144x6272xf32, #tpu.memory_space<hbm>> -> memref<8x6272xf32, #tpu.memory_space<hbm>>
    %dma_start3A_620 = tpu.memref_slice %arg11[%dma_start3A_617] : memref<2x!tpu.dma_semaphore, #tpu.memory_space<semaphore_mem>> -> memref<1x!tpu.dma_semaphore, #tpu.memory_space<semaphore_mem>>
    %dma_start3A_621 = tpu.memref_squeeze %dma_start3A_620 : memref<1x!tpu.dma_semaphore, #tpu.memory_space<semaphore_mem>> -> memref<!tpu.dma_semaphore, #tpu.memory_space<semaphore_mem>>
    %dma_start3A_622 = arith.constant 0 : i32
    %dma_start3A_623 = tpu.memref_slice %arg4[%mul3A_616, %dma_start3A_622] : memref<6144x6272xf32, #tpu.memory_space<hbm>> -> memref<8x6272xf32, #tpu.memory_space<hbm>>
    tpu.enqueue_dma source(%arg9 : memref<8x6272xf32, #tpu.memory_space<vmem>>) target(%dma_start3A_623 : memref<8x6272xf32, #tpu.memory_space<hbm>>) target_semaphore(%dma_start3A_621 : memref<!tpu.dma_semaphore, #tpu.memory_space<semaphore_mem>>)
    %add3A_624 = arith.constant 11 : i32
    %add3A_625 = arith.addi %mul3A_34, %add3A_624 : i32
    %mul3A_626 = arith.constant 8 : i32
    %mul3A_627 = arith.muli %add3A_625, %mul3A_626 : i32
    %dma_wait3A_628 = arith.constant 1 : i32
    %dma_wait3A_629 = arith.constant 0 : i32
    %dma_wait3A_630 = tpu.memref_slice %arg4[%mul3A_627, %dma_wait3A_629] : memref<6144x6272xf32, #tpu.memory_space<hbm>> -> memref<8x6272xf32, #tpu.memory_space<hbm>>
    %dma_wait3A_631 = tpu.memref_slice %arg11[%dma_wait3A_628] : memref<2x!tpu.dma_semaphore, #tpu.memory_space<semaphore_mem>> -> memref<1x!tpu.dma_semaphore, #tpu.memory_space<semaphore_mem>>
    %dma_wait3A_632 = tpu.memref_squeeze %dma_wait3A_631 : memref<1x!tpu.dma_semaphore, #tpu.memory_space<semaphore_mem>> -> memref<!tpu.dma_semaphore, #tpu.memory_space<semaphore_mem>>
    %dma_wait3A_633 = arith.constant 0 : i32
    %dma_wait3A_634 = tpu.memref_slice %arg4[%mul3A_627, %dma_wait3A_633] : memref<6144x6272xf32, #tpu.memory_space<hbm>> -> memref<8x6272xf32, #tpu.memory_space<hbm>>
    tpu.wait_dma2 semaphore(%dma_wait3A_632 : memref<!tpu.dma_semaphore, #tpu.memory_space<semaphore_mem>>) src(%arg9 : memref<8x6272xf32, #tpu.memory_space<vmem>>) dst(%dma_wait3A_634 : memref<8x6272xf32, #tpu.memory_space<hbm>>)
    %dma_start3A_635 = arith.constant 1 : i32
    %dma_start3A_636 = arith.constant 8 : i32
    %dma_start3A_637 = tpu.memref_slice %arg6[%dma_start3A_636] : memref<16xi32, #tpu.memory_space<vmem>> -> memref<8xi32, #tpu.memory_space<vmem>>
    %dma_start3A_638 = arith.constant 0 : i32
    %dma_start3A_639 = arith.constant 0 : i32
    %dma_start3A_640 = tpu.memref_slice %arg2[%dma_start3A_638, %dma_start3A_639] : memref<6144x6272xf32, #tpu.memory_space<hbm>> -> memref<6144x6272xf32, #tpu.memory_space<hbm>>
    %dma_start3A_641 = tpu.memref_slice %arg10[%dma_start3A_635] : memref<2x!tpu.dma_semaphore, #tpu.memory_space<semaphore_mem>> -> memref<1x!tpu.dma_semaphore, #tpu.memory_space<semaphore_mem>>
    %dma_start3A_642 = tpu.memref_squeeze %dma_start3A_641 : memref<1x!tpu.dma_semaphore, #tpu.memory_space<semaphore_mem>> -> memref<!tpu.dma_semaphore, #tpu.memory_space<semaphore_mem>>
    tpu.enqueue_indirect_dma source(%dma_start3A_640 : memref<6144x6272xf32, #tpu.memory_space<hbm>>) target(%arg9 : memref<8x6272xf32, #tpu.memory_space<vmem>>) offsets(%dma_start3A_637 : memref<8xi32, #tpu.memory_space<vmem>>) semaphore(%dma_start3A_642 : memref<!tpu.dma_semaphore, #tpu.memory_space<semaphore_mem>>)
    %dma_wait3A_643 = arith.constant 0 : i32
    %dma_wait3A_644 = arith.constant 0 : i32
    %dma_wait3A_645 = tpu.memref_slice %arg6[%dma_wait3A_644] : memref<16xi32, #tpu.memory_space<vmem>> -> memref<8xi32, #tpu.memory_space<vmem>>
    %dma_wait3A_646 = arith.constant 0 : i32
    %dma_wait3A_647 = arith.constant 0 : i32
    %dma_wait3A_648 = tpu.memref_slice %arg2[%dma_wait3A_646, %dma_wait3A_647] : memref<6144x6272xf32, #tpu.memory_space<hbm>> -> memref<6144x6272xf32, #tpu.memory_space<hbm>>
    %dma_wait3A_649 = tpu.memref_slice %arg10[%dma_wait3A_643] : memref<2x!tpu.dma_semaphore, #tpu.memory_space<semaphore_mem>> -> memref<1x!tpu.dma_semaphore, #tpu.memory_space<semaphore_mem>>
    %dma_wait3A_650 = tpu.memref_squeeze %dma_wait3A_649 : memref<1x!tpu.dma_semaphore, #tpu.memory_space<semaphore_mem>> -> memref<!tpu.dma_semaphore, #tpu.memory_space<semaphore_mem>>
    tpu.wait_indirect_dma semaphore(%dma_wait3A_650 : memref<!tpu.dma_semaphore, #tpu.memory_space<semaphore_mem>>) src(%dma_wait3A_648 : memref<6144x6272xf32, #tpu.memory_space<hbm>>) dst(%arg8 : memref<8x6272xf32, #tpu.memory_space<vmem>>)
    %add3A_651 = arith.constant 12 : i32
    %add3A_652 = arith.addi %mul3A_34, %add3A_651 : i32
    %mul3A_653 = arith.constant 8 : i32
    %mul3A_654 = arith.muli %add3A_652, %mul3A_653 : i32
    %dma_start3A_655 = arith.constant 0 : i32
    %dma_start3A_656 = arith.constant 0 : i32
    %dma_start3A_657 = tpu.memref_slice %arg4[%mul3A_654, %dma_start3A_656] : memref<6144x6272xf32, #tpu.memory_space<hbm>> -> memref<8x6272xf32, #tpu.memory_space<hbm>>
    %dma_start3A_658 = tpu.memref_slice %arg11[%dma_start3A_655] : memref<2x!tpu.dma_semaphore, #tpu.memory_space<semaphore_mem>> -> memref<1x!tpu.dma_semaphore, #tpu.memory_space<semaphore_mem>>
    %dma_start3A_659 = tpu.memref_squeeze %dma_start3A_658 : memref<1x!tpu.dma_semaphore, #tpu.memory_space<semaphore_mem>> -> memref<!tpu.dma_semaphore, #tpu.memory_space<semaphore_mem>>
    %dma_start3A_660 = arith.constant 0 : i32
    %dma_start3A_661 = tpu.memref_slice %arg4[%mul3A_654, %dma_start3A_660] : memref<6144x6272xf32, #tpu.memory_space<hbm>> -> memref<8x6272xf32, #tpu.memory_space<hbm>>
    tpu.enqueue_dma source(%arg8 : memref<8x6272xf32, #tpu.memory_space<vmem>>) target(%dma_start3A_661 : memref<8x6272xf32, #tpu.memory_space<hbm>>) target_semaphore(%dma_start3A_659 : memref<!tpu.dma_semaphore, #tpu.memory_space<semaphore_mem>>)
    %add3A_662 = arith.constant 12 : i32
    %add3A_663 = arith.addi %mul3A_34, %add3A_662 : i32
    %mul3A_664 = arith.constant 8 : i32
    %mul3A_665 = arith.muli %add3A_663, %mul3A_664 : i32
    %dma_wait3A_666 = arith.constant 0 : i32
    %dma_wait3A_667 = arith.constant 0 : i32
    %dma_wait3A_668 = tpu.memref_slice %arg4[%mul3A_665, %dma_wait3A_667] : memref<6144x6272xf32, #tpu.memory_space<hbm>> -> memref<8x6272xf32, #tpu.memory_space<hbm>>
    %dma_wait3A_669 = tpu.memref_slice %arg11[%dma_wait3A_666] : memref<2x!tpu.dma_semaphore, #tpu.memory_space<semaphore_mem>> -> memref<1x!tpu.dma_semaphore, #tpu.memory_space<semaphore_mem>>
    %dma_wait3A_670 = tpu.memref_squeeze %dma_wait3A_669 : memref<1x!tpu.dma_semaphore, #tpu.memory_space<semaphore_mem>> -> memref<!tpu.dma_semaphore, #tpu.memory_space<semaphore_mem>>
    %dma_wait3A_671 = arith.constant 0 : i32
    %dma_wait3A_672 = tpu.memref_slice %arg4[%mul3A_665, %dma_wait3A_671] : memref<6144x6272xf32, #tpu.memory_space<hbm>> -> memref<8x6272xf32, #tpu.memory_space<hbm>>
    tpu.wait_dma2 semaphore(%dma_wait3A_670 : memref<!tpu.dma_semaphore, #tpu.memory_space<semaphore_mem>>) src(%arg8 : memref<8x6272xf32, #tpu.memory_space<vmem>>) dst(%dma_wait3A_672 : memref<8x6272xf32, #tpu.memory_space<hbm>>)
    %slice3A_673 = vector.extract_strided_slice %add3A_40 {offsets = [14], sizes = [1], strides = [1]} : vector<16xi32> to vector<1xi32>
    %squeeze3A_674 = vector.extract %slice3A_673[0] : i32 from vector<1xi32>
    %mul3A_675 = arith.constant 8 : i32
    %mul3A_676 = arith.muli %squeeze3A_674, %mul3A_675 : i32
    %slice3A_677 = vector.extract_strided_slice %add3A_40 {offsets = [15], sizes = [1], strides = [1]} : vector<16xi32> to vector<1xi32>
    %squeeze3A_678 = vector.extract %slice3A_677[0] : i32 from vector<1xi32>
    %mul3A_679 = arith.constant 8 : i32
    %mul3A_680 = arith.muli %squeeze3A_678, %mul3A_679 : i32
    %sub3A_681 = arith.constant 8 : i32
    %sub3A_682 = arith.subi %mul3A_680, %sub3A_681 : i32
    %broadcast_in_dim3A_683 = vector.broadcast %mul3A_676 : i32 to vector<16xi32>
    %broadcast_in_dim3A_684 = vector.broadcast %sub3A_682 : i32 to vector<16xi32>
    %select_n3A_685 = arith.select %lt3A_50, %broadcast_in_dim3A_683, %broadcast_in_dim3A_684 : vector<16xi1>, vector<16xi32>
    %add3A_686 = arith.addi %select_n3A_685, %iota3A : vector<16xi32>
    %swap3A_687 = arith.constant 0 : index
    %swap3A_688 = tpu.vector_load %arg7[%swap3A_687] {strides = array<i32>} : memref<16xi32, #tpu.memory_space<vmem>>, vector<16xi32>,
    %swap3A_689 = vector.shape_cast %swap3A_688 : vector<16xi32> to vector<16xi32>
    %swap3A_690 = vector.shape_cast %add3A_686 : vector<16xi32> to vector<16xi32>
    tpu.vector_store %arg7[%swap3A_687], %swap3A_690 {strides = array<i32>} : memref<16xi32, #tpu.memory_space<vmem>>, vector<16xi32>,
    %dma_start3A_691 = arith.constant 0 : i32
    %dma_start3A_692 = arith.constant 0 : i32
    %dma_start3A_693 = tpu.memref_slice %arg7[%dma_start3A_692] : memref<16xi32, #tpu.memory_space<vmem>> -> memref<8xi32, #tpu.memory_space<vmem>>
    %dma_start3A_694 = arith.constant 0 : i32
    %dma_start3A_695 = arith.constant 0 : i32
    %dma_start3A_696 = tpu.memref_slice %arg2[%dma_start3A_694, %dma_start3A_695] : memref<6144x6272xf32, #tpu.memory_space<hbm>> -> memref<6144x6272xf32, #tpu.memory_space<hbm>>
    %dma_start3A_697 = tpu.memref_slice %arg10[%dma_start3A_691] : memref<2x!tpu.dma_semaphore, #tpu.memory_space<semaphore_mem>> -> memref<1x!tpu.dma_semaphore, #tpu.memory_space<semaphore_mem>>
    %dma_start3A_698 = tpu.memref_squeeze %dma_start3A_697 : memref<1x!tpu.dma_semaphore, #tpu.memory_space<semaphore_mem>> -> memref<!tpu.dma_semaphore, #tpu.memory_space<semaphore_mem>>
    tpu.enqueue_indirect_dma source(%dma_start3A_696 : memref<6144x6272xf32, #tpu.memory_space<hbm>>) target(%arg8 : memref<8x6272xf32, #tpu.memory_space<vmem>>) offsets(%dma_start3A_693 : memref<8xi32, #tpu.memory_space<vmem>>) semaphore(%dma_start3A_698 : memref<!tpu.dma_semaphore, #tpu.memory_space<semaphore_mem>>)
    %dma_wait3A_699 = arith.constant 1 : i32
    %dma_wait3A_700 = arith.constant 8 : i32
    %dma_wait3A_701 = tpu.memref_slice %arg6[%dma_wait3A_700] : memref<16xi32, #tpu.memory_space<vmem>> -> memref<8xi32, #tpu.memory_space<vmem>>
    %dma_wait3A_702 = arith.constant 0 : i32
    %dma_wait3A_703 = arith.constant 0 : i32
    %dma_wait3A_704 = tpu.memref_slice %arg2[%dma_wait3A_702, %dma_wait3A_703] : memref<6144x6272xf32, #tpu.memory_space<hbm>> -> memref<6144x6272xf32, #tpu.memory_space<hbm>>
    %dma_wait3A_705 = tpu.memref_slice %arg10[%dma_wait3A_699] : memref<2x!tpu.dma_semaphore, #tpu.memory_space<semaphore_mem>> -> memref<1x!tpu.dma_semaphore, #tpu.memory_space<semaphore_mem>>
    %dma_wait3A_706 = tpu.memref_squeeze %dma_wait3A_705 : memref<1x!tpu.dma_semaphore, #tpu.memory_space<semaphore_mem>> -> memref<!tpu.dma_semaphore, #tpu.memory_space<semaphore_mem>>
    tpu.wait_indirect_dma semaphore(%dma_wait3A_706 : memref<!tpu.dma_semaphore, #tpu.memory_space<semaphore_mem>>) src(%dma_wait3A_704 : memref<6144x6272xf32, #tpu.memory_space<hbm>>) dst(%arg9 : memref<8x6272xf32, #tpu.memory_space<vmem>>)
    %add3A_707 = arith.constant 13 : i32
    %add3A_708 = arith.addi %mul3A_34, %add3A_707 : i32
    %mul3A_709 = arith.constant 8 : i32
    %mul3A_710 = arith.muli %add3A_708, %mul3A_709 : i32
    %dma_start3A_711 = arith.constant 1 : i32
    %dma_start3A_712 = arith.constant 0 : i32
    %dma_start3A_713 = tpu.memref_slice %arg4[%mul3A_710, %dma_start3A_712] : memref<6144x6272xf32, #tpu.memory_space<hbm>> -> memref<8x6272xf32, #tpu.memory_space<hbm>>
    %dma_start3A_714 = tpu.memref_slice %arg11[%dma_start3A_711] : memref<2x!tpu.dma_semaphore, #tpu.memory_space<semaphore_mem>> -> memref<1x!tpu.dma_semaphore, #tpu.memory_space<semaphore_mem>>
    %dma_start3A_715 = tpu.memref_squeeze %dma_start3A_714 : memref<1x!tpu.dma_semaphore, #tpu.memory_space<semaphore_mem>> -> memref<!tpu.dma_semaphore, #tpu.memory_space<semaphore_mem>>
    %dma_start3A_716 = arith.constant 0 : i32
    %dma_start3A_717 = tpu.memref_slice %arg4[%mul3A_710, %dma_start3A_716] : memref<6144x6272xf32, #tpu.memory_space<hbm>> -> memref<8x6272xf32, #tpu.memory_space<hbm>>
    tpu.enqueue_dma source(%arg9 : memref<8x6272xf32, #tpu.memory_space<vmem>>) target(%dma_start3A_717 : memref<8x6272xf32, #tpu.memory_space<hbm>>) target_semaphore(%dma_start3A_715 : memref<!tpu.dma_semaphore, #tpu.memory_space<semaphore_mem>>)
    %add3A_718 = arith.constant 13 : i32
    %add3A_719 = arith.addi %mul3A_34, %add3A_718 : i32
    %mul3A_720 = arith.constant 8 : i32
    %mul3A_721 = arith.muli %add3A_719, %mul3A_720 : i32
    %dma_wait3A_722 = arith.constant 1 : i32
    %dma_wait3A_723 = arith.constant 0 : i32
    %dma_wait3A_724 = tpu.memref_slice %arg4[%mul3A_721, %dma_wait3A_723] : memref<6144x6272xf32, #tpu.memory_space<hbm>> -> memref<8x6272xf32, #tpu.memory_space<hbm>>
    %dma_wait3A_725 = tpu.memref_slice %arg11[%dma_wait3A_722] : memref<2x!tpu.dma_semaphore, #tpu.memory_space<semaphore_mem>> -> memref<1x!tpu.dma_semaphore, #tpu.memory_space<semaphore_mem>>
    %dma_wait3A_726 = tpu.memref_squeeze %dma_wait3A_725 : memref<1x!tpu.dma_semaphore, #tpu.memory_space<semaphore_mem>> -> memref<!tpu.dma_semaphore, #tpu.memory_space<semaphore_mem>>
    %dma_wait3A_727 = arith.constant 0 : i32
    %dma_wait3A_728 = tpu.memref_slice %arg4[%mul3A_721, %dma_wait3A_727] : memref<6144x6272xf32, #tpu.memory_space<hbm>> -> memref<8x6272xf32, #tpu.memory_space<hbm>>
    tpu.wait_dma2 semaphore(%dma_wait3A_726 : memref<!tpu.dma_semaphore, #tpu.memory_space<semaphore_mem>>) src(%arg9 : memref<8x6272xf32, #tpu.memory_space<vmem>>) dst(%dma_wait3A_728 : memref<8x6272xf32, #tpu.memory_space<hbm>>)
    %dma_start3A_729 = arith.constant 1 : i32
    %dma_start3A_730 = arith.constant 8 : i32
    %dma_start3A_731 = tpu.memref_slice %arg7[%dma_start3A_730] : memref<16xi32, #tpu.memory_space<vmem>> -> memref<8xi32, #tpu.memory_space<vmem>>
    %dma_start3A_732 = arith.constant 0 : i32
    %dma_start3A_733 = arith.constant 0 : i32
    %dma_start3A_734 = tpu.memref_slice %arg2[%dma_start3A_732, %dma_start3A_733] : memref<6144x6272xf32, #tpu.memory_space<hbm>> -> memref<6144x6272xf32, #tpu.memory_space<hbm>>
    %dma_start3A_735 = tpu.memref_slice %arg10[%dma_start3A_729] : memref<2x!tpu.dma_semaphore, #tpu.memory_space<semaphore_mem>> -> memref<1x!tpu.dma_semaphore, #tpu.memory_space<semaphore_mem>>
    %dma_start3A_736 = tpu.memref_squeeze %dma_start3A_735 : memref<1x!tpu.dma_semaphore, #tpu.memory_space<semaphore_mem>> -> memref<!tpu.dma_semaphore, #tpu.memory_space<semaphore_mem>>
    tpu.enqueue_indirect_dma source(%dma_start3A_734 : memref<6144x6272xf32, #tpu.memory_space<hbm>>) target(%arg9 : memref<8x6272xf32, #tpu.memory_space<vmem>>) offsets(%dma_start3A_731 : memref<8xi32, #tpu.memory_space<vmem>>) semaphore(%dma_start3A_736 : memref<!tpu.dma_semaphore, #tpu.memory_space<semaphore_mem>>)
    %dma_wait3A_737 = arith.constant 0 : i32
    %dma_wait3A_738 = arith.constant 0 : i32
    %dma_wait3A_739 = tpu.memref_slice %arg7[%dma_wait3A_738] : memref<16xi32, #tpu.memory_space<vmem>> -> memref<8xi32, #tpu.memory_space<vmem>>
    %dma_wait3A_740 = arith.constant 0 : i32
    %dma_wait3A_741 = arith.constant 0 : i32
    %dma_wait3A_742 = tpu.memref_slice %arg2[%dma_wait3A_740, %dma_wait3A_741] : memref<6144x6272xf32, #tpu.memory_space<hbm>> -> memref<6144x6272xf32, #tpu.memory_space<hbm>>
    %dma_wait3A_743 = tpu.memref_slice %arg10[%dma_wait3A_737] : memref<2x!tpu.dma_semaphore, #tpu.memory_space<semaphore_mem>> -> memref<1x!tpu.dma_semaphore, #tpu.memory_space<semaphore_mem>>
    %dma_wait3A_744 = tpu.memref_squeeze %dma_wait3A_743 : memref<1x!tpu.dma_semaphore, #tpu.memory_space<semaphore_mem>> -> memref<!tpu.dma_semaphore, #tpu.memory_space<semaphore_mem>>
    tpu.wait_indirect_dma semaphore(%dma_wait3A_744 : memref<!tpu.dma_semaphore, #tpu.memory_space<semaphore_mem>>) src(%dma_wait3A_742 : memref<6144x6272xf32, #tpu.memory_space<hbm>>) dst(%arg8 : memref<8x6272xf32, #tpu.memory_space<vmem>>)
    %add3A_745 = arith.constant 14 : i32
    %add3A_746 = arith.addi %mul3A_34, %add3A_745 : i32
    %mul3A_747 = arith.constant 8 : i32
    %mul3A_748 = arith.muli %add3A_746, %mul3A_747 : i32
    %dma_start3A_749 = arith.constant 0 : i32
    %dma_start3A_750 = arith.constant 0 : i32
    %dma_start3A_751 = tpu.memref_slice %arg4[%mul3A_748, %dma_start3A_750] : memref<6144x6272xf32, #tpu.memory_space<hbm>> -> memref<8x6272xf32, #tpu.memory_space<hbm>>
    %dma_start3A_752 = tpu.memref_slice %arg11[%dma_start3A_749] : memref<2x!tpu.dma_semaphore, #tpu.memory_space<semaphore_mem>> -> memref<1x!tpu.dma_semaphore, #tpu.memory_space<semaphore_mem>>
    %dma_start3A_753 = tpu.memref_squeeze %dma_start3A_752 : memref<1x!tpu.dma_semaphore, #tpu.memory_space<semaphore_mem>> -> memref<!tpu.dma_semaphore, #tpu.memory_space<semaphore_mem>>
    %dma_start3A_754 = arith.constant 0 : i32
    %dma_start3A_755 = tpu.memref_slice %arg4[%mul3A_748, %dma_start3A_754] : memref<6144x6272xf32, #tpu.memory_space<hbm>> -> memref<8x6272xf32, #tpu.memory_space<hbm>>
    tpu.enqueue_dma source(%arg8 : memref<8x6272xf32, #tpu.memory_space<vmem>>) target(%dma_start3A_755 : memref<8x6272xf32, #tpu.memory_space<hbm>>) target_semaphore(%dma_start3A_753 : memref<!tpu.dma_semaphore, #tpu.memory_space<semaphore_mem>>)
    %add3A_756 = arith.constant 14 : i32
    %add3A_757 = arith.addi %mul3A_34, %add3A_756 : i32
    %mul3A_758 = arith.constant 8 : i32
    %mul3A_759 = arith.muli %add3A_757, %mul3A_758 : i32
    %dma_wait3A_760 = arith.constant 0 : i32
    %dma_wait3A_761 = arith.constant 0 : i32
    %dma_wait3A_762 = tpu.memref_slice %arg4[%mul3A_759, %dma_wait3A_761] : memref<6144x6272xf32, #tpu.memory_space<hbm>> -> memref<8x6272xf32, #tpu.memory_space<hbm>>
    %dma_wait3A_763 = tpu.memref_slice %arg11[%dma_wait3A_760] : memref<2x!tpu.dma_semaphore, #tpu.memory_space<semaphore_mem>> -> memref<1x!tpu.dma_semaphore, #tpu.memory_space<semaphore_mem>>
    %dma_wait3A_764 = tpu.memref_squeeze %dma_wait3A_763 : memref<1x!tpu.dma_semaphore, #tpu.memory_space<semaphore_mem>> -> memref<!tpu.dma_semaphore, #tpu.memory_space<semaphore_mem>>
    %dma_wait3A_765 = arith.constant 0 : i32
    %dma_wait3A_766 = tpu.memref_slice %arg4[%mul3A_759, %dma_wait3A_765] : memref<6144x6272xf32, #tpu.memory_space<hbm>> -> memref<8x6272xf32, #tpu.memory_space<hbm>>
    tpu.wait_dma2 semaphore(%dma_wait3A_764 : memref<!tpu.dma_semaphore, #tpu.memory_space<semaphore_mem>>) src(%arg8 : memref<8x6272xf32, #tpu.memory_space<vmem>>) dst(%dma_wait3A_766 : memref<8x6272xf32, #tpu.memory_space<hbm>>)
    %slice3A_767 = vector.extract_strided_slice %add3A_47 {offsets = [8], sizes = [1], strides = [1]} : vector<16xi32> to vector<1xi32>
    %squeeze3A_768 = vector.extract %slice3A_767[0] : i32 from vector<1xi32>
    %mul3A_769 = arith.constant 8 : i32
    %mul3A_770 = arith.muli %squeeze3A_768, %mul3A_769 : i32
    %slice3A_771 = vector.extract_strided_slice %add3A_47 {offsets = [9], sizes = [1], strides = [1]} : vector<16xi32> to vector<1xi32>
    %squeeze3A_772 = vector.extract %slice3A_771[0] : i32 from vector<1xi32>
    %mul3A_773 = arith.constant 8 : i32
    %mul3A_774 = arith.muli %squeeze3A_772, %mul3A_773 : i32
    %sub3A_775 = arith.constant 8 : i32
    %sub3A_776 = arith.subi %mul3A_774, %sub3A_775 : i32
    %broadcast_in_dim3A_777 = vector.broadcast %mul3A_770 : i32 to vector<16xi32>
    %broadcast_in_dim3A_778 = vector.broadcast %sub3A_776 : i32 to vector<16xi32>
    %select_n3A_779 = arith.select %lt3A_50, %broadcast_in_dim3A_777, %broadcast_in_dim3A_778 : vector<16xi1>, vector<16xi32>
    %add3A_780 = arith.addi %select_n3A_779, %iota3A : vector<16xi32>
    %swap3A_781 = arith.constant 0 : index
    %swap3A_782 = tpu.vector_load %arg6[%swap3A_781] {strides = array<i32>} : memref<16xi32, #tpu.memory_space<vmem>>, vector<16xi32>,
    %swap3A_783 = vector.shape_cast %swap3A_782 : vector<16xi32> to vector<16xi32>
    %swap3A_784 = vector.shape_cast %add3A_780 : vector<16xi32> to vector<16xi32>
    tpu.vector_store %arg6[%swap3A_781], %swap3A_784 {strides = array<i32>} : memref<16xi32, #tpu.memory_space<vmem>>, vector<16xi32>,
    %dma_start3A_785 = arith.constant 0 : i32
    %dma_start3A_786 = arith.constant 0 : i32
    %dma_start3A_787 = tpu.memref_slice %arg6[%dma_start3A_786] : memref<16xi32, #tpu.memory_space<vmem>> -> memref<8xi32, #tpu.memory_space<vmem>>
    %dma_start3A_788 = arith.constant 0 : i32
    %dma_start3A_789 = arith.constant 0 : i32
    %dma_start3A_790 = tpu.memref_slice %arg2[%dma_start3A_788, %dma_start3A_789] : memref<6144x6272xf32, #tpu.memory_space<hbm>> -> memref<6144x6272xf32, #tpu.memory_space<hbm>>
    %dma_start3A_791 = tpu.memref_slice %arg10[%dma_start3A_785] : memref<2x!tpu.dma_semaphore, #tpu.memory_space<semaphore_mem>> -> memref<1x!tpu.dma_semaphore, #tpu.memory_space<semaphore_mem>>
    %dma_start3A_792 = tpu.memref_squeeze %dma_start3A_791 : memref<1x!tpu.dma_semaphore, #tpu.memory_space<semaphore_mem>> -> memref<!tpu.dma_semaphore, #tpu.memory_space<semaphore_mem>>
    tpu.enqueue_indirect_dma source(%dma_start3A_790 : memref<6144x6272xf32, #tpu.memory_space<hbm>>) target(%arg8 : memref<8x6272xf32, #tpu.memory_space<vmem>>) offsets(%dma_start3A_787 : memref<8xi32, #tpu.memory_space<vmem>>) semaphore(%dma_start3A_792 : memref<!tpu.dma_semaphore, #tpu.memory_space<semaphore_mem>>)
    %dma_wait3A_793 = arith.constant 1 : i32
    %dma_wait3A_794 = arith.constant 8 : i32
    %dma_wait3A_795 = tpu.memref_slice %arg7[%dma_wait3A_794] : memref<16xi32, #tpu.memory_space<vmem>> -> memref<8xi32, #tpu.memory_space<vmem>>
    %dma_wait3A_796 = arith.constant 0 : i32
    %dma_wait3A_797 = arith.constant 0 : i32
    %dma_wait3A_798 = tpu.memref_slice %arg2[%dma_wait3A_796, %dma_wait3A_797] : memref<6144x6272xf32, #tpu.memory_space<hbm>> -> memref<6144x6272xf32, #tpu.memory_space<hbm>>
    %dma_wait3A_799 = tpu.memref_slice %arg10[%dma_wait3A_793] : memref<2x!tpu.dma_semaphore, #tpu.memory_space<semaphore_mem>> -> memref<1x!tpu.dma_semaphore, #tpu.memory_space<semaphore_mem>>
    %dma_wait3A_800 = tpu.memref_squeeze %dma_wait3A_799 : memref<1x!tpu.dma_semaphore, #tpu.memory_space<semaphore_mem>> -> memref<!tpu.dma_semaphore, #tpu.memory_space<semaphore_mem>>
    tpu.wait_indirect_dma semaphore(%dma_wait3A_800 : memref<!tpu.dma_semaphore, #tpu.memory_space<semaphore_mem>>) src(%dma_wait3A_798 : memref<6144x6272xf32, #tpu.memory_space<hbm>>) dst(%arg9 : memref<8x6272xf32, #tpu.memory_space<vmem>>)
    %add3A_801 = arith.constant 15 : i32
    %add3A_802 = arith.addi %mul3A_34, %add3A_801 : i32
    %mul3A_803 = arith.constant 8 : i32
    %mul3A_804 = arith.muli %add3A_802, %mul3A_803 : i32
    %dma_start3A_805 = arith.constant 1 : i32
    %dma_start3A_806 = arith.constant 0 : i32
    %dma_start3A_807 = tpu.memref_slice %arg4[%mul3A_804, %dma_start3A_806] : memref<6144x6272xf32, #tpu.memory_space<hbm>> -> memref<8x6272xf32, #tpu.memory_space<hbm>>
    %dma_start3A_808 = tpu.memref_slice %arg11[%dma_start3A_805] : memref<2x!tpu.dma_semaphore, #tpu.memory_space<semaphore_mem>> -> memref<1x!tpu.dma_semaphore, #tpu.memory_space<semaphore_mem>>
    %dma_start3A_809 = tpu.memref_squeeze %dma_start3A_808 : memref<1x!tpu.dma_semaphore, #tpu.memory_space<semaphore_mem>> -> memref<!tpu.dma_semaphore, #tpu.memory_space<semaphore_mem>>
    %dma_start3A_810 = arith.constant 0 : i32
    %dma_start3A_811 = tpu.memref_slice %arg4[%mul3A_804, %dma_start3A_810] : memref<6144x6272xf32, #tpu.memory_space<hbm>> -> memref<8x6272xf32, #tpu.memory_space<hbm>>
    tpu.enqueue_dma source(%arg9 : memref<8x6272xf32, #tpu.memory_space<vmem>>) target(%dma_start3A_811 : memref<8x6272xf32, #tpu.memory_space<hbm>>) target_semaphore(%dma_start3A_809 : memref<!tpu.dma_semaphore, #tpu.memory_space<semaphore_mem>>)
    %add3A_812 = arith.constant 15 : i32
    %add3A_813 = arith.addi %mul3A_34, %add3A_812 : i32
    %mul3A_814 = arith.constant 8 : i32
    %mul3A_815 = arith.muli %add3A_813, %mul3A_814 : i32
    %dma_wait3A_816 = arith.constant 1 : i32
    %dma_wait3A_817 = arith.constant 0 : i32
    %dma_wait3A_818 = tpu.memref_slice %arg4[%mul3A_815, %dma_wait3A_817] : memref<6144x6272xf32, #tpu.memory_space<hbm>> -> memref<8x6272xf32, #tpu.memory_space<hbm>>
    %dma_wait3A_819 = tpu.memref_slice %arg11[%dma_wait3A_816] : memref<2x!tpu.dma_semaphore, #tpu.memory_space<semaphore_mem>> -> memref<1x!tpu.dma_semaphore, #tpu.memory_space<semaphore_mem>>
    %dma_wait3A_820 = tpu.memref_squeeze %dma_wait3A_819 : memref<1x!tpu.dma_semaphore, #tpu.memory_space<semaphore_mem>> -> memref<!tpu.dma_semaphore, #tpu.memory_space<semaphore_mem>>
    %dma_wait3A_821 = arith.constant 0 : i32
    %dma_wait3A_822 = tpu.memref_slice %arg4[%mul3A_815, %dma_wait3A_821] : memref<6144x6272xf32, #tpu.memory_space<hbm>> -> memref<8x6272xf32, #tpu.memory_space<hbm>>
    tpu.wait_dma2 semaphore(%dma_wait3A_820 : memref<!tpu.dma_semaphore, #tpu.memory_space<semaphore_mem>>) src(%arg9 : memref<8x6272xf32, #tpu.memory_space<vmem>>) dst(%dma_wait3A_822 : memref<8x6272xf32, #tpu.memory_space<hbm>>)
    %dma_start3A_823 = arith.constant 1 : i32
    %dma_start3A_824 = arith.constant 8 : i32
    %dma_start3A_825 = tpu.memref_slice %arg6[%dma_start3A_824] : memref<16xi32, #tpu.memory_space<vmem>> -> memref<8xi32, #tpu.memory_space<vmem>>
    %dma_start3A_826 = arith.constant 0 : i32
    %dma_start3A_827 = arith.constant 0 : i32
    %dma_start3A_828 = tpu.memref_slice %arg2[%dma_start3A_826, %dma_start3A_827] : memref<6144x6272xf32, #tpu.memory_space<hbm>> -> memref<6144x6272xf32, #tpu.memory_space<hbm>>
    %dma_start3A_829 = tpu.memref_slice %arg10[%dma_start3A_823] : memref<2x!tpu.dma_semaphore, #tpu.memory_space<semaphore_mem>> -> memref<1x!tpu.dma_semaphore, #tpu.memory_space<semaphore_mem>>
    %dma_start3A_830 = tpu.memref_squeeze %dma_start3A_829 : memref<1x!tpu.dma_semaphore, #tpu.memory_space<semaphore_mem>> -> memref<!tpu.dma_semaphore, #tpu.memory_space<semaphore_mem>>
    tpu.enqueue_indirect_dma source(%dma_start3A_828 : memref<6144x6272xf32, #tpu.memory_space<hbm>>) target(%arg9 : memref<8x6272xf32, #tpu.memory_space<vmem>>) offsets(%dma_start3A_825 : memref<8xi32, #tpu.memory_space<vmem>>) semaphore(%dma_start3A_830 : memref<!tpu.dma_semaphore, #tpu.memory_space<semaphore_mem>>)
    %dma_wait3A_831 = arith.constant 0 : i32
    %dma_wait3A_832 = arith.constant 0 : i32
    %dma_wait3A_833 = tpu.memref_slice %arg6[%dma_wait3A_832] : memref<16xi32, #tpu.memory_space<vmem>> -> memref<8xi32, #tpu.memory_space<vmem>>
    %dma_wait3A_834 = arith.constant 0 : i32
    %dma_wait3A_835 = arith.constant 0 : i32
    %dma_wait3A_836 = tpu.memref_slice %arg2[%dma_wait3A_834, %dma_wait3A_835] : memref<6144x6272xf32, #tpu.memory_space<hbm>> -> memref<6144x6272xf32, #tpu.memory_space<hbm>>
    %dma_wait3A_837 = tpu.memref_slice %arg10[%dma_wait3A_831] : memref<2x!tpu.dma_semaphore, #tpu.memory_space<semaphore_mem>> -> memref<1x!tpu.dma_semaphore, #tpu.memory_space<semaphore_mem>>
    %dma_wait3A_838 = tpu.memref_squeeze %dma_wait3A_837 : memref<1x!tpu.dma_semaphore, #tpu.memory_space<semaphore_mem>> -> memref<!tpu.dma_semaphore, #tpu.memory_space<semaphore_mem>>
    tpu.wait_indirect_dma semaphore(%dma_wait3A_838 : memref<!tpu.dma_semaphore, #tpu.memory_space<semaphore_mem>>) src(%dma_wait3A_836 : memref<6144x6272xf32, #tpu.memory_space<hbm>>) dst(%arg8 : memref<8x6272xf32, #tpu.memory_space<vmem>>)
    %add3A_839 = arith.constant 16 : i32
    %add3A_840 = arith.addi %mul3A_34, %add3A_839 : i32
    %mul3A_841 = arith.constant 8 : i32
    %mul3A_842 = arith.muli %add3A_840, %mul3A_841 : i32
    %dma_start3A_843 = arith.constant 0 : i32
    %dma_start3A_844 = arith.constant 0 : i32
    %dma_start3A_845 = tpu.memref_slice %arg4[%mul3A_842, %dma_start3A_844] : memref<6144x6272xf32, #tpu.memory_space<hbm>> -> memref<8x6272xf32, #tpu.memory_space<hbm>>
    %dma_start3A_846 = tpu.memref_slice %arg11[%dma_start3A_843] : memref<2x!tpu.dma_semaphore, #tpu.memory_space<semaphore_mem>> -> memref<1x!tpu.dma_semaphore, #tpu.memory_space<semaphore_mem>>
    %dma_start3A_847 = tpu.memref_squeeze %dma_start3A_846 : memref<1x!tpu.dma_semaphore, #tpu.memory_space<semaphore_mem>> -> memref<!tpu.dma_semaphore, #tpu.memory_space<semaphore_mem>>
    %dma_start3A_848 = arith.constant 0 : i32
    %dma_start3A_849 = tpu.memref_slice %arg4[%mul3A_842, %dma_start3A_848] : memref<6144x6272xf32, #tpu.memory_space<hbm>> -> memref<8x6272xf32, #tpu.memory_space<hbm>>
    tpu.enqueue_dma source(%arg8 : memref<8x6272xf32, #tpu.memory_space<vmem>>) target(%dma_start3A_849 : memref<8x6272xf32, #tpu.memory_space<hbm>>) target_semaphore(%dma_start3A_847 : memref<!tpu.dma_semaphore, #tpu.memory_space<semaphore_mem>>)
    %add3A_850 = arith.constant 16 : i32
    %add3A_851 = arith.addi %mul3A_34, %add3A_850 : i32
    %mul3A_852 = arith.constant 8 : i32
    %mul3A_853 = arith.muli %add3A_851, %mul3A_852 : i32
    %dma_wait3A_854 = arith.constant 0 : i32
    %dma_wait3A_855 = arith.constant 0 : i32
    %dma_wait3A_856 = tpu.memref_slice %arg4[%mul3A_853, %dma_wait3A_855] : memref<6144x6272xf32, #tpu.memory_space<hbm>> -> memref<8x6272xf32, #tpu.memory_space<hbm>>
    %dma_wait3A_857 = tpu.memref_slice %arg11[%dma_wait3A_854] : memref<2x!tpu.dma_semaphore, #tpu.memory_space<semaphore_mem>> -> memref<1x!tpu.dma_semaphore, #tpu.memory_space<semaphore_mem>>
    %dma_wait3A_858 = tpu.memref_squeeze %dma_wait3A_857 : memref<1x!tpu.dma_semaphore, #tpu.memory_space<semaphore_mem>> -> memref<!tpu.dma_semaphore, #tpu.memory_space<semaphore_mem>>
    %dma_wait3A_859 = arith.constant 0 : i32
    %dma_wait3A_860 = tpu.memref_slice %arg4[%mul3A_853, %dma_wait3A_859] : memref<6144x6272xf32, #tpu.memory_space<hbm>> -> memref<8x6272xf32, #tpu.memory_space<hbm>>
    tpu.wait_dma2 semaphore(%dma_wait3A_858 : memref<!tpu.dma_semaphore, #tpu.memory_space<semaphore_mem>>) src(%arg8 : memref<8x6272xf32, #tpu.memory_space<vmem>>) dst(%dma_wait3A_860 : memref<8x6272xf32, #tpu.memory_space<hbm>>)
    %slice3A_861 = vector.extract_strided_slice %add3A_47 {offsets = [10], sizes = [1], strides = [1]} : vector<16xi32> to vector<1xi32>
    %squeeze3A_862 = vector.extract %slice3A_861[0] : i32 from vector<1xi32>
    %mul3A_863 = arith.constant 8 : i32
    %mul3A_864 = arith.muli %squeeze3A_862, %mul3A_863 : i32
    %slice3A_865 = vector.extract_strided_slice %add3A_47 {offsets = [11], sizes = [1], strides = [1]} : vector<16xi32> to vector<1xi32>
    %squeeze3A_866 = vector.extract %slice3A_865[0] : i32 from vector<1xi32>
    %mul3A_867 = arith.constant 8 : i32
    %mul3A_868 = arith.muli %squeeze3A_866, %mul3A_867 : i32
    %sub3A_869 = arith.constant 8 : i32
    %sub3A_870 = arith.subi %mul3A_868, %sub3A_869 : i32
    %broadcast_in_dim3A_871 = vector.broadcast %mul3A_864 : i32 to vector<16xi32>
    %broadcast_in_dim3A_872 = vector.broadcast %sub3A_870 : i32 to vector<16xi32>
    %select_n3A_873 = arith.select %lt3A_50, %broadcast_in_dim3A_871, %broadcast_in_dim3A_872 : vector<16xi1>, vector<16xi32>
    %add3A_874 = arith.addi %select_n3A_873, %iota3A : vector<16xi32>
    %swap3A_875 = arith.constant 0 : index
    %swap3A_876 = tpu.vector_load %arg7[%swap3A_875] {strides = array<i32>} : memref<16xi32, #tpu.memory_space<vmem>>, vector<16xi32>,
    %swap3A_877 = vector.shape_cast %swap3A_876 : vector<16xi32> to vector<16xi32>
    %swap3A_878 = vector.shape_cast %add3A_874 : vector<16xi32> to vector<16xi32>
    tpu.vector_store %arg7[%swap3A_875], %swap3A_878 {strides = array<i32>} : memref<16xi32, #tpu.memory_space<vmem>>, vector<16xi32>,
    %dma_start3A_879 = arith.constant 0 : i32
    %dma_start3A_880 = arith.constant 0 : i32
    %dma_start3A_881 = tpu.memref_slice %arg7[%dma_start3A_880] : memref<16xi32, #tpu.memory_space<vmem>> -> memref<8xi32, #tpu.memory_space<vmem>>
    %dma_start3A_882 = arith.constant 0 : i32
    %dma_start3A_883 = arith.constant 0 : i32
    %dma_start3A_884 = tpu.memref_slice %arg2[%dma_start3A_882, %dma_start3A_883] : memref<6144x6272xf32, #tpu.memory_space<hbm>> -> memref<6144x6272xf32, #tpu.memory_space<hbm>>
    %dma_start3A_885 = tpu.memref_slice %arg10[%dma_start3A_879] : memref<2x!tpu.dma_semaphore, #tpu.memory_space<semaphore_mem>> -> memref<1x!tpu.dma_semaphore, #tpu.memory_space<semaphore_mem>>
    %dma_start3A_886 = tpu.memref_squeeze %dma_start3A_885 : memref<1x!tpu.dma_semaphore, #tpu.memory_space<semaphore_mem>> -> memref<!tpu.dma_semaphore, #tpu.memory_space<semaphore_mem>>
    tpu.enqueue_indirect_dma source(%dma_start3A_884 : memref<6144x6272xf32, #tpu.memory_space<hbm>>) target(%arg8 : memref<8x6272xf32, #tpu.memory_space<vmem>>) offsets(%dma_start3A_881 : memref<8xi32, #tpu.memory_space<vmem>>) semaphore(%dma_start3A_886 : memref<!tpu.dma_semaphore, #tpu.memory_space<semaphore_mem>>)
    %dma_wait3A_887 = arith.constant 1 : i32
    %dma_wait3A_888 = arith.constant 8 : i32
    %dma_wait3A_889 = tpu.memref_slice %arg6[%dma_wait3A_888] : memref<16xi32, #tpu.memory_space<vmem>> -> memref<8xi32, #tpu.memory_space<vmem>>
    %dma_wait3A_890 = arith.constant 0 : i32
    %dma_wait3A_891 = arith.constant 0 : i32
    %dma_wait3A_892 = tpu.memref_slice %arg2[%dma_wait3A_890, %dma_wait3A_891] : memref<6144x6272xf32, #tpu.memory_space<hbm>> -> memref<6144x6272xf32, #tpu.memory_space<hbm>>
    %dma_wait3A_893 = tpu.memref_slice %arg10[%dma_wait3A_887] : memref<2x!tpu.dma_semaphore, #tpu.memory_space<semaphore_mem>> -> memref<1x!tpu.dma_semaphore, #tpu.memory_space<semaphore_mem>>
    %dma_wait3A_894 = tpu.memref_squeeze %dma_wait3A_893 : memref<1x!tpu.dma_semaphore, #tpu.memory_space<semaphore_mem>> -> memref<!tpu.dma_semaphore, #tpu.memory_space<semaphore_mem>>
    tpu.wait_indirect_dma semaphore(%dma_wait3A_894 : memref<!tpu.dma_semaphore, #tpu.memory_space<semaphore_mem>>) src(%dma_wait3A_892 : memref<6144x6272xf32, #tpu.memory_space<hbm>>) dst(%arg9 : memref<8x6272xf32, #tpu.memory_space<vmem>>)
    %add3A_895 = arith.constant 17 : i32
    %add3A_896 = arith.addi %mul3A_34, %add3A_895 : i32
    %mul3A_897 = arith.constant 8 : i32
    %mul3A_898 = arith.muli %add3A_896, %mul3A_897 : i32
    %dma_start3A_899 = arith.constant 1 : i32
    %dma_start3A_900 = arith.constant 0 : i32
    %dma_start3A_901 = tpu.memref_slice %arg4[%mul3A_898, %dma_start3A_900] : memref<6144x6272xf32, #tpu.memory_space<hbm>> -> memref<8x6272xf32, #tpu.memory_space<hbm>>
    %dma_start3A_902 = tpu.memref_slice %arg11[%dma_start3A_899] : memref<2x!tpu.dma_semaphore, #tpu.memory_space<semaphore_mem>> -> memref<1x!tpu.dma_semaphore, #tpu.memory_space<semaphore_mem>>
    %dma_start3A_903 = tpu.memref_squeeze %dma_start3A_902 : memref<1x!tpu.dma_semaphore, #tpu.memory_space<semaphore_mem>> -> memref<!tpu.dma_semaphore, #tpu.memory_space<semaphore_mem>>
    %dma_start3A_904 = arith.constant 0 : i32
    %dma_start3A_905 = tpu.memref_slice %arg4[%mul3A_898, %dma_start3A_904] : memref<6144x6272xf32, #tpu.memory_space<hbm>> -> memref<8x6272xf32, #tpu.memory_space<hbm>>
    tpu.enqueue_dma source(%arg9 : memref<8x6272xf32, #tpu.memory_space<vmem>>) target(%dma_start3A_905 : memref<8x6272xf32, #tpu.memory_space<hbm>>) target_semaphore(%dma_start3A_903 : memref<!tpu.dma_semaphore, #tpu.memory_space<semaphore_mem>>)
    %add3A_906 = arith.constant 17 : i32
    %add3A_907 = arith.addi %mul3A_34, %add3A_906 : i32
    %mul3A_908 = arith.constant 8 : i32
    %mul3A_909 = arith.muli %add3A_907, %mul3A_908 : i32
    %dma_wait3A_910 = arith.constant 1 : i32
    %dma_wait3A_911 = arith.constant 0 : i32
    %dma_wait3A_912 = tpu.memref_slice %arg4[%mul3A_909, %dma_wait3A_911] : memref<6144x6272xf32, #tpu.memory_space<hbm>> -> memref<8x6272xf32, #tpu.memory_space<hbm>>
    %dma_wait3A_913 = tpu.memref_slice %arg11[%dma_wait3A_910] : memref<2x!tpu.dma_semaphore, #tpu.memory_space<semaphore_mem>> -> memref<1x!tpu.dma_semaphore, #tpu.memory_space<semaphore_mem>>
    %dma_wait3A_914 = tpu.memref_squeeze %dma_wait3A_913 : memref<1x!tpu.dma_semaphore, #tpu.memory_space<semaphore_mem>> -> memref<!tpu.dma_semaphore, #tpu.memory_space<semaphore_mem>>
    %dma_wait3A_915 = arith.constant 0 : i32
    %dma_wait3A_916 = tpu.memref_slice %arg4[%mul3A_909, %dma_wait3A_915] : memref<6144x6272xf32, #tpu.memory_space<hbm>> -> memref<8x6272xf32, #tpu.memory_space<hbm>>
    tpu.wait_dma2 semaphore(%dma_wait3A_914 : memref<!tpu.dma_semaphore, #tpu.memory_space<semaphore_mem>>) src(%arg9 : memref<8x6272xf32, #tpu.memory_space<vmem>>) dst(%dma_wait3A_916 : memref<8x6272xf32, #tpu.memory_space<hbm>>)
    %dma_start3A_917 = arith.constant 1 : i32
    %dma_start3A_918 = arith.constant 8 : i32
    %dma_start3A_919 = tpu.memref_slice %arg7[%dma_start3A_918] : memref<16xi32, #tpu.memory_space<vmem>> -> memref<8xi32, #tpu.memory_space<vmem>>
    %dma_start3A_920 = arith.constant 0 : i32
    %dma_start3A_921 = arith.constant 0 : i32
    %dma_start3A_922 = tpu.memref_slice %arg2[%dma_start3A_920, %dma_start3A_921] : memref<6144x6272xf32, #tpu.memory_space<hbm>> -> memref<6144x6272xf32, #tpu.memory_space<hbm>>
    %dma_start3A_923 = tpu.memref_slice %arg10[%dma_start3A_917] : memref<2x!tpu.dma_semaphore, #tpu.memory_space<semaphore_mem>> -> memref<1x!tpu.dma_semaphore, #tpu.memory_space<semaphore_mem>>
    %dma_start3A_924 = tpu.memref_squeeze %dma_start3A_923 : memref<1x!tpu.dma_semaphore, #tpu.memory_space<semaphore_mem>> -> memref<!tpu.dma_semaphore, #tpu.memory_space<semaphore_mem>>
    tpu.enqueue_indirect_dma source(%dma_start3A_922 : memref<6144x6272xf32, #tpu.memory_space<hbm>>) target(%arg9 : memref<8x6272xf32, #tpu.memory_space<vmem>>) offsets(%dma_start3A_919 : memref<8xi32, #tpu.memory_space<vmem>>) semaphore(%dma_start3A_924 : memref<!tpu.dma_semaphore, #tpu.memory_space<semaphore_mem>>)
    %dma_wait3A_925 = arith.constant 0 : i32
    %dma_wait3A_926 = arith.constant 0 : i32
    %dma_wait3A_927 = tpu.memref_slice %arg7[%dma_wait3A_926] : memref<16xi32, #tpu.memory_space<vmem>> -> memref<8xi32, #tpu.memory_space<vmem>>
    %dma_wait3A_928 = arith.constant 0 : i32
    %dma_wait3A_929 = arith.constant 0 : i32
    %dma_wait3A_930 = tpu.memref_slice %arg2[%dma_wait3A_928, %dma_wait3A_929] : memref<6144x6272xf32, #tpu.memory_space<hbm>> -> memref<6144x6272xf32, #tpu.memory_space<hbm>>
    %dma_wait3A_931 = tpu.memref_slice %arg10[%dma_wait3A_925] : memref<2x!tpu.dma_semaphore, #tpu.memory_space<semaphore_mem>> -> memref<1x!tpu.dma_semaphore, #tpu.memory_space<semaphore_mem>>
    %dma_wait3A_932 = tpu.memref_squeeze %dma_wait3A_931 : memref<1x!tpu.dma_semaphore, #tpu.memory_space<semaphore_mem>> -> memref<!tpu.dma_semaphore, #tpu.memory_space<semaphore_mem>>
    tpu.wait_indirect_dma semaphore(%dma_wait3A_932 : memref<!tpu.dma_semaphore, #tpu.memory_space<semaphore_mem>>) src(%dma_wait3A_930 : memref<6144x6272xf32, #tpu.memory_space<hbm>>) dst(%arg8 : memref<8x6272xf32, #tpu.memory_space<vmem>>)
    %add3A_933 = arith.constant 18 : i32
    %add3A_934 = arith.addi %mul3A_34, %add3A_933 : i32
    %mul3A_935 = arith.constant 8 : i32
    %mul3A_936 = arith.muli %add3A_934, %mul3A_935 : i32
    %dma_start3A_937 = arith.constant 0 : i32
    %dma_start3A_938 = arith.constant 0 : i32
    %dma_start3A_939 = tpu.memref_slice %arg4[%mul3A_936, %dma_start3A_938] : memref<6144x6272xf32, #tpu.memory_space<hbm>> -> memref<8x6272xf32, #tpu.memory_space<hbm>>
    %dma_start3A_940 = tpu.memref_slice %arg11[%dma_start3A_937] : memref<2x!tpu.dma_semaphore, #tpu.memory_space<semaphore_mem>> -> memref<1x!tpu.dma_semaphore, #tpu.memory_space<semaphore_mem>>
    %dma_start3A_941 = tpu.memref_squeeze %dma_start3A_940 : memref<1x!tpu.dma_semaphore, #tpu.memory_space<semaphore_mem>> -> memref<!tpu.dma_semaphore, #tpu.memory_space<semaphore_mem>>
    %dma_start3A_942 = arith.constant 0 : i32
    %dma_start3A_943 = tpu.memref_slice %arg4[%mul3A_936, %dma_start3A_942] : memref<6144x6272xf32, #tpu.memory_space<hbm>> -> memref<8x6272xf32, #tpu.memory_space<hbm>>
    tpu.enqueue_dma source(%arg8 : memref<8x6272xf32, #tpu.memory_space<vmem>>) target(%dma_start3A_943 : memref<8x6272xf32, #tpu.memory_space<hbm>>) target_semaphore(%dma_start3A_941 : memref<!tpu.dma_semaphore, #tpu.memory_space<semaphore_mem>>)
    %add3A_944 = arith.constant 18 : i32
    %add3A_945 = arith.addi %mul3A_34, %add3A_944 : i32
    %mul3A_946 = arith.constant 8 : i32
    %mul3A_947 = arith.muli %add3A_945, %mul3A_946 : i32
    %dma_wait3A_948 = arith.constant 0 : i32
    %dma_wait3A_949 = arith.constant 0 : i32
    %dma_wait3A_950 = tpu.memref_slice %arg4[%mul3A_947, %dma_wait3A_949] : memref<6144x6272xf32, #tpu.memory_space<hbm>> -> memref<8x6272xf32, #tpu.memory_space<hbm>>
    %dma_wait3A_951 = tpu.memref_slice %arg11[%dma_wait3A_948] : memref<2x!tpu.dma_semaphore, #tpu.memory_space<semaphore_mem>> -> memref<1x!tpu.dma_semaphore, #tpu.memory_space<semaphore_mem>>
    %dma_wait3A_952 = tpu.memref_squeeze %dma_wait3A_951 : memref<1x!tpu.dma_semaphore, #tpu.memory_space<semaphore_mem>> -> memref<!tpu.dma_semaphore, #tpu.memory_space<semaphore_mem>>
    %dma_wait3A_953 = arith.constant 0 : i32
    %dma_wait3A_954 = tpu.memref_slice %arg4[%mul3A_947, %dma_wait3A_953] : memref<6144x6272xf32, #tpu.memory_space<hbm>> -> memref<8x6272xf32, #tpu.memory_space<hbm>>
    tpu.wait_dma2 semaphore(%dma_wait3A_952 : memref<!tpu.dma_semaphore, #tpu.memory_space<semaphore_mem>>) src(%arg8 : memref<8x6272xf32, #tpu.memory_space<vmem>>) dst(%dma_wait3A_954 : memref<8x6272xf32, #tpu.memory_space<hbm>>)
    %slice3A_955 = vector.extract_strided_slice %add3A_47 {offsets = [12], sizes = [1], strides = [1]} : vector<16xi32> to vector<1xi32>
    %squeeze3A_956 = vector.extract %slice3A_955[0] : i32 from vector<1xi32>
    %mul3A_957 = arith.constant 8 : i32
    %mul3A_958 = arith.muli %squeeze3A_956, %mul3A_957 : i32
    %slice3A_959 = vector.extract_strided_slice %add3A_47 {offsets = [13], sizes = [1], strides = [1]} : vector<16xi32> to vector<1xi32>
    %squeeze3A_960 = vector.extract %slice3A_959[0] : i32 from vector<1xi32>
    %mul3A_961 = arith.constant 8 : i32
    %mul3A_962 = arith.muli %squeeze3A_960, %mul3A_961 : i32
    %sub3A_963 = arith.constant 8 : i32
    %sub3A_964 = arith.subi %mul3A_962, %sub3A_963 : i32
    %broadcast_in_dim3A_965 = vector.broadcast %mul3A_958 : i32 to vector<16xi32>
    %broadcast_in_dim3A_966 = vector.broadcast %sub3A_964 : i32 to vector<16xi32>
    %select_n3A_967 = arith.select %lt3A_50, %broadcast_in_dim3A_965, %broadcast_in_dim3A_966 : vector<16xi1>, vector<16xi32>
    %add3A_968 = arith.addi %select_n3A_967, %iota3A : vector<16xi32>
    %swap3A_969 = arith.constant 0 : index
    %swap3A_970 = tpu.vector_load %arg6[%swap3A_969] {strides = array<i32>} : memref<16xi32, #tpu.memory_space<vmem>>, vector<16xi32>,
    %swap3A_971 = vector.shape_cast %swap3A_970 : vector<16xi32> to vector<16xi32>
    %swap3A_972 = vector.shape_cast %add3A_968 : vector<16xi32> to vector<16xi32>
    tpu.vector_store %arg6[%swap3A_969], %swap3A_972 {strides = array<i32>} : memref<16xi32, #tpu.memory_space<vmem>>, vector<16xi32>,
    %dma_start3A_973 = arith.constant 0 : i32
    %dma_start3A_974 = arith.constant 0 : i32
    %dma_start3A_975 = tpu.memref_slice %arg6[%dma_start3A_974] : memref<16xi32, #tpu.memory_space<vmem>> -> memref<8xi32, #tpu.memory_space<vmem>>
    %dma_start3A_976 = arith.constant 0 : i32
    %dma_start3A_977 = arith.constant 0 : i32
    %dma_start3A_978 = tpu.memref_slice %arg2[%dma_start3A_976, %dma_start3A_977] : memref<6144x6272xf32, #tpu.memory_space<hbm>> -> memref<6144x6272xf32, #tpu.memory_space<hbm>>
    %dma_start3A_979 = tpu.memref_slice %arg10[%dma_start3A_973] : memref<2x!tpu.dma_semaphore, #tpu.memory_space<semaphore_mem>> -> memref<1x!tpu.dma_semaphore, #tpu.memory_space<semaphore_mem>>
    %dma_start3A_980 = tpu.memref_squeeze %dma_start3A_979 : memref<1x!tpu.dma_semaphore, #tpu.memory_space<semaphore_mem>> -> memref<!tpu.dma_semaphore, #tpu.memory_space<semaphore_mem>>
    tpu.enqueue_indirect_dma source(%dma_start3A_978 : memref<6144x6272xf32, #tpu.memory_space<hbm>>) target(%arg8 : memref<8x6272xf32, #tpu.memory_space<vmem>>) offsets(%dma_start3A_975 : memref<8xi32, #tpu.memory_space<vmem>>) semaphore(%dma_start3A_980 : memref<!tpu.dma_semaphore, #tpu.memory_space<semaphore_mem>>)
    %dma_wait3A_981 = arith.constant 1 : i32
    %dma_wait3A_982 = arith.constant 8 : i32
    %dma_wait3A_983 = tpu.memref_slice %arg7[%dma_wait3A_982] : memref<16xi32, #tpu.memory_space<vmem>> -> memref<8xi32, #tpu.memory_space<vmem>>
    %dma_wait3A_984 = arith.constant 0 : i32
    %dma_wait3A_985 = arith.constant 0 : i32
    %dma_wait3A_986 = tpu.memref_slice %arg2[%dma_wait3A_984, %dma_wait3A_985] : memref<6144x6272xf32, #tpu.memory_space<hbm>> -> memref<6144x6272xf32, #tpu.memory_space<hbm>>
    %dma_wait3A_987 = tpu.memref_slice %arg10[%dma_wait3A_981] : memref<2x!tpu.dma_semaphore, #tpu.memory_space<semaphore_mem>> -> memref<1x!tpu.dma_semaphore, #tpu.memory_space<semaphore_mem>>
    %dma_wait3A_988 = tpu.memref_squeeze %dma_wait3A_987 : memref<1x!tpu.dma_semaphore, #tpu.memory_space<semaphore_mem>> -> memref<!tpu.dma_semaphore, #tpu.memory_space<semaphore_mem>>
    tpu.wait_indirect_dma semaphore(%dma_wait3A_988 : memref<!tpu.dma_semaphore, #tpu.memory_space<semaphore_mem>>) src(%dma_wait3A_986 : memref<6144x6272xf32, #tpu.memory_space<hbm>>) dst(%arg9 : memref<8x6272xf32, #tpu.memory_space<vmem>>)
    %add3A_989 = arith.constant 19 : i32
    %add3A_990 = arith.addi %mul3A_34, %add3A_989 : i32
    %mul3A_991 = arith.constant 8 : i32
    %mul3A_992 = arith.muli %add3A_990, %mul3A_991 : i32
    %dma_start3A_993 = arith.constant 1 : i32
    %dma_start3A_994 = arith.constant 0 : i32
    %dma_start3A_995 = tpu.memref_slice %arg4[%mul3A_992, %dma_start3A_994] : memref<6144x6272xf32, #tpu.memory_space<hbm>> -> memref<8x6272xf32, #tpu.memory_space<hbm>>
    %dma_start3A_996 = tpu.memref_slice %arg11[%dma_start3A_993] : memref<2x!tpu.dma_semaphore, #tpu.memory_space<semaphore_mem>> -> memref<1x!tpu.dma_semaphore, #tpu.memory_space<semaphore_mem>>
    %dma_start3A_997 = tpu.memref_squeeze %dma_start3A_996 : memref<1x!tpu.dma_semaphore, #tpu.memory_space<semaphore_mem>> -> memref<!tpu.dma_semaphore, #tpu.memory_space<semaphore_mem>>
    %dma_start3A_998 = arith.constant 0 : i32
    %dma_start3A_999 = tpu.memref_slice %arg4[%mul3A_992, %dma_start3A_998] : memref<6144x6272xf32, #tpu.memory_space<hbm>> -> memref<8x6272xf32, #tpu.memory_space<hbm>>
    tpu.enqueue_dma source(%arg9 : memref<8x6272xf32, #tpu.memory_space<vmem>>) target(%dma_start3A_999 : memref<8x6272xf32, #tpu.memory_space<hbm>>) target_semaphore(%dma_start3A_997 : memref<!tpu.dma_semaphore, #tpu.memory_space<semaphore_mem>>)
    %add3A_1000 = arith.constant 19 : i32
    %add3A_1001 = arith.addi %mul3A_34, %add3A_1000 : i32
    %mul3A_1002 = arith.constant 8 : i32
    %mul3A_1003 = arith.muli %add3A_1001, %mul3A_1002 : i32
    %dma_wait3A_1004 = arith.constant 1 : i32
    %dma_wait3A_1005 = arith.constant 0 : i32
    %dma_wait3A_1006 = tpu.memref_slice %arg4[%mul3A_1003, %dma_wait3A_1005] : memref<6144x6272xf32, #tpu.memory_space<hbm>> -> memref<8x6272xf32, #tpu.memory_space<hbm>>
    %dma_wait3A_1007 = tpu.memref_slice %arg11[%dma_wait3A_1004] : memref<2x!tpu.dma_semaphore, #tpu.memory_space<semaphore_mem>> -> memref<1x!tpu.dma_semaphore, #tpu.memory_space<semaphore_mem>>
    %dma_wait3A_1008 = tpu.memref_squeeze %dma_wait3A_1007 : memref<1x!tpu.dma_semaphore, #tpu.memory_space<semaphore_mem>> -> memref<!tpu.dma_semaphore, #tpu.memory_space<semaphore_mem>>
    %dma_wait3A_1009 = arith.constant 0 : i32
    %dma_wait3A_1010 = tpu.memref_slice %arg4[%mul3A_1003, %dma_wait3A_1009] : memref<6144x6272xf32, #tpu.memory_space<hbm>> -> memref<8x6272xf32, #tpu.memory_space<hbm>>
    tpu.wait_dma2 semaphore(%dma_wait3A_1008 : memref<!tpu.dma_semaphore, #tpu.memory_space<semaphore_mem>>) src(%arg9 : memref<8x6272xf32, #tpu.memory_space<vmem>>) dst(%dma_wait3A_1010 : memref<8x6272xf32, #tpu.memory_space<hbm>>)
    %dma_start3A_1011 = arith.constant 1 : i32
    %dma_start3A_1012 = arith.constant 8 : i32
    %dma_start3A_1013 = tpu.memref_slice %arg6[%dma_start3A_1012] : memref<16xi32, #tpu.memory_space<vmem>> -> memref<8xi32, #tpu.memory_space<vmem>>
    %dma_start3A_1014 = arith.constant 0 : i32
    %dma_start3A_1015 = arith.constant 0 : i32
    %dma_start3A_1016 = tpu.memref_slice %arg2[%dma_start3A_1014, %dma_start3A_1015] : memref<6144x6272xf32, #tpu.memory_space<hbm>> -> memref<6144x6272xf32, #tpu.memory_space<hbm>>
    %dma_start3A_1017 = tpu.memref_slice %arg10[%dma_start3A_1011] : memref<2x!tpu.dma_semaphore, #tpu.memory_space<semaphore_mem>> -> memref<1x!tpu.dma_semaphore, #tpu.memory_space<semaphore_mem>>
    %dma_start3A_1018 = tpu.memref_squeeze %dma_start3A_1017 : memref<1x!tpu.dma_semaphore, #tpu.memory_space<semaphore_mem>> -> memref<!tpu.dma_semaphore, #tpu.memory_space<semaphore_mem>>
    tpu.enqueue_indirect_dma source(%dma_start3A_1016 : memref<6144x6272xf32, #tpu.memory_space<hbm>>) target(%arg9 : memref<8x6272xf32, #tpu.memory_space<vmem>>) offsets(%dma_start3A_1013 : memref<8xi32, #tpu.memory_space<vmem>>) semaphore(%dma_start3A_1018 : memref<!tpu.dma_semaphore, #tpu.memory_space<semaphore_mem>>)
    %dma_wait3A_1019 = arith.constant 0 : i32
    %dma_wait3A_1020 = arith.constant 0 : i32
    %dma_wait3A_1021 = tpu.memref_slice %arg6[%dma_wait3A_1020] : memref<16xi32, #tpu.memory_space<vmem>> -> memref<8xi32, #tpu.memory_space<vmem>>
    %dma_wait3A_1022 = arith.constant 0 : i32
    %dma_wait3A_1023 = arith.constant 0 : i32
    %dma_wait3A_1024 = tpu.memref_slice %arg2[%dma_wait3A_1022, %dma_wait3A_1023] : memref<6144x6272xf32, #tpu.memory_space<hbm>> -> memref<6144x6272xf32, #tpu.memory_space<hbm>>
    %dma_wait3A_1025 = tpu.memref_slice %arg10[%dma_wait3A_1019] : memref<2x!tpu.dma_semaphore, #tpu.memory_space<semaphore_mem>> -> memref<1x!tpu.dma_semaphore, #tpu.memory_space<semaphore_mem>>
    %dma_wait3A_1026 = tpu.memref_squeeze %dma_wait3A_1025 : memref<1x!tpu.dma_semaphore, #tpu.memory_space<semaphore_mem>> -> memref<!tpu.dma_semaphore, #tpu.memory_space<semaphore_mem>>
    tpu.wait_indirect_dma semaphore(%dma_wait3A_1026 : memref<!tpu.dma_semaphore, #tpu.memory_space<semaphore_mem>>) src(%dma_wait3A_1024 : memref<6144x6272xf32, #tpu.memory_space<hbm>>) dst(%arg8 : memref<8x6272xf32, #tpu.memory_space<vmem>>)
    %add3A_1027 = arith.constant 20 : i32
    %add3A_1028 = arith.addi %mul3A_34, %add3A_1027 : i32
    %mul3A_1029 = arith.constant 8 : i32
    %mul3A_1030 = arith.muli %add3A_1028, %mul3A_1029 : i32
    %dma_start3A_1031 = arith.constant 0 : i32
    %dma_start3A_1032 = arith.constant 0 : i32
    %dma_start3A_1033 = tpu.memref_slice %arg4[%mul3A_1030, %dma_start3A_1032] : memref<6144x6272xf32, #tpu.memory_space<hbm>> -> memref<8x6272xf32, #tpu.memory_space<hbm>>
    %dma_start3A_1034 = tpu.memref_slice %arg11[%dma_start3A_1031] : memref<2x!tpu.dma_semaphore, #tpu.memory_space<semaphore_mem>> -> memref<1x!tpu.dma_semaphore, #tpu.memory_space<semaphore_mem>>
    %dma_start3A_1035 = tpu.memref_squeeze %dma_start3A_1034 : memref<1x!tpu.dma_semaphore, #tpu.memory_space<semaphore_mem>> -> memref<!tpu.dma_semaphore, #tpu.memory_space<semaphore_mem>>
    %dma_start3A_1036 = arith.constant 0 : i32
    %dma_start3A_1037 = tpu.memref_slice %arg4[%mul3A_1030, %dma_start3A_1036] : memref<6144x6272xf32, #tpu.memory_space<hbm>> -> memref<8x6272xf32, #tpu.memory_space<hbm>>
    tpu.enqueue_dma source(%arg8 : memref<8x6272xf32, #tpu.memory_space<vmem>>) target(%dma_start3A_1037 : memref<8x6272xf32, #tpu.memory_space<hbm>>) target_semaphore(%dma_start3A_1035 : memref<!tpu.dma_semaphore, #tpu.memory_space<semaphore_mem>>)
    %add3A_1038 = arith.constant 20 : i32
    %add3A_1039 = arith.addi %mul3A_34, %add3A_1038 : i32
    %mul3A_1040 = arith.constant 8 : i32
    %mul3A_1041 = arith.muli %add3A_1039, %mul3A_1040 : i32
    %dma_wait3A_1042 = arith.constant 0 : i32
    %dma_wait3A_1043 = arith.constant 0 : i32
    %dma_wait3A_1044 = tpu.memref_slice %arg4[%mul3A_1041, %dma_wait3A_1043] : memref<6144x6272xf32, #tpu.memory_space<hbm>> -> memref<8x6272xf32, #tpu.memory_space<hbm>>
    %dma_wait3A_1045 = tpu.memref_slice %arg11[%dma_wait3A_1042] : memref<2x!tpu.dma_semaphore, #tpu.memory_space<semaphore_mem>> -> memref<1x!tpu.dma_semaphore, #tpu.memory_space<semaphore_mem>>
    %dma_wait3A_1046 = tpu.memref_squeeze %dma_wait3A_1045 : memref<1x!tpu.dma_semaphore, #tpu.memory_space<semaphore_mem>> -> memref<!tpu.dma_semaphore, #tpu.memory_space<semaphore_mem>>
    %dma_wait3A_1047 = arith.constant 0 : i32
    %dma_wait3A_1048 = tpu.memref_slice %arg4[%mul3A_1041, %dma_wait3A_1047] : memref<6144x6272xf32, #tpu.memory_space<hbm>> -> memref<8x6272xf32, #tpu.memory_space<hbm>>
    tpu.wait_dma2 semaphore(%dma_wait3A_1046 : memref<!tpu.dma_semaphore, #tpu.memory_space<semaphore_mem>>) src(%arg8 : memref<8x6272xf32, #tpu.memory_space<vmem>>) dst(%dma_wait3A_1048 : memref<8x6272xf32, #tpu.memory_space<hbm>>)
    %slice3A_1049 = vector.extract_strided_slice %add3A_47 {offsets = [14], sizes = [1], strides = [1]} : vector<16xi32> to vector<1xi32>
    %squeeze3A_1050 = vector.extract %slice3A_1049[0] : i32 from vector<1xi32>
    %mul3A_1051 = arith.constant 8 : i32
    %mul3A_1052 = arith.muli %squeeze3A_1050, %mul3A_1051 : i32
    %slice3A_1053 = vector.extract_strided_slice %add3A_47 {offsets = [15], sizes = [1], strides = [1]} : vector<16xi32> to vector<1xi32>
    %squeeze3A_1054 = vector.extract %slice3A_1053[0] : i32 from vector<1xi32>
    %mul3A_1055 = arith.constant 8 : i32
    %mul3A_1056 = arith.muli %squeeze3A_1054, %mul3A_1055 : i32
    %sub3A_1057 = arith.constant 8 : i32
    %sub3A_1058 = arith.subi %mul3A_1056, %sub3A_1057 : i32
    %broadcast_in_dim3A_1059 = vector.broadcast %mul3A_1052 : i32 to vector<16xi32>
    %broadcast_in_dim3A_1060 = vector.broadcast %sub3A_1058 : i32 to vector<16xi32>
    %select_n3A_1061 = arith.select %lt3A_50, %broadcast_in_dim3A_1059, %broadcast_in_dim3A_1060 : vector<16xi1>, vector<16xi32>
    %add3A_1062 = arith.addi %select_n3A_1061, %iota3A : vector<16xi32>
    %swap3A_1063 = arith.constant 0 : index
    %swap3A_1064 = tpu.vector_load %arg7[%swap3A_1063] {strides = array<i32>} : memref<16xi32, #tpu.memory_space<vmem>>, vector<16xi32>,
    %swap3A_1065 = vector.shape_cast %swap3A_1064 : vector<16xi32> to vector<16xi32>
    %swap3A_1066 = vector.shape_cast %add3A_1062 : vector<16xi32> to vector<16xi32>
    tpu.vector_store %arg7[%swap3A_1063], %swap3A_1066 {strides = array<i32>} : memref<16xi32, #tpu.memory_space<vmem>>, vector<16xi32>,
    %dma_start3A_1067 = arith.constant 0 : i32
    %dma_start3A_1068 = arith.constant 0 : i32
    %dma_start3A_1069 = tpu.memref_slice %arg7[%dma_start3A_1068] : memref<16xi32, #tpu.memory_space<vmem>> -> memref<8xi32, #tpu.memory_space<vmem>>
    %dma_start3A_1070 = arith.constant 0 : i32
    %dma_start3A_1071 = arith.constant 0 : i32
    %dma_start3A_1072 = tpu.memref_slice %arg2[%dma_start3A_1070, %dma_start3A_1071] : memref<6144x6272xf32, #tpu.memory_space<hbm>> -> memref<6144x6272xf32, #tpu.memory_space<hbm>>
    %dma_start3A_1073 = tpu.memref_slice %arg10[%dma_start3A_1067] : memref<2x!tpu.dma_semaphore, #tpu.memory_space<semaphore_mem>> -> memref<1x!tpu.dma_semaphore, #tpu.memory_space<semaphore_mem>>
    %dma_start3A_1074 = tpu.memref_squeeze %dma_start3A_1073 : memref<1x!tpu.dma_semaphore, #tpu.memory_space<semaphore_mem>> -> memref<!tpu.dma_semaphore, #tpu.memory_space<semaphore_mem>>
    tpu.enqueue_indirect_dma source(%dma_start3A_1072 : memref<6144x6272xf32, #tpu.memory_space<hbm>>) target(%arg8 : memref<8x6272xf32, #tpu.memory_space<vmem>>) offsets(%dma_start3A_1069 : memref<8xi32, #tpu.memory_space<vmem>>) semaphore(%dma_start3A_1074 : memref<!tpu.dma_semaphore, #tpu.memory_space<semaphore_mem>>)
    %dma_wait3A_1075 = arith.constant 1 : i32
    %dma_wait3A_1076 = arith.constant 8 : i32
    %dma_wait3A_1077 = tpu.memref_slice %arg6[%dma_wait3A_1076] : memref<16xi32, #tpu.memory_space<vmem>> -> memref<8xi32, #tpu.memory_space<vmem>>
    %dma_wait3A_1078 = arith.constant 0 : i32
    %dma_wait3A_1079 = arith.constant 0 : i32
    %dma_wait3A_1080 = tpu.memref_slice %arg2[%dma_wait3A_1078, %dma_wait3A_1079] : memref<6144x6272xf32, #tpu.memory_space<hbm>> -> memref<6144x6272xf32, #tpu.memory_space<hbm>>
    %dma_wait3A_1081 = tpu.memref_slice %arg10[%dma_wait3A_1075] : memref<2x!tpu.dma_semaphore, #tpu.memory_space<semaphore_mem>> -> memref<1x!tpu.dma_semaphore, #tpu.memory_space<semaphore_mem>>
    %dma_wait3A_1082 = tpu.memref_squeeze %dma_wait3A_1081 : memref<1x!tpu.dma_semaphore, #tpu.memory_space<semaphore_mem>> -> memref<!tpu.dma_semaphore, #tpu.memory_space<semaphore_mem>>
    tpu.wait_indirect_dma semaphore(%dma_wait3A_1082 : memref<!tpu.dma_semaphore, #tpu.memory_space<semaphore_mem>>) src(%dma_wait3A_1080 : memref<6144x6272xf32, #tpu.memory_space<hbm>>) dst(%arg9 : memref<8x6272xf32, #tpu.memory_space<vmem>>)
    %add3A_1083 = arith.constant 21 : i32
    %add3A_1084 = arith.addi %mul3A_34, %add3A_1083 : i32
    %mul3A_1085 = arith.constant 8 : i32
    %mul3A_1086 = arith.muli %add3A_1084, %mul3A_1085 : i32
    %dma_start3A_1087 = arith.constant 1 : i32
    %dma_start3A_1088 = arith.constant 0 : i32
    %dma_start3A_1089 = tpu.memref_slice %arg4[%mul3A_1086, %dma_start3A_1088] : memref<6144x6272xf32, #tpu.memory_space<hbm>> -> memref<8x6272xf32, #tpu.memory_space<hbm>>
    %dma_start3A_1090 = tpu.memref_slice %arg11[%dma_start3A_1087] : memref<2x!tpu.dma_semaphore, #tpu.memory_space<semaphore_mem>> -> memref<1x!tpu.dma_semaphore, #tpu.memory_space<semaphore_mem>>
    %dma_start3A_1091 = tpu.memref_squeeze %dma_start3A_1090 : memref<1x!tpu.dma_semaphore, #tpu.memory_space<semaphore_mem>> -> memref<!tpu.dma_semaphore, #tpu.memory_space<semaphore_mem>>
    %dma_start3A_1092 = arith.constant 0 : i32
    %dma_start3A_1093 = tpu.memref_slice %arg4[%mul3A_1086, %dma_start3A_1092] : memref<6144x6272xf32, #tpu.memory_space<hbm>> -> memref<8x6272xf32, #tpu.memory_space<hbm>>
    tpu.enqueue_dma source(%arg9 : memref<8x6272xf32, #tpu.memory_space<vmem>>) target(%dma_start3A_1093 : memref<8x6272xf32, #tpu.memory_space<hbm>>) target_semaphore(%dma_start3A_1091 : memref<!tpu.dma_semaphore, #tpu.memory_space<semaphore_mem>>)
    %add3A_1094 = arith.constant 21 : i32
    %add3A_1095 = arith.addi %mul3A_34, %add3A_1094 : i32
    %mul3A_1096 = arith.constant 8 : i32
    %mul3A_1097 = arith.muli %add3A_1095, %mul3A_1096 : i32
    %dma_wait3A_1098 = arith.constant 1 : i32
    %dma_wait3A_1099 = arith.constant 0 : i32
    %dma_wait3A_1100 = tpu.memref_slice %arg4[%mul3A_1097, %dma_wait3A_1099] : memref<6144x6272xf32, #tpu.memory_space<hbm>> -> memref<8x6272xf32, #tpu.memory_space<hbm>>
    %dma_wait3A_1101 = tpu.memref_slice %arg11[%dma_wait3A_1098] : memref<2x!tpu.dma_semaphore, #tpu.memory_space<semaphore_mem>> -> memref<1x!tpu.dma_semaphore, #tpu.memory_space<semaphore_mem>>
    %dma_wait3A_1102 = tpu.memref_squeeze %dma_wait3A_1101 : memref<1x!tpu.dma_semaphore, #tpu.memory_space<semaphore_mem>> -> memref<!tpu.dma_semaphore, #tpu.memory_space<semaphore_mem>>
    %dma_wait3A_1103 = arith.constant 0 : i32
    %dma_wait3A_1104 = tpu.memref_slice %arg4[%mul3A_1097, %dma_wait3A_1103] : memref<6144x6272xf32, #tpu.memory_space<hbm>> -> memref<8x6272xf32, #tpu.memory_space<hbm>>
    tpu.wait_dma2 semaphore(%dma_wait3A_1102 : memref<!tpu.dma_semaphore, #tpu.memory_space<semaphore_mem>>) src(%arg9 : memref<8x6272xf32, #tpu.memory_space<vmem>>) dst(%dma_wait3A_1104 : memref<8x6272xf32, #tpu.memory_space<hbm>>)
    %dma_start3A_1105 = arith.constant 1 : i32
    %dma_start3A_1106 = arith.constant 8 : i32
    %dma_start3A_1107 = tpu.memref_slice %arg7[%dma_start3A_1106] : memref<16xi32, #tpu.memory_space<vmem>> -> memref<8xi32, #tpu.memory_space<vmem>>
    %dma_start3A_1108 = arith.constant 0 : i32
    %dma_start3A_1109 = arith.constant 0 : i32
    %dma_start3A_1110 = tpu.memref_slice %arg2[%dma_start3A_1108, %dma_start3A_1109] : memref<6144x6272xf32, #tpu.memory_space<hbm>> -> memref<6144x6272xf32, #tpu.memory_space<hbm>>
    %dma_start3A_1111 = tpu.memref_slice %arg10[%dma_start3A_1105] : memref<2x!tpu.dma_semaphore, #tpu.memory_space<semaphore_mem>> -> memref<1x!tpu.dma_semaphore, #tpu.memory_space<semaphore_mem>>
    %dma_start3A_1112 = tpu.memref_squeeze %dma_start3A_1111 : memref<1x!tpu.dma_semaphore, #tpu.memory_space<semaphore_mem>> -> memref<!tpu.dma_semaphore, #tpu.memory_space<semaphore_mem>>
    tpu.enqueue_indirect_dma source(%dma_start3A_1110 : memref<6144x6272xf32, #tpu.memory_space<hbm>>) target(%arg9 : memref<8x6272xf32, #tpu.memory_space<vmem>>) offsets(%dma_start3A_1107 : memref<8xi32, #tpu.memory_space<vmem>>) semaphore(%dma_start3A_1112 : memref<!tpu.dma_semaphore, #tpu.memory_space<semaphore_mem>>)
    %dma_wait3A_1113 = arith.constant 0 : i32
    %dma_wait3A_1114 = arith.constant 0 : i32
    %dma_wait3A_1115 = tpu.memref_slice %arg7[%dma_wait3A_1114] : memref<16xi32, #tpu.memory_space<vmem>> -> memref<8xi32, #tpu.memory_space<vmem>>
    %dma_wait3A_1116 = arith.constant 0 : i32
    %dma_wait3A_1117 = arith.constant 0 : i32
    %dma_wait3A_1118 = tpu.memref_slice %arg2[%dma_wait3A_1116, %dma_wait3A_1117] : memref<6144x6272xf32, #tpu.memory_space<hbm>> -> memref<6144x6272xf32, #tpu.memory_space<hbm>>
    %dma_wait3A_1119 = tpu.memref_slice %arg10[%dma_wait3A_1113] : memref<2x!tpu.dma_semaphore, #tpu.memory_space<semaphore_mem>> -> memref<1x!tpu.dma_semaphore, #tpu.memory_space<semaphore_mem>>
    %dma_wait3A_1120 = tpu.memref_squeeze %dma_wait3A_1119 : memref<1x!tpu.dma_semaphore, #tpu.memory_space<semaphore_mem>> -> memref<!tpu.dma_semaphore, #tpu.memory_space<semaphore_mem>>
    tpu.wait_indirect_dma semaphore(%dma_wait3A_1120 : memref<!tpu.dma_semaphore, #tpu.memory_space<semaphore_mem>>) src(%dma_wait3A_1118 : memref<6144x6272xf32, #tpu.memory_space<hbm>>) dst(%arg8 : memref<8x6272xf32, #tpu.memory_space<vmem>>)
    %add3A_1121 = arith.constant 22 : i32
    %add3A_1122 = arith.addi %mul3A_34, %add3A_1121 : i32
    %mul3A_1123 = arith.constant 8 : i32
    %mul3A_1124 = arith.muli %add3A_1122, %mul3A_1123 : i32
    %dma_start3A_1125 = arith.constant 0 : i32
    %dma_start3A_1126 = arith.constant 0 : i32
    %dma_start3A_1127 = tpu.memref_slice %arg4[%mul3A_1124, %dma_start3A_1126] : memref<6144x6272xf32, #tpu.memory_space<hbm>> -> memref<8x6272xf32, #tpu.memory_space<hbm>>
    %dma_start3A_1128 = tpu.memref_slice %arg11[%dma_start3A_1125] : memref<2x!tpu.dma_semaphore, #tpu.memory_space<semaphore_mem>> -> memref<1x!tpu.dma_semaphore, #tpu.memory_space<semaphore_mem>>
    %dma_start3A_1129 = tpu.memref_squeeze %dma_start3A_1128 : memref<1x!tpu.dma_semaphore, #tpu.memory_space<semaphore_mem>> -> memref<!tpu.dma_semaphore, #tpu.memory_space<semaphore_mem>>
    %dma_start3A_1130 = arith.constant 0 : i32
    %dma_start3A_1131 = tpu.memref_slice %arg4[%mul3A_1124, %dma_start3A_1130] : memref<6144x6272xf32, #tpu.memory_space<hbm>> -> memref<8x6272xf32, #tpu.memory_space<hbm>>
    tpu.enqueue_dma source(%arg8 : memref<8x6272xf32, #tpu.memory_space<vmem>>) target(%dma_start3A_1131 : memref<8x6272xf32, #tpu.memory_space<hbm>>) target_semaphore(%dma_start3A_1129 : memref<!tpu.dma_semaphore, #tpu.memory_space<semaphore_mem>>)
    %dma_wait3A_1132 = arith.constant 1 : i32
    %dma_wait3A_1133 = arith.constant 8 : i32
    %dma_wait3A_1134 = tpu.memref_slice %arg7[%dma_wait3A_1133] : memref<16xi32, #tpu.memory_space<vmem>> -> memref<8xi32, #tpu.memory_space<vmem>>
    %dma_wait3A_1135 = arith.constant 0 : i32
    %dma_wait3A_1136 = arith.constant 0 : i32
    %dma_wait3A_1137 = tpu.memref_slice %arg2[%dma_wait3A_1135, %dma_wait3A_1136] : memref<6144x6272xf32, #tpu.memory_space<hbm>> -> memref<6144x6272xf32, #tpu.memory_space<hbm>>
    %dma_wait3A_1138 = tpu.memref_slice %arg10[%dma_wait3A_1132] : memref<2x!tpu.dma_semaphore, #tpu.memory_space<semaphore_mem>> -> memref<1x!tpu.dma_semaphore, #tpu.memory_space<semaphore_mem>>
    %dma_wait3A_1139 = tpu.memref_squeeze %dma_wait3A_1138 : memref<1x!tpu.dma_semaphore, #tpu.memory_space<semaphore_mem>> -> memref<!tpu.dma_semaphore, #tpu.memory_space<semaphore_mem>>
    tpu.wait_indirect_dma semaphore(%dma_wait3A_1139 : memref<!tpu.dma_semaphore, #tpu.memory_space<semaphore_mem>>) src(%dma_wait3A_1137 : memref<6144x6272xf32, #tpu.memory_space<hbm>>) dst(%arg9 : memref<8x6272xf32, #tpu.memory_space<vmem>>)
    %add3A_1140 = arith.constant 23 : i32
    %add3A_1141 = arith.addi %mul3A_34, %add3A_1140 : i32
    %mul3A_1142 = arith.constant 8 : i32
    %mul3A_1143 = arith.muli %add3A_1141, %mul3A_1142 : i32
    %dma_start3A_1144 = arith.constant 1 : i32
    %dma_start3A_1145 = arith.constant 0 : i32
    %dma_start3A_1146 = tpu.memref_slice %arg4[%mul3A_1143, %dma_start3A_1145] : memref<6144x6272xf32, #tpu.memory_space<hbm>> -> memref<8x6272xf32, #tpu.memory_space<hbm>>
    %dma_start3A_1147 = tpu.memref_slice %arg11[%dma_start3A_1144] : memref<2x!tpu.dma_semaphore, #tpu.memory_space<semaphore_mem>> -> memref<1x!tpu.dma_semaphore, #tpu.memory_space<semaphore_mem>>
    %dma_start3A_1148 = tpu.memref_squeeze %dma_start3A_1147 : memref<1x!tpu.dma_semaphore, #tpu.memory_space<semaphore_mem>> -> memref<!tpu.dma_semaphore, #tpu.memory_space<semaphore_mem>>
    %dma_start3A_1149 = arith.constant 0 : i32
    %dma_start3A_1150 = tpu.memref_slice %arg4[%mul3A_1143, %dma_start3A_1149] : memref<6144x6272xf32, #tpu.memory_space<hbm>> -> memref<8x6272xf32, #tpu.memory_space<hbm>>
    tpu.enqueue_dma source(%arg9 : memref<8x6272xf32, #tpu.memory_space<vmem>>) target(%dma_start3A_1150 : memref<8x6272xf32, #tpu.memory_space<hbm>>) target_semaphore(%dma_start3A_1148 : memref<!tpu.dma_semaphore, #tpu.memory_space<semaphore_mem>>)
    %add3A_1151 = arith.constant 22 : i32
    %add3A_1152 = arith.addi %mul3A_34, %add3A_1151 : i32
    %mul3A_1153 = arith.constant 8 : i32
    %mul3A_1154 = arith.muli %add3A_1152, %mul3A_1153 : i32
    %dma_wait3A_1155 = arith.constant 0 : i32
    %dma_wait3A_1156 = arith.constant 0 : i32
    %dma_wait3A_1157 = tpu.memref_slice %arg4[%mul3A_1154, %dma_wait3A_1156] : memref<6144x6272xf32, #tpu.memory_space<hbm>> -> memref<8x6272xf32, #tpu.memory_space<hbm>>
    %dma_wait3A_1158 = tpu.memref_slice %arg11[%dma_wait3A_1155] : memref<2x!tpu.dma_semaphore, #tpu.memory_space<semaphore_mem>> -> memref<1x!tpu.dma_semaphore, #tpu.memory_space<semaphore_mem>>
    %dma_wait3A_1159 = tpu.memref_squeeze %dma_wait3A_1158 : memref<1x!tpu.dma_semaphore, #tpu.memory_space<semaphore_mem>> -> memref<!tpu.dma_semaphore, #tpu.memory_space<semaphore_mem>>
    %dma_wait3A_1160 = arith.constant 0 : i32
    %dma_wait3A_1161 = tpu.memref_slice %arg4[%mul3A_1154, %dma_wait3A_1160] : memref<6144x6272xf32, #tpu.memory_space<hbm>> -> memref<8x6272xf32, #tpu.memory_space<hbm>>
    tpu.wait_dma2 semaphore(%dma_wait3A_1159 : memref<!tpu.dma_semaphore, #tpu.memory_space<semaphore_mem>>) src(%arg8 : memref<8x6272xf32, #tpu.memory_space<vmem>>) dst(%dma_wait3A_1161 : memref<8x6272xf32, #tpu.memory_space<hbm>>)
    %add3A_1162 = arith.constant 23 : i32
    %add3A_1163 = arith.addi %mul3A_34, %add3A_1162 : i32
    %mul3A_1164 = arith.constant 8 : i32
    %mul3A_1165 = arith.muli %add3A_1163, %mul3A_1164 : i32
    %dma_wait3A_1166 = arith.constant 1 : i32
    %dma_wait3A_1167 = arith.constant 0 : i32
    %dma_wait3A_1168 = tpu.memref_slice %arg4[%mul3A_1165, %dma_wait3A_1167] : memref<6144x6272xf32, #tpu.memory_space<hbm>> -> memref<8x6272xf32, #tpu.memory_space<hbm>>
    %dma_wait3A_1169 = tpu.memref_slice %arg11[%dma_wait3A_1166] : memref<2x!tpu.dma_semaphore, #tpu.memory_space<semaphore_mem>> -> memref<1x!tpu.dma_semaphore, #tpu.memory_space<semaphore_mem>>
    %dma_wait3A_1170 = tpu.memref_squeeze %dma_wait3A_1169 : memref<1x!tpu.dma_semaphore, #tpu.memory_space<semaphore_mem>> -> memref<!tpu.dma_semaphore, #tpu.memory_space<semaphore_mem>>
    %dma_wait3A_1171 = arith.constant 0 : i32
    %dma_wait3A_1172 = tpu.memref_slice %arg4[%mul3A_1165, %dma_wait3A_1171] : memref<6144x6272xf32, #tpu.memory_space<hbm>> -> memref<8x6272xf32, #tpu.memory_space<hbm>>
    tpu.wait_dma2 semaphore(%dma_wait3A_1170 : memref<!tpu.dma_semaphore, #tpu.memory_space<semaphore_mem>>) src(%arg9 : memref<8x6272xf32, #tpu.memory_space<vmem>>) dst(%dma_wait3A_1172 : memref<8x6272xf32, #tpu.memory_space<hbm>>)
    return
  }
}

</mosaic_0001>

<sc_bundles>
// kernel: kernel.3.cloned.1.call-start
scs
__scs_entry_jumppad:
0x0: {  	(pc) =	sbr.rel $0x88, $3  }
0x1: {  	(tag) =	ssettag $0x0;
	lr =	simm.s32 $0x1  }
0x2: {  	[smem:$0x3F9E] =	sst lr;
	_ =	strace $0xD0000000  }
0x3: {  	_ = 	snop  }
0x4: {  	_ = 	snop  }
0x5: {  	_ = 	snop  }
0x6: {  	_ = 	snop  }
0x7: {  	_ = 	snop  }
__scs_overlays_trampoline_lowered:
0x8: {  	[smem:$0x3FAD] =	sst s0  }
0x9: {  	[smem:$0x3FAE] =	sst s1  }
0xa: {  	[smem:$0x3FAF] =	sst s2  }
0xb: {  	[smem:$0x3FB0] =	sst s3  }
0xc: {  	[smem:$0x3FB1] =	sst s4  }
0xd: {  	[smem:$0x3FB2] =	sst s5  }
0xe: {  	[smem:$0x3FB3] =	sst s6  }
0xf: {  	[smem:$0x3FB4] =	sst s7  }
0x10: {  	[smem:$0x3FB5] =	sst s8  }
0x11: {  	[smem:$0x3FB6] =	sst s9;
	s0 =	simm.s32 @!p0 $0x0  }
0x12: {  	s1 =	sld [smem:$0x3F9C];
	s0 =	simm.s32 @p0 $0x1  }
0x13: {  	[smem:$0x3FB7] =	sst s0;
	s0 =	simm.s32 @!p1 $0x0  }
0x14: {  	s2 =	sld [smem:$0x3F9B];
	s0 =	simm.s32 @p1 $0x1  }
0x15: {  	[smem:$0x3FB8] =	sst s0;
	s0 =	simm.s32 @!p2 $0x0  }
0x16: {  	s3 =	sld [smem:$0x3FDB];
	s0 =	simm.s32 @p2 $0x1  }
0x17: {  	s4 =	simm.s32 $0x1BF5;
	[smem:$0x3FBA] =	sst s0  }
0x18: {  	s0 =	sld [smem:$0x3F9D];
	_ =	swait.ge [sflag:s4], $0x0  }
0x19: {  	s7 =	sld [smem:$0x3F9E]  }
0x1a: {  	s8 =	sadd.s32 $0xFFFFE003, lr  }
0x1b: {  	s9 =	sadd.s32 $0xFFFFFEF7, lr;
	s5 =	simm.s32 $0xFFFFFFFF;
	p2 =	slt.u32 s8, $0xFFFFF086  }
0x1c: {  	p1 =	slt.u32 s9, $0xF7A;
	s5 =	simm.s32 @!p2 $0x0  }
0x1d: {  	s5 =	simm.s32 @p1 $0x1;
	p0 =	seq.s32 s7, s2  }
0x1e: {  	s7 =	smul.u32 @!p0 $0xF7A, s2;
	p2 =	seq.s32 @!p0 s5, $0x0  }
0x1f: {  	s9 =	smul.u32 $0xF7A, s1;
	s8 =	simm.s32 @!p0 $0x1BF5;
	p2 =	por !p2, p0  }
0x20: {  	[sflag:s8] =	ssyncset.s32 @!p0 $0xFFFFF086;
	s6 =	sadd.s32 @!p0 s3, s7;
	s7 =	simm.s32 @!p0 $0x108  }
0x21: {  	s3 =	sadd.s32 s3, s9;
	s6 =	sadd.s32 @!p0 $0x88, s6;
	s7 =	simm.s32 @p2 $0x1082  }
0x22: {  	[simem:s7], [sflag:s8] =	dma.local @!p0 [hbm:s6], $0xF7A  }
0x23: {  	s9 =	sor.u32 $0xD0000000, s2;
	s6 =	simm.s32 $0x108;
	_ =	swait.ge @!p0 [sflag:s8], $0x0  }
0x24: {  	s3 =	sadd.s32 $0x88, s3;
	s6 =	simm.s32 @!p1 $0x1082;
	[sflag:s4] =	ssyncset.s32 $0xFFFFF086  }
0x25: {  	[simem:s6], [sflag:s4] =	dma.local [hbm:s3], $0xF7A  }
0x26: {  	[smem:$0x3F9E] =	sst s1;
	(tag) =	ssettag s2;
	_ =	strace s9  }
0x27: {  	s1 =	sld [smem:$0x3FAE]  }
0x28: {  	s2 =	sld [smem:$0x3FAF]  }
0x29: {  	s4 =	sld [smem:$0x3FB1]  }
0x2a: {  	p0 =	seq.s32 s5, $0x0;
	s5 =	sld [smem:$0x3FB2]  }
0x2b: {  	s6 =	sld [smem:$0x3FB3]  }
0x2c: {  	s7 =	sld [smem:$0x3FB4]  }
0x2d: {  	s3 =	simm.s32 $0x108;
	s8 =	sld [smem:$0x3FB5]  }
0x2e: {  	s3 =	simm.s32 @!p0 $0x1082;
	s9 =	sld [smem:$0x3FB6]  }
0x2f: {  	lr =	sadd.s32 s0, s3;
	s0 =	sld [smem:$0x3FAD]  }
0x30: {  	s3 =	sld [smem:$0x3FB0]  }
0x31: {  	[smem:$0x3FB9] =	sst s10  }
0x32: {  	s10 =	sld [smem:$0x3FB7];
	_ =	sdelay $0x3  }
0x33: {  	p0 =	seq.s32 s10, $0x1;
	s10 =	sld [smem:$0x3FB9];
	_ =	sdelay $0x3  }
0x34: {  	[smem:$0x3FB9] =	sst s10  }
0x35: {  	s10 =	sld [smem:$0x3FB8];
	_ =	sdelay $0x3  }
0x36: {  	p1 =	seq.s32 s10, $0x1;
	s10 =	sld [smem:$0x3FB9];
	_ =	sdelay $0x3  }
0x37: {  	[smem:$0x3FB9] =	sst s10  }
0x38: {  	s10 =	sld [smem:$0x3FBA]  }
0x39: {  	_ = 	snop;
	(pc) =	sbr.ind lr, $3  }
0x3a: {  	_ = 	snop  }
0x3b: {  	_ = 	snop  }
0x3c: {  	p2 =	seq.s32 s10, $0x1;
	s10 =	sld [smem:$0x3FB9]  }
0x3d: {  	_ =	shalt  }
0x3e: {  	_ =	shalt  }
0x3f: {  	_ =	shalt  }
0x40: {  	_ =	shalt  }
0x41: {  	_ =	shalt  }
0x42: {  	_ =	shalt  }
0x43: {  	_ =	shalt  }
0x44: {  	_ =	shalt  }
0x45: {  	_ =	shalt  }
0x46: {  	_ =	shalt  }
0x47: {  	_ =	shalt  }
0x48: {  	_ =	shalt  }
0x49: {  	_ =	shalt  }
0x4a: {  	_ =	shalt  }
0x4b: {  	_ =	shalt  }
0x4c: {  	_ =	shalt  }
0x4d: {  	_ =	shalt  }
0x4e: {  	_ =	shalt  }
0x4f: {  	_ =	shalt  }
0x50: {  	_ =	shalt  }
0x51: {  	_ =	shalt  }
0x52: {  	_ =	shalt  }
0x53: {  	_ =	shalt  }
0x54: {  	_ =	shalt  }
0x55: {  	_ =	shalt  }
0x56: {  	_ =	shalt  }
0x57: {  	_ =	shalt  }
0x58: {  	_ =	shalt  }
0x59: {  	_ =	shalt  }
0x5a: {  	_ =	shalt  }
0x5b: {  	_ =	shalt  }
0x5c: {  	_ =	shalt  }
0x5d: {  	_ =	shalt  }
0x5e: {  	_ =	shalt  }
0x5f: {  	_ =	shalt  }
0x60: {  	_ =	shalt  }
0x61: {  	_ =	shalt  }
0x62: {  	_ =	shalt  }
0x63: {  	_ =	shalt  }
0x64: {  	_ =	shalt  }
0x65: {  	_ =	shalt  }
0x66: {  	_ =	shalt  }
0x67: {  	_ =	shalt  }
0x68: {  	_ =	shalt  }
0x69: {  	_ =	shalt  }
0x6a: {  	_ =	shalt  }
0x6b: {  	_ =	shalt  }
0x6c: {  	_ =	shalt  }
0x6d: {  	_ =	shalt  }
0x6e: {  	_ =	shalt  }
0x6f: {  	_ =	shalt  }
0x70: {  	_ =	shalt  }
0x71: {  	_ =	shalt  }
0x72: {  	_ =	shalt  }
0x73: {  	_ =	shalt  }
0x74: {  	_ =	shalt  }
0x75: {  	_ =	shalt  }
0x76: {  	_ =	shalt  }
0x77: {  	_ =	shalt  }
0x78: {  	_ =	shalt  }
0x79: {  	_ =	shalt  }
0x7a: {  	_ =	shalt  }
0x7b: {  	_ =	shalt  }
0x7c: {  	_ =	shalt  }
0x7d: {  	_ =	shalt  }
0x7e: {  	_ =	shalt  }
0x7f: {  	_ =	shalt  }
0x80: {  	_ =	shalt  }
0x81: {  	_ =	shalt  }
0x82: {  	_ =	shalt  }
0x83: {  	_ =	shalt  }
0x84: {  	_ =	shalt  }
0x85: {  	_ =	shalt  }
0x86: {  	_ =	shalt  }
0x87: {  	_ =	shalt  }
.Lfunc_end0:
.L_simem_size_0:
called_computation_lowered:
.L_overlay_start_0:
0x88: {  	s2 =	sld [smem:$0x3FD9]  }
0x89: {  	s3 =	sld [smem:$0x3FFE];
	_ =	sdelay $0x1  }
0x8a: {  	s1 =	srdreg.scid  }
0x8b: {  	s0 =	sand.u32 $0x1, s1  }
0x8c: {  	s14 =	sshll.u32 s0, $0xA;
	s2 =	sadd.s32 s3, s2  }
0x8d: {  	s2 =	sadd.s32 s2, s14  }
0x8e: {  	[smem:$0x3FC5] =	sst s2  }
0x8f: {  	_ = 	snop  }
0x90: {  	s2 =	sld [smem:$0x3FD0];
	_ =	sdelay $0x2  }
0x91: {  	s4 =	simm.s32 $0xA;
	s5 =	simm.s32 $0x10;
	s15 =	sld [smem:$0x3FC7]  }
0x92: {  	[smem:s5], [sflag:s4] =	dma.local [hbm:s2], $0x1  }
0x93: {  	_ =	swait.eq [sflag:s4], $0x1  }
0x94: {  	[sflag:s4] =	ssyncset.done $0x0  }
0x95: {  	[sflag:s4] =	ssyncadd.s32 $0xFFFFFFFF  }
0x96: {  	s16 =	sld [smem:$0x10];
	(tm) =	ssettm $0x1  }
0x97: {  	s17 =	sld [smem:$0x3FFB];
	_ =	sdelay $0x3  }
0x98: {  	_ =	strace s17  }
0x99: {  	s4 =	sld [smem:$0x3FFC];
	_ =	sdelay $0x3  }
0x9a: {  	_ =	strace s4  }
0x9b: {  	s4 =	sld [smem:$0x3FFD];
	_ =	sdelay $0x3  }
0x9c: {  	_ =	strace s4  }
0x9d: {  	_ =	strace $0x8FFFFFFF  }
0x9e: {  	s18 =	sld [smem:$0x3FDB];
	_ =	sdelay $0x1  }
0x9f: {  	s19 =	simm.s32 $_scs_section_size  }
0xa0: {  	s6 =	simm.s32 $_size__tile_overlayer_lowered;
	s7 =	simm.s32 $_tile_overlayer_lowered  }
0xa1: {  	s22 =	simm.s32 $0x1BFF;
	s21 =	sshll.u32 s7, $0x1;
	s4 =	sadd.s32 s19, s18  }
0xa2: {  	s8 =	simm.s32 $0x0;
	s20 =	sshll.u32 s6, $0x1;
	s6 =	sadd.s32 s21, s4  }
0xa3: {  	[timem:s8], [sflag:s22] =	dma.local [hbm:s6], s20  }
0xa4: {  	_ =	swait.ge [sflag:s22], s20  }
0xa5: {  	s5 =	ssub.s32 $0x0, s20;
	[sflag:s22] =	ssyncset.done $0x0  }
0xa6: {  	[sflag:s22] =	ssyncadd.s32 s5;
	_ =	sdelay $0x1  }
0xa7: {  	s23 =	simm.s32 $0x1B8B  }
0xa8: {  	_ =	swait.ge [sflag:s23], $0x1  }
0xa9: {  	[sflag:s23] =	ssyncset.done $0x0  }
0xaa: {  	s25 =	simm.s32 $0x1B8E;
	s24 =	sld [smem:$0x3FFE];
	[sflag:s23] =	ssyncadd.s32 $0xFFFFFFFF  }
0xab: {  	s26 =	simm.s32 $execute0_lowered;
	[smem:$0x3FD2] =	sst s25  }
0xac: {  	s6 =	sshll.u32 s26, $0x1;
	_ =	strace $0x80000046;
	[dreg:$0x1] =	wrdreg $0xFFFFFFFF  }
0xad: {  	s28 =	simm.s32 $_size_execute0_lowered;
	s4 =	sadd.s32 s4, s6;
	[dreg:$0x0] =	wrdreg $0x0  }
0xae: {  	s6 =	sshll.u32 s28, $0x1;
	[dreg:$0x2] =	wrdreg s4  }
0xaf: {  	[dreg:$0x3] =	wrdreg s6  }
0xb0: {  	[dreg:$0x4] =	wrdreg $0xC0  }
0xb1: {  	_ =	task [dreg:s8], $0x5FFFF  }
0xb2: {  	[dreg:$0x1] =	wrdreg $0xFFFFFFFF  }
0xb3: {  	[dreg:$0x0] =	wrdreg $0x60  }
0xb4: {  	[dreg:$0x2] =	wrdreg s16  }
0xb5: {  	[dreg:$0x3] =	wrdreg s15  }
0xb6: {  	[dreg:$0x4] =	wrdreg s24  }
0xb7: {  	[dreg:$0x5] =	wrdreg $0x9  }
0xb8: {  	_ =	task.clear_ibuf [dreg:s8], $0x6FFFF;
	_ =	strace $0x90000046  }
0xb9: {  	s29 =	simm.s32 $0x9;
	_ =	strace $0x80000048  }
0xba: {  	_ =	swait.ge [sflag:s29], $0x1  }
0xbb: {  	[sflag:s29] =	ssyncadd.s32 $0xFFFFFFFF  }
0xbc: {  	_ =	strace $0x90000048  }
0xbd: {  	_ =	sfence  }
0xbe: {  	s30 =	sld [smem:$0x0];
	_ =	sdelay $0x2  }
0xbf: {  	s31 =	sshll.u32 s1, $0xD;
	s1 =	sshrl.u32 s1, $0x2  }
0xc0: {  	s3 =	sand.u32 $0x4000, s31;
	s1 =	sadd.s32 s1, s30  }
0xc1: {  	s0 =	sor.u32 s3, s0;
	s1 =	sshll.u32 s1, $0x11  }
0xc2: {  	s0 =	sor.u32 s1, s0  }
0xc3: {  	s0 =	sadd.s32 $0x8F2B, s0  }
0xc4: {  	[sflag:s0] =	ssyncadd.remote.s32 $0x1  }
0xc5: {  	_ =	sfence.sel $0xFFFF  }
0xc6: {  	[dreg:$0x0] =	wrdreg $0xFFFFFFFF;
	(pc) =	sbr.abs _section_cstart, $3  }
0xc7: {  	[dreg:$0x1] =	wrdreg $0xFFFFFFFF  }
0xc8: {  	_ =	task.clear_ibuf [dreg:s8], $0x2FFFF;
	_ =	strace $0x9FFFFFFF  }
0xc9: {  	(tm) =	ssettm $0x7FFFFFFF  }
tec
execute0_lowered:
.L_overlay_start_1:
0x0: {  	(tag) =	ssettag $0x1  }
0x1: {  	s30 =	rddreg [dreg:$0x0]  }
0x2: {  	s0 =	srdreg.scid;
	s5 =	rddreg [dreg:$0x1]  }
0x3: {  	s1 =	rddreg [dreg:$0x2];
	s3 =	stileid.u32  }
0x4: {  	s4 =	simm.s32 $0x1;
	s0 =	sand.u32 $0x1, s0;
	s22 =	sand.u32 $0x7, s3  }
0x5: {  	s24 =	sadd.s32 $0x100, s30;
	s2 =	sshll.u32 s0, $0x4;
	s23 =	smul.u32 $0x3, s22  }
0x6: {  	s25 =	sadd.s32 $0x200, s30;
	s11 =	sor.u32 s3, s2;
	s3 =	simm.s32 $0x0  }
0x7: {  	s26 =	sadd.s32 $0x300, s30;
	[smem:$0x7FF] =	sst s3;
	s5 =	sadd.s32 s5, s23  }
0x8: {  	s28 =	sadd.s32 $0x400, s30;
	_ =	strace $0x80000047;
	[dreg:$0x4] =	wrdreg s5  }
0x9: {  	s29 =	sadd.s32 $0x500, s30;
	p1 =	sne.s32 s22, $0x0;
	[dreg:$0x1e] =	wrdreg s24  }
0xa: {  	s0 =	ssub.s32 $0x2, s0;
	s22 =	sadd.s32 $0x800, s30;
	[dreg:$0x1f] =	wrdreg s25  }
0xb: {  	s7 =	sshrl.u32 s0, $0x1;
	s2 =	sadd.s32 $0x600, s1;
	[smem:$0x7E8] =	sst s26  }
0xc: {  	p0 =	seq.s32 s11, $0x0;
	s6 =	sshrl.u32 s11, $0x3;
	[smem:$0x7E9] =	sst s28  }
0xd: {  	s1 =	ssub.s32 s0, s7;
	s8 =	smul.u32 $0x126000, s11;
	[smem:$0x7EA] =	sst s29  }
0xe: {  	s9 =	smul.u32 $0x24C00, s11;
	s5 =	sadd.s32 $0x600, s30;
	[smem:$0x7ED] =	sst s22  }
0xf: {  	p0 =	por !p1, !p0;
	s28 =	sadd.s32 $0x900, s30;
	[smem:$0x7EB] =	sst s5  }
0x10: {  	p0 =	por !p0, !p0;
	s12 =	sadd.s32 s2, s9;
	[smem:$0x7EE] =	sst s28  }
0x11: {  	s10 =	sshrl.u32 s8, $0x3;
	s8 =	sadd.s32 $0x700, s30;
	[dreg:$0x5] =	wrdreg s12  }
0x12: {  	s28 =	sadd.s32 $0x1600, s30;
	s13 =	sadd.s32 s2, s10;
	[smem:$0x7EC] =	sst s8  }
0x13: {  	s4 =	simm.s32 @!p0 $0x0;
	[smem:$0x7FB] =	sst s28;
	s31 =	sadd.s32 $0x1880, s13  }
0x14: {  	s4 =	ssub.s32 s6, s4;
	s6 =	sadd.s32 $0x3100, s13;
	[dreg:$0x6] =	wrdreg s31  }
0x15: {  	s18 =	smul.u32 $0xC0, s11;
	s7 =	sadd.s32 $0x4980, s13;
	[dreg:$0x7] =	wrdreg s6  }
0x16: {  	s9 =	sadd.s32 $0x6200, s13;
	[dreg:$0x8] =	wrdreg s7  }
0x17: {  	s14 =	sshrl.u32 s18, $0x3;
	s10 =	sadd.s32 $0x7A80, s13;
	[dreg:$0x9] =	wrdreg s9  }
0x18: {  	s16 =	sadd.s32 $0x48, s18;
	s11 =	sadd.s32 $0x9300, s13;
	[dreg:$0xa] =	wrdreg s10  }
0x19: {  	s14 =	smul.u32 $0x1880, s14;
	s15 =	sadd.s32 $0xAB80, s13;
	[dreg:$0xb] =	wrdreg s11  }
0x1a: {  	s17 =	sshrl.u32 s16, $0x3;
	[dreg:$0xc] =	wrdreg s15;
	s31 =	sadd.s32 $0xA00, s30  }
0x1b: {  	s20 =	smul.u32 $0x1880, s17;
	s6 =	sadd.s32 $0xB00, s30;
	[smem:$0x7EF] =	sst s31  }
0x1c: {  	s21 =	sadd.s32 s2, s14;
	s11 =	sadd.s32 $0xC00, s30;
	[smem:$0x7F0] =	sst s6  }
0x1d: {  	s19 =	sadd.s32 $0xC400, s21;
	[smem:$0x7F1] =	sst s11  }
0x1e: {  	s24 =	sadd.s32 $0x68, s18;
	s14 =	sadd.s32 s2, s20;
	[dreg:$0xd] =	wrdreg s19  }
0x1f: {  	s16 =	sadd.s32 $0x78, s18;
	s25 =	sadd.s32 $0xF500, s21;
	[dreg:$0xe] =	wrdreg s14  }
0x20: {  	s0 =	smul.u32 $0xC0, s4;
	s29 =	sadd.s32 $0x12600, s21;
	[dreg:$0xf] =	wrdreg s25  }
0x21: {  	s15 =	sadd.s32 $0x58, s18;
	s5 =	sadd.s32 $0x15700, s21;
	[dreg:$0x11] =	wrdreg s29  }
0x22: {  	s4 =	sshrl.u32 s16, $0x3;
	s9 =	sadd.s32 $0x18800, s21;
	[dreg:$0x13] =	wrdreg s5  }
0x23: {  	s23 =	sshrl.u32 s15, $0x3;
	s12 =	sadd.s32 $0x1B900, s21;
	[dreg:$0x15] =	wrdreg s9  }
0x24: {  	s15 =	sshrl.u32 s24, $0x3;
	s24 =	sadd.s32 $0x1300, s30;
	[dreg:$0x17] =	wrdreg s12  }
0x25: {  	s20 =	sadd.s32 $0xA8, s18;
	s31 =	sadd.s32 $0x1800, s30;
	[smem:$0x7F8] =	sst s24  }
0x26: {  	s14 =	sshrl.u32 s20, $0x3;
	s20 =	sadd.s32 $0x1000, s30;
	[smem:$0x7FD] =	sst s31  }
0x27: {  	s17 =	smul.u32 $0x1880, s4;
	s25 =	sadd.s32 $0x1400, s30;
	[smem:$0x7F5] =	sst s20  }
0x28: {  	s13 =	smul.u32 $0x1880, s23;
	s29 =	sadd.s32 $0x1700, s30;
	[smem:$0x7F9] =	sst s25  }
0x29: {  	s15 =	smul.u32 $0x1880, s15;
	s17 =	sadd.s32 s2, s17;
	[smem:$0x7FC] =	sst s29  }
0x2a: {  	s26 =	sadd.s32 s2, s13;
	[dreg:$0x14] =	wrdreg s17  }
0x2b: {  	s8 =	sadd.s32 $0x98, s18;
	s15 =	sadd.s32 s2, s15;
	[dreg:$0x10] =	wrdreg s26  }
0x2c: {  	s19 =	sadd.s32 $0x88, s18;
	s13 =	sadd.s32 $0xD00, s30;
	[dreg:$0x12] =	wrdreg s15  }
0x2d: {  	s22 =	smul.u32 $0x1880, s14;
	s17 =	sadd.s32 $0xE00, s30;
	[smem:$0x7F2] =	sst s13  }
0x2e: {  	s7 =	sshrl.u32 s19, $0x3;
	s15 =	sadd.s32 $0x1EA00, s21;
	[smem:$0x7F3] =	sst s17  }
0x2f: {  	s19 =	sshrl.u32 s8, $0x3;
	s22 =	sadd.s32 s2, s22;
	[dreg:$0x19] =	wrdreg s15  }
0x30: {  	s16 =	smul.u32 $0x1880, s7;
	s21 =	sadd.s32 $0x21B00, s21;
	[dreg:$0x1a] =	wrdreg s22  }
0x31: {  	s19 =	smul.u32 $0x1880, s19;
	s26 =	sadd.s32 $0x1500, s30;
	[dreg:$0x1b] =	wrdreg s21  }
0x32: {  	s10 =	sadd.s32 s2, s16;
	s16 =	sadd.s32 $0xB8, s18;
	[smem:$0x7FA] =	sst s26  }
0x33: {  	s19 =	sadd.s32 s2, s19;
	[dreg:$0x16] =	wrdreg s10;
	s18 =	sshrl.u32 s16, $0x3  }
0x34: {  	s22 =	sadd.s32 $0x1100, s30;
	[dreg:$0x18] =	wrdreg s19;
	s23 =	smul.u32 $0x1880, s18  }
0x35: {  	s19 =	sadd.s32 $0xF00, s30;
	[smem:$0x7F6] =	sst s22  }
0x36: {  	v0 =	vlaneseq.u32;
	[smem:$0x7F4] =	sst s19;
	s2 =	sadd.s32 s2, s23;
	s23 =	sadd.s32 $0x1200, s30  }
0x37: {  	vm0 =	vmmov $0xff;
	vm1 =	vmmov $0xffff;
	v3 =	vshrl.u32 v0, $0x3;
	[smem:$0x7F7] =	sst s23  }
0x38: {  	v2 =	vand.u32 $0x7, v0;
	v3 =	vmul.u32 $0x8, v3;
	s1 =	smax.u32 s1, $0x1;
	v1 =	vmov s0;
	[dreg:$0x1c] =	wrdreg s2  }
.LBB2_1:
0x39: {  	[dreg:$0x1d] =	wrdreg s1  }
0x3a: {  	s5 =	rddreg [dreg:$0x4];
	s6 =	simm.s32 $0x5  }
0x3b: {  	[tilespmem:s3], [sflag:$0x5] =	stream.linear.gather [hbm4b:s5+s3], $0x18, $0x38;
	[tilespmem:$0x18980] =	vst v63  }
0x3c: {  	_ =	swait.ge [sflag:s6], $0x18  }
0x3d: {  	[sflag:s6] =	ssyncset.done $0x0  }
0x3e: {  	[sflag:s6] =	ssyncadd.s32 $0xFFFFFFE8  }
0x3f: {  	v4 =	vld [tilespmem:$0x0];
	_ =	sdelay $0x4  }
0x40: {  	v4 =	vadd.s32 v1, v4  }
0x41: {  	v5 =	vshll.u32 v4, $0x3  }
0x42: {  	v6 =	vadd.s32 $0xFFFFFFF8, v5  }
0x43: {  	v4 =	vbroadcast v5, $0x0;
	v7 =	vbroadcast v6, $0x1;
	_ =	sdelay $0x1  }
0x44: {  	v4 =	vsel vm0, v4, v7  }
0x45: {  	v4 =	vadd.s32 v0, v4  }
0x46: {  	[tilespmem:$0x80] =	vst v4  }
0x47: {  	v4 =	vld.msk [tilespmem:$0x80], $0xff;
	_ =	sdelay $0x4  }
0x48: {  	v15 =	vshrl.u32 v4, $0x3  }
0x49: {  	v7 =	vmul.u32 $0x188, v15  }
0x4a: {  	v4 =	vand.u32 $0x7, v4  }
0x4b: {  	v4 =	vor.u32 v4, v7  }
0x4c: {  	v4 =	vperm.xlane v4, v2;
	_ =	sdelay $0x1  }
0x4d: {  	v16 =	vadd.s32 v3, v4;
	_ =	sdelay $0x2  }
0x4e: {  	s6 =	rddreg [dreg:$0x1e]  }
0x4f: {  	s7 =	simm.s32 $0x180;
	s2 =	rddreg [dreg:$0x0]  }
0x50: {  	v4 =	vld [tilespmem:$0x8];
	[tilespmem:s7], [sflag:$0x1] =	stream.indirect_vreg.gather [hbm4b:s2+s3], $0x80, v16, vm1, $0xb8  }
0x51: {  	s8 =	simm.s32 $0x980;
	s7 =	rddreg [dreg:$0x1f]  }
0x52: {  	[tilespmem:s8], [sflag:$0x1] =	stream.indirect_vreg.gather [hbm4b:s6+s3], $0x80, v16, vm1, $0xb8;
	[tilespmem:$0x18980] =	vst v63  }
0x53: {  	s9 =	simm.s32 $0x1180;
	s8 =	sld [smem:$0x7E8]  }
0x54: {  	[tilespmem:s9], [sflag:$0x1] =	stream.indirect_vreg.gather [hbm4b:s7+s3], $0x80, v16, vm1, $0xb8;
	[tilespmem:$0x18980] =	vst v63  }
0x55: {  	s10 =	simm.s32 $0x1980;
	s9 =	sld [smem:$0x7E9]  }
0x56: {  	[tilespmem:s10], [sflag:$0x1] =	stream.indirect_vreg.gather [hbm4b:s8+s3], $0x80, v16, vm1, $0xb8;
	[tilespmem:$0x18980] =	vst v63  }
0x57: {  	s11 =	simm.s32 $0x2180;
	s10 =	sld [smem:$0x7EA]  }
0x58: {  	[tilespmem:s11], [sflag:$0x1] =	stream.indirect_vreg.gather [hbm4b:s9+s3], $0x80, v16, vm1, $0xb8;
	[tilespmem:$0x18980] =	vst v63  }
0x59: {  	s12 =	simm.s32 $0x2980;
	s11 =	sld [smem:$0x7EB]  }
0x5a: {  	[tilespmem:s12], [sflag:$0x1] =	stream.indirect_vreg.gather [hbm4b:s10+s3], $0x80, v16, vm1, $0xb8;
	[tilespmem:$0x18980] =	vst v63  }
0x5b: {  	s13 =	simm.s32 $0x3180;
	s5 =	sld [smem:$0x7EC]  }
0x5c: {  	[tilespmem:s13], [sflag:$0x1] =	stream.indirect_vreg.gather [hbm4b:s11+s3], $0x80, v16, vm1, $0xb8;
	[tilespmem:$0x18980] =	vst v63  }
0x5d: {  	s14 =	simm.s32 $0x3980;
	s13 =	sld [smem:$0x7ED]  }
0x5e: {  	[tilespmem:s14], [sflag:$0x1] =	stream.indirect_vreg.gather [hbm4b:s5+s3], $0x80, v16, vm1, $0xb8;
	[tilespmem:$0x18980] =	vst v63  }
0x5f: {  	s15 =	simm.s32 $0x4180;
	s14 =	sld [smem:$0x7EE]  }
0x60: {  	[tilespmem:s15], [sflag:$0x1] =	stream.indirect_vreg.gather [hbm4b:s13+s3], $0x80, v16, vm1, $0xb8;
	[tilespmem:$0x18980] =	vst v63  }
0x61: {  	s16 =	simm.s32 $0x4980;
	s15 =	sld [smem:$0x7EF]  }
0x62: {  	[tilespmem:s16], [sflag:$0x1] =	stream.indirect_vreg.gather [hbm4b:s14+s3], $0x80, v16, vm1, $0xb8;
	[tilespmem:$0x18980] =	vst v63  }
0x63: {  	s17 =	simm.s32 $0x5180;
	s16 =	sld [smem:$0x7F0]  }
0x64: {  	[tilespmem:s17], [sflag:$0x1] =	stream.indirect_vreg.gather [hbm4b:s15+s3], $0x80, v16, vm1, $0xb8;
	[tilespmem:$0x18980] =	vst v63  }
0x65: {  	s18 =	simm.s32 $0x5980;
	s17 =	sld [smem:$0x7F1]  }
0x66: {  	[tilespmem:s18], [sflag:$0x1] =	stream.indirect_vreg.gather [hbm4b:s16+s3], $0x80, v16, vm1, $0xb8;
	[tilespmem:$0x18980] =	vst v63  }
0x67: {  	s19 =	simm.s32 $0x6180;
	s18 =	sld [smem:$0x7F2]  }
0x68: {  	[tilespmem:s19], [sflag:$0x1] =	stream.indirect_vreg.gather [hbm4b:s17+s3], $0x80, v16, vm1, $0xb8;
	[tilespmem:$0x18980] =	vst v63  }
0x69: {  	s20 =	simm.s32 $0x6980;
	s19 =	sld [smem:$0x7F3]  }
0x6a: {  	[tilespmem:s20], [sflag:$0x1] =	stream.indirect_vreg.gather [hbm4b:s18+s3], $0x80, v16, vm1, $0xb8;
	[tilespmem:$0x18980] =	vst v63  }
0x6b: {  	s21 =	simm.s32 $0x7180;
	s20 =	sld [smem:$0x7F4]  }
0x6c: {  	[tilespmem:s21], [sflag:$0x1] =	stream.indirect_vreg.gather [hbm4b:s19+s3], $0x80, v16, vm1, $0xb8;
	[tilespmem:$0x18980] =	vst v63  }
0x6d: {  	s22 =	simm.s32 $0x7980;
	s21 =	sld [smem:$0x7F5]  }
0x6e: {  	[tilespmem:s22], [sflag:$0x1] =	stream.indirect_vreg.gather [hbm4b:s20+s3], $0x80, v16, vm1, $0xb8;
	[tilespmem:$0x18980] =	vst v63  }
0x6f: {  	s23 =	simm.s32 $0x8180;
	s22 =	sld [smem:$0x7F6]  }
0x70: {  	[tilespmem:s23], [sflag:$0x1] =	stream.indirect_vreg.gather [hbm4b:s21+s3], $0x80, v16, vm1, $0xb8;
	[tilespmem:$0x18980] =	vst v63  }
0x71: {  	s24 =	simm.s32 $0x8980;
	s23 =	sld [smem:$0x7F7]  }
0x72: {  	[tilespmem:s24], [sflag:$0x1] =	stream.indirect_vreg.gather [hbm4b:s22+s3], $0x80, v16, vm1, $0xb8;
	[tilespmem:$0x18980] =	vst v63  }
0x73: {  	s25 =	simm.s32 $0x9180  }
0x74: {  	[tilespmem:s25], [sflag:$0x1] =	stream.indirect_vreg.gather [hbm4b:s23+s3], $0x80, v16, vm1, $0xb8;
	[tilespmem:$0x18980] =	vst v63  }
0x75: {  	s25 =	sld [smem:$0x7F8];
	_ =	sdelay $0x1  }
0x76: {  	s26 =	simm.s32 $0x9980  }
0x77: {  	[tilespmem:s26], [sflag:$0x1] =	stream.indirect_vreg.gather [hbm4b:s25+s3], $0x80, v16, vm1, $0xb8;
	[tilespmem:$0x18980] =	vst v63  }
0x78: {  	s26 =	sld [smem:$0x7F9];
	_ =	sdelay $0x1  }
0x79: {  	s28 =	simm.s32 $0xA180  }
0x7a: {  	[tilespmem:s28], [sflag:$0x1] =	stream.indirect_vreg.gather [hbm4b:s26+s3], $0x80, v16, vm1, $0xb8;
	[tilespmem:$0x18980] =	vst v63  }
0x7b: {  	s28 =	sld [smem:$0x7FA];
	_ =	sdelay $0x1  }
0x7c: {  	s29 =	simm.s32 $0xA980  }
0x7d: {  	[tilespmem:s29], [sflag:$0x1] =	stream.indirect_vreg.gather [hbm4b:s28+s3], $0x80, v16, vm1, $0xb8;
	[tilespmem:$0x18980] =	vst v63  }
0x7e: {  	s29 =	sld [smem:$0x7FB];
	_ =	sdelay $0x1  }
0x7f: {  	s30 =	simm.s32 $0xB180  }
0x80: {  	[tilespmem:s30], [sflag:$0x1] =	stream.indirect_vreg.gather [hbm4b:s29+s3], $0x80, v16, vm1, $0xb8;
	[tilespmem:$0x18980] =	vst v63  }
0x81: {  	s30 =	sld [smem:$0x7FC];
	_ =	sdelay $0x1  }
0x82: {  	s31 =	simm.s32 $0xB980;
	s12 =	sld [smem:$0x7FD]  }
0x83: {  	[tilespmem:s31], [sflag:$0x1] =	stream.indirect_vreg.gather [hbm4b:s30+s3], $0x80, v16, vm1, $0xb8;
	[tilespmem:$0x18980] =	vst v63  }
0x84: {  	s0 =	simm.s32 $0xC180  }
0x85: {  	[tilespmem:s0], [sflag:$0x1] =	stream.indirect_vreg.gather [hbm4b:s12+s3], $0x80, v16, vm0, $0xb8;
	[tilespmem:$0x18980] =	vst v63  }
0x86: {  	v7 =	vld.msk [tilespmem:$0x88], $0xff;
	_ =	sdelay $0x4  }
0x87: {  	v8 =	vshrl.u32 v7, $0x3  }
0x88: {  	v8 =	vmul.u32 $0x188, v8  }
0x89: {  	v7 =	vand.u32 $0x7, v7  }
0x8a: {  	v7 =	vor.u32 v7, v8  }
0x8b: {  	v7 =	vperm.xlane v7, v2;
	_ =	sdelay $0x1  }
0x8c: {  	v7 =	vadd.s32 v3, v7;
	_ =	sdelay $0x3  }
0x8d: {  	s24 =	simm.s32 $0xC580  }
0x8e: {  	[tilespmem:s24], [sflag:$0x2] =	stream.indirect_vreg.gather [hbm4b:s2+s3], $0x80, v7, vm1, $0xb8;
	[tilespmem:$0x18980] =	vst v63  }
0x8f: {  	s31 =	simm.s32 $0xCD80  }
0x90: {  	[tilespmem:s31], [sflag:$0x2] =	stream.indirect_vreg.gather [hbm4b:s6+s3], $0x80, v7, vm1, $0xb8;
	[tilespmem:$0x18980] =	vst v63  }
0x91: {  	s0 =	simm.s32 $0xD580  }
0x92: {  	[tilespmem:s0], [sflag:$0x2] =	stream.indirect_vreg.gather [hbm4b:s7+s3], $0x80, v7, vm1, $0xb8;
	[tilespmem:$0x18980] =	vst v63  }
0x93: {  	s24 =	simm.s32 $0xDD80  }
0x94: {  	[tilespmem:s24], [sflag:$0x2] =	stream.indirect_vreg.gather [hbm4b:s8+s3], $0x80, v7, vm1, $0xb8;
	[tilespmem:$0x18980] =	vst v63  }
0x95: {  	s31 =	simm.s32 $0xE580  }
0x96: {  	[tilespmem:s31], [sflag:$0x2] =	stream.indirect_vreg.gather [hbm4b:s9+s3], $0x80, v7, vm1, $0xb8;
	[tilespmem:$0x18980] =	vst v63  }
0x97: {  	s0 =	simm.s32 $0xED80  }
0x98: {  	[tilespmem:s0], [sflag:$0x2] =	stream.indirect_vreg.gather [hbm4b:s10+s3], $0x80, v7, vm1, $0xb8;
	[tilespmem:$0x18980] =	vst v63  }
0x99: {  	s24 =	simm.s32 $0xF580  }
0x9a: {  	[tilespmem:s24], [sflag:$0x2] =	stream.indirect_vreg.gather [hbm4b:s11+s3], $0x80, v7, vm1, $0xb8;
	[tilespmem:$0x18980] =	vst v63  }
0x9b: {  	s31 =	simm.s32 $0xFD80  }
0x9c: {  	[tilespmem:s31], [sflag:$0x2] =	stream.indirect_vreg.gather [hbm4b:s5+s3], $0x80, v7, vm1, $0xb8;
	[tilespmem:$0x18980] =	vst v63  }
0x9d: {  	s0 =	simm.s32 $0x10580  }
0x9e: {  	[tilespmem:s0], [sflag:$0x2] =	stream.indirect_vreg.gather [hbm4b:s13+s3], $0x80, v7, vm1, $0xb8;
	[tilespmem:$0x18980] =	vst v63  }
0x9f: {  	s24 =	simm.s32 $0x10D80  }
0xa0: {  	[tilespmem:s24], [sflag:$0x2] =	stream.indirect_vreg.gather [hbm4b:s14+s3], $0x80, v7, vm1, $0xb8;
	[tilespmem:$0x18980] =	vst v63  }
0xa1: {  	s31 =	simm.s32 $0x11580  }
0xa2: {  	[tilespmem:s31], [sflag:$0x2] =	stream.indirect_vreg.gather [hbm4b:s15+s3], $0x80, v7, vm1, $0xb8;
	[tilespmem:$0x18980] =	vst v63  }
0xa3: {  	s0 =	simm.s32 $0x11D80  }
0xa4: {  	[tilespmem:s0], [sflag:$0x2] =	stream.indirect_vreg.gather [hbm4b:s16+s3], $0x80, v7, vm1, $0xb8;
	[tilespmem:$0x18980] =	vst v63  }
0xa5: {  	s24 =	simm.s32 $0x12580  }
0xa6: {  	[tilespmem:s24], [sflag:$0x2] =	stream.indirect_vreg.gather [hbm4b:s17+s3], $0x80, v7, vm1, $0xb8;
	[tilespmem:$0x18980] =	vst v63  }
0xa7: {  	s31 =	simm.s32 $0x12D80  }
0xa8: {  	[tilespmem:s31], [sflag:$0x2] =	stream.indirect_vreg.gather [hbm4b:s18+s3], $0x80, v7, vm1, $0xb8;
	[tilespmem:$0x18980] =	vst v63  }
0xa9: {  	s0 =	simm.s32 $0x13580  }
0xaa: {  	[tilespmem:s0], [sflag:$0x2] =	stream.indirect_vreg.gather [hbm4b:s19+s3], $0x80, v7, vm1, $0xb8;
	[tilespmem:$0x18980] =	vst v63  }
0xab: {  	s24 =	simm.s32 $0x13D80  }
0xac: {  	[tilespmem:s24], [sflag:$0x2] =	stream.indirect_vreg.gather [hbm4b:s20+s3], $0x80, v7, vm1, $0xb8;
	[tilespmem:$0x18980] =	vst v63  }
0xad: {  	s31 =	simm.s32 $0x14580  }
0xae: {  	[tilespmem:s31], [sflag:$0x2] =	stream.indirect_vreg.gather [hbm4b:s21+s3], $0x80, v7, vm1, $0xb8;
	[tilespmem:$0x18980] =	vst v63  }
0xaf: {  	s0 =	simm.s32 $0x14D80  }
0xb0: {  	[tilespmem:s0], [sflag:$0x2] =	stream.indirect_vreg.gather [hbm4b:s22+s3], $0x80, v7, vm1, $0xb8;
	[tilespmem:$0x18980] =	vst v63  }
0xb1: {  	s24 =	simm.s32 $0x15580  }
0xb2: {  	[tilespmem:s24], [sflag:$0x2] =	stream.indirect_vreg.gather [hbm4b:s23+s3], $0x80, v7, vm1, $0xb8;
	[tilespmem:$0x18980] =	vst v63  }
0xb3: {  	s31 =	simm.s32 $0x15D80  }
0xb4: {  	[tilespmem:s31], [sflag:$0x2] =	stream.indirect_vreg.gather [hbm4b:s25+s3], $0x80, v7, vm1, $0xb8;
	[tilespmem:$0x18980] =	vst v63  }
0xb5: {  	s0 =	simm.s32 $0x16580  }
0xb6: {  	[tilespmem:s0], [sflag:$0x2] =	stream.indirect_vreg.gather [hbm4b:s26+s3], $0x80, v7, vm1, $0xb8;
	[tilespmem:$0x18980] =	vst v63  }
0xb7: {  	s24 =	simm.s32 $0x16D80  }
0xb8: {  	[tilespmem:s24], [sflag:$0x2] =	stream.indirect_vreg.gather [hbm4b:s28+s3], $0x80, v7, vm1, $0xb8;
	[tilespmem:$0x18980] =	vst v63  }
0xb9: {  	s31 =	simm.s32 $0x17580  }
0xba: {  	[tilespmem:s31], [sflag:$0x2] =	stream.indirect_vreg.gather [hbm4b:s29+s3], $0x80, v7, vm1, $0xb8;
	[tilespmem:$0x18980] =	vst v63  }
0xbb: {  	s0 =	simm.s32 $0x17D80  }
0xbc: {  	[tilespmem:s0], [sflag:$0x2] =	stream.indirect_vreg.gather [hbm4b:s30+s3], $0x80, v7, vm1, $0xb8;
	[tilespmem:$0x18980] =	vst v63  }
0xbd: {  	s24 =	simm.s32 $0x18580;
	s0 =	simm.s32 $0x1  }
0xbe: {  	[tilespmem:s24], [sflag:$0x2] =	stream.indirect_vreg.gather [hbm4b:s12+s3], $0x80, v7, vm0, $0xb8;
	[tilespmem:$0x18980] =	vst v63  }
0xbf: {  	_ =	swait.ge [sflag:s0], $0xC400  }
0xc0: {  	s4 =	simm.s32 $0x180;
	[sflag:s0] =	ssyncset.done $0x0  }
0xc1: {  	s24 =	simm.s32 $0x3;
	s31 =	rddreg [dreg:$0x5];
	[sflag:s0] =	ssyncadd.s32 $0xFFFF3C00  }
0xc2: {  	v17 =	vbroadcast v5, $0x2;
	v18 =	vbroadcast v6, $0x3;
	[hbm4b:s31+s3] =	stream.linear.scatter [tilespmem:s4], [sflag:$0x3], $0xC400, $0x38;
	[tilespmem:$0x18980] =	vst v63  }
0xc3: {  	_ =	swait.ge [sflag:s24], $0xC400  }
0xc4: {  	v7 =	vsel vm0, v17, v18;
	[sflag:s24] =	ssyncset.done $0x0  }
0xc5: {  	v7 =	vadd.s32 v0, v7;
	[sflag:s24] =	ssyncadd.s32 $0xFFFF3C00  }
0xc6: {  	[tilespmem:$0x100] =	vst v7  }
0xc7: {  	v7 =	vld.msk [tilespmem:$0x100], $0xff;
	_ =	sdelay $0x4  }
0xc8: {  	v19 =	vshrl.u32 v7, $0x3  }
0xc9: {  	v8 =	vmul.u32 $0x188, v19  }
0xca: {  	v7 =	vand.u32 $0x7, v7  }
0xcb: {  	v7 =	vor.u32 v7, v8  }
0xcc: {  	v7 =	vperm.xlane v7, v2;
	_ =	sdelay $0x1  }
0xcd: {  	v7 =	vadd.s32 v3, v7;
	_ =	sdelay $0x4  }
0xce: {  	[tilespmem:s4], [sflag:$0x1] =	stream.indirect_vreg.gather [hbm4b:s2+s3], $0x80, v7, vm1, $0xb8;
	[tilespmem:$0x18980] =	vst v63  }
0xcf: {  	s4 =	smov.u32 s2;
	s2 =	simm.s32 $0x980  }
0xd0: {  	[tilespmem:s2], [sflag:$0x1] =	stream.indirect_vreg.gather [hbm4b:s6+s3], $0x80, v7, vm1, $0xb8;
	[tilespmem:$0x18980] =	vst v63  }
0xd1: {  	s31 =	simm.s32 $0x1180  }
0xd2: {  	[tilespmem:s31], [sflag:$0x1] =	stream.indirect_vreg.gather [hbm4b:s7+s3], $0x80, v7, vm1, $0xb8;
	[tilespmem:$0x18980] =	vst v63  }
0xd3: {  	s1 =	simm.s32 $0x1980  }
0xd4: {  	[tilespmem:s1], [sflag:$0x1] =	stream.indirect_vreg.gather [hbm4b:s8+s3], $0x80, v7, vm1, $0xb8;
	[tilespmem:$0x18980] =	vst v63  }
0xd5: {  	s24 =	simm.s32 $0x2180  }
0xd6: {  	[tilespmem:s24], [sflag:$0x1] =	stream.indirect_vreg.gather [hbm4b:s9+s3], $0x80, v7, vm1, $0xb8;
	[tilespmem:$0x18980] =	vst v63  }
0xd7: {  	s31 =	simm.s32 $0x2980  }
0xd8: {  	[tilespmem:s31], [sflag:$0x1] =	stream.indirect_vreg.gather [hbm4b:s10+s3], $0x80, v7, vm1, $0xb8;
	[tilespmem:$0x18980] =	vst v63  }
0xd9: {  	s1 =	simm.s32 $0x3180  }
0xda: {  	[tilespmem:s1], [sflag:$0x1] =	stream.indirect_vreg.gather [hbm4b:s11+s3], $0x80, v7, vm1, $0xb8;
	[tilespmem:$0x18980] =	vst v63  }
0xdb: {  	s24 =	simm.s32 $0x3980  }
0xdc: {  	[tilespmem:s24], [sflag:$0x1] =	stream.indirect_vreg.gather [hbm4b:s5+s3], $0x80, v7, vm1, $0xb8;
	[tilespmem:$0x18980] =	vst v63  }
0xdd: {  	s31 =	simm.s32 $0x4180  }
0xde: {  	[tilespmem:s31], [sflag:$0x1] =	stream.indirect_vreg.gather [hbm4b:s13+s3], $0x80, v7, vm1, $0xb8;
	[tilespmem:$0x18980] =	vst v63  }
0xdf: {  	s1 =	simm.s32 $0x4980  }
0xe0: {  	[tilespmem:s1], [sflag:$0x1] =	stream.indirect_vreg.gather [hbm4b:s14+s3], $0x80, v7, vm1, $0xb8;
	[tilespmem:$0x18980] =	vst v63  }
0xe1: {  	s24 =	simm.s32 $0x5180  }
0xe2: {  	[tilespmem:s24], [sflag:$0x1] =	stream.indirect_vreg.gather [hbm4b:s15+s3], $0x80, v7, vm1, $0xb8;
	[tilespmem:$0x18980] =	vst v63  }
0xe3: {  	s31 =	simm.s32 $0x5980  }
0xe4: {  	[tilespmem:s31], [sflag:$0x1] =	stream.indirect_vreg.gather [hbm4b:s16+s3], $0x80, v7, vm1, $0xb8;
	[tilespmem:$0x18980] =	vst v63  }
0xe5: {  	s1 =	simm.s32 $0x6180  }
0xe6: {  	[tilespmem:s1], [sflag:$0x1] =	stream.indirect_vreg.gather [hbm4b:s17+s3], $0x80, v7, vm1, $0xb8;
	[tilespmem:$0x18980] =	vst v63  }
0xe7: {  	s24 =	simm.s32 $0x6980  }
0xe8: {  	[tilespmem:s24], [sflag:$0x1] =	stream.indirect_vreg.gather [hbm4b:s18+s3], $0x80, v7, vm1, $0xb8;
	[tilespmem:$0x18980] =	vst v63  }
0xe9: {  	s31 =	simm.s32 $0x7180  }
0xea: {  	[tilespmem:s31], [sflag:$0x1] =	stream.indirect_vreg.gather [hbm4b:s19+s3], $0x80, v7, vm1, $0xb8;
	[tilespmem:$0x18980] =	vst v63  }
0xeb: {  	s1 =	simm.s32 $0x7980  }
0xec: {  	[tilespmem:s1], [sflag:$0x1] =	stream.indirect_vreg.gather [hbm4b:s20+s3], $0x80, v7, vm1, $0xb8;
	[tilespmem:$0x18980] =	vst v63  }
0xed: {  	s24 =	simm.s32 $0x8180  }
0xee: {  	[tilespmem:s24], [sflag:$0x1] =	stream.indirect_vreg.gather [hbm4b:s21+s3], $0x80, v7, vm1, $0xb8;
	[tilespmem:$0x18980] =	vst v63  }
0xef: {  	s31 =	simm.s32 $0x8980  }
0xf0: {  	[tilespmem:s31], [sflag:$0x1] =	stream.indirect_vreg.gather [hbm4b:s22+s3], $0x80, v7, vm1, $0xb8;
	[tilespmem:$0x18980] =	vst v63  }
0xf1: {  	s1 =	simm.s32 $0x9180  }
0xf2: {  	[tilespmem:s1], [sflag:$0x1] =	stream.indirect_vreg.gather [hbm4b:s23+s3], $0x80, v7, vm1, $0xb8;
	[tilespmem:$0x18980] =	vst v63  }
0xf3: {  	s24 =	simm.s32 $0x9980  }
0xf4: {  	[tilespmem:s24], [sflag:$0x1] =	stream.indirect_vreg.gather [hbm4b:s25+s3], $0x80, v7, vm1, $0xb8;
	[tilespmem:$0x18980] =	vst v63  }
0xf5: {  	s31 =	simm.s32 $0xA180  }
0xf6: {  	[tilespmem:s31], [sflag:$0x1] =	stream.indirect_vreg.gather [hbm4b:s26+s3], $0x80, v7, vm1, $0xb8;
	[tilespmem:$0x18980] =	vst v63  }
0xf7: {  	s1 =	simm.s32 $0xA980  }
0xf8: {  	[tilespmem:s1], [sflag:$0x1] =	stream.indirect_vreg.gather [hbm4b:s28+s3], $0x80, v7, vm1, $0xb8;
	[tilespmem:$0x18980] =	vst v63  }
0xf9: {  	s24 =	simm.s32 $0xB180  }
0xfa: {  	[tilespmem:s24], [sflag:$0x1] =	stream.indirect_vreg.gather [hbm4b:s29+s3], $0x80, v7, vm1, $0xb8;
	[tilespmem:$0x18980] =	vst v63  }
0xfb: {  	s31 =	simm.s32 $0xB980  }
0xfc: {  	[tilespmem:s31], [sflag:$0x1] =	stream.indirect_vreg.gather [hbm4b:s30+s3], $0x80, v7, vm1, $0xb8;
	[tilespmem:$0x18980] =	vst v63  }
0xfd: {  	s1 =	simm.s32 $0xC180;
	s24 =	simm.s32 $0x2  }
0xfe: {  	[tilespmem:s1], [sflag:$0x1] =	stream.indirect_vreg.gather [hbm4b:s12+s3], $0x80, v7, vm0, $0xb8;
	[tilespmem:$0x18980] =	vst v63  }
0xff: {  	_ =	swait.ge [sflag:s24], $0xC400  }
0x100: {  	s0 =	simm.s32 $0x4;
	[sflag:s24] =	ssyncset.done $0x0  }
0x101: {  	s31 =	rddreg [dreg:$0x6];
	[sflag:s24] =	ssyncadd.s32 $0xFFFF3C00;
	s24 =	simm.s32 $0xC580  }
0x102: {  	[hbm4b:s31+s3] =	stream.linear.scatter [tilespmem:s24], [sflag:$0x4], $0xC400, $0x38;
	[tilespmem:$0x18980] =	vst v63  }
0x103: {  	_ =	swait.ge [sflag:s0], $0xC400  }
0x104: {  	[sflag:s0] =	ssyncset.done $0x0  }
0x105: {  	[sflag:s0] =	ssyncadd.s32 $0xFFFF3C00  }
0x106: {  	v20 =	vld.msk [tilespmem:$0x108], $0xff;
	_ =	sdelay $0x4  }
0x107: {  	v21 =	vshrl.u32 v20, $0x3  }
0x108: {  	v8 =	vmul.u32 $0x188, v21  }
0x109: {  	v7 =	vand.u32 $0x7, v20  }
0x10a: {  	v7 =	vor.u32 v7, v8  }
0x10b: {  	v7 =	vperm.xlane v7, v2;
	_ =	sdelay $0x1  }
0x10c: {  	v7 =	vadd.s32 v3, v7;
	_ =	sdelay $0x4  }
0x10d: {  	[tilespmem:s24], [sflag:$0x2] =	stream.indirect_vreg.gather [hbm4b:s4+s3], $0x80, v7, vm1, $0xb8;
	[tilespmem:$0x18980] =	vst v63  }
0x10e: {  	s1 =	simm.s32 $0xCD80  }
0x10f: {  	[tilespmem:s1], [sflag:$0x2] =	stream.indirect_vreg.gather [hbm4b:s6+s3], $0x80, v7, vm1, $0xb8;
	[tilespmem:$0x18980] =	vst v63  }
0x110: {  	s24 =	simm.s32 $0xD580  }
0x111: {  	[tilespmem:s24], [sflag:$0x2] =	stream.indirect_vreg.gather [hbm4b:s7+s3], $0x80, v7, vm1, $0xb8;
	[tilespmem:$0x18980] =	vst v63  }
0x112: {  	s1 =	simm.s32 $0xDD80  }
0x113: {  	[tilespmem:s1], [sflag:$0x2] =	stream.indirect_vreg.gather [hbm4b:s8+s3], $0x80, v7, vm1, $0xb8;
	[tilespmem:$0x18980] =	vst v63  }
0x114: {  	s24 =	simm.s32 $0xE580  }
0x115: {  	[tilespmem:s24], [sflag:$0x2] =	stream.indirect_vreg.gather [hbm4b:s9+s3], $0x80, v7, vm1, $0xb8;
	[tilespmem:$0x18980] =	vst v63  }
0x116: {  	s1 =	simm.s32 $0xED80  }
0x117: {  	[tilespmem:s1], [sflag:$0x2] =	stream.indirect_vreg.gather [hbm4b:s10+s3], $0x80, v7, vm1, $0xb8;
	[tilespmem:$0x18980] =	vst v63  }
0x118: {  	s24 =	simm.s32 $0xF580  }
0x119: {  	[tilespmem:s24], [sflag:$0x2] =	stream.indirect_vreg.gather [hbm4b:s11+s3], $0x80, v7, vm1, $0xb8;
	[tilespmem:$0x18980] =	vst v63  }
0x11a: {  	s1 =	simm.s32 $0xFD80  }
0x11b: {  	[tilespmem:s1], [sflag:$0x2] =	stream.indirect_vreg.gather [hbm4b:s5+s3], $0x80, v7, vm1, $0xb8;
	[tilespmem:$0x18980] =	vst v63  }
0x11c: {  	s24 =	simm.s32 $0x10580  }
0x11d: {  	[tilespmem:s24], [sflag:$0x2] =	stream.indirect_vreg.gather [hbm4b:s13+s3], $0x80, v7, vm1, $0xb8;
	[tilespmem:$0x18980] =	vst v63  }
0x11e: {  	s1 =	simm.s32 $0x10D80  }
0x11f: {  	[tilespmem:s1], [sflag:$0x2] =	stream.indirect_vreg.gather [hbm4b:s14+s3], $0x80, v7, vm1, $0xb8;
	[tilespmem:$0x18980] =	vst v63  }
0x120: {  	s24 =	simm.s32 $0x11580  }
0x121: {  	[tilespmem:s24], [sflag:$0x2] =	stream.indirect_vreg.gather [hbm4b:s15+s3], $0x80, v7, vm1, $0xb8;
	[tilespmem:$0x18980] =	vst v63  }
0x122: {  	s1 =	simm.s32 $0x11D80  }
0x123: {  	[tilespmem:s1], [sflag:$0x2] =	stream.indirect_vreg.gather [hbm4b:s16+s3], $0x80, v7, vm1, $0xb8;
	[tilespmem:$0x18980] =	vst v63  }
0x124: {  	s24 =	simm.s32 $0x12580  }
0x125: {  	[tilespmem:s24], [sflag:$0x2] =	stream.indirect_vreg.gather [hbm4b:s17+s3], $0x80, v7, vm1, $0xb8;
	[tilespmem:$0x18980] =	vst v63  }
0x126: {  	s1 =	simm.s32 $0x12D80  }
0x127: {  	[tilespmem:s1], [sflag:$0x2] =	stream.indirect_vreg.gather [hbm4b:s18+s3], $0x80, v7, vm1, $0xb8;
	[tilespmem:$0x18980] =	vst v63  }
0x128: {  	s24 =	simm.s32 $0x13580  }
0x129: {  	[tilespmem:s24], [sflag:$0x2] =	stream.indirect_vreg.gather [hbm4b:s19+s3], $0x80, v7, vm1, $0xb8;
	[tilespmem:$0x18980] =	vst v63  }
0x12a: {  	s1 =	simm.s32 $0x13D80  }
0x12b: {  	[tilespmem:s1], [sflag:$0x2] =	stream.indirect_vreg.gather [hbm4b:s20+s3], $0x80, v7, vm1, $0xb8;
	[tilespmem:$0x18980] =	vst v63  }
0x12c: {  	s24 =	simm.s32 $0x14580  }
0x12d: {  	[tilespmem:s24], [sflag:$0x2] =	stream.indirect_vreg.gather [hbm4b:s21+s3], $0x80, v7, vm1, $0xb8;
	[tilespmem:$0x18980] =	vst v63  }
0x12e: {  	s1 =	simm.s32 $0x14D80  }
0x12f: {  	[tilespmem:s1], [sflag:$0x2] =	stream.indirect_vreg.gather [hbm4b:s22+s3], $0x80, v7, vm1, $0xb8;
	[tilespmem:$0x18980] =	vst v63  }
0x130: {  	s24 =	simm.s32 $0x15580  }
0x131: {  	[tilespmem:s24], [sflag:$0x2] =	stream.indirect_vreg.gather [hbm4b:s23+s3], $0x80, v7, vm1, $0xb8;
	[tilespmem:$0x18980] =	vst v63  }
0x132: {  	s1 =	simm.s32 $0x15D80  }
0x133: {  	[tilespmem:s1], [sflag:$0x2] =	stream.indirect_vreg.gather [hbm4b:s25+s3], $0x80, v7, vm1, $0xb8;
	[tilespmem:$0x18980] =	vst v63  }
0x134: {  	s24 =	simm.s32 $0x16580  }
0x135: {  	[tilespmem:s24], [sflag:$0x2] =	stream.indirect_vreg.gather [hbm4b:s26+s3], $0x80, v7, vm1, $0xb8;
	[tilespmem:$0x18980] =	vst v63  }
0x136: {  	s1 =	simm.s32 $0x16D80  }
0x137: {  	[tilespmem:s1], [sflag:$0x2] =	stream.indirect_vreg.gather [hbm4b:s28+s3], $0x80, v7, vm1, $0xb8;
	[tilespmem:$0x18980] =	vst v63  }
0x138: {  	s24 =	simm.s32 $0x17580  }
0x139: {  	[tilespmem:s24], [sflag:$0x2] =	stream.indirect_vreg.gather [hbm4b:s29+s3], $0x80, v7, vm1, $0xb8;
	[tilespmem:$0x18980] =	vst v63  }
0x13a: {  	s1 =	simm.s32 $0x17D80  }
0x13b: {  	[tilespmem:s1], [sflag:$0x2] =	stream.indirect_vreg.gather [hbm4b:s30+s3], $0x80, v7, vm1, $0xb8;
	[tilespmem:$0x18980] =	vst v63  }
0x13c: {  	s0 =	simm.s32 $0x1;
	s24 =	simm.s32 $0x18580  }
0x13d: {  	[tilespmem:s24], [sflag:$0x2] =	stream.indirect_vreg.gather [hbm4b:s12+s3], $0x80, v7, vm0, $0xb8;
	[tilespmem:$0x18980] =	vst v63  }
0x13e: {  	_ =	swait.ge [sflag:s0], $0xC400  }
0x13f: {  	s24 =	simm.s32 $0x3;
	[sflag:s0] =	ssyncset.done $0x0  }
0x140: {  	s1 =	rddreg [dreg:$0x7];
	[sflag:s0] =	ssyncadd.s32 $0xFFFF3C00;
	s0 =	simm.s32 $0x180  }
0x141: {  	v22 =	vbroadcast v5, $0x4;
	v23 =	vbroadcast v6, $0x5;
	[hbm4b:s1+s3] =	stream.linear.scatter [tilespmem:s0], [sflag:$0x3], $0xC400, $0x38;
	[tilespmem:$0x18980] =	vst v63  }
0x142: {  	_ =	swait.ge [sflag:s24], $0xC400  }
0x143: {  	v7 =	vsel vm0, v22, v23;
	[sflag:s24] =	ssyncset.done $0x0  }
0x144: {  	v7 =	vadd.s32 v0, v7;
	[sflag:s24] =	ssyncadd.s32 $0xFFFF3C00  }
0x145: {  	[tilespmem:$0x80] =	vst v7  }
0x146: {  	v7 =	vld.msk [tilespmem:$0x80], $0xff;
	_ =	sdelay $0x4  }
0x147: {  	v24 =	vshrl.u32 v7, $0x3  }
0x148: {  	v8 =	vmul.u32 $0x188, v24  }
0x149: {  	v7 =	vand.u32 $0x7, v7  }
0x14a: {  	v7 =	vor.u32 v7, v8  }
0x14b: {  	v7 =	vperm.xlane v7, v2;
	_ =	sdelay $0x1  }
0x14c: {  	v7 =	vadd.s32 v3, v7;
	_ =	sdelay $0x4  }
0x14d: {  	[tilespmem:s0], [sflag:$0x1] =	stream.indirect_vreg.gather [hbm4b:s4+s3], $0x80, v7, vm1, $0xb8;
	[tilespmem:$0x18980] =	vst v63  }
0x14e: {  	_ = 	snop  }
0x14f: {  	[tilespmem:s2], [sflag:$0x1] =	stream.indirect_vreg.gather [hbm4b:s6+s3], $0x80, v7, vm1, $0xb8;
	[tilespmem:$0x18980] =	vst v63  }
0x150: {  	s2 =	simm.s32 $0x1180  }
0x151: {  	[tilespmem:s2], [sflag:$0x1] =	stream.indirect_vreg.gather [hbm4b:s7+s3], $0x80, v7, vm1, $0xb8;
	[tilespmem:$0x18980] =	vst v63  }
0x152: {  	s1 =	simm.s32 $0x1980  }
0x153: {  	[tilespmem:s1], [sflag:$0x1] =	stream.indirect_vreg.gather [hbm4b:s8+s3], $0x80, v7, vm1, $0xb8;
	[tilespmem:$0x18980] =	vst v63  }
0x154: {  	s2 =	simm.s32 $0x2180  }
0x155: {  	[tilespmem:s2], [sflag:$0x1] =	stream.indirect_vreg.gather [hbm4b:s9+s3], $0x80, v7, vm1, $0xb8;
	[tilespmem:$0x18980] =	vst v63  }
0x156: {  	s1 =	simm.s32 $0x2980  }
0x157: {  	[tilespmem:s1], [sflag:$0x1] =	stream.indirect_vreg.gather [hbm4b:s10+s3], $0x80, v7, vm1, $0xb8;
	[tilespmem:$0x18980] =	vst v63  }
0x158: {  	s2 =	simm.s32 $0x3180  }
0x159: {  	[tilespmem:s2], [sflag:$0x1] =	stream.indirect_vreg.gather [hbm4b:s11+s3], $0x80, v7, vm1, $0xb8;
	[tilespmem:$0x18980] =	vst v63  }
0x15a: {  	s1 =	simm.s32 $0x3980  }
0x15b: {  	[tilespmem:s1], [sflag:$0x1] =	stream.indirect_vreg.gather [hbm4b:s5+s3], $0x80, v7, vm1, $0xb8;
	[tilespmem:$0x18980] =	vst v63  }
0x15c: {  	s2 =	simm.s32 $0x4180  }
0x15d: {  	[tilespmem:s2], [sflag:$0x1] =	stream.indirect_vreg.gather [hbm4b:s13+s3], $0x80, v7, vm1, $0xb8;
	[tilespmem:$0x18980] =	vst v63  }
0x15e: {  	s1 =	simm.s32 $0x4980  }
0x15f: {  	[tilespmem:s1], [sflag:$0x1] =	stream.indirect_vreg.gather [hbm4b:s14+s3], $0x80, v7, vm1, $0xb8;
	[tilespmem:$0x18980] =	vst v63  }
0x160: {  	s2 =	simm.s32 $0x5180  }
0x161: {  	[tilespmem:s2], [sflag:$0x1] =	stream.indirect_vreg.gather [hbm4b:s15+s3], $0x80, v7, vm1, $0xb8;
	[tilespmem:$0x18980] =	vst v63  }
0x162: {  	s1 =	simm.s32 $0x5980  }
0x163: {  	[tilespmem:s1], [sflag:$0x1] =	stream.indirect_vreg.gather [hbm4b:s16+s3], $0x80, v7, vm1, $0xb8;
	[tilespmem:$0x18980] =	vst v63  }
0x164: {  	s2 =	simm.s32 $0x6180  }
0x165: {  	[tilespmem:s2], [sflag:$0x1] =	stream.indirect_vreg.gather [hbm4b:s17+s3], $0x80, v7, vm1, $0xb8;
	[tilespmem:$0x18980] =	vst v63  }
0x166: {  	s1 =	simm.s32 $0x6980  }
0x167: {  	[tilespmem:s1], [sflag:$0x1] =	stream.indirect_vreg.gather [hbm4b:s18+s3], $0x80, v7, vm1, $0xb8;
	[tilespmem:$0x18980] =	vst v63  }
0x168: {  	s2 =	simm.s32 $0x7180  }
0x169: {  	[tilespmem:s2], [sflag:$0x1] =	stream.indirect_vreg.gather [hbm4b:s19+s3], $0x80, v7, vm1, $0xb8;
	[tilespmem:$0x18980] =	vst v63  }
0x16a: {  	s1 =	simm.s32 $0x7980  }
0x16b: {  	[tilespmem:s1], [sflag:$0x1] =	stream.indirect_vreg.gather [hbm4b:s20+s3], $0x80, v7, vm1, $0xb8;
	[tilespmem:$0x18980] =	vst v63  }
0x16c: {  	s2 =	simm.s32 $0x8180  }
0x16d: {  	[tilespmem:s2], [sflag:$0x1] =	stream.indirect_vreg.gather [hbm4b:s21+s3], $0x80, v7, vm1, $0xb8;
	[tilespmem:$0x18980] =	vst v63  }
0x16e: {  	s1 =	simm.s32 $0x8980  }
0x16f: {  	[tilespmem:s1], [sflag:$0x1] =	stream.indirect_vreg.gather [hbm4b:s22+s3], $0x80, v7, vm1, $0xb8;
	[tilespmem:$0x18980] =	vst v63  }
0x170: {  	s2 =	simm.s32 $0x9180  }
0x171: {  	[tilespmem:s2], [sflag:$0x1] =	stream.indirect_vreg.gather [hbm4b:s23+s3], $0x80, v7, vm1, $0xb8;
	[tilespmem:$0x18980] =	vst v63  }
0x172: {  	s1 =	simm.s32 $0x9980  }
0x173: {  	[tilespmem:s1], [sflag:$0x1] =	stream.indirect_vreg.gather [hbm4b:s25+s3], $0x80, v7, vm1, $0xb8;
	[tilespmem:$0x18980] =	vst v63  }
0x174: {  	s2 =	simm.s32 $0xA180  }
0x175: {  	[tilespmem:s2], [sflag:$0x1] =	stream.indirect_vreg.gather [hbm4b:s26+s3], $0x80, v7, vm1, $0xb8;
	[tilespmem:$0x18980] =	vst v63  }
0x176: {  	s1 =	simm.s32 $0xA980  }
0x177: {  	[tilespmem:s1], [sflag:$0x1] =	stream.indirect_vreg.gather [hbm4b:s28+s3], $0x80, v7, vm1, $0xb8;
	[tilespmem:$0x18980] =	vst v63  }
0x178: {  	s2 =	simm.s32 $0xB180  }
0x179: {  	[tilespmem:s2], [sflag:$0x1] =	stream.indirect_vreg.gather [hbm4b:s29+s3], $0x80, v7, vm1, $0xb8;
	[tilespmem:$0x18980] =	vst v63  }
0x17a: {  	s1 =	simm.s32 $0xB980  }
0x17b: {  	[tilespmem:s1], [sflag:$0x1] =	stream.indirect_vreg.gather [hbm4b:s30+s3], $0x80, v7, vm1, $0xb8;
	[tilespmem:$0x18980] =	vst v63  }
0x17c: {  	s2 =	simm.s32 $0xC180;
	s1 =	simm.s32 $0x2  }
0x17d: {  	[tilespmem:s2], [sflag:$0x1] =	stream.indirect_vreg.gather [hbm4b:s12+s3], $0x80, v7, vm0, $0xb8;
	[tilespmem:$0x18980] =	vst v63  }
0x17e: {  	_ =	swait.ge [sflag:s1], $0xC400  }
0x17f: {  	s31 =	simm.s32 $0x4;
	[sflag:s1] =	ssyncset.done $0x0  }
0x180: {  	s0 =	simm.s32 $0xC580;
	s2 =	rddreg [dreg:$0x8];
	[sflag:s1] =	ssyncadd.s32 $0xFFFF3C00  }
0x181: {  	[hbm4b:s2+s3] =	stream.linear.scatter [tilespmem:s0], [sflag:$0x4], $0xC400, $0x38;
	[tilespmem:$0x18980] =	vst v63  }
0x182: {  	_ =	swait.ge [sflag:s31], $0xC400  }
0x183: {  	[sflag:s31] =	ssyncset.done $0x0  }
0x184: {  	[sflag:s31] =	ssyncadd.s32 $0xFFFF3C00  }
0x185: {  	v25 =	vld.msk [tilespmem:$0x88], $0xff;
	_ =	sdelay $0x4  }
0x186: {  	v26 =	vshrl.u32 v25, $0x3  }
0x187: {  	v8 =	vmul.u32 $0x188, v26  }
0x188: {  	v7 =	vand.u32 $0x7, v25  }
0x189: {  	v7 =	vor.u32 v7, v8  }
0x18a: {  	v7 =	vperm.xlane v7, v2;
	_ =	sdelay $0x1  }
0x18b: {  	v7 =	vadd.s32 v3, v7;
	_ =	sdelay $0x4  }
0x18c: {  	[tilespmem:s0], [sflag:$0x2] =	stream.indirect_vreg.gather [hbm4b:s4+s3], $0x80, v7, vm1, $0xb8;
	[tilespmem:$0x18980] =	vst v63  }
0x18d: {  	s1 =	simm.s32 $0xCD80  }
0x18e: {  	[tilespmem:s1], [sflag:$0x2] =	stream.indirect_vreg.gather [hbm4b:s6+s3], $0x80, v7, vm1, $0xb8;
	[tilespmem:$0x18980] =	vst v63  }
0x18f: {  	s2 =	simm.s32 $0xD580  }
0x190: {  	[tilespmem:s2], [sflag:$0x2] =	stream.indirect_vreg.gather [hbm4b:s7+s3], $0x80, v7, vm1, $0xb8;
	[tilespmem:$0x18980] =	vst v63  }
0x191: {  	s1 =	simm.s32 $0xDD80  }
0x192: {  	[tilespmem:s1], [sflag:$0x2] =	stream.indirect_vreg.gather [hbm4b:s8+s3], $0x80, v7, vm1, $0xb8;
	[tilespmem:$0x18980] =	vst v63  }
0x193: {  	s2 =	simm.s32 $0xE580  }
0x194: {  	[tilespmem:s2], [sflag:$0x2] =	stream.indirect_vreg.gather [hbm4b:s9+s3], $0x80, v7, vm1, $0xb8;
	[tilespmem:$0x18980] =	vst v63  }
0x195: {  	s1 =	simm.s32 $0xED80  }
0x196: {  	[tilespmem:s1], [sflag:$0x2] =	stream.indirect_vreg.gather [hbm4b:s10+s3], $0x80, v7, vm1, $0xb8;
	[tilespmem:$0x18980] =	vst v63  }
0x197: {  	s2 =	simm.s32 $0xF580  }
0x198: {  	[tilespmem:s2], [sflag:$0x2] =	stream.indirect_vreg.gather [hbm4b:s11+s3], $0x80, v7, vm1, $0xb8;
	[tilespmem:$0x18980] =	vst v63  }
0x199: {  	s1 =	simm.s32 $0xFD80  }
0x19a: {  	[tilespmem:s1], [sflag:$0x2] =	stream.indirect_vreg.gather [hbm4b:s5+s3], $0x80, v7, vm1, $0xb8;
	[tilespmem:$0x18980] =	vst v63  }
0x19b: {  	s2 =	simm.s32 $0x10580  }
0x19c: {  	[tilespmem:s2], [sflag:$0x2] =	stream.indirect_vreg.gather [hbm4b:s13+s3], $0x80, v7, vm1, $0xb8;
	[tilespmem:$0x18980] =	vst v63  }
0x19d: {  	s1 =	simm.s32 $0x10D80  }
0x19e: {  	[tilespmem:s1], [sflag:$0x2] =	stream.indirect_vreg.gather [hbm4b:s14+s3], $0x80, v7, vm1, $0xb8;
	[tilespmem:$0x18980] =	vst v63  }
0x19f: {  	s2 =	simm.s32 $0x11580  }
0x1a0: {  	[tilespmem:s2], [sflag:$0x2] =	stream.indirect_vreg.gather [hbm4b:s15+s3], $0x80, v7, vm1, $0xb8;
	[tilespmem:$0x18980] =	vst v63  }
0x1a1: {  	s1 =	simm.s32 $0x11D80  }
0x1a2: {  	[tilespmem:s1], [sflag:$0x2] =	stream.indirect_vreg.gather [hbm4b:s16+s3], $0x80, v7, vm1, $0xb8;
	[tilespmem:$0x18980] =	vst v63  }
0x1a3: {  	s2 =	simm.s32 $0x12580  }
0x1a4: {  	[tilespmem:s2], [sflag:$0x2] =	stream.indirect_vreg.gather [hbm4b:s17+s3], $0x80, v7, vm1, $0xb8;
	[tilespmem:$0x18980] =	vst v63  }
0x1a5: {  	s1 =	simm.s32 $0x12D80  }
0x1a6: {  	[tilespmem:s1], [sflag:$0x2] =	stream.indirect_vreg.gather [hbm4b:s18+s3], $0x80, v7, vm1, $0xb8;
	[tilespmem:$0x18980] =	vst v63  }
0x1a7: {  	s2 =	simm.s32 $0x13580  }
0x1a8: {  	[tilespmem:s2], [sflag:$0x2] =	stream.indirect_vreg.gather [hbm4b:s19+s3], $0x80, v7, vm1, $0xb8;
	[tilespmem:$0x18980] =	vst v63  }
0x1a9: {  	s1 =	simm.s32 $0x13D80  }
0x1aa: {  	[tilespmem:s1], [sflag:$0x2] =	stream.indirect_vreg.gather [hbm4b:s20+s3], $0x80, v7, vm1, $0xb8;
	[tilespmem:$0x18980] =	vst v63  }
0x1ab: {  	s2 =	simm.s32 $0x14580  }
0x1ac: {  	[tilespmem:s2], [sflag:$0x2] =	stream.indirect_vreg.gather [hbm4b:s21+s3], $0x80, v7, vm1, $0xb8;
	[tilespmem:$0x18980] =	vst v63  }
0x1ad: {  	s1 =	simm.s32 $0x14D80  }
0x1ae: {  	[tilespmem:s1], [sflag:$0x2] =	stream.indirect_vreg.gather [hbm4b:s22+s3], $0x80, v7, vm1, $0xb8;
	[tilespmem:$0x18980] =	vst v63  }
0x1af: {  	s2 =	simm.s32 $0x15580  }
0x1b0: {  	[tilespmem:s2], [sflag:$0x2] =	stream.indirect_vreg.gather [hbm4b:s23+s3], $0x80, v7, vm1, $0xb8;
	[tilespmem:$0x18980] =	vst v63  }
0x1b1: {  	s1 =	simm.s32 $0x15D80  }
0x1b2: {  	[tilespmem:s1], [sflag:$0x2] =	stream.indirect_vreg.gather [hbm4b:s25+s3], $0x80, v7, vm1, $0xb8;
	[tilespmem:$0x18980] =	vst v63  }
0x1b3: {  	s2 =	simm.s32 $0x16580  }
0x1b4: {  	[tilespmem:s2], [sflag:$0x2] =	stream.indirect_vreg.gather [hbm4b:s26+s3], $0x80, v7, vm1, $0xb8;
	[tilespmem:$0x18980] =	vst v63  }
0x1b5: {  	s1 =	simm.s32 $0x16D80  }
0x1b6: {  	[tilespmem:s1], [sflag:$0x2] =	stream.indirect_vreg.gather [hbm4b:s28+s3], $0x80, v7, vm1, $0xb8;
	[tilespmem:$0x18980] =	vst v63  }
0x1b7: {  	s2 =	simm.s32 $0x17580  }
0x1b8: {  	[tilespmem:s2], [sflag:$0x2] =	stream.indirect_vreg.gather [hbm4b:s29+s3], $0x80, v7, vm1, $0xb8;
	[tilespmem:$0x18980] =	vst v63  }
0x1b9: {  	s1 =	simm.s32 $0x17D80  }
0x1ba: {  	[tilespmem:s1], [sflag:$0x2] =	stream.indirect_vreg.gather [hbm4b:s30+s3], $0x80, v7, vm1, $0xb8;
	[tilespmem:$0x18980] =	vst v63  }
0x1bb: {  	s0 =	simm.s32 $0x1;
	s2 =	simm.s32 $0x18580  }
0x1bc: {  	[tilespmem:s2], [sflag:$0x2] =	stream.indirect_vreg.gather [hbm4b:s12+s3], $0x80, v7, vm0, $0xb8;
	[tilespmem:$0x18980] =	vst v63  }
0x1bd: {  	_ =	swait.ge [sflag:s0], $0xC400  }
0x1be: {  	s24 =	simm.s32 $0x3;
	[sflag:s0] =	ssyncset.done $0x0  }
0x1bf: {  	s1 =	rddreg [dreg:$0x9];
	[sflag:s0] =	ssyncadd.s32 $0xFFFF3C00;
	s0 =	simm.s32 $0x180  }
0x1c0: {  	v27 =	vbroadcast v5, $0x6;
	v28 =	vbroadcast v6, $0x7;
	[hbm4b:s1+s3] =	stream.linear.scatter [tilespmem:s0], [sflag:$0x3], $0xC400, $0x38;
	[tilespmem:$0x18980] =	vst v63  }
0x1c1: {  	_ =	swait.ge [sflag:s24], $0xC400  }
0x1c2: {  	v7 =	vsel vm0, v27, v28;
	[sflag:s24] =	ssyncset.done $0x0  }
0x1c3: {  	v7 =	vadd.s32 v0, v7;
	[sflag:s24] =	ssyncadd.s32 $0xFFFF3C00  }
0x1c4: {  	[tilespmem:$0x100] =	vst v7  }
0x1c5: {  	v7 =	vld.msk [tilespmem:$0x100], $0xff;
	_ =	sdelay $0x4  }
0x1c6: {  	v29 =	vshrl.u32 v7, $0x3  }
0x1c7: {  	v8 =	vmul.u32 $0x188, v29  }
0x1c8: {  	v7 =	vand.u32 $0x7, v7  }
0x1c9: {  	v7 =	vor.u32 v7, v8  }
0x1ca: {  	v7 =	vperm.xlane v7, v2;
	_ =	sdelay $0x1  }
0x1cb: {  	v7 =	vadd.s32 v3, v7;
	_ =	sdelay $0x4  }
0x1cc: {  	[tilespmem:s0], [sflag:$0x1] =	stream.indirect_vreg.gather [hbm4b:s4+s3], $0x80, v7, vm1, $0xb8;
	[tilespmem:$0x18980] =	vst v63  }
0x1cd: {  	s1 =	simm.s32 $0x980  }
0x1ce: {  	[tilespmem:s1], [sflag:$0x1] =	stream.indirect_vreg.gather [hbm4b:s6+s3], $0x80, v7, vm1, $0xb8;
	[tilespmem:$0x18980] =	vst v63  }
0x1cf: {  	s1 =	simm.s32 $0x1180  }
0x1d0: {  	[tilespmem:s1], [sflag:$0x1] =	stream.indirect_vreg.gather [hbm4b:s7+s3], $0x80, v7, vm1, $0xb8;
	[tilespmem:$0x18980] =	vst v63  }
0x1d1: {  	s1 =	simm.s32 $0x1980  }
0x1d2: {  	[tilespmem:s1], [sflag:$0x1] =	stream.indirect_vreg.gather [hbm4b:s8+s3], $0x80, v7, vm1, $0xb8;
	[tilespmem:$0x18980] =	vst v63  }
0x1d3: {  	s1 =	simm.s32 $0x2180  }
0x1d4: {  	[tilespmem:s1], [sflag:$0x1] =	stream.indirect_vreg.gather [hbm4b:s9+s3], $0x80, v7, vm1, $0xb8;
	[tilespmem:$0x18980] =	vst v63  }
0x1d5: {  	s1 =	simm.s32 $0x2980  }
0x1d6: {  	[tilespmem:s1], [sflag:$0x1] =	stream.indirect_vreg.gather [hbm4b:s10+s3], $0x80, v7, vm1, $0xb8;
	[tilespmem:$0x18980] =	vst v63  }
0x1d7: {  	s1 =	simm.s32 $0x3180  }
0x1d8: {  	[tilespmem:s1], [sflag:$0x1] =	stream.indirect_vreg.gather [hbm4b:s11+s3], $0x80, v7, vm1, $0xb8;
	[tilespmem:$0x18980] =	vst v63  }
0x1d9: {  	s1 =	simm.s32 $0x3980  }
0x1da: {  	[tilespmem:s1], [sflag:$0x1] =	stream.indirect_vreg.gather [hbm4b:s5+s3], $0x80, v7, vm1, $0xb8;
	[tilespmem:$0x18980] =	vst v63  }
0x1db: {  	s1 =	simm.s32 $0x4180  }
0x1dc: {  	[tilespmem:s1], [sflag:$0x1] =	stream.indirect_vreg.gather [hbm4b:s13+s3], $0x80, v7, vm1, $0xb8;
	[tilespmem:$0x18980] =	vst v63  }
0x1dd: {  	s1 =	simm.s32 $0x4980  }
0x1de: {  	[tilespmem:s1], [sflag:$0x1] =	stream.indirect_vreg.gather [hbm4b:s14+s3], $0x80, v7, vm1, $0xb8;
	[tilespmem:$0x18980] =	vst v63  }
0x1df: {  	s1 =	simm.s32 $0x5180  }
0x1e0: {  	[tilespmem:s1], [sflag:$0x1] =	stream.indirect_vreg.gather [hbm4b:s15+s3], $0x80, v7, vm1, $0xb8;
	[tilespmem:$0x18980] =	vst v63  }
0x1e1: {  	s1 =	simm.s32 $0x5980  }
0x1e2: {  	[tilespmem:s1], [sflag:$0x1] =	stream.indirect_vreg.gather [hbm4b:s16+s3], $0x80, v7, vm1, $0xb8;
	[tilespmem:$0x18980] =	vst v63  }
0x1e3: {  	s1 =	simm.s32 $0x6180  }
0x1e4: {  	[tilespmem:s1], [sflag:$0x1] =	stream.indirect_vreg.gather [hbm4b:s17+s3], $0x80, v7, vm1, $0xb8;
	[tilespmem:$0x18980] =	vst v63  }
0x1e5: {  	s1 =	simm.s32 $0x6980  }
0x1e6: {  	[tilespmem:s1], [sflag:$0x1] =	stream.indirect_vreg.gather [hbm4b:s18+s3], $0x80, v7, vm1, $0xb8;
	[tilespmem:$0x18980] =	vst v63  }
0x1e7: {  	s1 =	simm.s32 $0x7180  }
0x1e8: {  	[tilespmem:s1], [sflag:$0x1] =	stream.indirect_vreg.gather [hbm4b:s19+s3], $0x80, v7, vm1, $0xb8;
	[tilespmem:$0x18980] =	vst v63  }
0x1e9: {  	s1 =	simm.s32 $0x7980  }
0x1ea: {  	[tilespmem:s1], [sflag:$0x1] =	stream.indirect_vreg.gather [hbm4b:s20+s3], $0x80, v7, vm1, $0xb8;
	[tilespmem:$0x18980] =	vst v63  }
0x1eb: {  	s1 =	simm.s32 $0x8180  }
0x1ec: {  	[tilespmem:s1], [sflag:$0x1] =	stream.indirect_vreg.gather [hbm4b:s21+s3], $0x80, v7, vm1, $0xb8;
	[tilespmem:$0x18980] =	vst v63  }
0x1ed: {  	s1 =	simm.s32 $0x8980  }
0x1ee: {  	[tilespmem:s1], [sflag:$0x1] =	stream.indirect_vreg.gather [hbm4b:s22+s3], $0x80, v7, vm1, $0xb8;
	[tilespmem:$0x18980] =	vst v63  }
0x1ef: {  	s1 =	simm.s32 $0x9180  }
0x1f0: {  	[tilespmem:s1], [sflag:$0x1] =	stream.indirect_vreg.gather [hbm4b:s23+s3], $0x80, v7, vm1, $0xb8;
	[tilespmem:$0x18980] =	vst v63  }
0x1f1: {  	s1 =	simm.s32 $0x9980  }
0x1f2: {  	[tilespmem:s1], [sflag:$0x1] =	stream.indirect_vreg.gather [hbm4b:s25+s3], $0x80, v7, vm1, $0xb8;
	[tilespmem:$0x18980] =	vst v63  }
0x1f3: {  	s1 =	simm.s32 $0xA180  }
0x1f4: {  	[tilespmem:s1], [sflag:$0x1] =	stream.indirect_vreg.gather [hbm4b:s26+s3], $0x80, v7, vm1, $0xb8;
	[tilespmem:$0x18980] =	vst v63  }
0x1f5: {  	s1 =	simm.s32 $0xA980  }
0x1f6: {  	[tilespmem:s1], [sflag:$0x1] =	stream.indirect_vreg.gather [hbm4b:s28+s3], $0x80, v7, vm1, $0xb8;
	[tilespmem:$0x18980] =	vst v63  }
0x1f7: {  	s1 =	simm.s32 $0xB180  }
0x1f8: {  	[tilespmem:s1], [sflag:$0x1] =	stream.indirect_vreg.gather [hbm4b:s29+s3], $0x80, v7, vm1, $0xb8;
	[tilespmem:$0x18980] =	vst v63  }
0x1f9: {  	s1 =	simm.s32 $0xB980  }
0x1fa: {  	[tilespmem:s1], [sflag:$0x1] =	stream.indirect_vreg.gather [hbm4b:s30+s3], $0x80, v7, vm1, $0xb8;
	[tilespmem:$0x18980] =	vst v63  }
0x1fb: {  	s0 =	simm.s32 $0x2;
	s1 =	simm.s32 $0xC180  }
0x1fc: {  	[tilespmem:s1], [sflag:$0x1] =	stream.indirect_vreg.gather [hbm4b:s12+s3], $0x80, v7, vm0, $0xb8;
	[tilespmem:$0x18980] =	vst v63  }
0x1fd: {  	_ =	swait.ge [sflag:s0], $0xC400  }
0x1fe: {  	[sflag:s0] =	ssyncset.done $0x0  }
0x1ff: {  	s1 =	rddreg [dreg:$0xa];
	[sflag:s0] =	ssyncadd.s32 $0xFFFF3C00;
	s0 =	simm.s32 $0xC580  }
0x200: {  	[hbm4b:s1+s3] =	stream.linear.scatter [tilespmem:s0], [sflag:$0x4], $0xC400, $0x38;
	[tilespmem:$0x18980] =	vst v63  }
0x201: {  	_ =	swait.ge [sflag:s31], $0xC400  }
0x202: {  	[sflag:s31] =	ssyncset.done $0x0  }
0x203: {  	[sflag:s31] =	ssyncadd.s32 $0xFFFF3C00  }
0x204: {  	v30 =	vld.msk [tilespmem:$0x108], $0xff;
	_ =	sdelay $0x4  }
0x205: {  	v31 =	vshrl.u32 v30, $0x3  }
0x206: {  	v8 =	vmul.u32 $0x188, v31  }
0x207: {  	v7 =	vand.u32 $0x7, v30  }
0x208: {  	v7 =	vor.u32 v7, v8  }
0x209: {  	v7 =	vperm.xlane v7, v2;
	_ =	sdelay $0x1  }
0x20a: {  	v7 =	vadd.s32 v3, v7;
	_ =	sdelay $0x4  }
0x20b: {  	[tilespmem:s0], [sflag:$0x2] =	stream.indirect_vreg.gather [hbm4b:s4+s3], $0x80, v7, vm1, $0xb8;
	[tilespmem:$0x18980] =	vst v63  }
0x20c: {  	s1 =	simm.s32 $0xCD80  }
0x20d: {  	[tilespmem:s1], [sflag:$0x2] =	stream.indirect_vreg.gather [hbm4b:s6+s3], $0x80, v7, vm1, $0xb8;
	[tilespmem:$0x18980] =	vst v63  }
0x20e: {  	s1 =	simm.s32 $0xD580  }
0x20f: {  	[tilespmem:s1], [sflag:$0x2] =	stream.indirect_vreg.gather [hbm4b:s7+s3], $0x80, v7, vm1, $0xb8;
	[tilespmem:$0x18980] =	vst v63  }
0x210: {  	s1 =	simm.s32 $0xDD80  }
0x211: {  	[tilespmem:s1], [sflag:$0x2] =	stream.indirect_vreg.gather [hbm4b:s8+s3], $0x80, v7, vm1, $0xb8;
	[tilespmem:$0x18980] =	vst v63  }
0x212: {  	s1 =	simm.s32 $0xE580  }
0x213: {  	[tilespmem:s1], [sflag:$0x2] =	stream.indirect_vreg.gather [hbm4b:s9+s3], $0x80, v7, vm1, $0xb8;
	[tilespmem:$0x18980] =	vst v63  }
0x214: {  	s1 =	simm.s32 $0xED80  }
0x215: {  	[tilespmem:s1], [sflag:$0x2] =	stream.indirect_vreg.gather [hbm4b:s10+s3], $0x80, v7, vm1, $0xb8;
	[tilespmem:$0x18980] =	vst v63  }
0x216: {  	s1 =	simm.s32 $0xF580  }
0x217: {  	[tilespmem:s1], [sflag:$0x2] =	stream.indirect_vreg.gather [hbm4b:s11+s3], $0x80, v7, vm1, $0xb8;
	[tilespmem:$0x18980] =	vst v63  }
0x218: {  	s1 =	simm.s32 $0xFD80  }
0x219: {  	[tilespmem:s1], [sflag:$0x2] =	stream.indirect_vreg.gather [hbm4b:s5+s3], $0x80, v7, vm1, $0xb8;
	[tilespmem:$0x18980] =	vst v63  }
0x21a: {  	s1 =	simm.s32 $0x10580  }
0x21b: {  	[tilespmem:s1], [sflag:$0x2] =	stream.indirect_vreg.gather [hbm4b:s13+s3], $0x80, v7, vm1, $0xb8;
	[tilespmem:$0x18980] =	vst v63  }
0x21c: {  	s1 =	simm.s32 $0x10D80  }
0x21d: {  	[tilespmem:s1], [sflag:$0x2] =	stream.indirect_vreg.gather [hbm4b:s14+s3], $0x80, v7, vm1, $0xb8;
	[tilespmem:$0x18980] =	vst v63  }
0x21e: {  	s1 =	simm.s32 $0x11580  }
0x21f: {  	[tilespmem:s1], [sflag:$0x2] =	stream.indirect_vreg.gather [hbm4b:s15+s3], $0x80, v7, vm1, $0xb8;
	[tilespmem:$0x18980] =	vst v63  }
0x220: {  	s1 =	simm.s32 $0x11D80  }
0x221: {  	[tilespmem:s1], [sflag:$0x2] =	stream.indirect_vreg.gather [hbm4b:s16+s3], $0x80, v7, vm1, $0xb8;
	[tilespmem:$0x18980] =	vst v63  }
0x222: {  	s1 =	simm.s32 $0x12580  }
0x223: {  	[tilespmem:s1], [sflag:$0x2] =	stream.indirect_vreg.gather [hbm4b:s17+s3], $0x80, v7, vm1, $0xb8;
	[tilespmem:$0x18980] =	vst v63  }
0x224: {  	s1 =	simm.s32 $0x12D80  }
0x225: {  	[tilespmem:s1], [sflag:$0x2] =	stream.indirect_vreg.gather [hbm4b:s18+s3], $0x80, v7, vm1, $0xb8;
	[tilespmem:$0x18980] =	vst v63  }
0x226: {  	s1 =	simm.s32 $0x13580  }
0x227: {  	[tilespmem:s1], [sflag:$0x2] =	stream.indirect_vreg.gather [hbm4b:s19+s3], $0x80, v7, vm1, $0xb8;
	[tilespmem:$0x18980] =	vst v63  }
0x228: {  	s1 =	simm.s32 $0x13D80  }
0x229: {  	[tilespmem:s1], [sflag:$0x2] =	stream.indirect_vreg.gather [hbm4b:s20+s3], $0x80, v7, vm1, $0xb8;
	[tilespmem:$0x18980] =	vst v63  }
0x22a: {  	s1 =	simm.s32 $0x14580  }
0x22b: {  	[tilespmem:s1], [sflag:$0x2] =	stream.indirect_vreg.gather [hbm4b:s21+s3], $0x80, v7, vm1, $0xb8;
	[tilespmem:$0x18980] =	vst v63  }
0x22c: {  	s1 =	simm.s32 $0x14D80  }
0x22d: {  	[tilespmem:s1], [sflag:$0x2] =	stream.indirect_vreg.gather [hbm4b:s22+s3], $0x80, v7, vm1, $0xb8;
	[tilespmem:$0x18980] =	vst v63  }
0x22e: {  	s1 =	simm.s32 $0x15580  }
0x22f: {  	[tilespmem:s1], [sflag:$0x2] =	stream.indirect_vreg.gather [hbm4b:s23+s3], $0x80, v7, vm1, $0xb8;
	[tilespmem:$0x18980] =	vst v63  }
0x230: {  	s1 =	simm.s32 $0x15D80  }
0x231: {  	[tilespmem:s1], [sflag:$0x2] =	stream.indirect_vreg.gather [hbm4b:s25+s3], $0x80, v7, vm1, $0xb8;
	[tilespmem:$0x18980] =	vst v63  }
0x232: {  	s1 =	simm.s32 $0x16580  }
0x233: {  	[tilespmem:s1], [sflag:$0x2] =	stream.indirect_vreg.gather [hbm4b:s26+s3], $0x80, v7, vm1, $0xb8;
	[tilespmem:$0x18980] =	vst v63  }
0x234: {  	s1 =	simm.s32 $0x16D80  }
0x235: {  	[tilespmem:s1], [sflag:$0x2] =	stream.indirect_vreg.gather [hbm4b:s28+s3], $0x80, v7, vm1, $0xb8;
	[tilespmem:$0x18980] =	vst v63  }
0x236: {  	s1 =	simm.s32 $0x17580  }
0x237: {  	[tilespmem:s1], [sflag:$0x2] =	stream.indirect_vreg.gather [hbm4b:s29+s3], $0x80, v7, vm1, $0xb8;
	[tilespmem:$0x18980] =	vst v63  }
0x238: {  	s1 =	simm.s32 $0x17D80  }
0x239: {  	[tilespmem:s1], [sflag:$0x2] =	stream.indirect_vreg.gather [hbm4b:s30+s3], $0x80, v7, vm1, $0xb8;
	[tilespmem:$0x18980] =	vst v63  }
0x23a: {  	s2 =	simm.s32 $0x1;
	s1 =	simm.s32 $0x18580  }
0x23b: {  	[tilespmem:s1], [sflag:$0x2] =	stream.indirect_vreg.gather [hbm4b:s12+s3], $0x80, v7, vm0, $0xb8;
	[tilespmem:$0x18980] =	vst v63  }
0x23c: {  	_ =	swait.ge [sflag:s2], $0xC400  }
0x23d: {  	[sflag:s2] =	ssyncset.done $0x0  }
0x23e: {  	s0 =	simm.s32 $0x180;
	s1 =	rddreg [dreg:$0xb];
	[sflag:s2] =	ssyncadd.s32 $0xFFFF3C00  }
0x23f: {  	v32 =	vbroadcast v5, $0x8;
	v33 =	vbroadcast v6, $0x9;
	[hbm4b:s1+s3] =	stream.linear.scatter [tilespmem:s0], [sflag:$0x3], $0xC400, $0x38;
	[tilespmem:$0x18980] =	vst v63  }
0x240: {  	_ =	swait.ge [sflag:s24], $0xC400  }
0x241: {  	v7 =	vsel vm0, v32, v33;
	[sflag:s24] =	ssyncset.done $0x0  }
0x242: {  	v7 =	vadd.s32 v0, v7;
	[sflag:s24] =	ssyncadd.s32 $0xFFFF3C00  }
0x243: {  	[tilespmem:$0x80] =	vst v7  }
0x244: {  	v7 =	vld.msk [tilespmem:$0x80], $0xff;
	_ =	sdelay $0x4  }
0x245: {  	v34 =	vshrl.u32 v7, $0x3  }
0x246: {  	v8 =	vmul.u32 $0x188, v34  }
0x247: {  	v7 =	vand.u32 $0x7, v7  }
0x248: {  	v7 =	vor.u32 v7, v8  }
0x249: {  	v7 =	vperm.xlane v7, v2;
	_ =	sdelay $0x1  }
0x24a: {  	v7 =	vadd.s32 v3, v7;
	_ =	sdelay $0x4  }
0x24b: {  	[tilespmem:s0], [sflag:$0x1] =	stream.indirect_vreg.gather [hbm4b:s4+s3], $0x80, v7, vm1, $0xb8;
	[tilespmem:$0x18980] =	vst v63  }
0x24c: {  	s1 =	simm.s32 $0x980  }
0x24d: {  	[tilespmem:s1], [sflag:$0x1] =	stream.indirect_vreg.gather [hbm4b:s6+s3], $0x80, v7, vm1, $0xb8;
	[tilespmem:$0x18980] =	vst v63  }
0x24e: {  	s1 =	simm.s32 $0x1180  }
0x24f: {  	[tilespmem:s1], [sflag:$0x1] =	stream.indirect_vreg.gather [hbm4b:s7+s3], $0x80, v7, vm1, $0xb8;
	[tilespmem:$0x18980] =	vst v63  }
0x250: {  	s1 =	simm.s32 $0x1980  }
0x251: {  	[tilespmem:s1], [sflag:$0x1] =	stream.indirect_vreg.gather [hbm4b:s8+s3], $0x80, v7, vm1, $0xb8;
	[tilespmem:$0x18980] =	vst v63  }
0x252: {  	s1 =	simm.s32 $0x2180  }
0x253: {  	[tilespmem:s1], [sflag:$0x1] =	stream.indirect_vreg.gather [hbm4b:s9+s3], $0x80, v7, vm1, $0xb8;
	[tilespmem:$0x18980] =	vst v63  }
0x254: {  	s1 =	simm.s32 $0x2980  }
0x255: {  	[tilespmem:s1], [sflag:$0x1] =	stream.indirect_vreg.gather [hbm4b:s10+s3], $0x80, v7, vm1, $0xb8;
	[tilespmem:$0x18980] =	vst v63  }
0x256: {  	s1 =	simm.s32 $0x3180  }
0x257: {  	[tilespmem:s1], [sflag:$0x1] =	stream.indirect_vreg.gather [hbm4b:s11+s3], $0x80, v7, vm1, $0xb8;
	[tilespmem:$0x18980] =	vst v63  }
0x258: {  	s1 =	simm.s32 $0x3980  }
0x259: {  	[tilespmem:s1], [sflag:$0x1] =	stream.indirect_vreg.gather [hbm4b:s5+s3], $0x80, v7, vm1, $0xb8;
	[tilespmem:$0x18980] =	vst v63  }
0x25a: {  	s1 =	simm.s32 $0x4180  }
0x25b: {  	[tilespmem:s1], [sflag:$0x1] =	stream.indirect_vreg.gather [hbm4b:s13+s3], $0x80, v7, vm1, $0xb8;
	[tilespmem:$0x18980] =	vst v63  }
0x25c: {  	s1 =	simm.s32 $0x4980  }
0x25d: {  	[tilespmem:s1], [sflag:$0x1] =	stream.indirect_vreg.gather [hbm4b:s14+s3], $0x80, v7, vm1, $0xb8;
	[tilespmem:$0x18980] =	vst v63  }
0x25e: {  	s1 =	simm.s32 $0x5180  }
0x25f: {  	[tilespmem:s1], [sflag:$0x1] =	stream.indirect_vreg.gather [hbm4b:s15+s3], $0x80, v7, vm1, $0xb8;
	[tilespmem:$0x18980] =	vst v63  }
0x260: {  	s1 =	simm.s32 $0x5980  }
0x261: {  	[tilespmem:s1], [sflag:$0x1] =	stream.indirect_vreg.gather [hbm4b:s16+s3], $0x80, v7, vm1, $0xb8;
	[tilespmem:$0x18980] =	vst v63  }
0x262: {  	s1 =	simm.s32 $0x6180  }
0x263: {  	[tilespmem:s1], [sflag:$0x1] =	stream.indirect_vreg.gather [hbm4b:s17+s3], $0x80, v7, vm1, $0xb8;
	[tilespmem:$0x18980] =	vst v63  }
0x264: {  	s1 =	simm.s32 $0x6980  }
0x265: {  	[tilespmem:s1], [sflag:$0x1] =	stream.indirect_vreg.gather [hbm4b:s18+s3], $0x80, v7, vm1, $0xb8;
	[tilespmem:$0x18980] =	vst v63  }
0x266: {  	s1 =	simm.s32 $0x7180  }
0x267: {  	[tilespmem:s1], [sflag:$0x1] =	stream.indirect_vreg.gather [hbm4b:s19+s3], $0x80, v7, vm1, $0xb8;
	[tilespmem:$0x18980] =	vst v63  }
0x268: {  	s1 =	simm.s32 $0x7980  }
0x269: {  	[tilespmem:s1], [sflag:$0x1] =	stream.indirect_vreg.gather [hbm4b:s20+s3], $0x80, v7, vm1, $0xb8;
	[tilespmem:$0x18980] =	vst v63  }
0x26a: {  	s1 =	simm.s32 $0x8180  }
0x26b: {  	[tilespmem:s1], [sflag:$0x1] =	stream.indirect_vreg.gather [hbm4b:s21+s3], $0x80, v7, vm1, $0xb8;
	[tilespmem:$0x18980] =	vst v63  }
0x26c: {  	s1 =	simm.s32 $0x8980  }
0x26d: {  	[tilespmem:s1], [sflag:$0x1] =	stream.indirect_vreg.gather [hbm4b:s22+s3], $0x80, v7, vm1, $0xb8;
	[tilespmem:$0x18980] =	vst v63  }
0x26e: {  	s1 =	simm.s32 $0x9180  }
0x26f: {  	[tilespmem:s1], [sflag:$0x1] =	stream.indirect_vreg.gather [hbm4b:s23+s3], $0x80, v7, vm1, $0xb8;
	[tilespmem:$0x18980] =	vst v63  }
0x270: {  	s1 =	simm.s32 $0x9980  }
0x271: {  	[tilespmem:s1], [sflag:$0x1] =	stream.indirect_vreg.gather [hbm4b:s25+s3], $0x80, v7, vm1, $0xb8;
	[tilespmem:$0x18980] =	vst v63  }
0x272: {  	s1 =	simm.s32 $0xA180  }
0x273: {  	[tilespmem:s1], [sflag:$0x1] =	stream.indirect_vreg.gather [hbm4b:s26+s3], $0x80, v7, vm1, $0xb8;
	[tilespmem:$0x18980] =	vst v63  }
0x274: {  	s1 =	simm.s32 $0xA980  }
0x275: {  	[tilespmem:s1], [sflag:$0x1] =	stream.indirect_vreg.gather [hbm4b:s28+s3], $0x80, v7, vm1, $0xb8;
	[tilespmem:$0x18980] =	vst v63  }
0x276: {  	s1 =	simm.s32 $0xB180  }
0x277: {  	[tilespmem:s1], [sflag:$0x1] =	stream.indirect_vreg.gather [hbm4b:s29+s3], $0x80, v7, vm1, $0xb8;
	[tilespmem:$0x18980] =	vst v63  }
0x278: {  	s1 =	simm.s32 $0xB980  }
0x279: {  	[tilespmem:s1], [sflag:$0x1] =	stream.indirect_vreg.gather [hbm4b:s30+s3], $0x80, v7, vm1, $0xb8;
	[tilespmem:$0x18980] =	vst v63  }
0x27a: {  	s0 =	simm.s32 $0x2;
	s1 =	simm.s32 $0xC180  }
0x27b: {  	[tilespmem:s1], [sflag:$0x1] =	stream.indirect_vreg.gather [hbm4b:s12+s3], $0x80, v7, vm0, $0xb8;
	[tilespmem:$0x18980] =	vst v63  }
0x27c: {  	_ =	swait.ge [sflag:s0], $0xC400  }
0x27d: {  	[sflag:s0] =	ssyncset.done $0x0  }
0x27e: {  	s1 =	rddreg [dreg:$0xc];
	[sflag:s0] =	ssyncadd.s32 $0xFFFF3C00;
	s0 =	simm.s32 $0xC580  }
0x27f: {  	[hbm4b:s1+s3] =	stream.linear.scatter [tilespmem:s0], [sflag:$0x4], $0xC400, $0x38;
	[tilespmem:$0x18980] =	vst v63  }
0x280: {  	_ =	swait.ge [sflag:s31], $0xC400  }
0x281: {  	[sflag:s31] =	ssyncset.done $0x0  }
0x282: {  	[sflag:s31] =	ssyncadd.s32 $0xFFFF3C00  }
0x283: {  	v35 =	vld.msk [tilespmem:$0x88], $0xff;
	_ =	sdelay $0x4  }
0x284: {  	v36 =	vshrl.u32 v35, $0x3  }
0x285: {  	v8 =	vmul.u32 $0x188, v36  }
0x286: {  	v7 =	vand.u32 $0x7, v35  }
0x287: {  	v7 =	vor.u32 v7, v8  }
0x288: {  	v7 =	vperm.xlane v7, v2;
	_ =	sdelay $0x1  }
0x289: {  	v7 =	vadd.s32 v3, v7;
	_ =	sdelay $0x4  }
0x28a: {  	[tilespmem:s0], [sflag:$0x2] =	stream.indirect_vreg.gather [hbm4b:s4+s3], $0x80, v7, vm1, $0xb8;
	[tilespmem:$0x18980] =	vst v63  }
0x28b: {  	s1 =	simm.s32 $0xCD80  }
0x28c: {  	[tilespmem:s1], [sflag:$0x2] =	stream.indirect_vreg.gather [hbm4b:s6+s3], $0x80, v7, vm1, $0xb8;
	[tilespmem:$0x18980] =	vst v63  }
0x28d: {  	s1 =	simm.s32 $0xD580  }
0x28e: {  	[tilespmem:s1], [sflag:$0x2] =	stream.indirect_vreg.gather [hbm4b:s7+s3], $0x80, v7, vm1, $0xb8;
	[tilespmem:$0x18980] =	vst v63  }
0x28f: {  	s1 =	simm.s32 $0xDD80  }
0x290: {  	[tilespmem:s1], [sflag:$0x2] =	stream.indirect_vreg.gather [hbm4b:s8+s3], $0x80, v7, vm1, $0xb8;
	[tilespmem:$0x18980] =	vst v63  }
0x291: {  	s1 =	simm.s32 $0xE580  }
0x292: {  	[tilespmem:s1], [sflag:$0x2] =	stream.indirect_vreg.gather [hbm4b:s9+s3], $0x80, v7, vm1, $0xb8;
	[tilespmem:$0x18980] =	vst v63  }
0x293: {  	s1 =	simm.s32 $0xED80  }
0x294: {  	[tilespmem:s1], [sflag:$0x2] =	stream.indirect_vreg.gather [hbm4b:s10+s3], $0x80, v7, vm1, $0xb8;
	[tilespmem:$0x18980] =	vst v63  }
0x295: {  	s1 =	simm.s32 $0xF580  }
0x296: {  	[tilespmem:s1], [sflag:$0x2] =	stream.indirect_vreg.gather [hbm4b:s11+s3], $0x80, v7, vm1, $0xb8;
	[tilespmem:$0x18980] =	vst v63  }
0x297: {  	s1 =	simm.s32 $0xFD80  }
0x298: {  	[tilespmem:s1], [sflag:$0x2] =	stream.indirect_vreg.gather [hbm4b:s5+s3], $0x80, v7, vm1, $0xb8;
	[tilespmem:$0x18980] =	vst v63  }
0x299: {  	s1 =	simm.s32 $0x10580  }
0x29a: {  	[tilespmem:s1], [sflag:$0x2] =	stream.indirect_vreg.gather [hbm4b:s13+s3], $0x80, v7, vm1, $0xb8;
	[tilespmem:$0x18980] =	vst v63  }
0x29b: {  	s1 =	simm.s32 $0x10D80  }
0x29c: {  	[tilespmem:s1], [sflag:$0x2] =	stream.indirect_vreg.gather [hbm4b:s14+s3], $0x80, v7, vm1, $0xb8;
	[tilespmem:$0x18980] =	vst v63  }
0x29d: {  	s1 =	simm.s32 $0x11580  }
0x29e: {  	[tilespmem:s1], [sflag:$0x2] =	stream.indirect_vreg.gather [hbm4b:s15+s3], $0x80, v7, vm1, $0xb8;
	[tilespmem:$0x18980] =	vst v63  }
0x29f: {  	s1 =	simm.s32 $0x11D80  }
0x2a0: {  	[tilespmem:s1], [sflag:$0x2] =	stream.indirect_vreg.gather [hbm4b:s16+s3], $0x80, v7, vm1, $0xb8;
	[tilespmem:$0x18980] =	vst v63  }
0x2a1: {  	s1 =	simm.s32 $0x12580  }
0x2a2: {  	[tilespmem:s1], [sflag:$0x2] =	stream.indirect_vreg.gather [hbm4b:s17+s3], $0x80, v7, vm1, $0xb8;
	[tilespmem:$0x18980] =	vst v63  }
0x2a3: {  	s1 =	simm.s32 $0x12D80  }
0x2a4: {  	[tilespmem:s1], [sflag:$0x2] =	stream.indirect_vreg.gather [hbm4b:s18+s3], $0x80, v7, vm1, $0xb8;
	[tilespmem:$0x18980] =	vst v63  }
0x2a5: {  	s1 =	simm.s32 $0x13580  }
0x2a6: {  	[tilespmem:s1], [sflag:$0x2] =	stream.indirect_vreg.gather [hbm4b:s19+s3], $0x80, v7, vm1, $0xb8;
	[tilespmem:$0x18980] =	vst v63  }
0x2a7: {  	s1 =	simm.s32 $0x13D80  }
0x2a8: {  	[tilespmem:s1], [sflag:$0x2] =	stream.indirect_vreg.gather [hbm4b:s20+s3], $0x80, v7, vm1, $0xb8;
	[tilespmem:$0x18980] =	vst v63  }
0x2a9: {  	s1 =	simm.s32 $0x14580  }
0x2aa: {  	[tilespmem:s1], [sflag:$0x2] =	stream.indirect_vreg.gather [hbm4b:s21+s3], $0x80, v7, vm1, $0xb8;
	[tilespmem:$0x18980] =	vst v63  }
0x2ab: {  	s1 =	simm.s32 $0x14D80  }
0x2ac: {  	[tilespmem:s1], [sflag:$0x2] =	stream.indirect_vreg.gather [hbm4b:s22+s3], $0x80, v7, vm1, $0xb8;
	[tilespmem:$0x18980] =	vst v63  }
0x2ad: {  	s1 =	simm.s32 $0x15580  }
0x2ae: {  	[tilespmem:s1], [sflag:$0x2] =	stream.indirect_vreg.gather [hbm4b:s23+s3], $0x80, v7, vm1, $0xb8;
	[tilespmem:$0x18980] =	vst v63  }
0x2af: {  	s1 =	simm.s32 $0x15D80  }
0x2b0: {  	[tilespmem:s1], [sflag:$0x2] =	stream.indirect_vreg.gather [hbm4b:s25+s3], $0x80, v7, vm1, $0xb8;
	[tilespmem:$0x18980] =	vst v63  }
0x2b1: {  	s1 =	simm.s32 $0x16580  }
0x2b2: {  	[tilespmem:s1], [sflag:$0x2] =	stream.indirect_vreg.gather [hbm4b:s26+s3], $0x80, v7, vm1, $0xb8;
	[tilespmem:$0x18980] =	vst v63  }
0x2b3: {  	s1 =	simm.s32 $0x16D80  }
0x2b4: {  	[tilespmem:s1], [sflag:$0x2] =	stream.indirect_vreg.gather [hbm4b:s28+s3], $0x80, v7, vm1, $0xb8;
	[tilespmem:$0x18980] =	vst v63  }
0x2b5: {  	s1 =	simm.s32 $0x17580  }
0x2b6: {  	[tilespmem:s1], [sflag:$0x2] =	stream.indirect_vreg.gather [hbm4b:s29+s3], $0x80, v7, vm1, $0xb8;
	[tilespmem:$0x18980] =	vst v63  }
0x2b7: {  	s1 =	simm.s32 $0x17D80  }
0x2b8: {  	[tilespmem:s1], [sflag:$0x2] =	stream.indirect_vreg.gather [hbm4b:s30+s3], $0x80, v7, vm1, $0xb8;
	[tilespmem:$0x18980] =	vst v63  }
0x2b9: {  	s1 =	simm.s32 $0x18580  }
0x2ba: {  	[tilespmem:s1], [sflag:$0x2] =	stream.indirect_vreg.gather [hbm4b:s12+s3], $0x80, v7, vm0, $0xb8;
	[tilespmem:$0x18980] =	vst v63  }
0x2bb: {  	_ =	swait.ge [sflag:s2], $0xC400  }
0x2bc: {  	[sflag:s2] =	ssyncset.done $0x0  }
0x2bd: {  	s0 =	simm.s32 $0x180;
	s1 =	rddreg [dreg:$0xd];
	[sflag:s2] =	ssyncadd.s32 $0xFFFF3C00  }
0x2be: {  	v37 =	vbroadcast v5, $0xA;
	v38 =	vbroadcast v6, $0xB;
	[hbm4b:s1+s3] =	stream.linear.scatter [tilespmem:s0], [sflag:$0x3], $0xC400, $0x38;
	[tilespmem:$0x18980] =	vst v63  }
0x2bf: {  	_ =	swait.ge [sflag:s24], $0xC400  }
0x2c0: {  	v7 =	vsel vm0, v37, v38;
	[sflag:s24] =	ssyncset.done $0x0  }
0x2c1: {  	v7 =	vadd.s32 v0, v7;
	[sflag:s24] =	ssyncadd.s32 $0xFFFF3C00  }
0x2c2: {  	[tilespmem:$0x100] =	vst v7  }
0x2c3: {  	v7 =	vld.msk [tilespmem:$0x100], $0xff;
	_ =	sdelay $0x4  }
0x2c4: {  	v39 =	vshrl.u32 v7, $0x3  }
0x2c5: {  	v8 =	vmul.u32 $0x188, v39  }
0x2c6: {  	v7 =	vand.u32 $0x7, v7  }
0x2c7: {  	v7 =	vor.u32 v7, v8  }
0x2c8: {  	v7 =	vperm.xlane v7, v2;
	_ =	sdelay $0x1  }
0x2c9: {  	v7 =	vadd.s32 v3, v7;
	_ =	sdelay $0x4  }
0x2ca: {  	[tilespmem:s0], [sflag:$0x1] =	stream.indirect_vreg.gather [hbm4b:s4+s3], $0x80, v7, vm1, $0xb8;
	[tilespmem:$0x18980] =	vst v63  }
0x2cb: {  	s1 =	simm.s32 $0x980  }
0x2cc: {  	[tilespmem:s1], [sflag:$0x1] =	stream.indirect_vreg.gather [hbm4b:s6+s3], $0x80, v7, vm1, $0xb8;
	[tilespmem:$0x18980] =	vst v63  }
0x2cd: {  	s1 =	simm.s32 $0x1180  }
0x2ce: {  	[tilespmem:s1], [sflag:$0x1] =	stream.indirect_vreg.gather [hbm4b:s7+s3], $0x80, v7, vm1, $0xb8;
	[tilespmem:$0x18980] =	vst v63  }
0x2cf: {  	s1 =	simm.s32 $0x1980  }
0x2d0: {  	[tilespmem:s1], [sflag:$0x1] =	stream.indirect_vreg.gather [hbm4b:s8+s3], $0x80, v7, vm1, $0xb8;
	[tilespmem:$0x18980] =	vst v63  }
0x2d1: {  	s1 =	simm.s32 $0x2180  }
0x2d2: {  	[tilespmem:s1], [sflag:$0x1] =	stream.indirect_vreg.gather [hbm4b:s9+s3], $0x80, v7, vm1, $0xb8;
	[tilespmem:$0x18980] =	vst v63  }
0x2d3: {  	s1 =	simm.s32 $0x2980  }
0x2d4: {  	[tilespmem:s1], [sflag:$0x1] =	stream.indirect_vreg.gather [hbm4b:s10+s3], $0x80, v7, vm1, $0xb8;
	[tilespmem:$0x18980] =	vst v63  }
0x2d5: {  	s1 =	simm.s32 $0x3180  }
0x2d6: {  	[tilespmem:s1], [sflag:$0x1] =	stream.indirect_vreg.gather [hbm4b:s11+s3], $0x80, v7, vm1, $0xb8;
	[tilespmem:$0x18980] =	vst v63  }
0x2d7: {  	s1 =	simm.s32 $0x3980  }
0x2d8: {  	[tilespmem:s1], [sflag:$0x1] =	stream.indirect_vreg.gather [hbm4b:s5+s3], $0x80, v7, vm1, $0xb8;
	[tilespmem:$0x18980] =	vst v63  }
0x2d9: {  	s1 =	simm.s32 $0x4180  }
0x2da: {  	[tilespmem:s1], [sflag:$0x1] =	stream.indirect_vreg.gather [hbm4b:s13+s3], $0x80, v7, vm1, $0xb8;
	[tilespmem:$0x18980] =	vst v63  }
0x2db: {  	s1 =	simm.s32 $0x4980  }
0x2dc: {  	[tilespmem:s1], [sflag:$0x1] =	stream.indirect_vreg.gather [hbm4b:s14+s3], $0x80, v7, vm1, $0xb8;
	[tilespmem:$0x18980] =	vst v63  }
0x2dd: {  	s1 =	simm.s32 $0x5180  }
0x2de: {  	[tilespmem:s1], [sflag:$0x1] =	stream.indirect_vreg.gather [hbm4b:s15+s3], $0x80, v7, vm1, $0xb8;
	[tilespmem:$0x18980] =	vst v63  }
0x2df: {  	s1 =	simm.s32 $0x5980  }
0x2e0: {  	[tilespmem:s1], [sflag:$0x1] =	stream.indirect_vreg.gather [hbm4b:s16+s3], $0x80, v7, vm1, $0xb8;
	[tilespmem:$0x18980] =	vst v63  }
0x2e1: {  	s1 =	simm.s32 $0x6180  }
0x2e2: {  	[tilespmem:s1], [sflag:$0x1] =	stream.indirect_vreg.gather [hbm4b:s17+s3], $0x80, v7, vm1, $0xb8;
	[tilespmem:$0x18980] =	vst v63  }
0x2e3: {  	s1 =	simm.s32 $0x6980  }
0x2e4: {  	[tilespmem:s1], [sflag:$0x1] =	stream.indirect_vreg.gather [hbm4b:s18+s3], $0x80, v7, vm1, $0xb8;
	[tilespmem:$0x18980] =	vst v63  }
0x2e5: {  	s1 =	simm.s32 $0x7180  }
0x2e6: {  	[tilespmem:s1], [sflag:$0x1] =	stream.indirect_vreg.gather [hbm4b:s19+s3], $0x80, v7, vm1, $0xb8;
	[tilespmem:$0x18980] =	vst v63  }
0x2e7: {  	s1 =	simm.s32 $0x7980  }
0x2e8: {  	[tilespmem:s1], [sflag:$0x1] =	stream.indirect_vreg.gather [hbm4b:s20+s3], $0x80, v7, vm1, $0xb8;
	[tilespmem:$0x18980] =	vst v63  }
0x2e9: {  	s1 =	simm.s32 $0x8180  }
0x2ea: {  	[tilespmem:s1], [sflag:$0x1] =	stream.indirect_vreg.gather [hbm4b:s21+s3], $0x80, v7, vm1, $0xb8;
	[tilespmem:$0x18980] =	vst v63  }
0x2eb: {  	s1 =	simm.s32 $0x8980  }
0x2ec: {  	[tilespmem:s1], [sflag:$0x1] =	stream.indirect_vreg.gather [hbm4b:s22+s3], $0x80, v7, vm1, $0xb8;
	[tilespmem:$0x18980] =	vst v63  }
0x2ed: {  	s1 =	simm.s32 $0x9180  }
0x2ee: {  	[tilespmem:s1], [sflag:$0x1] =	stream.indirect_vreg.gather [hbm4b:s23+s3], $0x80, v7, vm1, $0xb8;
	[tilespmem:$0x18980] =	vst v63  }
0x2ef: {  	s1 =	simm.s32 $0x9980  }
0x2f0: {  	[tilespmem:s1], [sflag:$0x1] =	stream.indirect_vreg.gather [hbm4b:s25+s3], $0x80, v7, vm1, $0xb8;
	[tilespmem:$0x18980] =	vst v63  }
0x2f1: {  	s1 =	simm.s32 $0xA180  }
0x2f2: {  	[tilespmem:s1], [sflag:$0x1] =	stream.indirect_vreg.gather [hbm4b:s26+s3], $0x80, v7, vm1, $0xb8;
	[tilespmem:$0x18980] =	vst v63  }
0x2f3: {  	s1 =	simm.s32 $0xA980  }
0x2f4: {  	[tilespmem:s1], [sflag:$0x1] =	stream.indirect_vreg.gather [hbm4b:s28+s3], $0x80, v7, vm1, $0xb8;
	[tilespmem:$0x18980] =	vst v63  }
0x2f5: {  	s1 =	simm.s32 $0xB180  }
0x2f6: {  	[tilespmem:s1], [sflag:$0x1] =	stream.indirect_vreg.gather [hbm4b:s29+s3], $0x80, v7, vm1, $0xb8;
	[tilespmem:$0x18980] =	vst v63  }
0x2f7: {  	s1 =	simm.s32 $0xB980  }
0x2f8: {  	[tilespmem:s1], [sflag:$0x1] =	stream.indirect_vreg.gather [hbm4b:s30+s3], $0x80, v7, vm1, $0xb8;
	[tilespmem:$0x18980] =	vst v63  }
0x2f9: {  	s0 =	simm.s32 $0x2;
	s1 =	simm.s32 $0xC180  }
0x2fa: {  	[tilespmem:s1], [sflag:$0x1] =	stream.indirect_vreg.gather [hbm4b:s12+s3], $0x80, v7, vm0, $0xb8;
	[tilespmem:$0x18980] =	vst v63  }
0x2fb: {  	_ =	swait.ge [sflag:s0], $0xC400  }
0x2fc: {  	[sflag:s0] =	ssyncset.done $0x0  }
0x2fd: {  	s1 =	rddreg [dreg:$0xe];
	[sflag:s0] =	ssyncadd.s32 $0xFFFF3C00;
	s0 =	simm.s32 $0xC580  }
0x2fe: {  	[hbm4b:s1+s3] =	stream.linear.scatter [tilespmem:s0], [sflag:$0x4], $0xC400, $0x38;
	[tilespmem:$0x18980] =	vst v63  }
0x2ff: {  	_ =	swait.ge [sflag:s31], $0xC400  }
0x300: {  	[sflag:s31] =	ssyncset.done $0x0  }
0x301: {  	[sflag:s31] =	ssyncadd.s32 $0xFFFF3C00  }
0x302: {  	v40 =	vld.msk [tilespmem:$0x108], $0xff;
	_ =	sdelay $0x4  }
0x303: {  	v41 =	vshrl.u32 v40, $0x3  }
0x304: {  	v8 =	vmul.u32 $0x188, v41  }
0x305: {  	v7 =	vand.u32 $0x7, v40  }
0x306: {  	v7 =	vor.u32 v7, v8  }
0x307: {  	v7 =	vperm.xlane v7, v2;
	_ =	sdelay $0x1  }
0x308: {  	v7 =	vadd.s32 v3, v7;
	_ =	sdelay $0x4  }
0x309: {  	[tilespmem:s0], [sflag:$0x2] =	stream.indirect_vreg.gather [hbm4b:s4+s3], $0x80, v7, vm1, $0xb8;
	[tilespmem:$0x18980] =	vst v63  }
0x30a: {  	s1 =	simm.s32 $0xCD80  }
0x30b: {  	[tilespmem:s1], [sflag:$0x2] =	stream.indirect_vreg.gather [hbm4b:s6+s3], $0x80, v7, vm1, $0xb8;
	[tilespmem:$0x18980] =	vst v63  }
0x30c: {  	s1 =	simm.s32 $0xD580  }
0x30d: {  	[tilespmem:s1], [sflag:$0x2] =	stream.indirect_vreg.gather [hbm4b:s7+s3], $0x80, v7, vm1, $0xb8;
	[tilespmem:$0x18980] =	vst v63  }
0x30e: {  	s1 =	simm.s32 $0xDD80  }
0x30f: {  	[tilespmem:s1], [sflag:$0x2] =	stream.indirect_vreg.gather [hbm4b:s8+s3], $0x80, v7, vm1, $0xb8;
	[tilespmem:$0x18980] =	vst v63  }
0x310: {  	s1 =	simm.s32 $0xE580  }
0x311: {  	[tilespmem:s1], [sflag:$0x2] =	stream.indirect_vreg.gather [hbm4b:s9+s3], $0x80, v7, vm1, $0xb8;
	[tilespmem:$0x18980] =	vst v63  }
0x312: {  	s1 =	simm.s32 $0xED80  }
0x313: {  	[tilespmem:s1], [sflag:$0x2] =	stream.indirect_vreg.gather [hbm4b:s10+s3], $0x80, v7, vm1, $0xb8;
	[tilespmem:$0x18980] =	vst v63  }
0x314: {  	s1 =	simm.s32 $0xF580  }
0x315: {  	[tilespmem:s1], [sflag:$0x2] =	stream.indirect_vreg.gather [hbm4b:s11+s3], $0x80, v7, vm1, $0xb8;
	[tilespmem:$0x18980] =	vst v63  }
0x316: {  	s1 =	simm.s32 $0xFD80  }
0x317: {  	[tilespmem:s1], [sflag:$0x2] =	stream.indirect_vreg.gather [hbm4b:s5+s3], $0x80, v7, vm1, $0xb8;
	[tilespmem:$0x18980] =	vst v63  }
0x318: {  	s1 =	simm.s32 $0x10580  }
0x319: {  	[tilespmem:s1], [sflag:$0x2] =	stream.indirect_vreg.gather [hbm4b:s13+s3], $0x80, v7, vm1, $0xb8;
	[tilespmem:$0x18980] =	vst v63  }
0x31a: {  	s1 =	simm.s32 $0x10D80  }
0x31b: {  	[tilespmem:s1], [sflag:$0x2] =	stream.indirect_vreg.gather [hbm4b:s14+s3], $0x80, v7, vm1, $0xb8;
	[tilespmem:$0x18980] =	vst v63  }
0x31c: {  	s1 =	simm.s32 $0x11580  }
0x31d: {  	[tilespmem:s1], [sflag:$0x2] =	stream.indirect_vreg.gather [hbm4b:s15+s3], $0x80, v7, vm1, $0xb8;
	[tilespmem:$0x18980] =	vst v63  }
0x31e: {  	s1 =	simm.s32 $0x11D80  }
0x31f: {  	[tilespmem:s1], [sflag:$0x2] =	stream.indirect_vreg.gather [hbm4b:s16+s3], $0x80, v7, vm1, $0xb8;
	[tilespmem:$0x18980] =	vst v63  }
0x320: {  	s1 =	simm.s32 $0x12580  }
0x321: {  	[tilespmem:s1], [sflag:$0x2] =	stream.indirect_vreg.gather [hbm4b:s17+s3], $0x80, v7, vm1, $0xb8;
	[tilespmem:$0x18980] =	vst v63  }
0x322: {  	s1 =	simm.s32 $0x12D80  }
0x323: {  	[tilespmem:s1], [sflag:$0x2] =	stream.indirect_vreg.gather [hbm4b:s18+s3], $0x80, v7, vm1, $0xb8;
	[tilespmem:$0x18980] =	vst v63  }
0x324: {  	s1 =	simm.s32 $0x13580  }
0x325: {  	[tilespmem:s1], [sflag:$0x2] =	stream.indirect_vreg.gather [hbm4b:s19+s3], $0x80, v7, vm1, $0xb8;
	[tilespmem:$0x18980] =	vst v63  }
0x326: {  	s1 =	simm.s32 $0x13D80  }
0x327: {  	[tilespmem:s1], [sflag:$0x2] =	stream.indirect_vreg.gather [hbm4b:s20+s3], $0x80, v7, vm1, $0xb8;
	[tilespmem:$0x18980] =	vst v63  }
0x328: {  	s1 =	simm.s32 $0x14580  }
0x329: {  	[tilespmem:s1], [sflag:$0x2] =	stream.indirect_vreg.gather [hbm4b:s21+s3], $0x80, v7, vm1, $0xb8;
	[tilespmem:$0x18980] =	vst v63  }
0x32a: {  	s1 =	simm.s32 $0x14D80  }
0x32b: {  	[tilespmem:s1], [sflag:$0x2] =	stream.indirect_vreg.gather [hbm4b:s22+s3], $0x80, v7, vm1, $0xb8;
	[tilespmem:$0x18980] =	vst v63  }
0x32c: {  	s1 =	simm.s32 $0x15580  }
0x32d: {  	[tilespmem:s1], [sflag:$0x2] =	stream.indirect_vreg.gather [hbm4b:s23+s3], $0x80, v7, vm1, $0xb8;
	[tilespmem:$0x18980] =	vst v63  }
0x32e: {  	s1 =	simm.s32 $0x15D80  }
0x32f: {  	[tilespmem:s1], [sflag:$0x2] =	stream.indirect_vreg.gather [hbm4b:s25+s3], $0x80, v7, vm1, $0xb8;
	[tilespmem:$0x18980] =	vst v63  }
0x330: {  	s1 =	simm.s32 $0x16580  }
0x331: {  	[tilespmem:s1], [sflag:$0x2] =	stream.indirect_vreg.gather [hbm4b:s26+s3], $0x80, v7, vm1, $0xb8;
	[tilespmem:$0x18980] =	vst v63  }
0x332: {  	s1 =	simm.s32 $0x16D80  }
0x333: {  	[tilespmem:s1], [sflag:$0x2] =	stream.indirect_vreg.gather [hbm4b:s28+s3], $0x80, v7, vm1, $0xb8;
	[tilespmem:$0x18980] =	vst v63  }
0x334: {  	s1 =	simm.s32 $0x17580  }
0x335: {  	[tilespmem:s1], [sflag:$0x2] =	stream.indirect_vreg.gather [hbm4b:s29+s3], $0x80, v7, vm1, $0xb8;
	[tilespmem:$0x18980] =	vst v63  }
0x336: {  	s1 =	simm.s32 $0x17D80  }
0x337: {  	[tilespmem:s1], [sflag:$0x2] =	stream.indirect_vreg.gather [hbm4b:s30+s3], $0x80, v7, vm1, $0xb8;
	[tilespmem:$0x18980] =	vst v63  }
0x338: {  	s1 =	simm.s32 $0x18580  }
0x339: {  	[tilespmem:s1], [sflag:$0x2] =	stream.indirect_vreg.gather [hbm4b:s12+s3], $0x80, v7, vm0, $0xb8;
	[tilespmem:$0x18980] =	vst v63  }
0x33a: {  	_ =	swait.ge [sflag:s2], $0xC400  }
0x33b: {  	[sflag:s2] =	ssyncset.done $0x0  }
0x33c: {  	s0 =	simm.s32 $0x180;
	s1 =	rddreg [dreg:$0xf];
	[sflag:s2] =	ssyncadd.s32 $0xFFFF3C00  }
0x33d: {  	v42 =	vbroadcast v5, $0xC;
	v43 =	vbroadcast v6, $0xD;
	[hbm4b:s1+s3] =	stream.linear.scatter [tilespmem:s0], [sflag:$0x3], $0xC400, $0x38;
	[tilespmem:$0x18980] =	vst v63  }
0x33e: {  	_ =	swait.ge [sflag:s24], $0xC400  }
0x33f: {  	v7 =	vsel vm0, v42, v43;
	[sflag:s24] =	ssyncset.done $0x0  }
0x340: {  	v7 =	vadd.s32 v0, v7;
	[sflag:s24] =	ssyncadd.s32 $0xFFFF3C00  }
0x341: {  	[tilespmem:$0x80] =	vst v7  }
0x342: {  	v7 =	vld.msk [tilespmem:$0x80], $0xff;
	_ =	sdelay $0x4  }
0x343: {  	v44 =	vshrl.u32 v7, $0x3  }
0x344: {  	v8 =	vmul.u32 $0x188, v44  }
0x345: {  	v7 =	vand.u32 $0x7, v7  }
0x346: {  	v7 =	vor.u32 v7, v8  }
0x347: {  	v7 =	vperm.xlane v7, v2;
	_ =	sdelay $0x1  }
0x348: {  	v7 =	vadd.s32 v3, v7;
	_ =	sdelay $0x4  }
0x349: {  	[tilespmem:s0], [sflag:$0x1] =	stream.indirect_vreg.gather [hbm4b:s4+s3], $0x80, v7, vm1, $0xb8;
	[tilespmem:$0x18980] =	vst v63  }
0x34a: {  	s1 =	simm.s32 $0x980  }
0x34b: {  	[tilespmem:s1], [sflag:$0x1] =	stream.indirect_vreg.gather [hbm4b:s6+s3], $0x80, v7, vm1, $0xb8;
	[tilespmem:$0x18980] =	vst v63  }
0x34c: {  	s1 =	simm.s32 $0x1180  }
0x34d: {  	[tilespmem:s1], [sflag:$0x1] =	stream.indirect_vreg.gather [hbm4b:s7+s3], $0x80, v7, vm1, $0xb8;
	[tilespmem:$0x18980] =	vst v63  }
0x34e: {  	s1 =	simm.s32 $0x1980  }
0x34f: {  	[tilespmem:s1], [sflag:$0x1] =	stream.indirect_vreg.gather [hbm4b:s8+s3], $0x80, v7, vm1, $0xb8;
	[tilespmem:$0x18980] =	vst v63  }
0x350: {  	s1 =	simm.s32 $0x2180  }
0x351: {  	[tilespmem:s1], [sflag:$0x1] =	stream.indirect_vreg.gather [hbm4b:s9+s3], $0x80, v7, vm1, $0xb8;
	[tilespmem:$0x18980] =	vst v63  }
0x352: {  	s1 =	simm.s32 $0x2980  }
0x353: {  	[tilespmem:s1], [sflag:$0x1] =	stream.indirect_vreg.gather [hbm4b:s10+s3], $0x80, v7, vm1, $0xb8;
	[tilespmem:$0x18980] =	vst v63  }
0x354: {  	s1 =	simm.s32 $0x3180  }
0x355: {  	[tilespmem:s1], [sflag:$0x1] =	stream.indirect_vreg.gather [hbm4b:s11+s3], $0x80, v7, vm1, $0xb8;
	[tilespmem:$0x18980] =	vst v63  }
0x356: {  	s1 =	simm.s32 $0x3980  }
0x357: {  	[tilespmem:s1], [sflag:$0x1] =	stream.indirect_vreg.gather [hbm4b:s5+s3], $0x80, v7, vm1, $0xb8;
	[tilespmem:$0x18980] =	vst v63  }
0x358: {  	s1 =	simm.s32 $0x4180  }
0x359: {  	[tilespmem:s1], [sflag:$0x1] =	stream.indirect_vreg.gather [hbm4b:s13+s3], $0x80, v7, vm1, $0xb8;
	[tilespmem:$0x18980] =	vst v63  }
0x35a: {  	s1 =	simm.s32 $0x4980  }
0x35b: {  	[tilespmem:s1], [sflag:$0x1] =	stream.indirect_vreg.gather [hbm4b:s14+s3], $0x80, v7, vm1, $0xb8;
	[tilespmem:$0x18980] =	vst v63  }
0x35c: {  	s1 =	simm.s32 $0x5180  }
0x35d: {  	[tilespmem:s1], [sflag:$0x1] =	stream.indirect_vreg.gather [hbm4b:s15+s3], $0x80, v7, vm1, $0xb8;
	[tilespmem:$0x18980] =	vst v63  }
0x35e: {  	s1 =	simm.s32 $0x5980  }
0x35f: {  	[tilespmem:s1], [sflag:$0x1] =	stream.indirect_vreg.gather [hbm4b:s16+s3], $0x80, v7, vm1, $0xb8;
	[tilespmem:$0x18980] =	vst v63  }
0x360: {  	s1 =	simm.s32 $0x6180  }
0x361: {  	[tilespmem:s1], [sflag:$0x1] =	stream.indirect_vreg.gather [hbm4b:s17+s3], $0x80, v7, vm1, $0xb8;
	[tilespmem:$0x18980] =	vst v63  }
0x362: {  	s1 =	simm.s32 $0x6980  }
0x363: {  	[tilespmem:s1], [sflag:$0x1] =	stream.indirect_vreg.gather [hbm4b:s18+s3], $0x80, v7, vm1, $0xb8;
	[tilespmem:$0x18980] =	vst v63  }
0x364: {  	s1 =	simm.s32 $0x7180  }
0x365: {  	[tilespmem:s1], [sflag:$0x1] =	stream.indirect_vreg.gather [hbm4b:s19+s3], $0x80, v7, vm1, $0xb8;
	[tilespmem:$0x18980] =	vst v63  }
0x366: {  	s1 =	simm.s32 $0x7980  }
0x367: {  	[tilespmem:s1], [sflag:$0x1] =	stream.indirect_vreg.gather [hbm4b:s20+s3], $0x80, v7, vm1, $0xb8;
	[tilespmem:$0x18980] =	vst v63  }
0x368: {  	s1 =	simm.s32 $0x8180  }
0x369: {  	[tilespmem:s1], [sflag:$0x1] =	stream.indirect_vreg.gather [hbm4b:s21+s3], $0x80, v7, vm1, $0xb8;
	[tilespmem:$0x18980] =	vst v63  }
0x36a: {  	s1 =	simm.s32 $0x8980  }
0x36b: {  	[tilespmem:s1], [sflag:$0x1] =	stream.indirect_vreg.gather [hbm4b:s22+s3], $0x80, v7, vm1, $0xb8;
	[tilespmem:$0x18980] =	vst v63  }
0x36c: {  	s1 =	simm.s32 $0x9180  }
0x36d: {  	[tilespmem:s1], [sflag:$0x1] =	stream.indirect_vreg.gather [hbm4b:s23+s3], $0x80, v7, vm1, $0xb8;
	[tilespmem:$0x18980] =	vst v63  }
0x36e: {  	s1 =	simm.s32 $0x9980  }
0x36f: {  	[tilespmem:s1], [sflag:$0x1] =	stream.indirect_vreg.gather [hbm4b:s25+s3], $0x80, v7, vm1, $0xb8;
	[tilespmem:$0x18980] =	vst v63  }
0x370: {  	s1 =	simm.s32 $0xA180  }
0x371: {  	[tilespmem:s1], [sflag:$0x1] =	stream.indirect_vreg.gather [hbm4b:s26+s3], $0x80, v7, vm1, $0xb8;
	[tilespmem:$0x18980] =	vst v63  }
0x372: {  	s1 =	simm.s32 $0xA980  }
0x373: {  	[tilespmem:s1], [sflag:$0x1] =	stream.indirect_vreg.gather [hbm4b:s28+s3], $0x80, v7, vm1, $0xb8;
	[tilespmem:$0x18980] =	vst v63  }
0x374: {  	s1 =	simm.s32 $0xB180  }
0x375: {  	[tilespmem:s1], [sflag:$0x1] =	stream.indirect_vreg.gather [hbm4b:s29+s3], $0x80, v7, vm1, $0xb8;
	[tilespmem:$0x18980] =	vst v63  }
0x376: {  	s1 =	simm.s32 $0xB980  }
0x377: {  	[tilespmem:s1], [sflag:$0x1] =	stream.indirect_vreg.gather [hbm4b:s30+s3], $0x80, v7, vm1, $0xb8;
	[tilespmem:$0x18980] =	vst v63  }
0x378: {  	s0 =	simm.s32 $0xC180  }
0x379: {  	[tilespmem:s0], [sflag:$0x1] =	stream.indirect_vreg.gather [hbm4b:s12+s3], $0x80, v7, vm0, $0xb8;
	[tilespmem:$0x18980] =	vst v63  }
0x37a: {  	s0 =	simm.s32 $0x2  }
0x37b: {  	_ =	swait.ge [sflag:s0], $0xC400  }
0x37c: {  	[sflag:s0] =	ssyncset.done $0x0  }
0x37d: {  	s1 =	rddreg [dreg:$0x10];
	[sflag:s0] =	ssyncadd.s32 $0xFFFF3C00;
	s0 =	simm.s32 $0xC580  }
0x37e: {  	[hbm4b:s1+s3] =	stream.linear.scatter [tilespmem:s0], [sflag:$0x4], $0xC400, $0x38;
	[tilespmem:$0x18980] =	vst v63  }
0x37f: {  	_ =	swait.ge [sflag:s31], $0xC400  }
0x380: {  	[sflag:s31] =	ssyncset.done $0x0  }
0x381: {  	[sflag:s31] =	ssyncadd.s32 $0xFFFF3C00  }
0x382: {  	v45 =	vld.msk [tilespmem:$0x88], $0xff;
	_ =	sdelay $0x4  }
0x383: {  	v46 =	vshrl.u32 v45, $0x3  }
0x384: {  	v8 =	vmul.u32 $0x188, v46  }
0x385: {  	v7 =	vand.u32 $0x7, v45  }
0x386: {  	v7 =	vor.u32 v7, v8  }
0x387: {  	v7 =	vperm.xlane v7, v2;
	_ =	sdelay $0x1  }
0x388: {  	v7 =	vadd.s32 v3, v7;
	_ =	sdelay $0x4  }
0x389: {  	[tilespmem:s0], [sflag:$0x2] =	stream.indirect_vreg.gather [hbm4b:s4+s3], $0x80, v7, vm1, $0xb8;
	[tilespmem:$0x18980] =	vst v63  }
0x38a: {  	s1 =	simm.s32 $0xCD80  }
0x38b: {  	[tilespmem:s1], [sflag:$0x2] =	stream.indirect_vreg.gather [hbm4b:s6+s3], $0x80, v7, vm1, $0xb8;
	[tilespmem:$0x18980] =	vst v63  }
0x38c: {  	s0 =	simm.s32 $0xD580  }
0x38d: {  	[tilespmem:s0], [sflag:$0x2] =	stream.indirect_vreg.gather [hbm4b:s7+s3], $0x80, v7, vm1, $0xb8;
	[tilespmem:$0x18980] =	vst v63  }
0x38e: {  	s0 =	simm.s32 $0xDD80  }
0x38f: {  	[tilespmem:s0], [sflag:$0x2] =	stream.indirect_vreg.gather [hbm4b:s8+s3], $0x80, v7, vm1, $0xb8;
	[tilespmem:$0x18980] =	vst v63  }
0x390: {  	s0 =	simm.s32 $0xE580  }
0x391: {  	[tilespmem:s0], [sflag:$0x2] =	stream.indirect_vreg.gather [hbm4b:s9+s3], $0x80, v7, vm1, $0xb8;
	[tilespmem:$0x18980] =	vst v63  }
0x392: {  	s0 =	simm.s32 $0xED80  }
0x393: {  	[tilespmem:s0], [sflag:$0x2] =	stream.indirect_vreg.gather [hbm4b:s10+s3], $0x80, v7, vm1, $0xb8;
	[tilespmem:$0x18980] =	vst v63  }
0x394: {  	s0 =	simm.s32 $0xF580  }
0x395: {  	[tilespmem:s0], [sflag:$0x2] =	stream.indirect_vreg.gather [hbm4b:s11+s3], $0x80, v7, vm1, $0xb8;
	[tilespmem:$0x18980] =	vst v63  }
0x396: {  	s0 =	simm.s32 $0xFD80  }
0x397: {  	[tilespmem:s0], [sflag:$0x2] =	stream.indirect_vreg.gather [hbm4b:s5+s3], $0x80, v7, vm1, $0xb8;
	[tilespmem:$0x18980] =	vst v63  }
0x398: {  	s0 =	simm.s32 $0x10580  }
0x399: {  	[tilespmem:s0], [sflag:$0x2] =	stream.indirect_vreg.gather [hbm4b:s13+s3], $0x80, v7, vm1, $0xb8;
	[tilespmem:$0x18980] =	vst v63  }
0x39a: {  	s0 =	simm.s32 $0x10D80  }
0x39b: {  	[tilespmem:s0], [sflag:$0x2] =	stream.indirect_vreg.gather [hbm4b:s14+s3], $0x80, v7, vm1, $0xb8;
	[tilespmem:$0x18980] =	vst v63  }
0x39c: {  	s0 =	simm.s32 $0x11580  }
0x39d: {  	[tilespmem:s0], [sflag:$0x2] =	stream.indirect_vreg.gather [hbm4b:s15+s3], $0x80, v7, vm1, $0xb8;
	[tilespmem:$0x18980] =	vst v63  }
0x39e: {  	s0 =	simm.s32 $0x11D80  }
0x39f: {  	[tilespmem:s0], [sflag:$0x2] =	stream.indirect_vreg.gather [hbm4b:s16+s3], $0x80, v7, vm1, $0xb8;
	[tilespmem:$0x18980] =	vst v63  }
0x3a0: {  	s0 =	simm.s32 $0x12580  }
0x3a1: {  	[tilespmem:s0], [sflag:$0x2] =	stream.indirect_vreg.gather [hbm4b:s17+s3], $0x80, v7, vm1, $0xb8;
	[tilespmem:$0x18980] =	vst v63  }
0x3a2: {  	s0 =	simm.s32 $0x12D80  }
0x3a3: {  	[tilespmem:s0], [sflag:$0x2] =	stream.indirect_vreg.gather [hbm4b:s18+s3], $0x80, v7, vm1, $0xb8;
	[tilespmem:$0x18980] =	vst v63  }
0x3a4: {  	s0 =	simm.s32 $0x13580  }
0x3a5: {  	[tilespmem:s0], [sflag:$0x2] =	stream.indirect_vreg.gather [hbm4b:s19+s3], $0x80, v7, vm1, $0xb8;
	[tilespmem:$0x18980] =	vst v63  }
0x3a6: {  	s0 =	simm.s32 $0x13D80  }
0x3a7: {  	[tilespmem:s0], [sflag:$0x2] =	stream.indirect_vreg.gather [hbm4b:s20+s3], $0x80, v7, vm1, $0xb8;
	[tilespmem:$0x18980] =	vst v63  }
0x3a8: {  	s0 =	simm.s32 $0x14580  }
0x3a9: {  	[tilespmem:s0], [sflag:$0x2] =	stream.indirect_vreg.gather [hbm4b:s21+s3], $0x80, v7, vm1, $0xb8;
	[tilespmem:$0x18980] =	vst v63  }
0x3aa: {  	s0 =	simm.s32 $0x14D80  }
0x3ab: {  	[tilespmem:s0], [sflag:$0x2] =	stream.indirect_vreg.gather [hbm4b:s22+s3], $0x80, v7, vm1, $0xb8;
	[tilespmem:$0x18980] =	vst v63  }
0x3ac: {  	s0 =	simm.s32 $0x15580  }
0x3ad: {  	[tilespmem:s0], [sflag:$0x2] =	stream.indirect_vreg.gather [hbm4b:s23+s3], $0x80, v7, vm1, $0xb8;
	[tilespmem:$0x18980] =	vst v63  }
0x3ae: {  	s0 =	simm.s32 $0x15D80  }
0x3af: {  	[tilespmem:s0], [sflag:$0x2] =	stream.indirect_vreg.gather [hbm4b:s25+s3], $0x80, v7, vm1, $0xb8;
	[tilespmem:$0x18980] =	vst v63  }
0x3b0: {  	s0 =	simm.s32 $0x16580  }
0x3b1: {  	[tilespmem:s0], [sflag:$0x2] =	stream.indirect_vreg.gather [hbm4b:s26+s3], $0x80, v7, vm1, $0xb8;
	[tilespmem:$0x18980] =	vst v63  }
0x3b2: {  	s0 =	simm.s32 $0x16D80  }
0x3b3: {  	[tilespmem:s0], [sflag:$0x2] =	stream.indirect_vreg.gather [hbm4b:s28+s3], $0x80, v7, vm1, $0xb8;
	[tilespmem:$0x18980] =	vst v63  }
0x3b4: {  	s0 =	simm.s32 $0x17580  }
0x3b5: {  	[tilespmem:s0], [sflag:$0x2] =	stream.indirect_vreg.gather [hbm4b:s29+s3], $0x80, v7, vm1, $0xb8;
	[tilespmem:$0x18980] =	vst v63  }
0x3b6: {  	s0 =	simm.s32 $0x17D80  }
0x3b7: {  	[tilespmem:s0], [sflag:$0x2] =	stream.indirect_vreg.gather [hbm4b:s30+s3], $0x80, v7, vm1, $0xb8;
	[tilespmem:$0x18980] =	vst v63  }
0x3b8: {  	s0 =	simm.s32 $0x18580  }
0x3b9: {  	[tilespmem:s0], [sflag:$0x2] =	stream.indirect_vreg.gather [hbm4b:s12+s3], $0x80, v7, vm0, $0xb8;
	[tilespmem:$0x18980] =	vst v63  }
0x3ba: {  	_ =	swait.ge [sflag:s2], $0xC400  }
0x3bb: {  	[sflag:s2] =	ssyncset.done $0x0  }
0x3bc: {  	s0 =	simm.s32 $0x180;
	s1 =	rddreg [dreg:$0x11];
	[sflag:s2] =	ssyncadd.s32 $0xFFFF3C00  }
0x3bd: {  	[hbm4b:s1+s3] =	stream.linear.scatter [tilespmem:s0], [sflag:$0x3], $0xC400, $0x38;
	[tilespmem:$0x18980] =	vst v63  }
0x3be: {  	_ =	swait.ge [sflag:s24], $0xC400  }
0x3bf: {  	(v2sf) =	vpush v5, $0xE;
	_ =	sdelay $0xd  }
0x3c0: {  	v5 =	vbroadcast v6, $0xF  }
0x3c1: {  	s1 =	spop (v2sf)  }
0x3c2: {  	[sflag:s24] =	ssyncset.done $0x0;
	v5 =	vsel vm0, s1, v5  }
0x3c3: {  	[sflag:s24] =	ssyncadd.s32 $0xFFFF3C00;
	v5 =	vadd.s32 v0, v5  }
0x3c4: {  	[tilespmem:$0x100] =	vst v5  }
0x3c5: {  	v5 =	vld.msk [tilespmem:$0x100], $0xff;
	_ =	sdelay $0x4  }
0x3c6: {  	v47 =	vshrl.u32 v5, $0x3  }
0x3c7: {  	v6 =	vmul.u32 $0x188, v47  }
0x3c8: {  	v5 =	vand.u32 $0x7, v5  }
0x3c9: {  	v5 =	vor.u32 v5, v6  }
0x3ca: {  	v5 =	vperm.xlane v5, v2;
	_ =	sdelay $0x1  }
0x3cb: {  	v5 =	vadd.s32 v3, v5;
	_ =	sdelay $0x4  }
0x3cc: {  	[tilespmem:s0], [sflag:$0x1] =	stream.indirect_vreg.gather [hbm4b:s4+s3], $0x80, v5, vm1, $0xb8;
	[tilespmem:$0x18980] =	vst v63  }
0x3cd: {  	s1 =	simm.s32 $0x980  }
0x3ce: {  	[tilespmem:s1], [sflag:$0x1] =	stream.indirect_vreg.gather [hbm4b:s6+s3], $0x80, v5, vm1, $0xb8;
	[tilespmem:$0x18980] =	vst v63  }
0x3cf: {  	s24 =	simm.s32 $0x1180  }
0x3d0: {  	[tilespmem:s24], [sflag:$0x1] =	stream.indirect_vreg.gather [hbm4b:s7+s3], $0x80, v5, vm1, $0xb8;
	[tilespmem:$0x18980] =	vst v63  }
0x3d1: {  	s1 =	simm.s32 $0x1980  }
0x3d2: {  	[tilespmem:s1], [sflag:$0x1] =	stream.indirect_vreg.gather [hbm4b:s8+s3], $0x80, v5, vm1, $0xb8;
	[tilespmem:$0x18980] =	vst v63  }
0x3d3: {  	s24 =	simm.s32 $0x2180  }
0x3d4: {  	[tilespmem:s24], [sflag:$0x1] =	stream.indirect_vreg.gather [hbm4b:s9+s3], $0x80, v5, vm1, $0xb8;
	[tilespmem:$0x18980] =	vst v63  }
0x3d5: {  	s1 =	simm.s32 $0x2980  }
0x3d6: {  	[tilespmem:s1], [sflag:$0x1] =	stream.indirect_vreg.gather [hbm4b:s10+s3], $0x80, v5, vm1, $0xb8;
	[tilespmem:$0x18980] =	vst v63  }
0x3d7: {  	s24 =	simm.s32 $0x3180  }
0x3d8: {  	[tilespmem:s24], [sflag:$0x1] =	stream.indirect_vreg.gather [hbm4b:s11+s3], $0x80, v5, vm1, $0xb8;
	[tilespmem:$0x18980] =	vst v63  }
0x3d9: {  	s1 =	simm.s32 $0x3980  }
0x3da: {  	[tilespmem:s1], [sflag:$0x1] =	stream.indirect_vreg.gather [hbm4b:s5+s3], $0x80, v5, vm1, $0xb8;
	[tilespmem:$0x18980] =	vst v63  }
0x3db: {  	s24 =	simm.s32 $0x4180  }
0x3dc: {  	[tilespmem:s24], [sflag:$0x1] =	stream.indirect_vreg.gather [hbm4b:s13+s3], $0x80, v5, vm1, $0xb8;
	[tilespmem:$0x18980] =	vst v63  }
0x3dd: {  	s1 =	simm.s32 $0x4980  }
0x3de: {  	[tilespmem:s1], [sflag:$0x1] =	stream.indirect_vreg.gather [hbm4b:s14+s3], $0x80, v5, vm1, $0xb8;
	[tilespmem:$0x18980] =	vst v63  }
0x3df: {  	s24 =	simm.s32 $0x5180  }
0x3e0: {  	[tilespmem:s24], [sflag:$0x1] =	stream.indirect_vreg.gather [hbm4b:s15+s3], $0x80, v5, vm1, $0xb8;
	[tilespmem:$0x18980] =	vst v63  }
0x3e1: {  	s1 =	simm.s32 $0x5980  }
0x3e2: {  	[tilespmem:s1], [sflag:$0x1] =	stream.indirect_vreg.gather [hbm4b:s16+s3], $0x80, v5, vm1, $0xb8;
	[tilespmem:$0x18980] =	vst v63  }
0x3e3: {  	s24 =	simm.s32 $0x6180  }
0x3e4: {  	[tilespmem:s24], [sflag:$0x1] =	stream.indirect_vreg.gather [hbm4b:s17+s3], $0x80, v5, vm1, $0xb8;
	[tilespmem:$0x18980] =	vst v63  }
0x3e5: {  	s1 =	simm.s32 $0x6980  }
0x3e6: {  	[tilespmem:s1], [sflag:$0x1] =	stream.indirect_vreg.gather [hbm4b:s18+s3], $0x80, v5, vm1, $0xb8;
	[tilespmem:$0x18980] =	vst v63  }
0x3e7: {  	s24 =	simm.s32 $0x7180  }
0x3e8: {  	[tilespmem:s24], [sflag:$0x1] =	stream.indirect_vreg.gather [hbm4b:s19+s3], $0x80, v5, vm1, $0xb8;
	[tilespmem:$0x18980] =	vst v63  }
0x3e9: {  	s1 =	simm.s32 $0x7980  }
0x3ea: {  	[tilespmem:s1], [sflag:$0x1] =	stream.indirect_vreg.gather [hbm4b:s20+s3], $0x80, v5, vm1, $0xb8;
	[tilespmem:$0x18980] =	vst v63  }
0x3eb: {  	s24 =	simm.s32 $0x8180  }
0x3ec: {  	[tilespmem:s24], [sflag:$0x1] =	stream.indirect_vreg.gather [hbm4b:s21+s3], $0x80, v5, vm1, $0xb8;
	[tilespmem:$0x18980] =	vst v63  }
0x3ed: {  	s1 =	simm.s32 $0x8980  }
0x3ee: {  	[tilespmem:s1], [sflag:$0x1] =	stream.indirect_vreg.gather [hbm4b:s22+s3], $0x80, v5, vm1, $0xb8;
	[tilespmem:$0x18980] =	vst v63  }
0x3ef: {  	s24 =	simm.s32 $0x9180  }
0x3f0: {  	[tilespmem:s24], [sflag:$0x1] =	stream.indirect_vreg.gather [hbm4b:s23+s3], $0x80, v5, vm1, $0xb8;
	[tilespmem:$0x18980] =	vst v63  }
0x3f1: {  	s1 =	simm.s32 $0x9980  }
0x3f2: {  	[tilespmem:s1], [sflag:$0x1] =	stream.indirect_vreg.gather [hbm4b:s25+s3], $0x80, v5, vm1, $0xb8;
	[tilespmem:$0x18980] =	vst v63  }
0x3f3: {  	s24 =	simm.s32 $0xA180  }
0x3f4: {  	[tilespmem:s24], [sflag:$0x1] =	stream.indirect_vreg.gather [hbm4b:s26+s3], $0x80, v5, vm1, $0xb8;
	[tilespmem:$0x18980] =	vst v63  }
0x3f5: {  	s1 =	simm.s32 $0xA980  }
0x3f6: {  	[tilespmem:s1], [sflag:$0x1] =	stream.indirect_vreg.gather [hbm4b:s28+s3], $0x80, v5, vm1, $0xb8;
	[tilespmem:$0x18980] =	vst v63  }
0x3f7: {  	s24 =	simm.s32 $0xB180  }
0x3f8: {  	[tilespmem:s24], [sflag:$0x1] =	stream.indirect_vreg.gather [hbm4b:s29+s3], $0x80, v5, vm1, $0xb8;
	[tilespmem:$0x18980] =	vst v63  }
0x3f9: {  	s1 =	simm.s32 $0xB980  }
0x3fa: {  	[tilespmem:s1], [sflag:$0x1] =	stream.indirect_vreg.gather [hbm4b:s30+s3], $0x80, v5, vm1, $0xb8;
	[tilespmem:$0x18980] =	vst v63  }
0x3fb: {  	s24 =	simm.s32 $0xC180;
	s1 =	simm.s32 $0x2  }
0x3fc: {  	[tilespmem:s24], [sflag:$0x1] =	stream.indirect_vreg.gather [hbm4b:s12+s3], $0x80, v5, vm0, $0xb8;
	[tilespmem:$0x18980] =	vst v63  }
0x3fd: {  	_ =	swait.ge [sflag:s1], $0xC400  }
0x3fe: {  	[sflag:s1] =	ssyncset.done $0x0  }
0x3ff: {  	s31 =	simm.s32 $0xC580;
	s24 =	rddreg [dreg:$0x12];
	[sflag:s1] =	ssyncadd.s32 $0xFFFF3C00  }
0x400: {  	[hbm4b:s24+s3] =	stream.linear.scatter [tilespmem:s31], [sflag:$0x4], $0xC400, $0x38;
	[tilespmem:$0x18980] =	vst v63  }
0x401: {  	s24 =	simm.s32 $0x4  }
0x402: {  	_ =	swait.ge [sflag:s24], $0xC400  }
0x403: {  	[sflag:s24] =	ssyncset.done $0x0  }
0x404: {  	[sflag:s24] =	ssyncadd.s32 $0xFFFF3C00  }
0x405: {  	v5 =	vld.msk [tilespmem:$0x108], $0xff;
	_ =	sdelay $0x4  }
0x406: {  	v48 =	vshrl.u32 v5, $0x3  }
0x407: {  	v6 =	vmul.u32 $0x188, v48  }
0x408: {  	v5 =	vand.u32 $0x7, v5  }
0x409: {  	v5 =	vor.u32 v5, v6  }
0x40a: {  	v5 =	vperm.xlane v5, v2;
	_ =	sdelay $0x1  }
0x40b: {  	v5 =	vadd.s32 v3, v5;
	_ =	sdelay $0x4  }
0x40c: {  	[tilespmem:s31], [sflag:$0x2] =	stream.indirect_vreg.gather [hbm4b:s4+s3], $0x80, v5, vm1, $0xb8;
	[tilespmem:$0x18980] =	vst v63  }
0x40d: {  	s31 =	smov.u32 s4;
	s4 =	simm.s32 $0xCD80  }
0x40e: {  	[tilespmem:s4], [sflag:$0x2] =	stream.indirect_vreg.gather [hbm4b:s6+s3], $0x80, v5, vm1, $0xb8;
	[tilespmem:$0x18980] =	vst v63  }
0x40f: {  	s4 =	simm.s32 $0xD580  }
0x410: {  	[tilespmem:s4], [sflag:$0x2] =	stream.indirect_vreg.gather [hbm4b:s7+s3], $0x80, v5, vm1, $0xb8;
	[tilespmem:$0x18980] =	vst v63  }
0x411: {  	s4 =	simm.s32 $0xDD80  }
0x412: {  	[tilespmem:s4], [sflag:$0x2] =	stream.indirect_vreg.gather [hbm4b:s8+s3], $0x80, v5, vm1, $0xb8;
	[tilespmem:$0x18980] =	vst v63  }
0x413: {  	s4 =	simm.s32 $0xE580  }
0x414: {  	[tilespmem:s4], [sflag:$0x2] =	stream.indirect_vreg.gather [hbm4b:s9+s3], $0x80, v5, vm1, $0xb8;
	[tilespmem:$0x18980] =	vst v63  }
0x415: {  	s4 =	simm.s32 $0xED80  }
0x416: {  	[tilespmem:s4], [sflag:$0x2] =	stream.indirect_vreg.gather [hbm4b:s10+s3], $0x80, v5, vm1, $0xb8;
	[tilespmem:$0x18980] =	vst v63  }
0x417: {  	s4 =	simm.s32 $0xF580  }
0x418: {  	[tilespmem:s4], [sflag:$0x2] =	stream.indirect_vreg.gather [hbm4b:s11+s3], $0x80, v5, vm1, $0xb8;
	[tilespmem:$0x18980] =	vst v63  }
0x419: {  	s4 =	simm.s32 $0xFD80  }
0x41a: {  	[tilespmem:s4], [sflag:$0x2] =	stream.indirect_vreg.gather [hbm4b:s5+s3], $0x80, v5, vm1, $0xb8;
	[tilespmem:$0x18980] =	vst v63  }
0x41b: {  	s4 =	simm.s32 $0x10580  }
0x41c: {  	[tilespmem:s4], [sflag:$0x2] =	stream.indirect_vreg.gather [hbm4b:s13+s3], $0x80, v5, vm1, $0xb8;
	[tilespmem:$0x18980] =	vst v63  }
0x41d: {  	s4 =	simm.s32 $0x10D80  }
0x41e: {  	[tilespmem:s4], [sflag:$0x2] =	stream.indirect_vreg.gather [hbm4b:s14+s3], $0x80, v5, vm1, $0xb8;
	[tilespmem:$0x18980] =	vst v63  }
0x41f: {  	s4 =	simm.s32 $0x11580  }
0x420: {  	[tilespmem:s4], [sflag:$0x2] =	stream.indirect_vreg.gather [hbm4b:s15+s3], $0x80, v5, vm1, $0xb8;
	[tilespmem:$0x18980] =	vst v63  }
0x421: {  	s4 =	simm.s32 $0x11D80  }
0x422: {  	[tilespmem:s4], [sflag:$0x2] =	stream.indirect_vreg.gather [hbm4b:s16+s3], $0x80, v5, vm1, $0xb8;
	[tilespmem:$0x18980] =	vst v63  }
0x423: {  	s4 =	simm.s32 $0x12580  }
0x424: {  	[tilespmem:s4], [sflag:$0x2] =	stream.indirect_vreg.gather [hbm4b:s17+s3], $0x80, v5, vm1, $0xb8;
	[tilespmem:$0x18980] =	vst v63  }
0x425: {  	s4 =	simm.s32 $0x12D80  }
0x426: {  	[tilespmem:s4], [sflag:$0x2] =	stream.indirect_vreg.gather [hbm4b:s18+s3], $0x80, v5, vm1, $0xb8;
	[tilespmem:$0x18980] =	vst v63  }
0x427: {  	s4 =	simm.s32 $0x13580  }
0x428: {  	[tilespmem:s4], [sflag:$0x2] =	stream.indirect_vreg.gather [hbm4b:s19+s3], $0x80, v5, vm1, $0xb8;
	[tilespmem:$0x18980] =	vst v63  }
0x429: {  	s4 =	simm.s32 $0x13D80  }
0x42a: {  	[tilespmem:s4], [sflag:$0x2] =	stream.indirect_vreg.gather [hbm4b:s20+s3], $0x80, v5, vm1, $0xb8;
	[tilespmem:$0x18980] =	vst v63  }
0x42b: {  	s4 =	simm.s32 $0x14580  }
0x42c: {  	[tilespmem:s4], [sflag:$0x2] =	stream.indirect_vreg.gather [hbm4b:s21+s3], $0x80, v5, vm1, $0xb8;
	[tilespmem:$0x18980] =	vst v63  }
0x42d: {  	s4 =	simm.s32 $0x14D80  }
0x42e: {  	[tilespmem:s4], [sflag:$0x2] =	stream.indirect_vreg.gather [hbm4b:s22+s3], $0x80, v5, vm1, $0xb8;
	[tilespmem:$0x18980] =	vst v63  }
0x42f: {  	s4 =	simm.s32 $0x15580  }
0x430: {  	[tilespmem:s4], [sflag:$0x2] =	stream.indirect_vreg.gather [hbm4b:s23+s3], $0x80, v5, vm1, $0xb8;
	[tilespmem:$0x18980] =	vst v63  }
0x431: {  	s4 =	simm.s32 $0x15D80  }
0x432: {  	[tilespmem:s4], [sflag:$0x2] =	stream.indirect_vreg.gather [hbm4b:s25+s3], $0x80, v5, vm1, $0xb8;
	[tilespmem:$0x18980] =	vst v63  }
0x433: {  	s4 =	simm.s32 $0x16580  }
0x434: {  	[tilespmem:s4], [sflag:$0x2] =	stream.indirect_vreg.gather [hbm4b:s26+s3], $0x80, v5, vm1, $0xb8;
	[tilespmem:$0x18980] =	vst v63  }
0x435: {  	s4 =	simm.s32 $0x16D80  }
0x436: {  	[tilespmem:s4], [sflag:$0x2] =	stream.indirect_vreg.gather [hbm4b:s28+s3], $0x80, v5, vm1, $0xb8;
	[tilespmem:$0x18980] =	vst v63  }
0x437: {  	s4 =	simm.s32 $0x17580  }
0x438: {  	[tilespmem:s4], [sflag:$0x2] =	stream.indirect_vreg.gather [hbm4b:s29+s3], $0x80, v5, vm1, $0xb8;
	[tilespmem:$0x18980] =	vst v63  }
0x439: {  	s4 =	simm.s32 $0x17D80  }
0x43a: {  	[tilespmem:s4], [sflag:$0x2] =	stream.indirect_vreg.gather [hbm4b:s30+s3], $0x80, v5, vm1, $0xb8;
	[tilespmem:$0x18980] =	vst v63  }
0x43b: {  	s4 =	simm.s32 $0x18580  }
0x43c: {  	[tilespmem:s4], [sflag:$0x2] =	stream.indirect_vreg.gather [hbm4b:s12+s3], $0x80, v5, vm0, $0xb8;
	[tilespmem:$0x18980] =	vst v63  }
0x43d: {  	v4 =	vadd.s32 v1, v4;
	_ =	swait.ge [sflag:s2], $0xC400  }
0x43e: {  	v4 =	vshll.u32 v4, $0x3;
	s4 =	simm.s32 $0x180;
	[sflag:s2] =	ssyncset.done $0x0  }
0x43f: {  	v5 =	vadd.s32 $0xFFFFFFF8, v4;
	s1 =	rddreg [dreg:$0x13];
	[sflag:s2] =	ssyncadd.s32 $0xFFFF3C00;
	s2 =	simm.s32 $0x3  }
0x440: {  	v49 =	vbroadcast v4, $0x8;
	v50 =	vbroadcast v5, $0x9;
	[hbm4b:s1+s3] =	stream.linear.scatter [tilespmem:s4], [sflag:$0x3], $0xC400, $0x38;
	[tilespmem:$0x18980] =	vst v63  }
0x441: {  	_ =	swait.ge [sflag:s2], $0xC400  }
0x442: {  	v6 =	vsel vm0, v49, v50;
	[sflag:s2] =	ssyncset.done $0x0  }
0x443: {  	v6 =	vadd.s32 v0, v6;
	[sflag:s2] =	ssyncadd.s32 $0xFFFF3C00  }
0x444: {  	[tilespmem:$0x80] =	vst v6  }
0x445: {  	v6 =	vld.msk [tilespmem:$0x80], $0xff;
	_ =	sdelay $0x4  }
0x446: {  	v51 =	vshrl.u32 v6, $0x3  }
0x447: {  	v7 =	vmul.u32 $0x188, v51  }
0x448: {  	v6 =	vand.u32 $0x7, v6  }
0x449: {  	v6 =	vor.u32 v6, v7  }
0x44a: {  	v6 =	vperm.xlane v6, v2;
	_ =	sdelay $0x1  }
0x44b: {  	v6 =	vadd.s32 v3, v6;
	_ =	sdelay $0x4  }
0x44c: {  	[tilespmem:s4], [sflag:$0x1] =	stream.indirect_vreg.gather [hbm4b:s31+s3], $0x80, v6, vm1, $0xb8;
	[tilespmem:$0x18980] =	vst v63  }
0x44d: {  	s4 =	smov.u32 s31;
	s31 =	simm.s32 $0x980  }
0x44e: {  	[tilespmem:s31], [sflag:$0x1] =	stream.indirect_vreg.gather [hbm4b:s6+s3], $0x80, v6, vm1, $0xb8;
	[tilespmem:$0x18980] =	vst v63  }
0x44f: {  	s31 =	simm.s32 $0x1180  }
0x450: {  	[tilespmem:s31], [sflag:$0x1] =	stream.indirect_vreg.gather [hbm4b:s7+s3], $0x80, v6, vm1, $0xb8;
	[tilespmem:$0x18980] =	vst v63  }
0x451: {  	s31 =	simm.s32 $0x1980  }
0x452: {  	[tilespmem:s31], [sflag:$0x1] =	stream.indirect_vreg.gather [hbm4b:s8+s3], $0x80, v6, vm1, $0xb8;
	[tilespmem:$0x18980] =	vst v63  }
0x453: {  	s31 =	simm.s32 $0x2180  }
0x454: {  	[tilespmem:s31], [sflag:$0x1] =	stream.indirect_vreg.gather [hbm4b:s9+s3], $0x80, v6, vm1, $0xb8;
	[tilespmem:$0x18980] =	vst v63  }
0x455: {  	s31 =	simm.s32 $0x2980  }
0x456: {  	[tilespmem:s31], [sflag:$0x1] =	stream.indirect_vreg.gather [hbm4b:s10+s3], $0x80, v6, vm1, $0xb8;
	[tilespmem:$0x18980] =	vst v63  }
0x457: {  	s31 =	simm.s32 $0x3180  }
0x458: {  	[tilespmem:s31], [sflag:$0x1] =	stream.indirect_vreg.gather [hbm4b:s11+s3], $0x80, v6, vm1, $0xb8;
	[tilespmem:$0x18980] =	vst v63  }
0x459: {  	s31 =	simm.s32 $0x3980  }
0x45a: {  	[tilespmem:s31], [sflag:$0x1] =	stream.indirect_vreg.gather [hbm4b:s5+s3], $0x80, v6, vm1, $0xb8;
	[tilespmem:$0x18980] =	vst v63  }
0x45b: {  	s31 =	simm.s32 $0x4180  }
0x45c: {  	[tilespmem:s31], [sflag:$0x1] =	stream.indirect_vreg.gather [hbm4b:s13+s3], $0x80, v6, vm1, $0xb8;
	[tilespmem:$0x18980] =	vst v63  }
0x45d: {  	s31 =	simm.s32 $0x4980  }
0x45e: {  	[tilespmem:s31], [sflag:$0x1] =	stream.indirect_vreg.gather [hbm4b:s14+s3], $0x80, v6, vm1, $0xb8;
	[tilespmem:$0x18980] =	vst v63  }
0x45f: {  	s31 =	simm.s32 $0x5180  }
0x460: {  	[tilespmem:s31], [sflag:$0x1] =	stream.indirect_vreg.gather [hbm4b:s15+s3], $0x80, v6, vm1, $0xb8;
	[tilespmem:$0x18980] =	vst v63  }
0x461: {  	s31 =	simm.s32 $0x5980  }
0x462: {  	[tilespmem:s31], [sflag:$0x1] =	stream.indirect_vreg.gather [hbm4b:s16+s3], $0x80, v6, vm1, $0xb8;
	[tilespmem:$0x18980] =	vst v63  }
0x463: {  	s31 =	simm.s32 $0x6180  }
0x464: {  	[tilespmem:s31], [sflag:$0x1] =	stream.indirect_vreg.gather [hbm4b:s17+s3], $0x80, v6, vm1, $0xb8;
	[tilespmem:$0x18980] =	vst v63  }
0x465: {  	s31 =	simm.s32 $0x6980  }
0x466: {  	[tilespmem:s31], [sflag:$0x1] =	stream.indirect_vreg.gather [hbm4b:s18+s3], $0x80, v6, vm1, $0xb8;
	[tilespmem:$0x18980] =	vst v63  }
0x467: {  	s31 =	simm.s32 $0x7180  }
0x468: {  	[tilespmem:s31], [sflag:$0x1] =	stream.indirect_vreg.gather [hbm4b:s19+s3], $0x80, v6, vm1, $0xb8;
	[tilespmem:$0x18980] =	vst v63  }
0x469: {  	s31 =	simm.s32 $0x7980  }
0x46a: {  	[tilespmem:s31], [sflag:$0x1] =	stream.indirect_vreg.gather [hbm4b:s20+s3], $0x80, v6, vm1, $0xb8;
	[tilespmem:$0x18980] =	vst v63  }
0x46b: {  	s31 =	simm.s32 $0x8180  }
0x46c: {  	[tilespmem:s31], [sflag:$0x1] =	stream.indirect_vreg.gather [hbm4b:s21+s3], $0x80, v6, vm1, $0xb8;
	[tilespmem:$0x18980] =	vst v63  }
0x46d: {  	s31 =	simm.s32 $0x8980  }
0x46e: {  	[tilespmem:s31], [sflag:$0x1] =	stream.indirect_vreg.gather [hbm4b:s22+s3], $0x80, v6, vm1, $0xb8;
	[tilespmem:$0x18980] =	vst v63  }
0x46f: {  	s31 =	simm.s32 $0x9180  }
0x470: {  	[tilespmem:s31], [sflag:$0x1] =	stream.indirect_vreg.gather [hbm4b:s23+s3], $0x80, v6, vm1, $0xb8;
	[tilespmem:$0x18980] =	vst v63  }
0x471: {  	s31 =	simm.s32 $0x9980  }
0x472: {  	[tilespmem:s31], [sflag:$0x1] =	stream.indirect_vreg.gather [hbm4b:s25+s3], $0x80, v6, vm1, $0xb8;
	[tilespmem:$0x18980] =	vst v63  }
0x473: {  	s31 =	simm.s32 $0xA180  }
0x474: {  	[tilespmem:s31], [sflag:$0x1] =	stream.indirect_vreg.gather [hbm4b:s26+s3], $0x80, v6, vm1, $0xb8;
	[tilespmem:$0x18980] =	vst v63  }
0x475: {  	s31 =	simm.s32 $0xA980  }
0x476: {  	[tilespmem:s31], [sflag:$0x1] =	stream.indirect_vreg.gather [hbm4b:s28+s3], $0x80, v6, vm1, $0xb8;
	[tilespmem:$0x18980] =	vst v63  }
0x477: {  	s31 =	simm.s32 $0xB180  }
0x478: {  	[tilespmem:s31], [sflag:$0x1] =	stream.indirect_vreg.gather [hbm4b:s29+s3], $0x80, v6, vm1, $0xb8;
	[tilespmem:$0x18980] =	vst v63  }
0x479: {  	s31 =	simm.s32 $0xB980  }
0x47a: {  	[tilespmem:s31], [sflag:$0x1] =	stream.indirect_vreg.gather [hbm4b:s30+s3], $0x80, v6, vm1, $0xb8;
	[tilespmem:$0x18980] =	vst v63  }
0x47b: {  	s0 =	simm.s32 $0x2;
	s31 =	simm.s32 $0xC180  }
0x47c: {  	[tilespmem:s31], [sflag:$0x1] =	stream.indirect_vreg.gather [hbm4b:s12+s3], $0x80, v6, vm0, $0xb8;
	[tilespmem:$0x18980] =	vst v63  }
0x47d: {  	_ =	swait.ge [sflag:s0], $0xC400  }
0x47e: {  	s24 =	simm.s32 $0x4;
	[sflag:s0] =	ssyncset.done $0x0  }
0x47f: {  	s31 =	simm.s32 $0xC580;
	s1 =	rddreg [dreg:$0x14];
	[sflag:s0] =	ssyncadd.s32 $0xFFFF3C00  }
0x480: {  	[hbm4b:s1+s3] =	stream.linear.scatter [tilespmem:s31], [sflag:$0x4], $0xC400, $0x38;
	[tilespmem:$0x18980] =	vst v63  }
0x481: {  	_ =	swait.ge [sflag:s24], $0xC400  }
0x482: {  	[sflag:s24] =	ssyncset.done $0x0  }
0x483: {  	[sflag:s24] =	ssyncadd.s32 $0xFFFF3C00  }
0x484: {  	v52 =	vld.msk [tilespmem:$0x88], $0xff;
	_ =	sdelay $0x4  }
0x485: {  	v53 =	vshrl.u32 v52, $0x3  }
0x486: {  	v7 =	vmul.u32 $0x188, v53  }
0x487: {  	v6 =	vand.u32 $0x7, v52  }
0x488: {  	v6 =	vor.u32 v6, v7  }
0x489: {  	v6 =	vperm.xlane v6, v2;
	_ =	sdelay $0x1  }
0x48a: {  	v6 =	vadd.s32 v3, v6;
	_ =	sdelay $0x4  }
0x48b: {  	[tilespmem:s31], [sflag:$0x2] =	stream.indirect_vreg.gather [hbm4b:s4+s3], $0x80, v6, vm1, $0xb8;
	[tilespmem:$0x18980] =	vst v63  }
0x48c: {  	s24 =	simm.s32 $0xCD80  }
0x48d: {  	[tilespmem:s24], [sflag:$0x2] =	stream.indirect_vreg.gather [hbm4b:s6+s3], $0x80, v6, vm1, $0xb8;
	[tilespmem:$0x18980] =	vst v63  }
0x48e: {  	s1 =	simm.s32 $0xD580  }
0x48f: {  	[tilespmem:s1], [sflag:$0x2] =	stream.indirect_vreg.gather [hbm4b:s7+s3], $0x80, v6, vm1, $0xb8;
	[tilespmem:$0x18980] =	vst v63  }
0x490: {  	s4 =	simm.s32 $0xDD80  }
0x491: {  	[tilespmem:s4], [sflag:$0x2] =	stream.indirect_vreg.gather [hbm4b:s8+s3], $0x80, v6, vm1, $0xb8;
	[tilespmem:$0x18980] =	vst v63  }
0x492: {  	s24 =	simm.s32 $0xE580  }
0x493: {  	[tilespmem:s24], [sflag:$0x2] =	stream.indirect_vreg.gather [hbm4b:s9+s3], $0x80, v6, vm1, $0xb8;
	[tilespmem:$0x18980] =	vst v63  }
0x494: {  	s1 =	simm.s32 $0xED80  }
0x495: {  	[tilespmem:s1], [sflag:$0x2] =	stream.indirect_vreg.gather [hbm4b:s10+s3], $0x80, v6, vm1, $0xb8;
	[tilespmem:$0x18980] =	vst v63  }
0x496: {  	s4 =	simm.s32 $0xF580  }
0x497: {  	[tilespmem:s4], [sflag:$0x2] =	stream.indirect_vreg.gather [hbm4b:s11+s3], $0x80, v6, vm1, $0xb8;
	[tilespmem:$0x18980] =	vst v63  }
0x498: {  	s24 =	simm.s32 $0xFD80  }
0x499: {  	[tilespmem:s24], [sflag:$0x2] =	stream.indirect_vreg.gather [hbm4b:s5+s3], $0x80, v6, vm1, $0xb8;
	[tilespmem:$0x18980] =	vst v63  }
0x49a: {  	s1 =	simm.s32 $0x10580  }
0x49b: {  	[tilespmem:s1], [sflag:$0x2] =	stream.indirect_vreg.gather [hbm4b:s13+s3], $0x80, v6, vm1, $0xb8;
	[tilespmem:$0x18980] =	vst v63  }
0x49c: {  	s4 =	simm.s32 $0x10D80  }
0x49d: {  	[tilespmem:s4], [sflag:$0x2] =	stream.indirect_vreg.gather [hbm4b:s14+s3], $0x80, v6, vm1, $0xb8;
	[tilespmem:$0x18980] =	vst v63  }
0x49e: {  	s24 =	simm.s32 $0x11580  }
0x49f: {  	[tilespmem:s24], [sflag:$0x2] =	stream.indirect_vreg.gather [hbm4b:s15+s3], $0x80, v6, vm1, $0xb8;
	[tilespmem:$0x18980] =	vst v63  }
0x4a0: {  	s1 =	simm.s32 $0x11D80  }
0x4a1: {  	[tilespmem:s1], [sflag:$0x2] =	stream.indirect_vreg.gather [hbm4b:s16+s3], $0x80, v6, vm1, $0xb8;
	[tilespmem:$0x18980] =	vst v63  }
0x4a2: {  	s4 =	simm.s32 $0x12580  }
0x4a3: {  	[tilespmem:s4], [sflag:$0x2] =	stream.indirect_vreg.gather [hbm4b:s17+s3], $0x80, v6, vm1, $0xb8;
	[tilespmem:$0x18980] =	vst v63  }
0x4a4: {  	s24 =	simm.s32 $0x12D80  }
0x4a5: {  	[tilespmem:s24], [sflag:$0x2] =	stream.indirect_vreg.gather [hbm4b:s18+s3], $0x80, v6, vm1, $0xb8;
	[tilespmem:$0x18980] =	vst v63  }
0x4a6: {  	s1 =	simm.s32 $0x13580  }
0x4a7: {  	[tilespmem:s1], [sflag:$0x2] =	stream.indirect_vreg.gather [hbm4b:s19+s3], $0x80, v6, vm1, $0xb8;
	[tilespmem:$0x18980] =	vst v63  }
0x4a8: {  	s4 =	simm.s32 $0x13D80  }
0x4a9: {  	[tilespmem:s4], [sflag:$0x2] =	stream.indirect_vreg.gather [hbm4b:s20+s3], $0x80, v6, vm1, $0xb8;
	[tilespmem:$0x18980] =	vst v63  }
0x4aa: {  	s24 =	simm.s32 $0x14580  }
0x4ab: {  	[tilespmem:s24], [sflag:$0x2] =	stream.indirect_vreg.gather [hbm4b:s21+s3], $0x80, v6, vm1, $0xb8;
	[tilespmem:$0x18980] =	vst v63  }
0x4ac: {  	s1 =	simm.s32 $0x14D80  }
0x4ad: {  	[tilespmem:s1], [sflag:$0x2] =	stream.indirect_vreg.gather [hbm4b:s22+s3], $0x80, v6, vm1, $0xb8;
	[tilespmem:$0x18980] =	vst v63  }
0x4ae: {  	s4 =	simm.s32 $0x15580  }
0x4af: {  	[tilespmem:s4], [sflag:$0x2] =	stream.indirect_vreg.gather [hbm4b:s23+s3], $0x80, v6, vm1, $0xb8;
	[tilespmem:$0x18980] =	vst v63  }
0x4b0: {  	s24 =	simm.s32 $0x15D80  }
0x4b1: {  	[tilespmem:s24], [sflag:$0x2] =	stream.indirect_vreg.gather [hbm4b:s25+s3], $0x80, v6, vm1, $0xb8;
	[tilespmem:$0x18980] =	vst v63  }
0x4b2: {  	s1 =	simm.s32 $0x16580  }
0x4b3: {  	[tilespmem:s1], [sflag:$0x2] =	stream.indirect_vreg.gather [hbm4b:s26+s3], $0x80, v6, vm1, $0xb8;
	[tilespmem:$0x18980] =	vst v63  }
0x4b4: {  	s4 =	simm.s32 $0x16D80  }
0x4b5: {  	[tilespmem:s4], [sflag:$0x2] =	stream.indirect_vreg.gather [hbm4b:s28+s3], $0x80, v6, vm1, $0xb8;
	[tilespmem:$0x18980] =	vst v63  }
0x4b6: {  	s24 =	simm.s32 $0x17580  }
0x4b7: {  	[tilespmem:s24], [sflag:$0x2] =	stream.indirect_vreg.gather [hbm4b:s29+s3], $0x80, v6, vm1, $0xb8;
	[tilespmem:$0x18980] =	vst v63  }
0x4b8: {  	s1 =	simm.s32 $0x17D80  }
0x4b9: {  	[tilespmem:s1], [sflag:$0x2] =	stream.indirect_vreg.gather [hbm4b:s30+s3], $0x80, v6, vm1, $0xb8;
	[tilespmem:$0x18980] =	vst v63  }
0x4ba: {  	s4 =	simm.s32 $0x18580  }
0x4bb: {  	[tilespmem:s4], [sflag:$0x2] =	stream.indirect_vreg.gather [hbm4b:s12+s3], $0x80, v6, vm0, $0xb8;
	[tilespmem:$0x18980] =	vst v63  }
0x4bc: {  	s4 =	smov.u32 s12;
	s12 =	simm.s32 $0x1  }
0x4bd: {  	_ =	swait.ge [sflag:s12], $0xC400  }
0x4be: {  	s2 =	simm.s32 $0x3;
	[sflag:s12] =	ssyncset.done $0x0  }
0x4bf: {  	s0 =	rddreg [dreg:$0x15];
	[sflag:s12] =	ssyncadd.s32 $0xFFFF3C00;
	s12 =	simm.s32 $0x180  }
0x4c0: {  	v54 =	vbroadcast v4, $0xA;
	v55 =	vbroadcast v5, $0xB;
	[hbm4b:s0+s3] =	stream.linear.scatter [tilespmem:s12], [sflag:$0x3], $0xC400, $0x38;
	[tilespmem:$0x18980] =	vst v63  }
0x4c1: {  	_ =	swait.ge [sflag:s2], $0xC400  }
0x4c2: {  	v6 =	vsel vm0, v54, v55;
	[sflag:s2] =	ssyncset.done $0x0  }
0x4c3: {  	v6 =	vadd.s32 v0, v6;
	[sflag:s2] =	ssyncadd.s32 $0xFFFF3C00  }
0x4c4: {  	[tilespmem:$0x100] =	vst v6  }
0x4c5: {  	v6 =	vld.msk [tilespmem:$0x100], $0xff;
	_ =	sdelay $0x4  }
0x4c6: {  	v56 =	vshrl.u32 v6, $0x3  }
0x4c7: {  	v7 =	vmul.u32 $0x188, v56  }
0x4c8: {  	v6 =	vand.u32 $0x7, v6  }
0x4c9: {  	v6 =	vor.u32 v6, v7  }
0x4ca: {  	v6 =	vperm.xlane v6, v2;
	_ =	sdelay $0x1  }
0x4cb: {  	v6 =	vadd.s32 v3, v6;
	_ =	sdelay $0x3  }
0x4cc: {  	s0 =	rddreg [dreg:$0x0]  }
0x4cd: {  	[tilespmem:s12], [sflag:$0x1] =	stream.indirect_vreg.gather [hbm4b:s0+s3], $0x80, v6, vm1, $0xb8;
	[tilespmem:$0x18980] =	vst v63  }
0x4ce: {  	s12 =	simm.s32 $0x980  }
0x4cf: {  	[tilespmem:s12], [sflag:$0x1] =	stream.indirect_vreg.gather [hbm4b:s6+s3], $0x80, v6, vm1, $0xb8;
	[tilespmem:$0x18980] =	vst v63  }
0x4d0: {  	s2 =	simm.s32 $0x1180  }
0x4d1: {  	[tilespmem:s2], [sflag:$0x1] =	stream.indirect_vreg.gather [hbm4b:s7+s3], $0x80, v6, vm1, $0xb8;
	[tilespmem:$0x18980] =	vst v63  }
0x4d2: {  	s12 =	simm.s32 $0x1980  }
0x4d3: {  	[tilespmem:s12], [sflag:$0x1] =	stream.indirect_vreg.gather [hbm4b:s8+s3], $0x80, v6, vm1, $0xb8;
	[tilespmem:$0x18980] =	vst v63  }
0x4d4: {  	s2 =	simm.s32 $0x2180  }
0x4d5: {  	[tilespmem:s2], [sflag:$0x1] =	stream.indirect_vreg.gather [hbm4b:s9+s3], $0x80, v6, vm1, $0xb8;
	[tilespmem:$0x18980] =	vst v63  }
0x4d6: {  	s12 =	simm.s32 $0x2980  }
0x4d7: {  	[tilespmem:s12], [sflag:$0x1] =	stream.indirect_vreg.gather [hbm4b:s10+s3], $0x80, v6, vm1, $0xb8;
	[tilespmem:$0x18980] =	vst v63  }
0x4d8: {  	s2 =	simm.s32 $0x3180  }
0x4d9: {  	[tilespmem:s2], [sflag:$0x1] =	stream.indirect_vreg.gather [hbm4b:s11+s3], $0x80, v6, vm1, $0xb8;
	[tilespmem:$0x18980] =	vst v63  }
0x4da: {  	s12 =	simm.s32 $0x3980  }
0x4db: {  	[tilespmem:s12], [sflag:$0x1] =	stream.indirect_vreg.gather [hbm4b:s5+s3], $0x80, v6, vm1, $0xb8;
	[tilespmem:$0x18980] =	vst v63  }
0x4dc: {  	s2 =	simm.s32 $0x4180  }
0x4dd: {  	[tilespmem:s2], [sflag:$0x1] =	stream.indirect_vreg.gather [hbm4b:s13+s3], $0x80, v6, vm1, $0xb8;
	[tilespmem:$0x18980] =	vst v63  }
0x4de: {  	s12 =	simm.s32 $0x4980  }
0x4df: {  	[tilespmem:s12], [sflag:$0x1] =	stream.indirect_vreg.gather [hbm4b:s14+s3], $0x80, v6, vm1, $0xb8;
	[tilespmem:$0x18980] =	vst v63  }
0x4e0: {  	s2 =	simm.s32 $0x5180  }
0x4e1: {  	[tilespmem:s2], [sflag:$0x1] =	stream.indirect_vreg.gather [hbm4b:s15+s3], $0x80, v6, vm1, $0xb8;
	[tilespmem:$0x18980] =	vst v63  }
0x4e2: {  	s12 =	simm.s32 $0x5980  }
0x4e3: {  	[tilespmem:s12], [sflag:$0x1] =	stream.indirect_vreg.gather [hbm4b:s16+s3], $0x80, v6, vm1, $0xb8;
	[tilespmem:$0x18980] =	vst v63  }
0x4e4: {  	s2 =	simm.s32 $0x6180  }
0x4e5: {  	[tilespmem:s2], [sflag:$0x1] =	stream.indirect_vreg.gather [hbm4b:s17+s3], $0x80, v6, vm1, $0xb8;
	[tilespmem:$0x18980] =	vst v63  }
0x4e6: {  	s12 =	simm.s32 $0x6980  }
0x4e7: {  	[tilespmem:s12], [sflag:$0x1] =	stream.indirect_vreg.gather [hbm4b:s18+s3], $0x80, v6, vm1, $0xb8;
	[tilespmem:$0x18980] =	vst v63  }
0x4e8: {  	s2 =	simm.s32 $0x7180  }
0x4e9: {  	[tilespmem:s2], [sflag:$0x1] =	stream.indirect_vreg.gather [hbm4b:s19+s3], $0x80, v6, vm1, $0xb8;
	[tilespmem:$0x18980] =	vst v63  }
0x4ea: {  	s12 =	simm.s32 $0x7980  }
0x4eb: {  	[tilespmem:s12], [sflag:$0x1] =	stream.indirect_vreg.gather [hbm4b:s20+s3], $0x80, v6, vm1, $0xb8;
	[tilespmem:$0x18980] =	vst v63  }
0x4ec: {  	s2 =	simm.s32 $0x8180  }
0x4ed: {  	[tilespmem:s2], [sflag:$0x1] =	stream.indirect_vreg.gather [hbm4b:s21+s3], $0x80, v6, vm1, $0xb8;
	[tilespmem:$0x18980] =	vst v63  }
0x4ee: {  	s12 =	simm.s32 $0x8980  }
0x4ef: {  	[tilespmem:s12], [sflag:$0x1] =	stream.indirect_vreg.gather [hbm4b:s22+s3], $0x80, v6, vm1, $0xb8;
	[tilespmem:$0x18980] =	vst v63  }
0x4f0: {  	s2 =	simm.s32 $0x9180  }
0x4f1: {  	[tilespmem:s2], [sflag:$0x1] =	stream.indirect_vreg.gather [hbm4b:s23+s3], $0x80, v6, vm1, $0xb8;
	[tilespmem:$0x18980] =	vst v63  }
0x4f2: {  	s12 =	simm.s32 $0x9980  }
0x4f3: {  	[tilespmem:s12], [sflag:$0x1] =	stream.indirect_vreg.gather [hbm4b:s25+s3], $0x80, v6, vm1, $0xb8;
	[tilespmem:$0x18980] =	vst v63  }
0x4f4: {  	s2 =	simm.s32 $0xA180  }
0x4f5: {  	[tilespmem:s2], [sflag:$0x1] =	stream.indirect_vreg.gather [hbm4b:s26+s3], $0x80, v6, vm1, $0xb8;
	[tilespmem:$0x18980] =	vst v63  }
0x4f6: {  	s12 =	simm.s32 $0xA980  }
0x4f7: {  	[tilespmem:s12], [sflag:$0x1] =	stream.indirect_vreg.gather [hbm4b:s28+s3], $0x80, v6, vm1, $0xb8;
	[tilespmem:$0x18980] =	vst v63  }
0x4f8: {  	s2 =	simm.s32 $0xB180  }
0x4f9: {  	[tilespmem:s2], [sflag:$0x1] =	stream.indirect_vreg.gather [hbm4b:s29+s3], $0x80, v6, vm1, $0xb8;
	[tilespmem:$0x18980] =	vst v63  }
0x4fa: {  	s12 =	simm.s32 $0xB980  }
0x4fb: {  	[tilespmem:s12], [sflag:$0x1] =	stream.indirect_vreg.gather [hbm4b:s30+s3], $0x80, v6, vm1, $0xb8;
	[tilespmem:$0x18980] =	vst v63  }
0x4fc: {  	s2 =	simm.s32 $0xC180;
	s12 =	simm.s32 $0x2  }
0x4fd: {  	[tilespmem:s2], [sflag:$0x1] =	stream.indirect_vreg.gather [hbm4b:s4+s3], $0x80, v6, vm0, $0xb8;
	[tilespmem:$0x18980] =	vst v63  }
0x4fe: {  	_ =	swait.ge [sflag:s12], $0xC400  }
0x4ff: {  	[sflag:s12] =	ssyncset.done $0x0  }
0x500: {  	s2 =	simm.s32 $0x4;
	s1 =	rddreg [dreg:$0x16];
	[sflag:s12] =	ssyncadd.s32 $0xFFFF3C00  }
0x501: {  	[hbm4b:s1+s3] =	stream.linear.scatter [tilespmem:s31], [sflag:$0x4], $0xC400, $0x38;
	[tilespmem:$0x18980] =	vst v63  }
0x502: {  	_ =	swait.ge [sflag:s2], $0xC400  }
0x503: {  	[sflag:s2] =	ssyncset.done $0x0  }
0x504: {  	[sflag:s2] =	ssyncadd.s32 $0xFFFF3C00  }
0x505: {  	v57 =	vld.msk [tilespmem:$0x108], $0xff;
	_ =	sdelay $0x4  }
0x506: {  	v58 =	vshrl.u32 v57, $0x3  }
0x507: {  	v7 =	vmul.u32 $0x188, v58  }
0x508: {  	v6 =	vand.u32 $0x7, v57  }
0x509: {  	v6 =	vor.u32 v6, v7  }
0x50a: {  	v6 =	vperm.xlane v6, v2;
	_ =	sdelay $0x1  }
0x50b: {  	v6 =	vadd.s32 v3, v6;
	_ =	sdelay $0x4  }
0x50c: {  	[tilespmem:s31], [sflag:$0x2] =	stream.indirect_vreg.gather [hbm4b:s0+s3], $0x80, v6, vm1, $0xb8;
	[tilespmem:$0x18980] =	vst v63  }
0x50d: {  	s1 =	simm.s32 $0xCD80  }
0x50e: {  	[tilespmem:s1], [sflag:$0x2] =	stream.indirect_vreg.gather [hbm4b:s6+s3], $0x80, v6, vm1, $0xb8;
	[tilespmem:$0x18980] =	vst v63  }
0x50f: {  	s1 =	simm.s32 $0xD580  }
0x510: {  	[tilespmem:s1], [sflag:$0x2] =	stream.indirect_vreg.gather [hbm4b:s7+s3], $0x80, v6, vm1, $0xb8;
	[tilespmem:$0x18980] =	vst v63  }
0x511: {  	s1 =	simm.s32 $0xDD80  }
0x512: {  	[tilespmem:s1], [sflag:$0x2] =	stream.indirect_vreg.gather [hbm4b:s8+s3], $0x80, v6, vm1, $0xb8;
	[tilespmem:$0x18980] =	vst v63  }
0x513: {  	s1 =	simm.s32 $0xE580  }
0x514: {  	[tilespmem:s1], [sflag:$0x2] =	stream.indirect_vreg.gather [hbm4b:s9+s3], $0x80, v6, vm1, $0xb8;
	[tilespmem:$0x18980] =	vst v63  }
0x515: {  	s1 =	simm.s32 $0xED80  }
0x516: {  	[tilespmem:s1], [sflag:$0x2] =	stream.indirect_vreg.gather [hbm4b:s10+s3], $0x80, v6, vm1, $0xb8;
	[tilespmem:$0x18980] =	vst v63  }
0x517: {  	s1 =	simm.s32 $0xF580  }
0x518: {  	[tilespmem:s1], [sflag:$0x2] =	stream.indirect_vreg.gather [hbm4b:s11+s3], $0x80, v6, vm1, $0xb8;
	[tilespmem:$0x18980] =	vst v63  }
0x519: {  	s1 =	simm.s32 $0xFD80  }
0x51a: {  	[tilespmem:s1], [sflag:$0x2] =	stream.indirect_vreg.gather [hbm4b:s5+s3], $0x80, v6, vm1, $0xb8;
	[tilespmem:$0x18980] =	vst v63  }
0x51b: {  	s1 =	simm.s32 $0x10580  }
0x51c: {  	[tilespmem:s1], [sflag:$0x2] =	stream.indirect_vreg.gather [hbm4b:s13+s3], $0x80, v6, vm1, $0xb8;
	[tilespmem:$0x18980] =	vst v63  }
0x51d: {  	s1 =	simm.s32 $0x10D80  }
0x51e: {  	[tilespmem:s1], [sflag:$0x2] =	stream.indirect_vreg.gather [hbm4b:s14+s3], $0x80, v6, vm1, $0xb8;
	[tilespmem:$0x18980] =	vst v63  }
0x51f: {  	s1 =	simm.s32 $0x11580  }
0x520: {  	[tilespmem:s1], [sflag:$0x2] =	stream.indirect_vreg.gather [hbm4b:s15+s3], $0x80, v6, vm1, $0xb8;
	[tilespmem:$0x18980] =	vst v63  }
0x521: {  	s1 =	simm.s32 $0x11D80  }
0x522: {  	[tilespmem:s1], [sflag:$0x2] =	stream.indirect_vreg.gather [hbm4b:s16+s3], $0x80, v6, vm1, $0xb8;
	[tilespmem:$0x18980] =	vst v63  }
0x523: {  	s1 =	simm.s32 $0x12580  }
0x524: {  	[tilespmem:s1], [sflag:$0x2] =	stream.indirect_vreg.gather [hbm4b:s17+s3], $0x80, v6, vm1, $0xb8;
	[tilespmem:$0x18980] =	vst v63  }
0x525: {  	s1 =	simm.s32 $0x12D80  }
0x526: {  	[tilespmem:s1], [sflag:$0x2] =	stream.indirect_vreg.gather [hbm4b:s18+s3], $0x80, v6, vm1, $0xb8;
	[tilespmem:$0x18980] =	vst v63  }
0x527: {  	s1 =	simm.s32 $0x13580  }
0x528: {  	[tilespmem:s1], [sflag:$0x2] =	stream.indirect_vreg.gather [hbm4b:s19+s3], $0x80, v6, vm1, $0xb8;
	[tilespmem:$0x18980] =	vst v63  }
0x529: {  	s1 =	simm.s32 $0x13D80  }
0x52a: {  	[tilespmem:s1], [sflag:$0x2] =	stream.indirect_vreg.gather [hbm4b:s20+s3], $0x80, v6, vm1, $0xb8;
	[tilespmem:$0x18980] =	vst v63  }
0x52b: {  	s1 =	simm.s32 $0x14580  }
0x52c: {  	[tilespmem:s1], [sflag:$0x2] =	stream.indirect_vreg.gather [hbm4b:s21+s3], $0x80, v6, vm1, $0xb8;
	[tilespmem:$0x18980] =	vst v63  }
0x52d: {  	s1 =	simm.s32 $0x14D80  }
0x52e: {  	[tilespmem:s1], [sflag:$0x2] =	stream.indirect_vreg.gather [hbm4b:s22+s3], $0x80, v6, vm1, $0xb8;
	[tilespmem:$0x18980] =	vst v63  }
0x52f: {  	s1 =	simm.s32 $0x15580  }
0x530: {  	[tilespmem:s1], [sflag:$0x2] =	stream.indirect_vreg.gather [hbm4b:s23+s3], $0x80, v6, vm1, $0xb8;
	[tilespmem:$0x18980] =	vst v63  }
0x531: {  	s1 =	simm.s32 $0x15D80  }
0x532: {  	[tilespmem:s1], [sflag:$0x2] =	stream.indirect_vreg.gather [hbm4b:s25+s3], $0x80, v6, vm1, $0xb8;
	[tilespmem:$0x18980] =	vst v63  }
0x533: {  	s1 =	simm.s32 $0x16580  }
0x534: {  	[tilespmem:s1], [sflag:$0x2] =	stream.indirect_vreg.gather [hbm4b:s26+s3], $0x80, v6, vm1, $0xb8;
	[tilespmem:$0x18980] =	vst v63  }
0x535: {  	s1 =	simm.s32 $0x16D80  }
0x536: {  	[tilespmem:s1], [sflag:$0x2] =	stream.indirect_vreg.gather [hbm4b:s28+s3], $0x80, v6, vm1, $0xb8;
	[tilespmem:$0x18980] =	vst v63  }
0x537: {  	s1 =	simm.s32 $0x17580  }
0x538: {  	[tilespmem:s1], [sflag:$0x2] =	stream.indirect_vreg.gather [hbm4b:s29+s3], $0x80, v6, vm1, $0xb8;
	[tilespmem:$0x18980] =	vst v63  }
0x539: {  	s1 =	simm.s32 $0x17D80  }
0x53a: {  	[tilespmem:s1], [sflag:$0x2] =	stream.indirect_vreg.gather [hbm4b:s30+s3], $0x80, v6, vm1, $0xb8;
	[tilespmem:$0x18980] =	vst v63  }
0x53b: {  	s24 =	simm.s32 $0x1;
	s1 =	simm.s32 $0x18580  }
0x53c: {  	[tilespmem:s1], [sflag:$0x2] =	stream.indirect_vreg.gather [hbm4b:s4+s3], $0x80, v6, vm0, $0xb8;
	[tilespmem:$0x18980] =	vst v63  }
0x53d: {  	_ =	swait.ge [sflag:s24], $0xC400  }
0x53e: {  	[sflag:s24] =	ssyncset.done $0x0  }
0x53f: {  	s1 =	rddreg [dreg:$0x17];
	[sflag:s24] =	ssyncadd.s32 $0xFFFF3C00;
	s24 =	simm.s32 $0x180  }
0x540: {  	[hbm4b:s1+s3] =	stream.linear.scatter [tilespmem:s24], [sflag:$0x3], $0xC400, $0x38;
	[tilespmem:$0x18980] =	vst v63  }
0x541: {  	v59 =	vbroadcast v4, $0xC;
	v60 =	vbroadcast v5, $0xD;
	s1 =	simm.s32 $0x3  }
0x542: {  	_ =	swait.ge [sflag:s1], $0xC400  }
0x543: {  	v6 =	vsel vm0, v59, v60;
	[sflag:s1] =	ssyncset.done $0x0  }
0x544: {  	v6 =	vadd.s32 v0, v6;
	[sflag:s1] =	ssyncadd.s32 $0xFFFF3C00  }
0x545: {  	[tilespmem:$0x80] =	vst v6  }
0x546: {  	v6 =	vld.msk [tilespmem:$0x80], $0xff;
	_ =	sdelay $0x4  }
0x547: {  	v61 =	vshrl.u32 v6, $0x3  }
0x548: {  	v7 =	vmul.u32 $0x188, v61  }
0x549: {  	v6 =	vand.u32 $0x7, v6  }
0x54a: {  	v6 =	vor.u32 v6, v7  }
0x54b: {  	v6 =	vperm.xlane v6, v2;
	_ =	sdelay $0x1  }
0x54c: {  	v6 =	vadd.s32 v3, v6;
	_ =	sdelay $0x4  }
0x54d: {  	[tilespmem:s24], [sflag:$0x1] =	stream.indirect_vreg.gather [hbm4b:s0+s3], $0x80, v6, vm1, $0xb8;
	[tilespmem:$0x18980] =	vst v63  }
0x54e: {  	s1 =	simm.s32 $0x980  }
0x54f: {  	[tilespmem:s1], [sflag:$0x1] =	stream.indirect_vreg.gather [hbm4b:s6+s3], $0x80, v6, vm1, $0xb8;
	[tilespmem:$0x18980] =	vst v63  }
0x550: {  	s1 =	simm.s32 $0x1180  }
0x551: {  	[tilespmem:s1], [sflag:$0x1] =	stream.indirect_vreg.gather [hbm4b:s7+s3], $0x80, v6, vm1, $0xb8;
	[tilespmem:$0x18980] =	vst v63  }
0x552: {  	s1 =	simm.s32 $0x1980  }
0x553: {  	[tilespmem:s1], [sflag:$0x1] =	stream.indirect_vreg.gather [hbm4b:s8+s3], $0x80, v6, vm1, $0xb8;
	[tilespmem:$0x18980] =	vst v63  }
0x554: {  	s1 =	simm.s32 $0x2180  }
0x555: {  	[tilespmem:s1], [sflag:$0x1] =	stream.indirect_vreg.gather [hbm4b:s9+s3], $0x80, v6, vm1, $0xb8;
	[tilespmem:$0x18980] =	vst v63  }
0x556: {  	s1 =	simm.s32 $0x2980  }
0x557: {  	[tilespmem:s1], [sflag:$0x1] =	stream.indirect_vreg.gather [hbm4b:s10+s3], $0x80, v6, vm1, $0xb8;
	[tilespmem:$0x18980] =	vst v63  }
0x558: {  	s1 =	simm.s32 $0x3180  }
0x559: {  	[tilespmem:s1], [sflag:$0x1] =	stream.indirect_vreg.gather [hbm4b:s11+s3], $0x80, v6, vm1, $0xb8;
	[tilespmem:$0x18980] =	vst v63  }
0x55a: {  	s1 =	simm.s32 $0x3980  }
0x55b: {  	[tilespmem:s1], [sflag:$0x1] =	stream.indirect_vreg.gather [hbm4b:s5+s3], $0x80, v6, vm1, $0xb8;
	[tilespmem:$0x18980] =	vst v63  }
0x55c: {  	s1 =	simm.s32 $0x4180  }
0x55d: {  	[tilespmem:s1], [sflag:$0x1] =	stream.indirect_vreg.gather [hbm4b:s13+s3], $0x80, v6, vm1, $0xb8;
	[tilespmem:$0x18980] =	vst v63  }
0x55e: {  	s1 =	simm.s32 $0x4980  }
0x55f: {  	[tilespmem:s1], [sflag:$0x1] =	stream.indirect_vreg.gather [hbm4b:s14+s3], $0x80, v6, vm1, $0xb8;
	[tilespmem:$0x18980] =	vst v63  }
0x560: {  	s1 =	simm.s32 $0x5180  }
0x561: {  	[tilespmem:s1], [sflag:$0x1] =	stream.indirect_vreg.gather [hbm4b:s15+s3], $0x80, v6, vm1, $0xb8;
	[tilespmem:$0x18980] =	vst v63  }
0x562: {  	s1 =	simm.s32 $0x5980  }
0x563: {  	[tilespmem:s1], [sflag:$0x1] =	stream.indirect_vreg.gather [hbm4b:s16+s3], $0x80, v6, vm1, $0xb8;
	[tilespmem:$0x18980] =	vst v63  }
0x564: {  	s1 =	simm.s32 $0x6180  }
0x565: {  	[tilespmem:s1], [sflag:$0x1] =	stream.indirect_vreg.gather [hbm4b:s17+s3], $0x80, v6, vm1, $0xb8;
	[tilespmem:$0x18980] =	vst v63  }
0x566: {  	s1 =	simm.s32 $0x6980  }
0x567: {  	[tilespmem:s1], [sflag:$0x1] =	stream.indirect_vreg.gather [hbm4b:s18+s3], $0x80, v6, vm1, $0xb8;
	[tilespmem:$0x18980] =	vst v63  }
0x568: {  	s1 =	simm.s32 $0x7180  }
0x569: {  	[tilespmem:s1], [sflag:$0x1] =	stream.indirect_vreg.gather [hbm4b:s19+s3], $0x80, v6, vm1, $0xb8;
	[tilespmem:$0x18980] =	vst v63  }
0x56a: {  	s1 =	simm.s32 $0x7980  }
0x56b: {  	[tilespmem:s1], [sflag:$0x1] =	stream.indirect_vreg.gather [hbm4b:s20+s3], $0x80, v6, vm1, $0xb8;
	[tilespmem:$0x18980] =	vst v63  }
0x56c: {  	s1 =	simm.s32 $0x8180  }
0x56d: {  	[tilespmem:s1], [sflag:$0x1] =	stream.indirect_vreg.gather [hbm4b:s21+s3], $0x80, v6, vm1, $0xb8;
	[tilespmem:$0x18980] =	vst v63  }
0x56e: {  	s1 =	simm.s32 $0x8980  }
0x56f: {  	[tilespmem:s1], [sflag:$0x1] =	stream.indirect_vreg.gather [hbm4b:s22+s3], $0x80, v6, vm1, $0xb8;
	[tilespmem:$0x18980] =	vst v63  }
0x570: {  	s1 =	simm.s32 $0x9180  }
0x571: {  	[tilespmem:s1], [sflag:$0x1] =	stream.indirect_vreg.gather [hbm4b:s23+s3], $0x80, v6, vm1, $0xb8;
	[tilespmem:$0x18980] =	vst v63  }
0x572: {  	s1 =	simm.s32 $0x9980  }
0x573: {  	[tilespmem:s1], [sflag:$0x1] =	stream.indirect_vreg.gather [hbm4b:s25+s3], $0x80, v6, vm1, $0xb8;
	[tilespmem:$0x18980] =	vst v63  }
0x574: {  	s1 =	simm.s32 $0xA180  }
0x575: {  	[tilespmem:s1], [sflag:$0x1] =	stream.indirect_vreg.gather [hbm4b:s26+s3], $0x80, v6, vm1, $0xb8;
	[tilespmem:$0x18980] =	vst v63  }
0x576: {  	s1 =	simm.s32 $0xA980  }
0x577: {  	[tilespmem:s1], [sflag:$0x1] =	stream.indirect_vreg.gather [hbm4b:s28+s3], $0x80, v6, vm1, $0xb8;
	[tilespmem:$0x18980] =	vst v63  }
0x578: {  	s1 =	simm.s32 $0xB180  }
0x579: {  	[tilespmem:s1], [sflag:$0x1] =	stream.indirect_vreg.gather [hbm4b:s29+s3], $0x80, v6, vm1, $0xb8;
	[tilespmem:$0x18980] =	vst v63  }
0x57a: {  	s1 =	simm.s32 $0xB980  }
0x57b: {  	[tilespmem:s1], [sflag:$0x1] =	stream.indirect_vreg.gather [hbm4b:s30+s3], $0x80, v6, vm1, $0xb8;
	[tilespmem:$0x18980] =	vst v63  }
0x57c: {  	s12 =	simm.s32 $0x2;
	s1 =	simm.s32 $0xC180  }
0x57d: {  	[tilespmem:s1], [sflag:$0x1] =	stream.indirect_vreg.gather [hbm4b:s4+s3], $0x80, v6, vm0, $0xb8;
	[tilespmem:$0x18980] =	vst v63  }
0x57e: {  	_ =	swait.ge [sflag:s12], $0xC400  }
0x57f: {  	s2 =	simm.s32 $0x4;
	s31 =	simm.s32 $0xC580;
	[sflag:s12] =	ssyncset.done $0x0  }
0x580: {  	s24 =	smov.u32 s0;
	s0 =	rddreg [dreg:$0x18];
	[sflag:s12] =	ssyncadd.s32 $0xFFFF3C00  }
0x581: {  	[hbm4b:s0+s3] =	stream.linear.scatter [tilespmem:s31], [sflag:$0x4], $0xC400, $0x38;
	[tilespmem:$0x18980] =	vst v63  }
0x582: {  	_ =	swait.ge [sflag:s2], $0xC400  }
0x583: {  	[sflag:s2] =	ssyncset.done $0x0  }
0x584: {  	[sflag:s2] =	ssyncadd.s32 $0xFFFF3C00  }
0x585: {  	v62 =	vld.msk [tilespmem:$0x88], $0xff;
	_ =	sdelay $0x4  }
0x586: {  	v63 =	vshrl.u32 v62, $0x3  }
0x587: {  	v7 =	vmul.u32 $0x188, v63  }
0x588: {  	v6 =	vand.u32 $0x7, v62  }
0x589: {  	v6 =	vor.u32 v6, v7  }
0x58a: {  	v6 =	vperm.xlane v6, v2;
	_ =	sdelay $0x1  }
0x58b: {  	v6 =	vadd.s32 v3, v6;
	_ =	sdelay $0x4  }
0x58c: {  	[tilespmem:s31], [sflag:$0x2] =	stream.indirect_vreg.gather [hbm4b:s24+s3], $0x80, v6, vm1, $0xb8;
	[tilespmem:$0x18980] =	vst v63  }
0x58d: {  	s1 =	simm.s32 $0xCD80  }
0x58e: {  	[tilespmem:s1], [sflag:$0x2] =	stream.indirect_vreg.gather [hbm4b:s6+s3], $0x80, v6, vm1, $0xb8;
	[tilespmem:$0x18980] =	vst v63  }
0x58f: {  	s2 =	simm.s32 $0xD580  }
0x590: {  	[tilespmem:s2], [sflag:$0x2] =	stream.indirect_vreg.gather [hbm4b:s7+s3], $0x80, v6, vm1, $0xb8;
	[tilespmem:$0x18980] =	vst v63  }
0x591: {  	s12 =	simm.s32 $0xDD80  }
0x592: {  	[tilespmem:s12], [sflag:$0x2] =	stream.indirect_vreg.gather [hbm4b:s8+s3], $0x80, v6, vm1, $0xb8;
	[tilespmem:$0x18980] =	vst v63  }
0x593: {  	s31 =	smov.u32 s24;
	s24 =	simm.s32 $0xE580  }
0x594: {  	[tilespmem:s24], [sflag:$0x2] =	stream.indirect_vreg.gather [hbm4b:s9+s3], $0x80, v6, vm1, $0xb8;
	[tilespmem:$0x18980] =	vst v63  }
0x595: {  	s1 =	simm.s32 $0xED80  }
0x596: {  	[tilespmem:s1], [sflag:$0x2] =	stream.indirect_vreg.gather [hbm4b:s10+s3], $0x80, v6, vm1, $0xb8;
	[tilespmem:$0x18980] =	vst v63  }
0x597: {  	s2 =	simm.s32 $0xF580  }
0x598: {  	[tilespmem:s2], [sflag:$0x2] =	stream.indirect_vreg.gather [hbm4b:s11+s3], $0x80, v6, vm1, $0xb8;
	[tilespmem:$0x18980] =	vst v63  }
0x599: {  	s12 =	simm.s32 $0xFD80  }
0x59a: {  	[tilespmem:s12], [sflag:$0x2] =	stream.indirect_vreg.gather [hbm4b:s5+s3], $0x80, v6, vm1, $0xb8;
	[tilespmem:$0x18980] =	vst v63  }
0x59b: {  	s24 =	simm.s32 $0x10580  }
0x59c: {  	[tilespmem:s24], [sflag:$0x2] =	stream.indirect_vreg.gather [hbm4b:s13+s3], $0x80, v6, vm1, $0xb8;
	[tilespmem:$0x18980] =	vst v63  }
0x59d: {  	s1 =	simm.s32 $0x10D80  }
0x59e: {  	[tilespmem:s1], [sflag:$0x2] =	stream.indirect_vreg.gather [hbm4b:s14+s3], $0x80, v6, vm1, $0xb8;
	[tilespmem:$0x18980] =	vst v63  }
0x59f: {  	s2 =	simm.s32 $0x11580  }
0x5a0: {  	[tilespmem:s2], [sflag:$0x2] =	stream.indirect_vreg.gather [hbm4b:s15+s3], $0x80, v6, vm1, $0xb8;
	[tilespmem:$0x18980] =	vst v63  }
0x5a1: {  	s12 =	simm.s32 $0x11D80  }
0x5a2: {  	[tilespmem:s12], [sflag:$0x2] =	stream.indirect_vreg.gather [hbm4b:s16+s3], $0x80, v6, vm1, $0xb8;
	[tilespmem:$0x18980] =	vst v63  }
0x5a3: {  	s24 =	simm.s32 $0x12580  }
0x5a4: {  	[tilespmem:s24], [sflag:$0x2] =	stream.indirect_vreg.gather [hbm4b:s17+s3], $0x80, v6, vm1, $0xb8;
	[tilespmem:$0x18980] =	vst v63  }
0x5a5: {  	s1 =	simm.s32 $0x12D80  }
0x5a6: {  	[tilespmem:s1], [sflag:$0x2] =	stream.indirect_vreg.gather [hbm4b:s18+s3], $0x80, v6, vm1, $0xb8;
	[tilespmem:$0x18980] =	vst v63  }
0x5a7: {  	s2 =	simm.s32 $0x13580  }
0x5a8: {  	[tilespmem:s2], [sflag:$0x2] =	stream.indirect_vreg.gather [hbm4b:s19+s3], $0x80, v6, vm1, $0xb8;
	[tilespmem:$0x18980] =	vst v63  }
0x5a9: {  	s12 =	simm.s32 $0x13D80  }
0x5aa: {  	[tilespmem:s12], [sflag:$0x2] =	stream.indirect_vreg.gather [hbm4b:s20+s3], $0x80, v6, vm1, $0xb8;
	[tilespmem:$0x18980] =	vst v63  }
0x5ab: {  	s24 =	simm.s32 $0x14580  }
0x5ac: {  	[tilespmem:s24], [sflag:$0x2] =	stream.indirect_vreg.gather [hbm4b:s21+s3], $0x80, v6, vm1, $0xb8;
	[tilespmem:$0x18980] =	vst v63  }
0x5ad: {  	s1 =	simm.s32 $0x14D80  }
0x5ae: {  	[tilespmem:s1], [sflag:$0x2] =	stream.indirect_vreg.gather [hbm4b:s22+s3], $0x80, v6, vm1, $0xb8;
	[tilespmem:$0x18980] =	vst v63  }
0x5af: {  	s2 =	simm.s32 $0x15580  }
0x5b0: {  	[tilespmem:s2], [sflag:$0x2] =	stream.indirect_vreg.gather [hbm4b:s23+s3], $0x80, v6, vm1, $0xb8;
	[tilespmem:$0x18980] =	vst v63  }
0x5b1: {  	s12 =	simm.s32 $0x15D80  }
0x5b2: {  	[tilespmem:s12], [sflag:$0x2] =	stream.indirect_vreg.gather [hbm4b:s25+s3], $0x80, v6, vm1, $0xb8;
	[tilespmem:$0x18980] =	vst v63  }
0x5b3: {  	s24 =	simm.s32 $0x16580  }
0x5b4: {  	[tilespmem:s24], [sflag:$0x2] =	stream.indirect_vreg.gather [hbm4b:s26+s3], $0x80, v6, vm1, $0xb8;
	[tilespmem:$0x18980] =	vst v63  }
0x5b5: {  	s1 =	simm.s32 $0x16D80  }
0x5b6: {  	[tilespmem:s1], [sflag:$0x2] =	stream.indirect_vreg.gather [hbm4b:s28+s3], $0x80, v6, vm1, $0xb8;
	[tilespmem:$0x18980] =	vst v63  }
0x5b7: {  	s2 =	simm.s32 $0x17580  }
0x5b8: {  	[tilespmem:s2], [sflag:$0x2] =	stream.indirect_vreg.gather [hbm4b:s29+s3], $0x80, v6, vm1, $0xb8;
	[tilespmem:$0x18980] =	vst v63  }
0x5b9: {  	s12 =	simm.s32 $0x17D80  }
0x5ba: {  	[tilespmem:s12], [sflag:$0x2] =	stream.indirect_vreg.gather [hbm4b:s30+s3], $0x80, v6, vm1, $0xb8;
	[tilespmem:$0x18980] =	vst v63  }
0x5bb: {  	s24 =	simm.s32 $0x18580;
	s1 =	simm.s32 $0x1  }
0x5bc: {  	[tilespmem:s24], [sflag:$0x2] =	stream.indirect_vreg.gather [hbm4b:s4+s3], $0x80, v6, vm0, $0xb8;
	[tilespmem:$0x18980] =	vst v63  }
0x5bd: {  	_ =	swait.ge [sflag:s1], $0xC400  }
0x5be: {  	s0 =	simm.s32 $0x180;
	[sflag:s1] =	ssyncset.done $0x0  }
0x5bf: {  	s2 =	simm.s32 $0x3;
	s12 =	rddreg [dreg:$0x19];
	[sflag:s1] =	ssyncadd.s32 $0xFFFF3C00  }
0x5c0: {  	[hbm4b:s12+s3] =	stream.linear.scatter [tilespmem:s0], [sflag:$0x3], $0xC400, $0x38;
	[tilespmem:$0x18980] =	vst v63  }
0x5c1: {  	_ =	swait.ge [sflag:s2], $0xC400  }
0x5c2: {  	(v2sf) =	vpush v4, $0xE;
	_ =	sdelay $0xd  }
0x5c3: {  	v4 =	vbroadcast v5, $0xF  }
0x5c4: {  	s12 =	spop (v2sf)  }
0x5c5: {  	[sflag:s2] =	ssyncset.done $0x0;
	v4 =	vsel vm0, s12, v4  }
0x5c6: {  	[sflag:s2] =	ssyncadd.s32 $0xFFFF3C00;
	v4 =	vadd.s32 v0, v4  }
0x5c7: {  	[tilespmem:$0x100] =	vst v4  }
0x5c8: {  	v4 =	vld.msk [tilespmem:$0x100], $0xff;
	_ =	sdelay $0x4  }
0x5c9: {  	v5 =	vshrl.u32 v4, $0x3  }
0x5ca: {  	v5 =	vmul.u32 $0x188, v5  }
0x5cb: {  	v4 =	vand.u32 $0x7, v4  }
0x5cc: {  	v4 =	vor.u32 v4, v5  }
0x5cd: {  	v4 =	vperm.xlane v4, v2;
	_ =	sdelay $0x1  }
0x5ce: {  	v4 =	vadd.s32 v3, v4;
	_ =	sdelay $0x4  }
0x5cf: {  	[tilespmem:s0], [sflag:$0x1] =	stream.indirect_vreg.gather [hbm4b:s31+s3], $0x80, v4, vm1, $0xb8;
	[tilespmem:$0x18980] =	vst v63  }
0x5d0: {  	s2 =	simm.s32 $0x980  }
0x5d1: {  	[tilespmem:s2], [sflag:$0x1] =	stream.indirect_vreg.gather [hbm4b:s6+s3], $0x80, v4, vm1, $0xb8;
	[tilespmem:$0x18980] =	vst v63  }
0x5d2: {  	s31 =	simm.s32 $0x1180  }
0x5d3: {  	[tilespmem:s31], [sflag:$0x1] =	stream.indirect_vreg.gather [hbm4b:s7+s3], $0x80, v4, vm1, $0xb8;
	[tilespmem:$0x18980] =	vst v63  }
0x5d4: {  	s1 =	simm.s32 $0x1980  }
0x5d5: {  	[tilespmem:s1], [sflag:$0x1] =	stream.indirect_vreg.gather [hbm4b:s8+s3], $0x80, v4, vm1, $0xb8;
	[tilespmem:$0x18980] =	vst v63  }
0x5d6: {  	s2 =	simm.s32 $0x2180  }
0x5d7: {  	[tilespmem:s2], [sflag:$0x1] =	stream.indirect_vreg.gather [hbm4b:s9+s3], $0x80, v4, vm1, $0xb8;
	[tilespmem:$0x18980] =	vst v63  }
0x5d8: {  	s31 =	simm.s32 $0x2980  }
0x5d9: {  	[tilespmem:s31], [sflag:$0x1] =	stream.indirect_vreg.gather [hbm4b:s10+s3], $0x80, v4, vm1, $0xb8;
	[tilespmem:$0x18980] =	vst v63  }
0x5da: {  	s1 =	simm.s32 $0x3180  }
0x5db: {  	[tilespmem:s1], [sflag:$0x1] =	stream.indirect_vreg.gather [hbm4b:s11+s3], $0x80, v4, vm1, $0xb8;
	[tilespmem:$0x18980] =	vst v63  }
0x5dc: {  	s2 =	simm.s32 $0x3980  }
0x5dd: {  	[tilespmem:s2], [sflag:$0x1] =	stream.indirect_vreg.gather [hbm4b:s5+s3], $0x80, v4, vm1, $0xb8;
	[tilespmem:$0x18980] =	vst v63  }
0x5de: {  	s31 =	simm.s32 $0x4180  }
0x5df: {  	[tilespmem:s31], [sflag:$0x1] =	stream.indirect_vreg.gather [hbm4b:s13+s3], $0x80, v4, vm1, $0xb8;
	[tilespmem:$0x18980] =	vst v63  }
0x5e0: {  	s1 =	simm.s32 $0x4980  }
0x5e1: {  	[tilespmem:s1], [sflag:$0x1] =	stream.indirect_vreg.gather [hbm4b:s14+s3], $0x80, v4, vm1, $0xb8;
	[tilespmem:$0x18980] =	vst v63  }
0x5e2: {  	s2 =	simm.s32 $0x5180  }
0x5e3: {  	[tilespmem:s2], [sflag:$0x1] =	stream.indirect_vreg.gather [hbm4b:s15+s3], $0x80, v4, vm1, $0xb8;
	[tilespmem:$0x18980] =	vst v63  }
0x5e4: {  	s31 =	simm.s32 $0x5980  }
0x5e5: {  	[tilespmem:s31], [sflag:$0x1] =	stream.indirect_vreg.gather [hbm4b:s16+s3], $0x80, v4, vm1, $0xb8;
	[tilespmem:$0x18980] =	vst v63  }
0x5e6: {  	s1 =	simm.s32 $0x6180  }
0x5e7: {  	[tilespmem:s1], [sflag:$0x1] =	stream.indirect_vreg.gather [hbm4b:s17+s3], $0x80, v4, vm1, $0xb8;
	[tilespmem:$0x18980] =	vst v63  }
0x5e8: {  	s2 =	simm.s32 $0x6980  }
0x5e9: {  	[tilespmem:s2], [sflag:$0x1] =	stream.indirect_vreg.gather [hbm4b:s18+s3], $0x80, v4, vm1, $0xb8;
	[tilespmem:$0x18980] =	vst v63  }
0x5ea: {  	s31 =	simm.s32 $0x7180  }
0x5eb: {  	[tilespmem:s31], [sflag:$0x1] =	stream.indirect_vreg.gather [hbm4b:s19+s3], $0x80, v4, vm1, $0xb8;
	[tilespmem:$0x18980] =	vst v63  }
0x5ec: {  	s1 =	simm.s32 $0x7980  }
0x5ed: {  	[tilespmem:s1], [sflag:$0x1] =	stream.indirect_vreg.gather [hbm4b:s20+s3], $0x80, v4, vm1, $0xb8;
	[tilespmem:$0x18980] =	vst v63  }
0x5ee: {  	s2 =	simm.s32 $0x8180  }
0x5ef: {  	[tilespmem:s2], [sflag:$0x1] =	stream.indirect_vreg.gather [hbm4b:s21+s3], $0x80, v4, vm1, $0xb8;
	[tilespmem:$0x18980] =	vst v63  }
0x5f0: {  	s31 =	simm.s32 $0x8980  }
0x5f1: {  	[tilespmem:s31], [sflag:$0x1] =	stream.indirect_vreg.gather [hbm4b:s22+s3], $0x80, v4, vm1, $0xb8;
	[tilespmem:$0x18980] =	vst v63  }
0x5f2: {  	s1 =	simm.s32 $0x9180  }
0x5f3: {  	[tilespmem:s1], [sflag:$0x1] =	stream.indirect_vreg.gather [hbm4b:s23+s3], $0x80, v4, vm1, $0xb8;
	[tilespmem:$0x18980] =	vst v63  }
0x5f4: {  	s2 =	simm.s32 $0x9980  }
0x5f5: {  	[tilespmem:s2], [sflag:$0x1] =	stream.indirect_vreg.gather [hbm4b:s25+s3], $0x80, v4, vm1, $0xb8;
	[tilespmem:$0x18980] =	vst v63  }
0x5f6: {  	s31 =	simm.s32 $0xA180  }
0x5f7: {  	[tilespmem:s31], [sflag:$0x1] =	stream.indirect_vreg.gather [hbm4b:s26+s3], $0x80, v4, vm1, $0xb8;
	[tilespmem:$0x18980] =	vst v63  }
0x5f8: {  	s1 =	simm.s32 $0xA980  }
0x5f9: {  	[tilespmem:s1], [sflag:$0x1] =	stream.indirect_vreg.gather [hbm4b:s28+s3], $0x80, v4, vm1, $0xb8;
	[tilespmem:$0x18980] =	vst v63  }
0x5fa: {  	s2 =	simm.s32 $0xB180  }
0x5fb: {  	[tilespmem:s2], [sflag:$0x1] =	stream.indirect_vreg.gather [hbm4b:s29+s3], $0x80, v4, vm1, $0xb8;
	[tilespmem:$0x18980] =	vst v63  }
0x5fc: {  	s31 =	simm.s32 $0xB980  }
0x5fd: {  	[tilespmem:s31], [sflag:$0x1] =	stream.indirect_vreg.gather [hbm4b:s30+s3], $0x80, v4, vm1, $0xb8;
	[tilespmem:$0x18980] =	vst v63  }
0x5fe: {  	s1 =	simm.s32 $0xC180;
	s2 =	simm.s32 $0x2  }
0x5ff: {  	[tilespmem:s1], [sflag:$0x1] =	stream.indirect_vreg.gather [hbm4b:s4+s3], $0x80, v4, vm0, $0xb8;
	[tilespmem:$0x18980] =	vst v63  }
0x600: {  	_ =	swait.ge [sflag:s2], $0xC400  }
0x601: {  	[sflag:s2] =	ssyncset.done $0x0  }
0x602: {  	s31 =	rddreg [dreg:$0x1a];
	[sflag:s2] =	ssyncadd.s32 $0xFFFF3C00;
	s2 =	simm.s32 $0xC580  }
0x603: {  	[hbm4b:s31+s3] =	stream.linear.scatter [tilespmem:s2], [sflag:$0x4], $0xC400, $0x38;
	[tilespmem:$0x18980] =	vst v63  }
0x604: {  	s31 =	simm.s32 $0x4  }
0x605: {  	_ =	swait.ge [sflag:s31], $0xC400  }
0x606: {  	[sflag:s31] =	ssyncset.done $0x0  }
0x607: {  	[sflag:s31] =	ssyncadd.s32 $0xFFFF3C00  }
0x608: {  	v4 =	vld.msk [tilespmem:$0x108], $0xff;
	_ =	sdelay $0x4  }
0x609: {  	v5 =	vshrl.u32 v4, $0x3  }
0x60a: {  	v5 =	vmul.u32 $0x188, v5  }
0x60b: {  	v4 =	vand.u32 $0x7, v4  }
0x60c: {  	v4 =	vor.u32 v4, v5  }
0x60d: {  	v4 =	vperm.xlane v4, v2;
	_ =	sdelay $0x1  }
0x60e: {  	v4 =	vadd.s32 v3, v4;
	_ =	sdelay $0x3  }
0x60f: {  	s1 =	rddreg [dreg:$0x0]  }
0x610: {  	[tilespmem:s2], [sflag:$0x2] =	stream.indirect_vreg.gather [hbm4b:s1+s3], $0x80, v4, vm1, $0xb8;
	[tilespmem:$0x18980] =	vst v63  }
0x611: {  	s1 =	simm.s32 $0xCD80  }
0x612: {  	[tilespmem:s1], [sflag:$0x2] =	stream.indirect_vreg.gather [hbm4b:s6+s3], $0x80, v4, vm1, $0xb8;
	[tilespmem:$0x18980] =	vst v63  }
0x613: {  	s6 =	simm.s32 $0xD580  }
0x614: {  	[tilespmem:s6], [sflag:$0x2] =	stream.indirect_vreg.gather [hbm4b:s7+s3], $0x80, v4, vm1, $0xb8;
	[tilespmem:$0x18980] =	vst v63  }
0x615: {  	s7 =	simm.s32 $0xDD80  }
0x616: {  	[tilespmem:s7], [sflag:$0x2] =	stream.indirect_vreg.gather [hbm4b:s8+s3], $0x80, v4, vm1, $0xb8;
	[tilespmem:$0x18980] =	vst v63  }
0x617: {  	s8 =	simm.s32 $0xE580  }
0x618: {  	[tilespmem:s8], [sflag:$0x2] =	stream.indirect_vreg.gather [hbm4b:s9+s3], $0x80, v4, vm1, $0xb8;
	[tilespmem:$0x18980] =	vst v63  }
0x619: {  	s9 =	simm.s32 $0xED80  }
0x61a: {  	[tilespmem:s9], [sflag:$0x2] =	stream.indirect_vreg.gather [hbm4b:s10+s3], $0x80, v4, vm1, $0xb8;
	[tilespmem:$0x18980] =	vst v63  }
0x61b: {  	s10 =	simm.s32 $0xF580  }
0x61c: {  	[tilespmem:s10], [sflag:$0x2] =	stream.indirect_vreg.gather [hbm4b:s11+s3], $0x80, v4, vm1, $0xb8;
	[tilespmem:$0x18980] =	vst v63  }
0x61d: {  	s6 =	simm.s32 $0xFD80  }
0x61e: {  	[tilespmem:s6], [sflag:$0x2] =	stream.indirect_vreg.gather [hbm4b:s5+s3], $0x80, v4, vm1, $0xb8;
	[tilespmem:$0x18980] =	vst v63  }
0x61f: {  	s7 =	simm.s32 $0x10580  }
0x620: {  	[tilespmem:s7], [sflag:$0x2] =	stream.indirect_vreg.gather [hbm4b:s13+s3], $0x80, v4, vm1, $0xb8;
	[tilespmem:$0x18980] =	vst v63  }
0x621: {  	s8 =	simm.s32 $0x10D80  }
0x622: {  	[tilespmem:s8], [sflag:$0x2] =	stream.indirect_vreg.gather [hbm4b:s14+s3], $0x80, v4, vm1, $0xb8;
	[tilespmem:$0x18980] =	vst v63  }
0x623: {  	s9 =	simm.s32 $0x11580  }
0x624: {  	[tilespmem:s9], [sflag:$0x2] =	stream.indirect_vreg.gather [hbm4b:s15+s3], $0x80, v4, vm1, $0xb8;
	[tilespmem:$0x18980] =	vst v63  }
0x625: {  	s10 =	simm.s32 $0x11D80  }
0x626: {  	[tilespmem:s10], [sflag:$0x2] =	stream.indirect_vreg.gather [hbm4b:s16+s3], $0x80, v4, vm1, $0xb8;
	[tilespmem:$0x18980] =	vst v63  }
0x627: {  	s11 =	simm.s32 $0x12580  }
0x628: {  	[tilespmem:s11], [sflag:$0x2] =	stream.indirect_vreg.gather [hbm4b:s17+s3], $0x80, v4, vm1, $0xb8;
	[tilespmem:$0x18980] =	vst v63  }
0x629: {  	s13 =	simm.s32 $0x12D80  }
0x62a: {  	[tilespmem:s13], [sflag:$0x2] =	stream.indirect_vreg.gather [hbm4b:s18+s3], $0x80, v4, vm1, $0xb8;
	[tilespmem:$0x18980] =	vst v63  }
0x62b: {  	s14 =	simm.s32 $0x13580  }
0x62c: {  	[tilespmem:s14], [sflag:$0x2] =	stream.indirect_vreg.gather [hbm4b:s19+s3], $0x80, v4, vm1, $0xb8;
	[tilespmem:$0x18980] =	vst v63  }
0x62d: {  	s15 =	simm.s32 $0x13D80  }
0x62e: {  	[tilespmem:s15], [sflag:$0x2] =	stream.indirect_vreg.gather [hbm4b:s20+s3], $0x80, v4, vm1, $0xb8;
	[tilespmem:$0x18980] =	vst v63  }
0x62f: {  	s16 =	simm.s32 $0x14580  }
0x630: {  	[tilespmem:s16], [sflag:$0x2] =	stream.indirect_vreg.gather [hbm4b:s21+s3], $0x80, v4, vm1, $0xb8;
	[tilespmem:$0x18980] =	vst v63  }
0x631: {  	s17 =	simm.s32 $0x14D80  }
0x632: {  	[tilespmem:s17], [sflag:$0x2] =	stream.indirect_vreg.gather [hbm4b:s22+s3], $0x80, v4, vm1, $0xb8;
	[tilespmem:$0x18980] =	vst v63  }
0x633: {  	s18 =	simm.s32 $0x15580  }
0x634: {  	[tilespmem:s18], [sflag:$0x2] =	stream.indirect_vreg.gather [hbm4b:s23+s3], $0x80, v4, vm1, $0xb8;
	[tilespmem:$0x18980] =	vst v63  }
0x635: {  	s19 =	simm.s32 $0x15D80  }
0x636: {  	[tilespmem:s19], [sflag:$0x2] =	stream.indirect_vreg.gather [hbm4b:s25+s3], $0x80, v4, vm1, $0xb8;
	[tilespmem:$0x18980] =	vst v63  }
0x637: {  	s20 =	simm.s32 $0x16580  }
0x638: {  	[tilespmem:s20], [sflag:$0x2] =	stream.indirect_vreg.gather [hbm4b:s26+s3], $0x80, v4, vm1, $0xb8;
	[tilespmem:$0x18980] =	vst v63  }
0x639: {  	s21 =	simm.s32 $0x16D80  }
0x63a: {  	[tilespmem:s21], [sflag:$0x2] =	stream.indirect_vreg.gather [hbm4b:s28+s3], $0x80, v4, vm1, $0xb8;
	[tilespmem:$0x18980] =	vst v63  }
0x63b: {  	s22 =	simm.s32 $0x17580  }
0x63c: {  	[tilespmem:s22], [sflag:$0x2] =	stream.indirect_vreg.gather [hbm4b:s29+s3], $0x80, v4, vm1, $0xb8;
	[tilespmem:$0x18980] =	vst v63  }
0x63d: {  	s23 =	simm.s32 $0x17D80  }
0x63e: {  	[tilespmem:s23], [sflag:$0x2] =	stream.indirect_vreg.gather [hbm4b:s30+s3], $0x80, v4, vm1, $0xb8;
	[tilespmem:$0x18980] =	vst v63  }
0x63f: {  	s24 =	simm.s32 $0x1;
	s25 =	simm.s32 $0x18580  }
0x640: {  	[tilespmem:s25], [sflag:$0x2] =	stream.indirect_vreg.gather [hbm4b:s4+s3], $0x80, v4, vm0, $0xb8;
	[tilespmem:$0x18980] =	vst v63  }
0x641: {  	_ =	swait.ge [sflag:s24], $0xC400  }
0x642: {  	s0 =	simm.s32 $0x2;
	[sflag:s24] =	ssyncset.done $0x0  }
0x643: {  	s28 =	simm.s32 $0x180;
	s26 =	rddreg [dreg:$0x1b];
	[sflag:s24] =	ssyncadd.s32 $0xFFFF3C00  }
0x644: {  	[hbm4b:s26+s3] =	stream.linear.scatter [tilespmem:s28], [sflag:$0x3], $0xC400, $0x38;
	[tilespmem:$0x18980] =	vst v63  }
0x645: {  	_ =	swait.ge [sflag:s0], $0xC400  }
0x646: {  	s12 =	simm.s32 $0x3;
	s29 =	rddreg [dreg:$0x1c];
	[sflag:s0] =	ssyncset.done $0x0  }
0x647: {  	s2 =	simm.s32 $0xC580;
	s30 =	rddreg [dreg:$0x1d];
	[sflag:s0] =	ssyncadd.s32 $0xFFFF3C00  }
0x648: {  	[hbm4b:s29+s3] =	stream.linear.scatter [tilespmem:s2], [sflag:$0x4], $0xC400, $0x38;
	[tilespmem:$0x18980] =	vst v63  }
0x649: {  	p0 =	sne.s32 s30, $0x1;
	_ =	swait.ge [sflag:s12], $0xC400  }
.Ltmp0:
0x64a: {  	[sflag:s12] =	ssyncset.done $0x0;
	(pc) =	sbr.rel @p0 .LBB2_1-.Ltmp0, $4  }
0x64b: {  	s31 =	simm.s32 $0x4;
	[sflag:s12] =	ssyncadd.s32 $0xFFFF3C00  }
0x64c: {  	_ =	swait.ge [sflag:s31], $0xC400  }
0x64d: {  	[sflag:s31] =	ssyncset.done $0x0  }
0x64e: {  	s1 =	sadd.s32 $0xFFFFFFFF, s30;
	[sflag:s31] =	ssyncadd.s32 $0xFFFF3C00  }
0x64f: {  	_ =	sfence.sel $0x180000  }
0x650: {  	[bflag:$0x0] =	sbarrier.arrive $0xFFFF  }
0x651: {  	_ =	strace $0x90000047  }
0x652: {  	s0 =	stileid.u32;
	[bflag:$0x2] =	sbarrier.arrive $0xFFFF  }
0x653: {  	p0 =	sne.s32 s0, $0x0;
	s0 =	rddreg [dreg:$0x3]  }
0x654: {  	s0 =	sadd.s32 @!p0 $0x100000, s0  }
0x655: {  	[sflag:s0] =	ssyncadd.tile.s32 @!p0 $0x1;
	_ =	shalt  }
.Lfunc_end2:
_tile_overlayer_lowered:
.L_overlay_start_2:
0x656: {  	(tag) =	ssettag $0x2  }
0x657: {  	s0 =	rddreg [dreg:$0x0];
	s2 =	stileid.u32  }
0x658: {  	s1 =	rddreg [dreg:$0x1];
	p0 =	sne.s32 s2, $0x0  }
0x659: {  	s3 =	rddreg [dreg:$0x2];
	[bflag:$0x3] =	sbarrier.arrive $0xFFFF;
	s2 =	simm.s32 @!p0 $0x1C05  }
0x65a: {  	[timem:s3], [sflag:s2] =	dma.local @!p0 [hbm:s0], s1  }
0x65b: {  	s0 =	simm.s32 @!p0 $0x5  }
0x65c: {  	_ =	swait.ge @!p0 [sflag:s0], s1  }
0x65d: {  	s1 =	ssub.s32 @!p0 $0x0, s1;
	[sflag:s0] =	ssyncset.done @!p0 $0x0  }
0x65e: {  	[sflag:s0] =	ssyncadd.s32 @!p0 s1  }
0x65f: {  	[bflag:$0x3] =	sbarrier.arrive $0xFFFF  }
0x660: {  	_ =	shalt  }

</sc_bundles>
